<compile_context>
chip_gen: v7x
topology: tpu7x:2x2x1
jax: 0.10.2.dev20260603
libtpu: 0.0.44.dev20260713+nightly
codegen_flags: <defaults>
</compile_context>

<pallas_src>
import jax
import jax.numpy as jnp
from jax import lax
from jax.experimental import pallas as pl
from jax.experimental.pallas import tpu as pltpu
from jax.experimental.pallas import tpu_sc as plsc

N_EXPERTS = 8
D_MODEL = 1024
D_FF = 2048
TOP_K = 2
BLK = 128
BLK_LOG = 7
M = 4096 * TOP_K
CAP = M + N_EXPERTS * BLK
NB = CAP // BLK
NBP = 80

NC = 2
NS = 16
NW = NC * NS
CHUNK = M // NW
VPW = CHUNK // 16


_DNUMS = lax.GatherDimensionNumbers(offset_dims=(), collapsed_slice_dims=(0,),
                                    start_index_map=(0,))


def _vgather(v, idx):
    return lax.gather(v, idx[:, None], _DNUMS, slice_sizes=(1,),
                      mode=lax.GatherScatterMode.PROMISE_IN_BOUNDS)


def _butterfly_sum(s, lanes):
    for k in (1, 2, 4, 8):
        s = s + _vgather(s, lanes ^ k)
    return s


def _route_body(fe_hbm, ew_hbm, q_hbm, src_hbm, sw_hbm, be_hbm, pe_hbm,
                fe_v, ew_v, q_v, tok_v, qi_v, misc_v, sem):
    wid = lax.axis_index("s") * NC + lax.axis_index("c")
    c0 = wid * CHUNK
    lanes = lax.iota(jnp.int32, 16)
    zero16 = jnp.zeros((16,), jnp.int32)

    pltpu.sync_copy(fe_hbm, fe_v)
    pltpu.sync_copy(ew_hbm.at[pl.ds(c0, CHUNK)], ew_v)

    nprior = wid * VPW

    def count_step(i, carry):
        accs0, accs1 = carry
        v = fe_v[pl.ds(i * 16, 16)]
        g = jnp.full((16,), lax.shift_right_logical(i - nprior, 31), jnp.int32)
        ind = [jnp.where(v == e, 1, 0) for e in range(N_EXPERTS)]
        new0 = tuple(accs0[e] + ind[e] * g for e in range(N_EXPERTS))
        new1 = tuple(accs1[e] + ind[e] for e in range(N_EXPERTS))
        return (new0, new1)

    accs0, accs1 = lax.fori_loop(
        0, NW * VPW, count_step,
        ((zero16,) * N_EXPERTS, (zero16,) * N_EXPERTS))

    cnt_prior = zero16
    cnt_total = zero16
    for e in range(N_EXPERTS):
        m = lanes == e
        cnt_prior = jnp.where(m, _butterfly_sum(accs0[e], lanes), cnt_prior)
        cnt_total = jnp.where(m, _butterfly_sum(accs1[e], lanes), cnt_total)

    padded = jnp.where(lanes < N_EXPERTS,
                       lax.shift_left(
                           lax.shift_right_logical(cnt_total + (BLK - 1), BLK_LOG),
                           BLK_LOG),
                       zero16)
    s = padded
    for k in (1, 2, 4, 8):
        s = s + jnp.where(lanes >= k,
                          _vgather(s, jnp.maximum(lanes - k, 0)), zero16)
    p_ends = s
    base = p_ends - padded + cnt_prior

    def rank_step(i, next_vec):
        v = fe_v[pl.ds(c0 + i * 16, 16)]
        rank = zero16
        for k in range(1, 16):
            gv = _vgather(v, jnp.maximum(lanes - k, 0))
            rank = rank + jnp.where(lanes >= k, jnp.where(gv == v, 1, 0), 0)
        dest_v = _vgather(next_vec, v) + rank
        q_v[pl.ds(i * 16, 16)] = dest_v
        qi_v[lax.shift_right_logical(i, 3), pl.ds((i & 7) * 16, 16)] = dest_v
        base_idx = jnp.full((16,), c0 + i * 16, jnp.int32)
        tok_v[pl.ds(i * 16, 16)] = lax.shift_right_logical(base_idx + lanes, 1)
        for e in range(N_EXPERTS):
            ind = jnp.where(v == e, 1, 0)
            next_vec = next_vec + jnp.where(lanes == e,
                                            _butterfly_sum(ind, lanes), zero16)
        return next_vec

    lax.fori_loop(0, VPW, rank_step, base)

    cps = []
    for j in range(CHUNK // 128):
        cps.append(pltpu.async_copy(tok_v.at[pl.ds(j * 128, 128)],
                                    src_hbm.at[qi_v.at[j]], sem))
        cps.append(pltpu.async_copy(ew_v.at[pl.ds(j * 128, 128)],
                                    sw_hbm.at[qi_v.at[j]], sem))
    pltpu.sync_copy(q_v, q_hbm.at[pl.ds(c0, CHUNK)])
    for cp in cps:
        cp.wait()

    misc_v[pl.ds(0, 16)] = p_ends
    for j in range(NBP // 16):
        b = (lanes + (j * 16)) * BLK
        acc = zero16
        for e in range(N_EXPERTS):
            pe_e = _vgather(p_ends, jnp.full((16,), e, jnp.int32))
            acc = acc + jnp.where(b >= pe_e, 1, 0)
        misc_v[pl.ds(16 + j * 16, 16)] = jnp.minimum(acc, N_EXPERTS - 1)
    pltpu.sync_copy(misc_v.at[pl.ds(0, 16)], pe_hbm)
    pltpu.sync_copy(misc_v.at[pl.ds(16, NBP)], be_hbm)


def _route(flat_e, ew_flat):
    mesh = plsc.VectorSubcoreMesh(core_axis_name="c", subcore_axis_name="s")
    out_type = (
        jax.ShapeDtypeStruct((M,), jnp.int32),
        jax.ShapeDtypeStruct((CAP,), jnp.int32),
        jax.ShapeDtypeStruct((CAP,), jnp.float32),
        jax.ShapeDtypeStruct((NBP,), jnp.int32),
        jax.ShapeDtypeStruct((16,), jnp.int32),
    )
    scratch = [
        pltpu.VMEM((M,), jnp.int32),
        pltpu.VMEM((CHUNK,), jnp.float32),
        pltpu.VMEM((CHUNK,), jnp.int32),
        pltpu.VMEM((CHUNK,), jnp.int32),
        pltpu.VMEM((CHUNK // 128, 128), jnp.int32),
        pltpu.VMEM((16 + NBP,), jnp.int32),
        pltpu.SemaphoreType.DMA,
    ]
    return pl.kernel(_route_body, out_type, mesh=mesh, scratch_types=scratch)(
        flat_e, ew_flat)


TPW = 4096 // NW
CTOK = 16
NCHUNK = TPW // CTOK


def _combine_body(p_hbm, q_hbm, out_hbm, qc_v, bufa_v, bufb_v, outb_v, sem):
    wid = lax.axis_index("s") * NC + lax.axis_index("c")
    t0 = wid * TPW

    pltpu.sync_copy(q_hbm.at[pl.ds(t0 * TOP_K, TPW * TOP_K)], qc_v)

    bufs = (bufa_v, bufb_v)

    def start(c):
        return pltpu.async_copy(
            p_hbm.at[qc_v.at[pl.ds(c * (CTOK * TOP_K), CTOK * TOP_K)]],
            bufs[c & 1], sem)

    cp = start(0)
    for c in range(NCHUNK):
        cp.wait()
        if c + 1 < NCHUNK:
            cp = start(c + 1)
        buf = bufs[c & 1]

        def add_step(j, carry):
            t = lax.shift_right_logical(j, 6)
            col = pl.multiple_of(lax.shift_left(j & 63, 4), 16)
            va = buf[t * TOP_K, pl.ds(col, 16)]
            vb = buf[t * TOP_K + 1, pl.ds(col, 16)]
            outb_v[t, pl.ds(col, 16)] = va + vb
            return carry

        lax.fori_loop(0, CTOK * D_MODEL // 16, add_step, 0)
        pltpu.sync_copy(outb_v, out_hbm.at[pl.ds(t0 + c * CTOK, CTOK)])


def _combine(p_out, q):
    mesh = plsc.VectorSubcoreMesh(core_axis_name="c", subcore_axis_name="s")
    out_type = jax.ShapeDtypeStruct((4096, D_MODEL), jnp.float32)
    scratch = [
        pltpu.VMEM((TPW * TOP_K,), jnp.int32),
        pltpu.VMEM((CTOK * TOP_K, D_MODEL), jnp.float32),
        pltpu.VMEM((CTOK * TOP_K, D_MODEL), jnp.float32),
        pltpu.VMEM((CTOK, D_MODEL), jnp.float32),
        pltpu.SemaphoreType.DMA,
    ]
    return pl.kernel(_combine_body, out_type, mesh=mesh, scratch_types=scratch)(
        p_out, q)


def _ffn_body(be_ref, a_ref, w1_ref, w2_ref, w3_ref, sw_ref, o_ref):
    a = a_ref[...]
    gate = jnp.dot(a, w1_ref[0], preferred_element_type=jnp.float32)
    value = jnp.dot(a, w2_ref[0], preferred_element_type=jnp.float32)
    hidden = (gate * jax.nn.sigmoid(gate) * value).astype(jnp.bfloat16)
    o = jnp.dot(hidden, w3_ref[0], preferred_element_type=jnp.float32)
    o_ref[...] = o * sw_ref[...]


def _grouped_ffn(block_expert, a, w1b, w2b, w3b, sw):
    grid_spec = pltpu.PrefetchScalarGridSpec(
        num_scalar_prefetch=1,
        grid=(NB,),
        in_specs=[
            pl.BlockSpec((BLK, D_MODEL), lambda i, be: (i, 0)),
            pl.BlockSpec((1, D_MODEL, D_FF), lambda i, be: (be[i], 0, 0)),
            pl.BlockSpec((1, D_MODEL, D_FF), lambda i, be: (be[i], 0, 0)),
            pl.BlockSpec((1, D_FF, D_MODEL), lambda i, be: (be[i], 0, 0)),
            pl.BlockSpec((BLK, 1), lambda i, be: (i, 0)),
        ],
        out_specs=pl.BlockSpec((BLK, D_MODEL), lambda i, be: (i, 0)),
    )
    return pl.pallas_call(
        _ffn_body,
        grid_spec=grid_spec,
        out_shape=jax.ShapeDtypeStruct((CAP, D_MODEL), jnp.float32),
        compiler_params=pltpu.CompilerParams(dimension_semantics=("arbitrary",)),
    )(block_expert, a, w1b, w2b, w3b, sw)


def kernel(x, expert_indices, expert_weights, w1, w2, w3, w1_scale, w2_scale, w3_scale):
    n_tokens = x.shape[0]
    flat_e = expert_indices.reshape(-1).astype(jnp.int32)
    ew_flat = expert_weights.reshape(-1).astype(jnp.float32)

    q, src_full, sw_full, be_padded, _pe = _route(flat_e, ew_flat)
    block_expert = be_padded[:NB]

    a = x[src_full].astype(jnp.bfloat16)

    p_out = _grouped_ffn(block_expert, a,
                         w1.astype(jnp.bfloat16),
                         w2.astype(jnp.bfloat16),
                         w3.astype(jnp.bfloat16),
                         sw_full[:, None])

    return _combine(p_out, q)

# --- scband reference (transcript-rebuilt; emitter-appended) ---
"""Pipeline reference for scband-fp8-grouped-experts-18451179504172 (READ-ONLY COPY).

The authoritative reference and input builder live on the scoring server;
editing this copy changes nothing except your own understanding.
"""

import jax, jax.numpy as jnp
import numpy as np

N_EXPERTS = 8
D_MODEL = 1024
D_FF = 2048
N_TOKENS = 4096
TOP_K = 2
FP8_MAX = 448.0


def _trunc_normal(key, shape, std):
    return jnp.clip(jax.random.normal(key, shape, dtype=jnp.float32) * std, -2.0 * std, 2.0 * std)


def setup_inputs(seed: int = 0) -> dict:
    key = jax.random.key(seed)
    ks = jax.random.split(key, 6)
    x = jax.random.normal(ks[0], (N_TOKENS, D_MODEL), dtype=jnp.float32)
    expert_indices = jax.random.randint(ks[1], (N_TOKENS, TOP_K), 0, N_EXPERTS, dtype=jnp.int64 if jax.config.read('jax_enable_x64') else jnp.int32)
    expert_weights = jax.random.uniform(ks[2], (N_TOKENS, TOP_K), dtype=jnp.float32)
    std_in = (1.0 / 3.0) ** 0.5 / (D_MODEL ** 0.5)
    std_ff = (1.0 / 3.0) ** 0.5 / (D_FF ** 0.5)
    w1 = _trunc_normal(ks[3], (N_EXPERTS, D_MODEL, D_FF), std_in)
    w2 = _trunc_normal(ks[4], (N_EXPERTS, D_MODEL, D_FF), std_in)
    w3 = _trunc_normal(ks[5], (N_EXPERTS, D_FF, D_MODEL), std_ff)
    w1_scale = jnp.ones((N_EXPERTS,), dtype=jnp.float32)
    w2_scale = jnp.ones((N_EXPERTS,), dtype=jnp.float32)
    w3_scale = jnp.ones((N_EXPERTS,), dtype=jnp.float32)
    return {"x": x, "expert_indices": expert_indices, "expert_weights": expert_weights,
            "w1": w1, "w2": w2, "w3": w3,
            "w1_scale": w1_scale, "w2_scale": w2_scale, "w3_scale": w3_scale}


def _grouping(expert_indices):
    flat_experts = expert_indices.reshape(-1)
    token_indices = jnp.repeat(jnp.arange(N_TOKENS), TOP_K)
    sorted_order = jnp.argsort(flat_experts, stable=True)
    sorted_token_idx = token_indices[sorted_order]
    sorted_expert_ids = flat_experts[sorted_order]
    counts = jnp.bincount(flat_experts, length=N_EXPERTS)
    seg_ends = jnp.cumsum(counts)
    seg_starts = jnp.concatenate([jnp.zeros(1, dtype=seg_ends.dtype), seg_ends[:-1]])
    positions = jnp.arange(flat_experts.size) - seg_starts[sorted_expert_ids]
    max_count = N_TOKENS * TOP_K
    return sorted_order, sorted_token_idx, sorted_expert_ids, positions, max_count


def reference(x, expert_indices, expert_weights, w1, w2, w3, w1_scale, w2_scale, w3_scale):
    sorted_order, s_tok, s_exp, positions, max_count = _grouping(expert_indices)
    s_w = expert_weights.reshape(-1)[sorted_order]
    input_scale = FP8_MAX / (jnp.abs(x).max() + 1e-12) * 0.9
    sorted_inputs = x[s_tok]
    padded = jnp.zeros((N_EXPERTS, max_count, D_MODEL), dtype=jnp.float32).at[s_exp, positions].set(sorted_inputs)
    outs = []
    for e in range(N_EXPERTS):
        exp_input = padded[e]
        inp_scaled = jnp.clip(exp_input * input_scale, -FP8_MAX, FP8_MAX)
        w1_scaled = jnp.clip(w1[e] * w1_scale[e], -FP8_MAX, FP8_MAX)
        gate = inp_scaled @ w1_scaled / (input_scale * w1_scale[e])
        gate = gate * jax.nn.sigmoid(gate)
        w2_scaled = jnp.clip(w2[e] * w2_scale[e], -FP8_MAX, FP8_MAX)
        value = inp_scaled @ w2_scaled / (input_scale * w2_scale[e])
        hidden = gate * value
        hidden_amax = jnp.abs(hidden).max()
        hidden_scale = FP8_MAX / (hidden_amax + 1e-12) * 0.9
        hidden_scaled = jnp.clip(hidden * hidden_scale, -FP8_MAX, FP8_MAX)
        w3_scaled = jnp.clip(w3[e] * w3_scale[e], -FP8_MAX, FP8_MAX)
        out = hidden_scaled @ w3_scaled / (hidden_scale * w3_scale[e])
        outs.append(out)
    output_padded = jnp.stack(outs, axis=0)
    all_outputs = output_padded[s_exp, positions] * s_w[:, None]
    output = jnp.zeros((N_TOKENS, D_MODEL), dtype=jnp.float32).at[s_tok].add(all_outputs)
    return output

if __name__ == "__main__":
    import jax
    _d = setup_inputs()
    print(jax.jit(kernel)(*tuple(_d.values())))

</pallas_src>

<mosaic_0001>
#map = affine_map<(d0, d1) -> (0)>
module attributes {stable_mosaic.version = 14 : i64} {
  func.func @_route_body(%arg0: i32, %arg1: i32, %arg2: memref<8192xi32, #tpu.memory_space<hbm>>, %arg3: memref<8192xf32, #tpu.memory_space<hbm>>, %arg4: memref<8192xi32, #tpu.memory_space<hbm>>, %arg5: memref<9216xi32, #tpu.memory_space<hbm>>, %arg6: memref<9216xf32, #tpu.memory_space<hbm>>, %arg7: memref<80xi32, #tpu.memory_space<hbm>>, %arg8: memref<16xi32, #tpu.memory_space<hbm>>, %arg9: memref<8192xi32, #tpu.memory_space<vmem>>, %arg10: memref<256xf32, #tpu.memory_space<vmem>>, %arg11: memref<256xi32, #tpu.memory_space<vmem>>, %arg12: memref<256xi32, #tpu.memory_space<vmem>>, %arg13: memref<2x128xi32, #tpu.memory_space<vmem>>, %arg14: memref<96xi32, #tpu.memory_space<vmem>>, %arg15: memref<!tpu.dma_semaphore, #tpu.memory_space<semaphore_mem>>) attributes {dimension_semantics = [#tpu.dimension_semantics<core_parallel>, #tpu.dimension_semantics<subcore_parallel>], iteration_bounds = array<i64: 2, 16>, scalar_prefetch = 0 : i64, scratch_operands = 7 : i64, tpu.core_type = #tpu.core_type<sc_vector_subcore>, window_params = [{transform_indices = #map}, {transform_indices = #map}, {transform_indices = #map}, {transform_indices = #map}, {transform_indices = #map}, {transform_indices = #map}, {transform_indices = #map}]} {
    %mul3A = arith.constant 2 : i32
    %mul3A_0 = arith.muli %arg1, %mul3A : i32
    %add3A = arith.addi %mul3A_0, %arg0 : i32
    %mul3A_1 = arith.constant 256 : i32
    %mul3A_2 = arith.muli %add3A, %mul3A_1 : i32
    %iota3A = tpu.iota {dimensions = array<i32: 0>} : vector<16xi32>
    %broadcast_in_dim3A = arith.constant 0 : i32
    %broadcast_in_dim3A_3 = vector.broadcast %broadcast_in_dim3A : i32 to vector<16xi32>
    "tpu.region"() ({
      %run_scoped3A = tpu.sem_alloc : memref<!tpu.dma_semaphore, #tpu.memory_space<semaphore_mem>>
      tpu.enqueue_dma source(%arg2 : memref<8192xi32, #tpu.memory_space<hbm>>) target(%arg9 : memref<8192xi32, #tpu.memory_space<vmem>>) target_semaphore(%run_scoped3A : memref<!tpu.dma_semaphore, #tpu.memory_space<semaphore_mem>>)
      tpu.wait_dma2 semaphore(%run_scoped3A : memref<!tpu.dma_semaphore, #tpu.memory_space<semaphore_mem>>) src(%arg2 : memref<8192xi32, #tpu.memory_space<hbm>>) dst(%arg9 : memref<8192xi32, #tpu.memory_space<vmem>>)
      tpu.yield
    }) : () -> ()
    "tpu.region"() ({
      %run_scoped3A = tpu.sem_alloc : memref<!tpu.dma_semaphore, #tpu.memory_space<semaphore_mem>>
      %dma_start3A_1174 = tpu.memref_slice %arg3[%mul3A_2] : memref<8192xf32, #tpu.memory_space<hbm>> -> memref<256xf32, #tpu.memory_space<hbm>>
      %dma_start3A_1175 = tpu.memref_slice %arg3[%mul3A_2] : memref<8192xf32, #tpu.memory_space<hbm>> -> memref<256xf32, #tpu.memory_space<hbm>>
      tpu.enqueue_dma source(%dma_start3A_1175 : memref<256xf32, #tpu.memory_space<hbm>>) target(%arg10 : memref<256xf32, #tpu.memory_space<vmem>>) target_semaphore(%run_scoped3A : memref<!tpu.dma_semaphore, #tpu.memory_space<semaphore_mem>>)
      %dma_wait3A_1176 = tpu.memref_slice %arg3[%mul3A_2] : memref<8192xf32, #tpu.memory_space<hbm>> -> memref<256xf32, #tpu.memory_space<hbm>>
      %dma_wait3A_1177 = tpu.memref_slice %arg3[%mul3A_2] : memref<8192xf32, #tpu.memory_space<hbm>> -> memref<256xf32, #tpu.memory_space<hbm>>
      tpu.wait_dma2 semaphore(%run_scoped3A : memref<!tpu.dma_semaphore, #tpu.memory_space<semaphore_mem>>) src(%dma_wait3A_1177 : memref<256xf32, #tpu.memory_space<hbm>>) dst(%arg10 : memref<256xf32, #tpu.memory_space<vmem>>)
      tpu.yield
    }) : () -> ()
    %mul3A_4 = arith.constant 16 : i32
    %mul3A_5 = arith.muli %add3A, %mul3A_4 : i32
    %scan3A = arith.constant 0 : i32
    %scan3A_6 = arith.constant 512 : i32
    %scan3A_7 = arith.addi %scan3A, %scan3A_6 : i32
    %scan3A_8 = arith.constant 1 : i32
    %scan3A_9:16 = scf.for %scan3A_1174 = %scan3A to %scan3A_7 step %scan3A_8 iter_args(%scan3A_1175 = %broadcast_in_dim3A_3, %scan3A_1176 = %broadcast_in_dim3A_3, %scan3A_1177 = %broadcast_in_dim3A_3, %scan3A_1178 = %broadcast_in_dim3A_3, %scan3A_1179 = %broadcast_in_dim3A_3, %scan3A_1180 = %broadcast_in_dim3A_3, %scan3A_1181 = %broadcast_in_dim3A_3, %scan3A_1182 = %broadcast_in_dim3A_3, %scan3A_1183 = %broadcast_in_dim3A_3, %scan3A_1184 = %broadcast_in_dim3A_3, %scan3A_1185 = %broadcast_in_dim3A_3, %scan3A_1186 = %broadcast_in_dim3A_3, %scan3A_1187 = %broadcast_in_dim3A_3, %scan3A_1188 = %broadcast_in_dim3A_3, %scan3A_1189 = %broadcast_in_dim3A_3, %scan3A_1190 = %broadcast_in_dim3A_3) -> (vector<16xi32>, vector<16xi32>, vector<16xi32>, vector<16xi32>, vector<16xi32>, vector<16xi32>, vector<16xi32>, vector<16xi32>, vector<16xi32>, vector<16xi32>, vector<16xi32>, vector<16xi32>, vector<16xi32>, vector<16xi32>, vector<16xi32>, vector<16xi32>)  : i32 {
      %mul3A_1191 = arith.constant 16 : i32
      %mul3A_1192 = arith.muli %scan3A_1174, %mul3A_1191 : i32
      %get3A = arith.index_cast %mul3A_1192 : i32 to index
      %get3A_1193 = tpu.vector_load %arg9[%get3A] {strides = array<i32>} : memref<8192xi32, #tpu.memory_space<vmem>>, vector<16xi32>,
      %get3A_1194 = vector.shape_cast %get3A_1193 : vector<16xi32> to vector<16xi32>
      %sub3A_1195 = arith.subi %scan3A_1174, %mul3A_5 : i32
      %shift_right_logical3A_1196 = arith.constant 31 : i32
      %shift_right_logical3A_1197 = arith.shrui %sub3A_1195, %shift_right_logical3A_1196 : i32
      %broadcast_in_dim3A_1198 = vector.broadcast %shift_right_logical3A_1197 : i32 to vector<16xi32>
      %eq3A_1199 = arith.constant 0 : i32
      %eq3A_1200 = vector.broadcast %eq3A_1199 : i32 to vector<16xi32>
      %eq3A_1201 = arith.cmpi eq, %get3A_1194, %eq3A_1200 : vector<16xi32>
      %jit3A_1202 = arith.constant 1 : i32
      %jit3A_1203 = arith.constant 0 : i32
      %broadcast_in_dim3A_1204 = vector.broadcast %jit3A_1202 : i32 to vector<16xi32>
      %broadcast_in_dim3A_1205 = vector.broadcast %jit3A_1203 : i32 to vector<16xi32>
      %select_n3A_1206 = arith.select %eq3A_1201, %broadcast_in_dim3A_1204, %broadcast_in_dim3A_1205 : vector<16xi1>, vector<16xi32>
      %eq3A_1207 = arith.constant 1 : i32
      %eq3A_1208 = vector.broadcast %eq3A_1207 : i32 to vector<16xi32>
      %eq3A_1209 = arith.cmpi eq, %get3A_1194, %eq3A_1208 : vector<16xi32>
      %jit3A_1210 = arith.constant 1 : i32
      %jit3A_1211 = arith.constant 0 : i32
      %broadcast_in_dim3A_1212 = vector.broadcast %jit3A_1210 : i32 to vector<16xi32>
      %broadcast_in_dim3A_1213 = vector.broadcast %jit3A_1211 : i32 to vector<16xi32>
      %select_n3A_1214 = arith.select %eq3A_1209, %broadcast_in_dim3A_1212, %broadcast_in_dim3A_1213 : vector<16xi1>, vector<16xi32>
      %eq3A_1215 = arith.constant 2 : i32
      %eq3A_1216 = vector.broadcast %eq3A_1215 : i32 to vector<16xi32>
      %eq3A_1217 = arith.cmpi eq, %get3A_1194, %eq3A_1216 : vector<16xi32>
      %jit3A_1218 = arith.constant 1 : i32
      %jit3A_1219 = arith.constant 0 : i32
      %broadcast_in_dim3A_1220 = vector.broadcast %jit3A_1218 : i32 to vector<16xi32>
      %broadcast_in_dim3A_1221 = vector.broadcast %jit3A_1219 : i32 to vector<16xi32>
      %select_n3A_1222 = arith.select %eq3A_1217, %broadcast_in_dim3A_1220, %broadcast_in_dim3A_1221 : vector<16xi1>, vector<16xi32>
      %eq3A_1223 = arith.constant 3 : i32
      %eq3A_1224 = vector.broadcast %eq3A_1223 : i32 to vector<16xi32>
      %eq3A_1225 = arith.cmpi eq, %get3A_1194, %eq3A_1224 : vector<16xi32>
      %jit3A_1226 = arith.constant 1 : i32
      %jit3A_1227 = arith.constant 0 : i32
      %broadcast_in_dim3A_1228 = vector.broadcast %jit3A_1226 : i32 to vector<16xi32>
      %broadcast_in_dim3A_1229 = vector.broadcast %jit3A_1227 : i32 to vector<16xi32>
      %select_n3A_1230 = arith.select %eq3A_1225, %broadcast_in_dim3A_1228, %broadcast_in_dim3A_1229 : vector<16xi1>, vector<16xi32>
      %eq3A_1231 = arith.constant 4 : i32
      %eq3A_1232 = vector.broadcast %eq3A_1231 : i32 to vector<16xi32>
      %eq3A_1233 = arith.cmpi eq, %get3A_1194, %eq3A_1232 : vector<16xi32>
      %jit3A_1234 = arith.constant 1 : i32
      %jit3A_1235 = arith.constant 0 : i32
      %broadcast_in_dim3A_1236 = vector.broadcast %jit3A_1234 : i32 to vector<16xi32>
      %broadcast_in_dim3A_1237 = vector.broadcast %jit3A_1235 : i32 to vector<16xi32>
      %select_n3A_1238 = arith.select %eq3A_1233, %broadcast_in_dim3A_1236, %broadcast_in_dim3A_1237 : vector<16xi1>, vector<16xi32>
      %eq3A_1239 = arith.constant 5 : i32
      %eq3A_1240 = vector.broadcast %eq3A_1239 : i32 to vector<16xi32>
      %eq3A_1241 = arith.cmpi eq, %get3A_1194, %eq3A_1240 : vector<16xi32>
      %jit3A_1242 = arith.constant 1 : i32
      %jit3A_1243 = arith.constant 0 : i32
      %broadcast_in_dim3A_1244 = vector.broadcast %jit3A_1242 : i32 to vector<16xi32>
      %broadcast_in_dim3A_1245 = vector.broadcast %jit3A_1243 : i32 to vector<16xi32>
      %select_n3A_1246 = arith.select %eq3A_1241, %broadcast_in_dim3A_1244, %broadcast_in_dim3A_1245 : vector<16xi1>, vector<16xi32>
      %eq3A_1247 = arith.constant 6 : i32
      %eq3A_1248 = vector.broadcast %eq3A_1247 : i32 to vector<16xi32>
      %eq3A_1249 = arith.cmpi eq, %get3A_1194, %eq3A_1248 : vector<16xi32>
      %jit3A_1250 = arith.constant 1 : i32
      %jit3A_1251 = arith.constant 0 : i32
      %broadcast_in_dim3A_1252 = vector.broadcast %jit3A_1250 : i32 to vector<16xi32>
      %broadcast_in_dim3A_1253 = vector.broadcast %jit3A_1251 : i32 to vector<16xi32>
      %select_n3A_1254 = arith.select %eq3A_1249, %broadcast_in_dim3A_1252, %broadcast_in_dim3A_1253 : vector<16xi1>, vector<16xi32>
      %eq3A_1255 = arith.constant 7 : i32
      %eq3A_1256 = vector.broadcast %eq3A_1255 : i32 to vector<16xi32>
      %eq3A_1257 = arith.cmpi eq, %get3A_1194, %eq3A_1256 : vector<16xi32>
      %jit3A_1258 = arith.constant 1 : i32
      %jit3A_1259 = arith.constant 0 : i32
      %broadcast_in_dim3A_1260 = vector.broadcast %jit3A_1258 : i32 to vector<16xi32>
      %broadcast_in_dim3A_1261 = vector.broadcast %jit3A_1259 : i32 to vector<16xi32>
      %select_n3A_1262 = arith.select %eq3A_1257, %broadcast_in_dim3A_1260, %broadcast_in_dim3A_1261 : vector<16xi1>, vector<16xi32>
      %mul3A_1263 = arith.muli %select_n3A_1206, %broadcast_in_dim3A_1198 : vector<16xi32>
      %add3A_1264 = arith.addi %scan3A_1175, %mul3A_1263 : vector<16xi32>
      %mul3A_1265 = arith.muli %select_n3A_1214, %broadcast_in_dim3A_1198 : vector<16xi32>
      %add3A_1266 = arith.addi %scan3A_1176, %mul3A_1265 : vector<16xi32>
      %mul3A_1267 = arith.muli %select_n3A_1222, %broadcast_in_dim3A_1198 : vector<16xi32>
      %add3A_1268 = arith.addi %scan3A_1177, %mul3A_1267 : vector<16xi32>
      %mul3A_1269 = arith.muli %select_n3A_1230, %broadcast_in_dim3A_1198 : vector<16xi32>
      %add3A_1270 = arith.addi %scan3A_1178, %mul3A_1269 : vector<16xi32>
      %mul3A_1271 = arith.muli %select_n3A_1238, %broadcast_in_dim3A_1198 : vector<16xi32>
      %add3A_1272 = arith.addi %scan3A_1179, %mul3A_1271 : vector<16xi32>
      %mul3A_1273 = arith.muli %select_n3A_1246, %broadcast_in_dim3A_1198 : vector<16xi32>
      %add3A_1274 = arith.addi %scan3A_1180, %mul3A_1273 : vector<16xi32>
      %mul3A_1275 = arith.muli %select_n3A_1254, %broadcast_in_dim3A_1198 : vector<16xi32>
      %add3A_1276 = arith.addi %scan3A_1181, %mul3A_1275 : vector<16xi32>
      %mul3A_1277 = arith.muli %select_n3A_1262, %broadcast_in_dim3A_1198 : vector<16xi32>
      %add3A_1278 = arith.addi %scan3A_1182, %mul3A_1277 : vector<16xi32>
      %add3A_1279 = arith.addi %scan3A_1183, %select_n3A_1206 : vector<16xi32>
      %add3A_1280 = arith.addi %scan3A_1184, %select_n3A_1214 : vector<16xi32>
      %add3A_1281 = arith.addi %scan3A_1185, %select_n3A_1222 : vector<16xi32>
      %add3A_1282 = arith.addi %scan3A_1186, %select_n3A_1230 : vector<16xi32>
      %add3A_1283 = arith.addi %scan3A_1187, %select_n3A_1238 : vector<16xi32>
      %add3A_1284 = arith.addi %scan3A_1188, %select_n3A_1246 : vector<16xi32>
      %add3A_1285 = arith.addi %scan3A_1189, %select_n3A_1254 : vector<16xi32>
      %add3A_1286 = arith.addi %scan3A_1190, %select_n3A_1262 : vector<16xi32>
      scf.yield %add3A_1264, %add3A_1266, %add3A_1268, %add3A_1270, %add3A_1272, %add3A_1274, %add3A_1276, %add3A_1278, %add3A_1279, %add3A_1280, %add3A_1281, %add3A_1282, %add3A_1283, %add3A_1284, %add3A_1285, %add3A_1286 : vector<16xi32>, vector<16xi32>, vector<16xi32>, vector<16xi32>, vector<16xi32>, vector<16xi32>, vector<16xi32>, vector<16xi32>, vector<16xi32>, vector<16xi32>, vector<16xi32>, vector<16xi32>, vector<16xi32>, vector<16xi32>, vector<16xi32>, vector<16xi32>
    }
    %scan3A_10 = arith.constant 512 : i32
    %eq3A = arith.constant 0 : i32
    %eq3A_11 = vector.broadcast %eq3A : i32 to vector<16xi32>
    %eq3A_12 = arith.cmpi eq, %iota3A, %eq3A_11 : vector<16xi32>
    %xor3A = arith.constant 1 : i32
    %xor3A_13 = vector.broadcast %xor3A : i32 to vector<16xi32>
    %xor3A_14 = arith.xori %iota3A, %xor3A_13 : vector<16xi32>
    %broadcast_in_dim3A_15 = vector.shape_cast %xor3A_14 : vector<16xi32> to vector<16x1xi32>
    %gather3A = vector.shape_cast %broadcast_in_dim3A_15 : vector<16x1xi32> to vector<16xi32>
    %gather3A_16 = tpu.dynamic_gather %scan3A_9#0[%gather3A] in [0] : vector<16xi32>, vector<16xi32> -> vector<16xi32>
    %add3A_17 = arith.addi %scan3A_9#0, %gather3A_16 : vector<16xi32>
    %xor3A_18 = arith.constant 2 : i32
    %xor3A_19 = vector.broadcast %xor3A_18 : i32 to vector<16xi32>
    %xor3A_20 = arith.xori %iota3A, %xor3A_19 : vector<16xi32>
    %broadcast_in_dim3A_21 = vector.shape_cast %xor3A_20 : vector<16xi32> to vector<16x1xi32>
    %gather3A_22 = vector.shape_cast %broadcast_in_dim3A_21 : vector<16x1xi32> to vector<16xi32>
    %gather3A_23 = tpu.dynamic_gather %add3A_17[%gather3A_22] in [0] : vector<16xi32>, vector<16xi32> -> vector<16xi32>
    %add3A_24 = arith.addi %add3A_17, %gather3A_23 : vector<16xi32>
    %xor3A_25 = arith.constant 4 : i32
    %xor3A_26 = vector.broadcast %xor3A_25 : i32 to vector<16xi32>
    %xor3A_27 = arith.xori %iota3A, %xor3A_26 : vector<16xi32>
    %broadcast_in_dim3A_28 = vector.shape_cast %xor3A_27 : vector<16xi32> to vector<16x1xi32>
    %gather3A_29 = vector.shape_cast %broadcast_in_dim3A_28 : vector<16x1xi32> to vector<16xi32>
    %gather3A_30 = tpu.dynamic_gather %add3A_24[%gather3A_29] in [0] : vector<16xi32>, vector<16xi32> -> vector<16xi32>
    %add3A_31 = arith.addi %add3A_24, %gather3A_30 : vector<16xi32>
    %xor3A_32 = arith.constant 8 : i32
    %xor3A_33 = vector.broadcast %xor3A_32 : i32 to vector<16xi32>
    %xor3A_34 = arith.xori %iota3A, %xor3A_33 : vector<16xi32>
    %broadcast_in_dim3A_35 = vector.shape_cast %xor3A_34 : vector<16xi32> to vector<16x1xi32>
    %gather3A_36 = vector.shape_cast %broadcast_in_dim3A_35 : vector<16x1xi32> to vector<16xi32>
    %gather3A_37 = tpu.dynamic_gather %add3A_31[%gather3A_36] in [0] : vector<16xi32>, vector<16xi32> -> vector<16xi32>
    %add3A_38 = arith.addi %add3A_31, %gather3A_37 : vector<16xi32>
    %select_n3A = arith.select %eq3A_12, %add3A_38, %broadcast_in_dim3A_3 : vector<16xi1>, vector<16xi32>
    %xor3A_39 = arith.constant 1 : i32
    %xor3A_40 = vector.broadcast %xor3A_39 : i32 to vector<16xi32>
    %xor3A_41 = arith.xori %iota3A, %xor3A_40 : vector<16xi32>
    %broadcast_in_dim3A_42 = vector.shape_cast %xor3A_41 : vector<16xi32> to vector<16x1xi32>
    %gather3A_43 = vector.shape_cast %broadcast_in_dim3A_42 : vector<16x1xi32> to vector<16xi32>
    %gather3A_44 = tpu.dynamic_gather %scan3A_9#8[%gather3A_43] in [0] : vector<16xi32>, vector<16xi32> -> vector<16xi32>
    %add3A_45 = arith.addi %scan3A_9#8, %gather3A_44 : vector<16xi32>
    %xor3A_46 = arith.constant 2 : i32
    %xor3A_47 = vector.broadcast %xor3A_46 : i32 to vector<16xi32>
    %xor3A_48 = arith.xori %iota3A, %xor3A_47 : vector<16xi32>
    %broadcast_in_dim3A_49 = vector.shape_cast %xor3A_48 : vector<16xi32> to vector<16x1xi32>
    %gather3A_50 = vector.shape_cast %broadcast_in_dim3A_49 : vector<16x1xi32> to vector<16xi32>
    %gather3A_51 = tpu.dynamic_gather %add3A_45[%gather3A_50] in [0] : vector<16xi32>, vector<16xi32> -> vector<16xi32>
    %add3A_52 = arith.addi %add3A_45, %gather3A_51 : vector<16xi32>
    %xor3A_53 = arith.constant 4 : i32
    %xor3A_54 = vector.broadcast %xor3A_53 : i32 to vector<16xi32>
    %xor3A_55 = arith.xori %iota3A, %xor3A_54 : vector<16xi32>
    %broadcast_in_dim3A_56 = vector.shape_cast %xor3A_55 : vector<16xi32> to vector<16x1xi32>
    %gather3A_57 = vector.shape_cast %broadcast_in_dim3A_56 : vector<16x1xi32> to vector<16xi32>
    %gather3A_58 = tpu.dynamic_gather %add3A_52[%gather3A_57] in [0] : vector<16xi32>, vector<16xi32> -> vector<16xi32>
    %add3A_59 = arith.addi %add3A_52, %gather3A_58 : vector<16xi32>
    %xor3A_60 = arith.constant 8 : i32
    %xor3A_61 = vector.broadcast %xor3A_60 : i32 to vector<16xi32>
    %xor3A_62 = arith.xori %iota3A, %xor3A_61 : vector<16xi32>
    %broadcast_in_dim3A_63 = vector.shape_cast %xor3A_62 : vector<16xi32> to vector<16x1xi32>
    %gather3A_64 = vector.shape_cast %broadcast_in_dim3A_63 : vector<16x1xi32> to vector<16xi32>
    %gather3A_65 = tpu.dynamic_gather %add3A_59[%gather3A_64] in [0] : vector<16xi32>, vector<16xi32> -> vector<16xi32>
    %add3A_66 = arith.addi %add3A_59, %gather3A_65 : vector<16xi32>
    %select_n3A_67 = arith.select %eq3A_12, %add3A_66, %broadcast_in_dim3A_3 : vector<16xi1>, vector<16xi32>
    %eq3A_68 = arith.constant 1 : i32
    %eq3A_69 = vector.broadcast %eq3A_68 : i32 to vector<16xi32>
    %eq3A_70 = arith.cmpi eq, %iota3A, %eq3A_69 : vector<16xi32>
    %xor3A_71 = arith.constant 1 : i32
    %xor3A_72 = vector.broadcast %xor3A_71 : i32 to vector<16xi32>
    %xor3A_73 = arith.xori %iota3A, %xor3A_72 : vector<16xi32>
    %broadcast_in_dim3A_74 = vector.shape_cast %xor3A_73 : vector<16xi32> to vector<16x1xi32>
    %gather3A_75 = vector.shape_cast %broadcast_in_dim3A_74 : vector<16x1xi32> to vector<16xi32>
    %gather3A_76 = tpu.dynamic_gather %scan3A_9#1[%gather3A_75] in [0] : vector<16xi32>, vector<16xi32> -> vector<16xi32>
    %add3A_77 = arith.addi %scan3A_9#1, %gather3A_76 : vector<16xi32>
    %xor3A_78 = arith.constant 2 : i32
    %xor3A_79 = vector.broadcast %xor3A_78 : i32 to vector<16xi32>
    %xor3A_80 = arith.xori %iota3A, %xor3A_79 : vector<16xi32>
    %broadcast_in_dim3A_81 = vector.shape_cast %xor3A_80 : vector<16xi32> to vector<16x1xi32>
    %gather3A_82 = vector.shape_cast %broadcast_in_dim3A_81 : vector<16x1xi32> to vector<16xi32>
    %gather3A_83 = tpu.dynamic_gather %add3A_77[%gather3A_82] in [0] : vector<16xi32>, vector<16xi32> -> vector<16xi32>
    %add3A_84 = arith.addi %add3A_77, %gather3A_83 : vector<16xi32>
    %xor3A_85 = arith.constant 4 : i32
    %xor3A_86 = vector.broadcast %xor3A_85 : i32 to vector<16xi32>
    %xor3A_87 = arith.xori %iota3A, %xor3A_86 : vector<16xi32>
    %broadcast_in_dim3A_88 = vector.shape_cast %xor3A_87 : vector<16xi32> to vector<16x1xi32>
    %gather3A_89 = vector.shape_cast %broadcast_in_dim3A_88 : vector<16x1xi32> to vector<16xi32>
    %gather3A_90 = tpu.dynamic_gather %add3A_84[%gather3A_89] in [0] : vector<16xi32>, vector<16xi32> -> vector<16xi32>
    %add3A_91 = arith.addi %add3A_84, %gather3A_90 : vector<16xi32>
    %xor3A_92 = arith.constant 8 : i32
    %xor3A_93 = vector.broadcast %xor3A_92 : i32 to vector<16xi32>
    %xor3A_94 = arith.xori %iota3A, %xor3A_93 : vector<16xi32>
    %broadcast_in_dim3A_95 = vector.shape_cast %xor3A_94 : vector<16xi32> to vector<16x1xi32>
    %gather3A_96 = vector.shape_cast %broadcast_in_dim3A_95 : vector<16x1xi32> to vector<16xi32>
    %gather3A_97 = tpu.dynamic_gather %add3A_91[%gather3A_96] in [0] : vector<16xi32>, vector<16xi32> -> vector<16xi32>
    %add3A_98 = arith.addi %add3A_91, %gather3A_97 : vector<16xi32>
    %select_n3A_99 = arith.select %eq3A_70, %add3A_98, %select_n3A : vector<16xi1>, vector<16xi32>
    %xor3A_100 = arith.constant 1 : i32
    %xor3A_101 = vector.broadcast %xor3A_100 : i32 to vector<16xi32>
    %xor3A_102 = arith.xori %iota3A, %xor3A_101 : vector<16xi32>
    %broadcast_in_dim3A_103 = vector.shape_cast %xor3A_102 : vector<16xi32> to vector<16x1xi32>
    %gather3A_104 = vector.shape_cast %broadcast_in_dim3A_103 : vector<16x1xi32> to vector<16xi32>
    %gather3A_105 = tpu.dynamic_gather %scan3A_9#9[%gather3A_104] in [0] : vector<16xi32>, vector<16xi32> -> vector<16xi32>
    %add3A_106 = arith.addi %scan3A_9#9, %gather3A_105 : vector<16xi32>
    %xor3A_107 = arith.constant 2 : i32
    %xor3A_108 = vector.broadcast %xor3A_107 : i32 to vector<16xi32>
    %xor3A_109 = arith.xori %iota3A, %xor3A_108 : vector<16xi32>
    %broadcast_in_dim3A_110 = vector.shape_cast %xor3A_109 : vector<16xi32> to vector<16x1xi32>
    %gather3A_111 = vector.shape_cast %broadcast_in_dim3A_110 : vector<16x1xi32> to vector<16xi32>
    %gather3A_112 = tpu.dynamic_gather %add3A_106[%gather3A_111] in [0] : vector<16xi32>, vector<16xi32> -> vector<16xi32>
    %add3A_113 = arith.addi %add3A_106, %gather3A_112 : vector<16xi32>
    %xor3A_114 = arith.constant 4 : i32
    %xor3A_115 = vector.broadcast %xor3A_114 : i32 to vector<16xi32>
    %xor3A_116 = arith.xori %iota3A, %xor3A_115 : vector<16xi32>
    %broadcast_in_dim3A_117 = vector.shape_cast %xor3A_116 : vector<16xi32> to vector<16x1xi32>
    %gather3A_118 = vector.shape_cast %broadcast_in_dim3A_117 : vector<16x1xi32> to vector<16xi32>
    %gather3A_119 = tpu.dynamic_gather %add3A_113[%gather3A_118] in [0] : vector<16xi32>, vector<16xi32> -> vector<16xi32>
    %add3A_120 = arith.addi %add3A_113, %gather3A_119 : vector<16xi32>
    %xor3A_121 = arith.constant 8 : i32
    %xor3A_122 = vector.broadcast %xor3A_121 : i32 to vector<16xi32>
    %xor3A_123 = arith.xori %iota3A, %xor3A_122 : vector<16xi32>
    %broadcast_in_dim3A_124 = vector.shape_cast %xor3A_123 : vector<16xi32> to vector<16x1xi32>
    %gather3A_125 = vector.shape_cast %broadcast_in_dim3A_124 : vector<16x1xi32> to vector<16xi32>
    %gather3A_126 = tpu.dynamic_gather %add3A_120[%gather3A_125] in [0] : vector<16xi32>, vector<16xi32> -> vector<16xi32>
    %add3A_127 = arith.addi %add3A_120, %gather3A_126 : vector<16xi32>
    %select_n3A_128 = arith.select %eq3A_70, %add3A_127, %select_n3A_67 : vector<16xi1>, vector<16xi32>
    %eq3A_129 = arith.constant 2 : i32
    %eq3A_130 = vector.broadcast %eq3A_129 : i32 to vector<16xi32>
    %eq3A_131 = arith.cmpi eq, %iota3A, %eq3A_130 : vector<16xi32>
    %xor3A_132 = arith.constant 1 : i32
    %xor3A_133 = vector.broadcast %xor3A_132 : i32 to vector<16xi32>
    %xor3A_134 = arith.xori %iota3A, %xor3A_133 : vector<16xi32>
    %broadcast_in_dim3A_135 = vector.shape_cast %xor3A_134 : vector<16xi32> to vector<16x1xi32>
    %gather3A_136 = vector.shape_cast %broadcast_in_dim3A_135 : vector<16x1xi32> to vector<16xi32>
    %gather3A_137 = tpu.dynamic_gather %scan3A_9#2[%gather3A_136] in [0] : vector<16xi32>, vector<16xi32> -> vector<16xi32>
    %add3A_138 = arith.addi %scan3A_9#2, %gather3A_137 : vector<16xi32>
    %xor3A_139 = arith.constant 2 : i32
    %xor3A_140 = vector.broadcast %xor3A_139 : i32 to vector<16xi32>
    %xor3A_141 = arith.xori %iota3A, %xor3A_140 : vector<16xi32>
    %broadcast_in_dim3A_142 = vector.shape_cast %xor3A_141 : vector<16xi32> to vector<16x1xi32>
    %gather3A_143 = vector.shape_cast %broadcast_in_dim3A_142 : vector<16x1xi32> to vector<16xi32>
    %gather3A_144 = tpu.dynamic_gather %add3A_138[%gather3A_143] in [0] : vector<16xi32>, vector<16xi32> -> vector<16xi32>
    %add3A_145 = arith.addi %add3A_138, %gather3A_144 : vector<16xi32>
    %xor3A_146 = arith.constant 4 : i32
    %xor3A_147 = vector.broadcast %xor3A_146 : i32 to vector<16xi32>
    %xor3A_148 = arith.xori %iota3A, %xor3A_147 : vector<16xi32>
    %broadcast_in_dim3A_149 = vector.shape_cast %xor3A_148 : vector<16xi32> to vector<16x1xi32>
    %gather3A_150 = vector.shape_cast %broadcast_in_dim3A_149 : vector<16x1xi32> to vector<16xi32>
    %gather3A_151 = tpu.dynamic_gather %add3A_145[%gather3A_150] in [0] : vector<16xi32>, vector<16xi32> -> vector<16xi32>
    %add3A_152 = arith.addi %add3A_145, %gather3A_151 : vector<16xi32>
    %xor3A_153 = arith.constant 8 : i32
    %xor3A_154 = vector.broadcast %xor3A_153 : i32 to vector<16xi32>
    %xor3A_155 = arith.xori %iota3A, %xor3A_154 : vector<16xi32>
    %broadcast_in_dim3A_156 = vector.shape_cast %xor3A_155 : vector<16xi32> to vector<16x1xi32>
    %gather3A_157 = vector.shape_cast %broadcast_in_dim3A_156 : vector<16x1xi32> to vector<16xi32>
    %gather3A_158 = tpu.dynamic_gather %add3A_152[%gather3A_157] in [0] : vector<16xi32>, vector<16xi32> -> vector<16xi32>
    %add3A_159 = arith.addi %add3A_152, %gather3A_158 : vector<16xi32>
    %select_n3A_160 = arith.select %eq3A_131, %add3A_159, %select_n3A_99 : vector<16xi1>, vector<16xi32>
    %xor3A_161 = arith.constant 1 : i32
    %xor3A_162 = vector.broadcast %xor3A_161 : i32 to vector<16xi32>
    %xor3A_163 = arith.xori %iota3A, %xor3A_162 : vector<16xi32>
    %broadcast_in_dim3A_164 = vector.shape_cast %xor3A_163 : vector<16xi32> to vector<16x1xi32>
    %gather3A_165 = vector.shape_cast %broadcast_in_dim3A_164 : vector<16x1xi32> to vector<16xi32>
    %gather3A_166 = tpu.dynamic_gather %scan3A_9#10[%gather3A_165] in [0] : vector<16xi32>, vector<16xi32> -> vector<16xi32>
    %add3A_167 = arith.addi %scan3A_9#10, %gather3A_166 : vector<16xi32>
    %xor3A_168 = arith.constant 2 : i32
    %xor3A_169 = vector.broadcast %xor3A_168 : i32 to vector<16xi32>
    %xor3A_170 = arith.xori %iota3A, %xor3A_169 : vector<16xi32>
    %broadcast_in_dim3A_171 = vector.shape_cast %xor3A_170 : vector<16xi32> to vector<16x1xi32>
    %gather3A_172 = vector.shape_cast %broadcast_in_dim3A_171 : vector<16x1xi32> to vector<16xi32>
    %gather3A_173 = tpu.dynamic_gather %add3A_167[%gather3A_172] in [0] : vector<16xi32>, vector<16xi32> -> vector<16xi32>
    %add3A_174 = arith.addi %add3A_167, %gather3A_173 : vector<16xi32>
    %xor3A_175 = arith.constant 4 : i32
    %xor3A_176 = vector.broadcast %xor3A_175 : i32 to vector<16xi32>
    %xor3A_177 = arith.xori %iota3A, %xor3A_176 : vector<16xi32>
    %broadcast_in_dim3A_178 = vector.shape_cast %xor3A_177 : vector<16xi32> to vector<16x1xi32>
    %gather3A_179 = vector.shape_cast %broadcast_in_dim3A_178 : vector<16x1xi32> to vector<16xi32>
    %gather3A_180 = tpu.dynamic_gather %add3A_174[%gather3A_179] in [0] : vector<16xi32>, vector<16xi32> -> vector<16xi32>
    %add3A_181 = arith.addi %add3A_174, %gather3A_180 : vector<16xi32>
    %xor3A_182 = arith.constant 8 : i32
    %xor3A_183 = vector.broadcast %xor3A_182 : i32 to vector<16xi32>
    %xor3A_184 = arith.xori %iota3A, %xor3A_183 : vector<16xi32>
    %broadcast_in_dim3A_185 = vector.shape_cast %xor3A_184 : vector<16xi32> to vector<16x1xi32>
    %gather3A_186 = vector.shape_cast %broadcast_in_dim3A_185 : vector<16x1xi32> to vector<16xi32>
    %gather3A_187 = tpu.dynamic_gather %add3A_181[%gather3A_186] in [0] : vector<16xi32>, vector<16xi32> -> vector<16xi32>
    %add3A_188 = arith.addi %add3A_181, %gather3A_187 : vector<16xi32>
    %select_n3A_189 = arith.select %eq3A_131, %add3A_188, %select_n3A_128 : vector<16xi1>, vector<16xi32>
    %eq3A_190 = arith.constant 3 : i32
    %eq3A_191 = vector.broadcast %eq3A_190 : i32 to vector<16xi32>
    %eq3A_192 = arith.cmpi eq, %iota3A, %eq3A_191 : vector<16xi32>
    %xor3A_193 = arith.constant 1 : i32
    %xor3A_194 = vector.broadcast %xor3A_193 : i32 to vector<16xi32>
    %xor3A_195 = arith.xori %iota3A, %xor3A_194 : vector<16xi32>
    %broadcast_in_dim3A_196 = vector.shape_cast %xor3A_195 : vector<16xi32> to vector<16x1xi32>
    %gather3A_197 = vector.shape_cast %broadcast_in_dim3A_196 : vector<16x1xi32> to vector<16xi32>
    %gather3A_198 = tpu.dynamic_gather %scan3A_9#3[%gather3A_197] in [0] : vector<16xi32>, vector<16xi32> -> vector<16xi32>
    %add3A_199 = arith.addi %scan3A_9#3, %gather3A_198 : vector<16xi32>
    %xor3A_200 = arith.constant 2 : i32
    %xor3A_201 = vector.broadcast %xor3A_200 : i32 to vector<16xi32>
    %xor3A_202 = arith.xori %iota3A, %xor3A_201 : vector<16xi32>
    %broadcast_in_dim3A_203 = vector.shape_cast %xor3A_202 : vector<16xi32> to vector<16x1xi32>
    %gather3A_204 = vector.shape_cast %broadcast_in_dim3A_203 : vector<16x1xi32> to vector<16xi32>
    %gather3A_205 = tpu.dynamic_gather %add3A_199[%gather3A_204] in [0] : vector<16xi32>, vector<16xi32> -> vector<16xi32>
    %add3A_206 = arith.addi %add3A_199, %gather3A_205 : vector<16xi32>
    %xor3A_207 = arith.constant 4 : i32
    %xor3A_208 = vector.broadcast %xor3A_207 : i32 to vector<16xi32>
    %xor3A_209 = arith.xori %iota3A, %xor3A_208 : vector<16xi32>
    %broadcast_in_dim3A_210 = vector.shape_cast %xor3A_209 : vector<16xi32> to vector<16x1xi32>
    %gather3A_211 = vector.shape_cast %broadcast_in_dim3A_210 : vector<16x1xi32> to vector<16xi32>
    %gather3A_212 = tpu.dynamic_gather %add3A_206[%gather3A_211] in [0] : vector<16xi32>, vector<16xi32> -> vector<16xi32>
    %add3A_213 = arith.addi %add3A_206, %gather3A_212 : vector<16xi32>
    %xor3A_214 = arith.constant 8 : i32
    %xor3A_215 = vector.broadcast %xor3A_214 : i32 to vector<16xi32>
    %xor3A_216 = arith.xori %iota3A, %xor3A_215 : vector<16xi32>
    %broadcast_in_dim3A_217 = vector.shape_cast %xor3A_216 : vector<16xi32> to vector<16x1xi32>
    %gather3A_218 = vector.shape_cast %broadcast_in_dim3A_217 : vector<16x1xi32> to vector<16xi32>
    %gather3A_219 = tpu.dynamic_gather %add3A_213[%gather3A_218] in [0] : vector<16xi32>, vector<16xi32> -> vector<16xi32>
    %add3A_220 = arith.addi %add3A_213, %gather3A_219 : vector<16xi32>
    %select_n3A_221 = arith.select %eq3A_192, %add3A_220, %select_n3A_160 : vector<16xi1>, vector<16xi32>
    %xor3A_222 = arith.constant 1 : i32
    %xor3A_223 = vector.broadcast %xor3A_222 : i32 to vector<16xi32>
    %xor3A_224 = arith.xori %iota3A, %xor3A_223 : vector<16xi32>
    %broadcast_in_dim3A_225 = vector.shape_cast %xor3A_224 : vector<16xi32> to vector<16x1xi32>
    %gather3A_226 = vector.shape_cast %broadcast_in_dim3A_225 : vector<16x1xi32> to vector<16xi32>
    %gather3A_227 = tpu.dynamic_gather %scan3A_9#11[%gather3A_226] in [0] : vector<16xi32>, vector<16xi32> -> vector<16xi32>
    %add3A_228 = arith.addi %scan3A_9#11, %gather3A_227 : vector<16xi32>
    %xor3A_229 = arith.constant 2 : i32
    %xor3A_230 = vector.broadcast %xor3A_229 : i32 to vector<16xi32>
    %xor3A_231 = arith.xori %iota3A, %xor3A_230 : vector<16xi32>
    %broadcast_in_dim3A_232 = vector.shape_cast %xor3A_231 : vector<16xi32> to vector<16x1xi32>
    %gather3A_233 = vector.shape_cast %broadcast_in_dim3A_232 : vector<16x1xi32> to vector<16xi32>
    %gather3A_234 = tpu.dynamic_gather %add3A_228[%gather3A_233] in [0] : vector<16xi32>, vector<16xi32> -> vector<16xi32>
    %add3A_235 = arith.addi %add3A_228, %gather3A_234 : vector<16xi32>
    %xor3A_236 = arith.constant 4 : i32
    %xor3A_237 = vector.broadcast %xor3A_236 : i32 to vector<16xi32>
    %xor3A_238 = arith.xori %iota3A, %xor3A_237 : vector<16xi32>
    %broadcast_in_dim3A_239 = vector.shape_cast %xor3A_238 : vector<16xi32> to vector<16x1xi32>
    %gather3A_240 = vector.shape_cast %broadcast_in_dim3A_239 : vector<16x1xi32> to vector<16xi32>
    %gather3A_241 = tpu.dynamic_gather %add3A_235[%gather3A_240] in [0] : vector<16xi32>, vector<16xi32> -> vector<16xi32>
    %add3A_242 = arith.addi %add3A_235, %gather3A_241 : vector<16xi32>
    %xor3A_243 = arith.constant 8 : i32
    %xor3A_244 = vector.broadcast %xor3A_243 : i32 to vector<16xi32>
    %xor3A_245 = arith.xori %iota3A, %xor3A_244 : vector<16xi32>
    %broadcast_in_dim3A_246 = vector.shape_cast %xor3A_245 : vector<16xi32> to vector<16x1xi32>
    %gather3A_247 = vector.shape_cast %broadcast_in_dim3A_246 : vector<16x1xi32> to vector<16xi32>
    %gather3A_248 = tpu.dynamic_gather %add3A_242[%gather3A_247] in [0] : vector<16xi32>, vector<16xi32> -> vector<16xi32>
    %add3A_249 = arith.addi %add3A_242, %gather3A_248 : vector<16xi32>
    %select_n3A_250 = arith.select %eq3A_192, %add3A_249, %select_n3A_189 : vector<16xi1>, vector<16xi32>
    %eq3A_251 = arith.constant 4 : i32
    %eq3A_252 = vector.broadcast %eq3A_251 : i32 to vector<16xi32>
    %eq3A_253 = arith.cmpi eq, %iota3A, %eq3A_252 : vector<16xi32>
    %xor3A_254 = arith.constant 1 : i32
    %xor3A_255 = vector.broadcast %xor3A_254 : i32 to vector<16xi32>
    %xor3A_256 = arith.xori %iota3A, %xor3A_255 : vector<16xi32>
    %broadcast_in_dim3A_257 = vector.shape_cast %xor3A_256 : vector<16xi32> to vector<16x1xi32>
    %gather3A_258 = vector.shape_cast %broadcast_in_dim3A_257 : vector<16x1xi32> to vector<16xi32>
    %gather3A_259 = tpu.dynamic_gather %scan3A_9#4[%gather3A_258] in [0] : vector<16xi32>, vector<16xi32> -> vector<16xi32>
    %add3A_260 = arith.addi %scan3A_9#4, %gather3A_259 : vector<16xi32>
    %xor3A_261 = arith.constant 2 : i32
    %xor3A_262 = vector.broadcast %xor3A_261 : i32 to vector<16xi32>
    %xor3A_263 = arith.xori %iota3A, %xor3A_262 : vector<16xi32>
    %broadcast_in_dim3A_264 = vector.shape_cast %xor3A_263 : vector<16xi32> to vector<16x1xi32>
    %gather3A_265 = vector.shape_cast %broadcast_in_dim3A_264 : vector<16x1xi32> to vector<16xi32>
    %gather3A_266 = tpu.dynamic_gather %add3A_260[%gather3A_265] in [0] : vector<16xi32>, vector<16xi32> -> vector<16xi32>
    %add3A_267 = arith.addi %add3A_260, %gather3A_266 : vector<16xi32>
    %xor3A_268 = arith.constant 4 : i32
    %xor3A_269 = vector.broadcast %xor3A_268 : i32 to vector<16xi32>
    %xor3A_270 = arith.xori %iota3A, %xor3A_269 : vector<16xi32>
    %broadcast_in_dim3A_271 = vector.shape_cast %xor3A_270 : vector<16xi32> to vector<16x1xi32>
    %gather3A_272 = vector.shape_cast %broadcast_in_dim3A_271 : vector<16x1xi32> to vector<16xi32>
    %gather3A_273 = tpu.dynamic_gather %add3A_267[%gather3A_272] in [0] : vector<16xi32>, vector<16xi32> -> vector<16xi32>
    %add3A_274 = arith.addi %add3A_267, %gather3A_273 : vector<16xi32>
    %xor3A_275 = arith.constant 8 : i32
    %xor3A_276 = vector.broadcast %xor3A_275 : i32 to vector<16xi32>
    %xor3A_277 = arith.xori %iota3A, %xor3A_276 : vector<16xi32>
    %broadcast_in_dim3A_278 = vector.shape_cast %xor3A_277 : vector<16xi32> to vector<16x1xi32>
    %gather3A_279 = vector.shape_cast %broadcast_in_dim3A_278 : vector<16x1xi32> to vector<16xi32>
    %gather3A_280 = tpu.dynamic_gather %add3A_274[%gather3A_279] in [0] : vector<16xi32>, vector<16xi32> -> vector<16xi32>
    %add3A_281 = arith.addi %add3A_274, %gather3A_280 : vector<16xi32>
    %select_n3A_282 = arith.select %eq3A_253, %add3A_281, %select_n3A_221 : vector<16xi1>, vector<16xi32>
    %xor3A_283 = arith.constant 1 : i32
    %xor3A_284 = vector.broadcast %xor3A_283 : i32 to vector<16xi32>
    %xor3A_285 = arith.xori %iota3A, %xor3A_284 : vector<16xi32>
    %broadcast_in_dim3A_286 = vector.shape_cast %xor3A_285 : vector<16xi32> to vector<16x1xi32>
    %gather3A_287 = vector.shape_cast %broadcast_in_dim3A_286 : vector<16x1xi32> to vector<16xi32>
    %gather3A_288 = tpu.dynamic_gather %scan3A_9#12[%gather3A_287] in [0] : vector<16xi32>, vector<16xi32> -> vector<16xi32>
    %add3A_289 = arith.addi %scan3A_9#12, %gather3A_288 : vector<16xi32>
    %xor3A_290 = arith.constant 2 : i32
    %xor3A_291 = vector.broadcast %xor3A_290 : i32 to vector<16xi32>
    %xor3A_292 = arith.xori %iota3A, %xor3A_291 : vector<16xi32>
    %broadcast_in_dim3A_293 = vector.shape_cast %xor3A_292 : vector<16xi32> to vector<16x1xi32>
    %gather3A_294 = vector.shape_cast %broadcast_in_dim3A_293 : vector<16x1xi32> to vector<16xi32>
    %gather3A_295 = tpu.dynamic_gather %add3A_289[%gather3A_294] in [0] : vector<16xi32>, vector<16xi32> -> vector<16xi32>
    %add3A_296 = arith.addi %add3A_289, %gather3A_295 : vector<16xi32>
    %xor3A_297 = arith.constant 4 : i32
    %xor3A_298 = vector.broadcast %xor3A_297 : i32 to vector<16xi32>
    %xor3A_299 = arith.xori %iota3A, %xor3A_298 : vector<16xi32>
    %broadcast_in_dim3A_300 = vector.shape_cast %xor3A_299 : vector<16xi32> to vector<16x1xi32>
    %gather3A_301 = vector.shape_cast %broadcast_in_dim3A_300 : vector<16x1xi32> to vector<16xi32>
    %gather3A_302 = tpu.dynamic_gather %add3A_296[%gather3A_301] in [0] : vector<16xi32>, vector<16xi32> -> vector<16xi32>
    %add3A_303 = arith.addi %add3A_296, %gather3A_302 : vector<16xi32>
    %xor3A_304 = arith.constant 8 : i32
    %xor3A_305 = vector.broadcast %xor3A_304 : i32 to vector<16xi32>
    %xor3A_306 = arith.xori %iota3A, %xor3A_305 : vector<16xi32>
    %broadcast_in_dim3A_307 = vector.shape_cast %xor3A_306 : vector<16xi32> to vector<16x1xi32>
    %gather3A_308 = vector.shape_cast %broadcast_in_dim3A_307 : vector<16x1xi32> to vector<16xi32>
    %gather3A_309 = tpu.dynamic_gather %add3A_303[%gather3A_308] in [0] : vector<16xi32>, vector<16xi32> -> vector<16xi32>
    %add3A_310 = arith.addi %add3A_303, %gather3A_309 : vector<16xi32>
    %select_n3A_311 = arith.select %eq3A_253, %add3A_310, %select_n3A_250 : vector<16xi1>, vector<16xi32>
    %eq3A_312 = arith.constant 5 : i32
    %eq3A_313 = vector.broadcast %eq3A_312 : i32 to vector<16xi32>
    %eq3A_314 = arith.cmpi eq, %iota3A, %eq3A_313 : vector<16xi32>
    %xor3A_315 = arith.constant 1 : i32
    %xor3A_316 = vector.broadcast %xor3A_315 : i32 to vector<16xi32>
    %xor3A_317 = arith.xori %iota3A, %xor3A_316 : vector<16xi32>
    %broadcast_in_dim3A_318 = vector.shape_cast %xor3A_317 : vector<16xi32> to vector<16x1xi32>
    %gather3A_319 = vector.shape_cast %broadcast_in_dim3A_318 : vector<16x1xi32> to vector<16xi32>
    %gather3A_320 = tpu.dynamic_gather %scan3A_9#5[%gather3A_319] in [0] : vector<16xi32>, vector<16xi32> -> vector<16xi32>
    %add3A_321 = arith.addi %scan3A_9#5, %gather3A_320 : vector<16xi32>
    %xor3A_322 = arith.constant 2 : i32
    %xor3A_323 = vector.broadcast %xor3A_322 : i32 to vector<16xi32>
    %xor3A_324 = arith.xori %iota3A, %xor3A_323 : vector<16xi32>
    %broadcast_in_dim3A_325 = vector.shape_cast %xor3A_324 : vector<16xi32> to vector<16x1xi32>
    %gather3A_326 = vector.shape_cast %broadcast_in_dim3A_325 : vector<16x1xi32> to vector<16xi32>
    %gather3A_327 = tpu.dynamic_gather %add3A_321[%gather3A_326] in [0] : vector<16xi32>, vector<16xi32> -> vector<16xi32>
    %add3A_328 = arith.addi %add3A_321, %gather3A_327 : vector<16xi32>
    %xor3A_329 = arith.constant 4 : i32
    %xor3A_330 = vector.broadcast %xor3A_329 : i32 to vector<16xi32>
    %xor3A_331 = arith.xori %iota3A, %xor3A_330 : vector<16xi32>
    %broadcast_in_dim3A_332 = vector.shape_cast %xor3A_331 : vector<16xi32> to vector<16x1xi32>
    %gather3A_333 = vector.shape_cast %broadcast_in_dim3A_332 : vector<16x1xi32> to vector<16xi32>
    %gather3A_334 = tpu.dynamic_gather %add3A_328[%gather3A_333] in [0] : vector<16xi32>, vector<16xi32> -> vector<16xi32>
    %add3A_335 = arith.addi %add3A_328, %gather3A_334 : vector<16xi32>
    %xor3A_336 = arith.constant 8 : i32
    %xor3A_337 = vector.broadcast %xor3A_336 : i32 to vector<16xi32>
    %xor3A_338 = arith.xori %iota3A, %xor3A_337 : vector<16xi32>
    %broadcast_in_dim3A_339 = vector.shape_cast %xor3A_338 : vector<16xi32> to vector<16x1xi32>
    %gather3A_340 = vector.shape_cast %broadcast_in_dim3A_339 : vector<16x1xi32> to vector<16xi32>
    %gather3A_341 = tpu.dynamic_gather %add3A_335[%gather3A_340] in [0] : vector<16xi32>, vector<16xi32> -> vector<16xi32>
    %add3A_342 = arith.addi %add3A_335, %gather3A_341 : vector<16xi32>
    %select_n3A_343 = arith.select %eq3A_314, %add3A_342, %select_n3A_282 : vector<16xi1>, vector<16xi32>
    %xor3A_344 = arith.constant 1 : i32
    %xor3A_345 = vector.broadcast %xor3A_344 : i32 to vector<16xi32>
    %xor3A_346 = arith.xori %iota3A, %xor3A_345 : vector<16xi32>
    %broadcast_in_dim3A_347 = vector.shape_cast %xor3A_346 : vector<16xi32> to vector<16x1xi32>
    %gather3A_348 = vector.shape_cast %broadcast_in_dim3A_347 : vector<16x1xi32> to vector<16xi32>
    %gather3A_349 = tpu.dynamic_gather %scan3A_9#13[%gather3A_348] in [0] : vector<16xi32>, vector<16xi32> -> vector<16xi32>
    %add3A_350 = arith.addi %scan3A_9#13, %gather3A_349 : vector<16xi32>
    %xor3A_351 = arith.constant 2 : i32
    %xor3A_352 = vector.broadcast %xor3A_351 : i32 to vector<16xi32>
    %xor3A_353 = arith.xori %iota3A, %xor3A_352 : vector<16xi32>
    %broadcast_in_dim3A_354 = vector.shape_cast %xor3A_353 : vector<16xi32> to vector<16x1xi32>
    %gather3A_355 = vector.shape_cast %broadcast_in_dim3A_354 : vector<16x1xi32> to vector<16xi32>
    %gather3A_356 = tpu.dynamic_gather %add3A_350[%gather3A_355] in [0] : vector<16xi32>, vector<16xi32> -> vector<16xi32>
    %add3A_357 = arith.addi %add3A_350, %gather3A_356 : vector<16xi32>
    %xor3A_358 = arith.constant 4 : i32
    %xor3A_359 = vector.broadcast %xor3A_358 : i32 to vector<16xi32>
    %xor3A_360 = arith.xori %iota3A, %xor3A_359 : vector<16xi32>
    %broadcast_in_dim3A_361 = vector.shape_cast %xor3A_360 : vector<16xi32> to vector<16x1xi32>
    %gather3A_362 = vector.shape_cast %broadcast_in_dim3A_361 : vector<16x1xi32> to vector<16xi32>
    %gather3A_363 = tpu.dynamic_gather %add3A_357[%gather3A_362] in [0] : vector<16xi32>, vector<16xi32> -> vector<16xi32>
    %add3A_364 = arith.addi %add3A_357, %gather3A_363 : vector<16xi32>
    %xor3A_365 = arith.constant 8 : i32
    %xor3A_366 = vector.broadcast %xor3A_365 : i32 to vector<16xi32>
    %xor3A_367 = arith.xori %iota3A, %xor3A_366 : vector<16xi32>
    %broadcast_in_dim3A_368 = vector.shape_cast %xor3A_367 : vector<16xi32> to vector<16x1xi32>
    %gather3A_369 = vector.shape_cast %broadcast_in_dim3A_368 : vector<16x1xi32> to vector<16xi32>
    %gather3A_370 = tpu.dynamic_gather %add3A_364[%gather3A_369] in [0] : vector<16xi32>, vector<16xi32> -> vector<16xi32>
    %add3A_371 = arith.addi %add3A_364, %gather3A_370 : vector<16xi32>
    %select_n3A_372 = arith.select %eq3A_314, %add3A_371, %select_n3A_311 : vector<16xi1>, vector<16xi32>
    %eq3A_373 = arith.constant 6 : i32
    %eq3A_374 = vector.broadcast %eq3A_373 : i32 to vector<16xi32>
    %eq3A_375 = arith.cmpi eq, %iota3A, %eq3A_374 : vector<16xi32>
    %xor3A_376 = arith.constant 1 : i32
    %xor3A_377 = vector.broadcast %xor3A_376 : i32 to vector<16xi32>
    %xor3A_378 = arith.xori %iota3A, %xor3A_377 : vector<16xi32>
    %broadcast_in_dim3A_379 = vector.shape_cast %xor3A_378 : vector<16xi32> to vector<16x1xi32>
    %gather3A_380 = vector.shape_cast %broadcast_in_dim3A_379 : vector<16x1xi32> to vector<16xi32>
    %gather3A_381 = tpu.dynamic_gather %scan3A_9#6[%gather3A_380] in [0] : vector<16xi32>, vector<16xi32> -> vector<16xi32>
    %add3A_382 = arith.addi %scan3A_9#6, %gather3A_381 : vector<16xi32>
    %xor3A_383 = arith.constant 2 : i32
    %xor3A_384 = vector.broadcast %xor3A_383 : i32 to vector<16xi32>
    %xor3A_385 = arith.xori %iota3A, %xor3A_384 : vector<16xi32>
    %broadcast_in_dim3A_386 = vector.shape_cast %xor3A_385 : vector<16xi32> to vector<16x1xi32>
    %gather3A_387 = vector.shape_cast %broadcast_in_dim3A_386 : vector<16x1xi32> to vector<16xi32>
    %gather3A_388 = tpu.dynamic_gather %add3A_382[%gather3A_387] in [0] : vector<16xi32>, vector<16xi32> -> vector<16xi32>
    %add3A_389 = arith.addi %add3A_382, %gather3A_388 : vector<16xi32>
    %xor3A_390 = arith.constant 4 : i32
    %xor3A_391 = vector.broadcast %xor3A_390 : i32 to vector<16xi32>
    %xor3A_392 = arith.xori %iota3A, %xor3A_391 : vector<16xi32>
    %broadcast_in_dim3A_393 = vector.shape_cast %xor3A_392 : vector<16xi32> to vector<16x1xi32>
    %gather3A_394 = vector.shape_cast %broadcast_in_dim3A_393 : vector<16x1xi32> to vector<16xi32>
    %gather3A_395 = tpu.dynamic_gather %add3A_389[%gather3A_394] in [0] : vector<16xi32>, vector<16xi32> -> vector<16xi32>
    %add3A_396 = arith.addi %add3A_389, %gather3A_395 : vector<16xi32>
    %xor3A_397 = arith.constant 8 : i32
    %xor3A_398 = vector.broadcast %xor3A_397 : i32 to vector<16xi32>
    %xor3A_399 = arith.xori %iota3A, %xor3A_398 : vector<16xi32>
    %broadcast_in_dim3A_400 = vector.shape_cast %xor3A_399 : vector<16xi32> to vector<16x1xi32>
    %gather3A_401 = vector.shape_cast %broadcast_in_dim3A_400 : vector<16x1xi32> to vector<16xi32>
    %gather3A_402 = tpu.dynamic_gather %add3A_396[%gather3A_401] in [0] : vector<16xi32>, vector<16xi32> -> vector<16xi32>
    %add3A_403 = arith.addi %add3A_396, %gather3A_402 : vector<16xi32>
    %select_n3A_404 = arith.select %eq3A_375, %add3A_403, %select_n3A_343 : vector<16xi1>, vector<16xi32>
    %xor3A_405 = arith.constant 1 : i32
    %xor3A_406 = vector.broadcast %xor3A_405 : i32 to vector<16xi32>
    %xor3A_407 = arith.xori %iota3A, %xor3A_406 : vector<16xi32>
    %broadcast_in_dim3A_408 = vector.shape_cast %xor3A_407 : vector<16xi32> to vector<16x1xi32>
    %gather3A_409 = vector.shape_cast %broadcast_in_dim3A_408 : vector<16x1xi32> to vector<16xi32>
    %gather3A_410 = tpu.dynamic_gather %scan3A_9#14[%gather3A_409] in [0] : vector<16xi32>, vector<16xi32> -> vector<16xi32>
    %add3A_411 = arith.addi %scan3A_9#14, %gather3A_410 : vector<16xi32>
    %xor3A_412 = arith.constant 2 : i32
    %xor3A_413 = vector.broadcast %xor3A_412 : i32 to vector<16xi32>
    %xor3A_414 = arith.xori %iota3A, %xor3A_413 : vector<16xi32>
    %broadcast_in_dim3A_415 = vector.shape_cast %xor3A_414 : vector<16xi32> to vector<16x1xi32>
    %gather3A_416 = vector.shape_cast %broadcast_in_dim3A_415 : vector<16x1xi32> to vector<16xi32>
    %gather3A_417 = tpu.dynamic_gather %add3A_411[%gather3A_416] in [0] : vector<16xi32>, vector<16xi32> -> vector<16xi32>
    %add3A_418 = arith.addi %add3A_411, %gather3A_417 : vector<16xi32>
    %xor3A_419 = arith.constant 4 : i32
    %xor3A_420 = vector.broadcast %xor3A_419 : i32 to vector<16xi32>
    %xor3A_421 = arith.xori %iota3A, %xor3A_420 : vector<16xi32>
    %broadcast_in_dim3A_422 = vector.shape_cast %xor3A_421 : vector<16xi32> to vector<16x1xi32>
    %gather3A_423 = vector.shape_cast %broadcast_in_dim3A_422 : vector<16x1xi32> to vector<16xi32>
    %gather3A_424 = tpu.dynamic_gather %add3A_418[%gather3A_423] in [0] : vector<16xi32>, vector<16xi32> -> vector<16xi32>
    %add3A_425 = arith.addi %add3A_418, %gather3A_424 : vector<16xi32>
    %xor3A_426 = arith.constant 8 : i32
    %xor3A_427 = vector.broadcast %xor3A_426 : i32 to vector<16xi32>
    %xor3A_428 = arith.xori %iota3A, %xor3A_427 : vector<16xi32>
    %broadcast_in_dim3A_429 = vector.shape_cast %xor3A_428 : vector<16xi32> to vector<16x1xi32>
    %gather3A_430 = vector.shape_cast %broadcast_in_dim3A_429 : vector<16x1xi32> to vector<16xi32>
    %gather3A_431 = tpu.dynamic_gather %add3A_425[%gather3A_430] in [0] : vector<16xi32>, vector<16xi32> -> vector<16xi32>
    %add3A_432 = arith.addi %add3A_425, %gather3A_431 : vector<16xi32>
    %select_n3A_433 = arith.select %eq3A_375, %add3A_432, %select_n3A_372 : vector<16xi1>, vector<16xi32>
    %eq3A_434 = arith.constant 7 : i32
    %eq3A_435 = vector.broadcast %eq3A_434 : i32 to vector<16xi32>
    %eq3A_436 = arith.cmpi eq, %iota3A, %eq3A_435 : vector<16xi32>
    %xor3A_437 = arith.constant 1 : i32
    %xor3A_438 = vector.broadcast %xor3A_437 : i32 to vector<16xi32>
    %xor3A_439 = arith.xori %iota3A, %xor3A_438 : vector<16xi32>
    %broadcast_in_dim3A_440 = vector.shape_cast %xor3A_439 : vector<16xi32> to vector<16x1xi32>
    %gather3A_441 = vector.shape_cast %broadcast_in_dim3A_440 : vector<16x1xi32> to vector<16xi32>
    %gather3A_442 = tpu.dynamic_gather %scan3A_9#7[%gather3A_441] in [0] : vector<16xi32>, vector<16xi32> -> vector<16xi32>
    %add3A_443 = arith.addi %scan3A_9#7, %gather3A_442 : vector<16xi32>
    %xor3A_444 = arith.constant 2 : i32
    %xor3A_445 = vector.broadcast %xor3A_444 : i32 to vector<16xi32>
    %xor3A_446 = arith.xori %iota3A, %xor3A_445 : vector<16xi32>
    %broadcast_in_dim3A_447 = vector.shape_cast %xor3A_446 : vector<16xi32> to vector<16x1xi32>
    %gather3A_448 = vector.shape_cast %broadcast_in_dim3A_447 : vector<16x1xi32> to vector<16xi32>
    %gather3A_449 = tpu.dynamic_gather %add3A_443[%gather3A_448] in [0] : vector<16xi32>, vector<16xi32> -> vector<16xi32>
    %add3A_450 = arith.addi %add3A_443, %gather3A_449 : vector<16xi32>
    %xor3A_451 = arith.constant 4 : i32
    %xor3A_452 = vector.broadcast %xor3A_451 : i32 to vector<16xi32>
    %xor3A_453 = arith.xori %iota3A, %xor3A_452 : vector<16xi32>
    %broadcast_in_dim3A_454 = vector.shape_cast %xor3A_453 : vector<16xi32> to vector<16x1xi32>
    %gather3A_455 = vector.shape_cast %broadcast_in_dim3A_454 : vector<16x1xi32> to vector<16xi32>
    %gather3A_456 = tpu.dynamic_gather %add3A_450[%gather3A_455] in [0] : vector<16xi32>, vector<16xi32> -> vector<16xi32>
    %add3A_457 = arith.addi %add3A_450, %gather3A_456 : vector<16xi32>
    %xor3A_458 = arith.constant 8 : i32
    %xor3A_459 = vector.broadcast %xor3A_458 : i32 to vector<16xi32>
    %xor3A_460 = arith.xori %iota3A, %xor3A_459 : vector<16xi32>
    %broadcast_in_dim3A_461 = vector.shape_cast %xor3A_460 : vector<16xi32> to vector<16x1xi32>
    %gather3A_462 = vector.shape_cast %broadcast_in_dim3A_461 : vector<16x1xi32> to vector<16xi32>
    %gather3A_463 = tpu.dynamic_gather %add3A_457[%gather3A_462] in [0] : vector<16xi32>, vector<16xi32> -> vector<16xi32>
    %add3A_464 = arith.addi %add3A_457, %gather3A_463 : vector<16xi32>
    %select_n3A_465 = arith.select %eq3A_436, %add3A_464, %select_n3A_404 : vector<16xi1>, vector<16xi32>
    %xor3A_466 = arith.constant 1 : i32
    %xor3A_467 = vector.broadcast %xor3A_466 : i32 to vector<16xi32>
    %xor3A_468 = arith.xori %iota3A, %xor3A_467 : vector<16xi32>
    %broadcast_in_dim3A_469 = vector.shape_cast %xor3A_468 : vector<16xi32> to vector<16x1xi32>
    %gather3A_470 = vector.shape_cast %broadcast_in_dim3A_469 : vector<16x1xi32> to vector<16xi32>
    %gather3A_471 = tpu.dynamic_gather %scan3A_9#15[%gather3A_470] in [0] : vector<16xi32>, vector<16xi32> -> vector<16xi32>
    %add3A_472 = arith.addi %scan3A_9#15, %gather3A_471 : vector<16xi32>
    %xor3A_473 = arith.constant 2 : i32
    %xor3A_474 = vector.broadcast %xor3A_473 : i32 to vector<16xi32>
    %xor3A_475 = arith.xori %iota3A, %xor3A_474 : vector<16xi32>
    %broadcast_in_dim3A_476 = vector.shape_cast %xor3A_475 : vector<16xi32> to vector<16x1xi32>
    %gather3A_477 = vector.shape_cast %broadcast_in_dim3A_476 : vector<16x1xi32> to vector<16xi32>
    %gather3A_478 = tpu.dynamic_gather %add3A_472[%gather3A_477] in [0] : vector<16xi32>, vector<16xi32> -> vector<16xi32>
    %add3A_479 = arith.addi %add3A_472, %gather3A_478 : vector<16xi32>
    %xor3A_480 = arith.constant 4 : i32
    %xor3A_481 = vector.broadcast %xor3A_480 : i32 to vector<16xi32>
    %xor3A_482 = arith.xori %iota3A, %xor3A_481 : vector<16xi32>
    %broadcast_in_dim3A_483 = vector.shape_cast %xor3A_482 : vector<16xi32> to vector<16x1xi32>
    %gather3A_484 = vector.shape_cast %broadcast_in_dim3A_483 : vector<16x1xi32> to vector<16xi32>
    %gather3A_485 = tpu.dynamic_gather %add3A_479[%gather3A_484] in [0] : vector<16xi32>, vector<16xi32> -> vector<16xi32>
    %add3A_486 = arith.addi %add3A_479, %gather3A_485 : vector<16xi32>
    %xor3A_487 = arith.constant 8 : i32
    %xor3A_488 = vector.broadcast %xor3A_487 : i32 to vector<16xi32>
    %xor3A_489 = arith.xori %iota3A, %xor3A_488 : vector<16xi32>
    %broadcast_in_dim3A_490 = vector.shape_cast %xor3A_489 : vector<16xi32> to vector<16x1xi32>
    %gather3A_491 = vector.shape_cast %broadcast_in_dim3A_490 : vector<16x1xi32> to vector<16xi32>
    %gather3A_492 = tpu.dynamic_gather %add3A_486[%gather3A_491] in [0] : vector<16xi32>, vector<16xi32> -> vector<16xi32>
    %add3A_493 = arith.addi %add3A_486, %gather3A_492 : vector<16xi32>
    %select_n3A_494 = arith.select %eq3A_436, %add3A_493, %select_n3A_433 : vector<16xi1>, vector<16xi32>
    %lt3A = arith.constant 8 : i32
    %lt3A_495 = vector.broadcast %lt3A : i32 to vector<16xi32>
    %lt3A_496 = arith.cmpi slt, %iota3A, %lt3A_495 : vector<16xi32>
    %add3A_497 = arith.constant 127 : i32
    %add3A_498 = vector.broadcast %add3A_497 : i32 to vector<16xi32>
    %add3A_499 = arith.addi %select_n3A_494, %add3A_498 : vector<16xi32>
    %shift_right_logical3A = arith.constant 7 : i32
    %shift_right_logical3A_500 = vector.broadcast %shift_right_logical3A : i32 to vector<16xi32>
    %shift_right_logical3A_501 = arith.shrui %add3A_499, %shift_right_logical3A_500 : vector<16xi32>
    %shift_left3A = arith.constant 7 : i32
    %shift_left3A_502 = vector.broadcast %shift_left3A : i32 to vector<16xi32>
    %shift_left3A_503 = arith.shli %shift_right_logical3A_501, %shift_left3A_502 : vector<16xi32>
    %select_n3A_504 = arith.select %lt3A_496, %shift_left3A_503, %broadcast_in_dim3A_3 : vector<16xi1>, vector<16xi32>
    %ge3A = arith.constant 1 : i32
    %ge3A_505 = vector.broadcast %ge3A : i32 to vector<16xi32>
    %ge3A_506 = arith.cmpi sge, %iota3A, %ge3A_505 : vector<16xi32>
    %sub3A = arith.constant 1 : i32
    %sub3A_507 = vector.broadcast %sub3A : i32 to vector<16xi32>
    %sub3A_508 = arith.subi %iota3A, %sub3A_507 : vector<16xi32>
    %max3A = arith.constant 0 : i32
    %max3A_509 = vector.broadcast %max3A : i32 to vector<16xi32>
    %max3A_510 = arith.maxsi %sub3A_508, %max3A_509 : vector<16xi32>
    %broadcast_in_dim3A_511 = vector.shape_cast %max3A_510 : vector<16xi32> to vector<16x1xi32>
    %gather3A_512 = vector.shape_cast %broadcast_in_dim3A_511 : vector<16x1xi32> to vector<16xi32>
    %gather3A_513 = tpu.dynamic_gather %select_n3A_504[%gather3A_512] in [0] : vector<16xi32>, vector<16xi32> -> vector<16xi32>
    %select_n3A_514 = arith.select %ge3A_506, %gather3A_513, %broadcast_in_dim3A_3 : vector<16xi1>, vector<16xi32>
    %add3A_515 = arith.addi %select_n3A_504, %select_n3A_514 : vector<16xi32>
    %ge3A_516 = arith.constant 2 : i32
    %ge3A_517 = vector.broadcast %ge3A_516 : i32 to vector<16xi32>
    %ge3A_518 = arith.cmpi sge, %iota3A, %ge3A_517 : vector<16xi32>
    %sub3A_519 = arith.constant 2 : i32
    %sub3A_520 = vector.broadcast %sub3A_519 : i32 to vector<16xi32>
    %sub3A_521 = arith.subi %iota3A, %sub3A_520 : vector<16xi32>
    %max3A_522 = arith.constant 0 : i32
    %max3A_523 = vector.broadcast %max3A_522 : i32 to vector<16xi32>
    %max3A_524 = arith.maxsi %sub3A_521, %max3A_523 : vector<16xi32>
    %broadcast_in_dim3A_525 = vector.shape_cast %max3A_524 : vector<16xi32> to vector<16x1xi32>
    %gather3A_526 = vector.shape_cast %broadcast_in_dim3A_525 : vector<16x1xi32> to vector<16xi32>
    %gather3A_527 = tpu.dynamic_gather %add3A_515[%gather3A_526] in [0] : vector<16xi32>, vector<16xi32> -> vector<16xi32>
    %select_n3A_528 = arith.select %ge3A_518, %gather3A_527, %broadcast_in_dim3A_3 : vector<16xi1>, vector<16xi32>
    %add3A_529 = arith.addi %add3A_515, %select_n3A_528 : vector<16xi32>
    %ge3A_530 = arith.constant 4 : i32
    %ge3A_531 = vector.broadcast %ge3A_530 : i32 to vector<16xi32>
    %ge3A_532 = arith.cmpi sge, %iota3A, %ge3A_531 : vector<16xi32>
    %sub3A_533 = arith.constant 4 : i32
    %sub3A_534 = vector.broadcast %sub3A_533 : i32 to vector<16xi32>
    %sub3A_535 = arith.subi %iota3A, %sub3A_534 : vector<16xi32>
    %max3A_536 = arith.constant 0 : i32
    %max3A_537 = vector.broadcast %max3A_536 : i32 to vector<16xi32>
    %max3A_538 = arith.maxsi %sub3A_535, %max3A_537 : vector<16xi32>
    %broadcast_in_dim3A_539 = vector.shape_cast %max3A_538 : vector<16xi32> to vector<16x1xi32>
    %gather3A_540 = vector.shape_cast %broadcast_in_dim3A_539 : vector<16x1xi32> to vector<16xi32>
    %gather3A_541 = tpu.dynamic_gather %add3A_529[%gather3A_540] in [0] : vector<16xi32>, vector<16xi32> -> vector<16xi32>
    %select_n3A_542 = arith.select %ge3A_532, %gather3A_541, %broadcast_in_dim3A_3 : vector<16xi1>, vector<16xi32>
    %add3A_543 = arith.addi %add3A_529, %select_n3A_542 : vector<16xi32>
    %ge3A_544 = arith.constant 8 : i32
    %ge3A_545 = vector.broadcast %ge3A_544 : i32 to vector<16xi32>
    %ge3A_546 = arith.cmpi sge, %iota3A, %ge3A_545 : vector<16xi32>
    %sub3A_547 = arith.constant 8 : i32
    %sub3A_548 = vector.broadcast %sub3A_547 : i32 to vector<16xi32>
    %sub3A_549 = arith.subi %iota3A, %sub3A_548 : vector<16xi32>
    %max3A_550 = arith.constant 0 : i32
    %max3A_551 = vector.broadcast %max3A_550 : i32 to vector<16xi32>
    %max3A_552 = arith.maxsi %sub3A_549, %max3A_551 : vector<16xi32>
    %broadcast_in_dim3A_553 = vector.shape_cast %max3A_552 : vector<16xi32> to vector<16x1xi32>
    %gather3A_554 = vector.shape_cast %broadcast_in_dim3A_553 : vector<16x1xi32> to vector<16xi32>
    %gather3A_555 = tpu.dynamic_gather %add3A_543[%gather3A_554] in [0] : vector<16xi32>, vector<16xi32> -> vector<16xi32>
    %select_n3A_556 = arith.select %ge3A_546, %gather3A_555, %broadcast_in_dim3A_3 : vector<16xi1>, vector<16xi32>
    %add3A_557 = arith.addi %add3A_543, %select_n3A_556 : vector<16xi32>
    %sub3A_558 = arith.subi %add3A_557, %select_n3A_504 : vector<16xi32>
    %add3A_559 = arith.addi %sub3A_558, %select_n3A_465 : vector<16xi32>
    %scan3A_560 = arith.constant 0 : i32
    %scan3A_561 = arith.constant 16 : i32
    %scan3A_562 = arith.addi %scan3A_560, %scan3A_561 : i32
    %scan3A_563 = arith.constant 1 : i32
    %scan3A_564 = scf.for %scan3A_1174 = %scan3A_560 to %scan3A_562 step %scan3A_563 iter_args(%scan3A_1175 = %add3A_559) -> (vector<16xi32>)  : i32 {
      %mul3A_1176 = arith.constant 16 : i32
      %mul3A_1177 = arith.muli %scan3A_1174, %mul3A_1176 : i32
      %add3A_1178 = arith.addi %mul3A_2, %mul3A_1177 : i32
      %get3A = arith.index_cast %add3A_1178 : i32 to index
      %get3A_1179 = tpu.vector_load %arg9[%get3A] {strides = array<i32>} : memref<8192xi32, #tpu.memory_space<vmem>>, vector<16xi32>,
      %get3A_1180 = vector.shape_cast %get3A_1179 : vector<16xi32> to vector<16xi32>
      %sub3A_1181 = arith.constant 1 : i32
      %sub3A_1182 = vector.broadcast %sub3A_1181 : i32 to vector<16xi32>
      %sub3A_1183 = arith.subi %iota3A, %sub3A_1182 : vector<16xi32>
      %max3A_1184 = arith.constant 0 : i32
      %max3A_1185 = vector.broadcast %max3A_1184 : i32 to vector<16xi32>
      %max3A_1186 = arith.maxsi %sub3A_1183, %max3A_1185 : vector<16xi32>
      %broadcast_in_dim3A_1187 = vector.shape_cast %max3A_1186 : vector<16xi32> to vector<16x1xi32>
      %gather3A_1188 = vector.shape_cast %broadcast_in_dim3A_1187 : vector<16x1xi32> to vector<16xi32>
      %gather3A_1189 = tpu.dynamic_gather %get3A_1180[%gather3A_1188] in [0] : vector<16xi32>, vector<16xi32> -> vector<16xi32>
      %ge3A_1190 = arith.constant 1 : i32
      %ge3A_1191 = vector.broadcast %ge3A_1190 : i32 to vector<16xi32>
      %ge3A_1192 = arith.cmpi sge, %iota3A, %ge3A_1191 : vector<16xi32>
      %eq3A_1193 = arith.cmpi eq, %gather3A_1189, %get3A_1180 : vector<16xi32>
      %jit3A_1194 = arith.constant 1 : i32
      %jit3A_1195 = arith.constant 0 : i32
      %broadcast_in_dim3A_1196 = vector.broadcast %jit3A_1194 : i32 to vector<16xi32>
      %broadcast_in_dim3A_1197 = vector.broadcast %jit3A_1195 : i32 to vector<16xi32>
      %select_n3A_1198 = arith.select %eq3A_1193, %broadcast_in_dim3A_1196, %broadcast_in_dim3A_1197 : vector<16xi1>, vector<16xi32>
      %jit3A_1199 = arith.constant 0 : i32
      %broadcast_in_dim3A_1200 = vector.broadcast %jit3A_1199 : i32 to vector<16xi32>
      %select_n3A_1201 = arith.select %ge3A_1192, %select_n3A_1198, %broadcast_in_dim3A_1200 : vector<16xi1>, vector<16xi32>
      %add3A_1202 = arith.addi %broadcast_in_dim3A_3, %select_n3A_1201 : vector<16xi32>
      %sub3A_1203 = arith.constant 2 : i32
      %sub3A_1204 = vector.broadcast %sub3A_1203 : i32 to vector<16xi32>
      %sub3A_1205 = arith.subi %iota3A, %sub3A_1204 : vector<16xi32>
      %max3A_1206 = arith.constant 0 : i32
      %max3A_1207 = vector.broadcast %max3A_1206 : i32 to vector<16xi32>
      %max3A_1208 = arith.maxsi %sub3A_1205, %max3A_1207 : vector<16xi32>
      %broadcast_in_dim3A_1209 = vector.shape_cast %max3A_1208 : vector<16xi32> to vector<16x1xi32>
      %gather3A_1210 = vector.shape_cast %broadcast_in_dim3A_1209 : vector<16x1xi32> to vector<16xi32>
      %gather3A_1211 = tpu.dynamic_gather %get3A_1180[%gather3A_1210] in [0] : vector<16xi32>, vector<16xi32> -> vector<16xi32>
      %ge3A_1212 = arith.constant 2 : i32
      %ge3A_1213 = vector.broadcast %ge3A_1212 : i32 to vector<16xi32>
      %ge3A_1214 = arith.cmpi sge, %iota3A, %ge3A_1213 : vector<16xi32>
      %eq3A_1215 = arith.cmpi eq, %gather3A_1211, %get3A_1180 : vector<16xi32>
      %jit3A_1216 = arith.constant 1 : i32
      %jit3A_1217 = arith.constant 0 : i32
      %broadcast_in_dim3A_1218 = vector.broadcast %jit3A_1216 : i32 to vector<16xi32>
      %broadcast_in_dim3A_1219 = vector.broadcast %jit3A_1217 : i32 to vector<16xi32>
      %select_n3A_1220 = arith.select %eq3A_1215, %broadcast_in_dim3A_1218, %broadcast_in_dim3A_1219 : vector<16xi1>, vector<16xi32>
      %jit3A_1221 = arith.constant 0 : i32
      %broadcast_in_dim3A_1222 = vector.broadcast %jit3A_1221 : i32 to vector<16xi32>
      %select_n3A_1223 = arith.select %ge3A_1214, %select_n3A_1220, %broadcast_in_dim3A_1222 : vector<16xi1>, vector<16xi32>
      %add3A_1224 = arith.addi %add3A_1202, %select_n3A_1223 : vector<16xi32>
      %sub3A_1225 = arith.constant 3 : i32
      %sub3A_1226 = vector.broadcast %sub3A_1225 : i32 to vector<16xi32>
      %sub3A_1227 = arith.subi %iota3A, %sub3A_1226 : vector<16xi32>
      %max3A_1228 = arith.constant 0 : i32
      %max3A_1229 = vector.broadcast %max3A_1228 : i32 to vector<16xi32>
      %max3A_1230 = arith.maxsi %sub3A_1227, %max3A_1229 : vector<16xi32>
      %broadcast_in_dim3A_1231 = vector.shape_cast %max3A_1230 : vector<16xi32> to vector<16x1xi32>
      %gather3A_1232 = vector.shape_cast %broadcast_in_dim3A_1231 : vector<16x1xi32> to vector<16xi32>
      %gather3A_1233 = tpu.dynamic_gather %get3A_1180[%gather3A_1232] in [0] : vector<16xi32>, vector<16xi32> -> vector<16xi32>
      %ge3A_1234 = arith.constant 3 : i32
      %ge3A_1235 = vector.broadcast %ge3A_1234 : i32 to vector<16xi32>
      %ge3A_1236 = arith.cmpi sge, %iota3A, %ge3A_1235 : vector<16xi32>
      %eq3A_1237 = arith.cmpi eq, %gather3A_1233, %get3A_1180 : vector<16xi32>
      %jit3A_1238 = arith.constant 1 : i32
      %jit3A_1239 = arith.constant 0 : i32
      %broadcast_in_dim3A_1240 = vector.broadcast %jit3A_1238 : i32 to vector<16xi32>
      %broadcast_in_dim3A_1241 = vector.broadcast %jit3A_1239 : i32 to vector<16xi32>
      %select_n3A_1242 = arith.select %eq3A_1237, %broadcast_in_dim3A_1240, %broadcast_in_dim3A_1241 : vector<16xi1>, vector<16xi32>
      %jit3A_1243 = arith.constant 0 : i32
      %broadcast_in_dim3A_1244 = vector.broadcast %jit3A_1243 : i32 to vector<16xi32>
      %select_n3A_1245 = arith.select %ge3A_1236, %select_n3A_1242, %broadcast_in_dim3A_1244 : vector<16xi1>, vector<16xi32>
      %add3A_1246 = arith.addi %add3A_1224, %select_n3A_1245 : vector<16xi32>
      %sub3A_1247 = arith.constant 4 : i32
      %sub3A_1248 = vector.broadcast %sub3A_1247 : i32 to vector<16xi32>
      %sub3A_1249 = arith.subi %iota3A, %sub3A_1248 : vector<16xi32>
      %max3A_1250 = arith.constant 0 : i32
      %max3A_1251 = vector.broadcast %max3A_1250 : i32 to vector<16xi32>
      %max3A_1252 = arith.maxsi %sub3A_1249, %max3A_1251 : vector<16xi32>
      %broadcast_in_dim3A_1253 = vector.shape_cast %max3A_1252 : vector<16xi32> to vector<16x1xi32>
      %gather3A_1254 = vector.shape_cast %broadcast_in_dim3A_1253 : vector<16x1xi32> to vector<16xi32>
      %gather3A_1255 = tpu.dynamic_gather %get3A_1180[%gather3A_1254] in [0] : vector<16xi32>, vector<16xi32> -> vector<16xi32>
      %ge3A_1256 = arith.constant 4 : i32
      %ge3A_1257 = vector.broadcast %ge3A_1256 : i32 to vector<16xi32>
      %ge3A_1258 = arith.cmpi sge, %iota3A, %ge3A_1257 : vector<16xi32>
      %eq3A_1259 = arith.cmpi eq, %gather3A_1255, %get3A_1180 : vector<16xi32>
      %jit3A_1260 = arith.constant 1 : i32
      %jit3A_1261 = arith.constant 0 : i32
      %broadcast_in_dim3A_1262 = vector.broadcast %jit3A_1260 : i32 to vector<16xi32>
      %broadcast_in_dim3A_1263 = vector.broadcast %jit3A_1261 : i32 to vector<16xi32>
      %select_n3A_1264 = arith.select %eq3A_1259, %broadcast_in_dim3A_1262, %broadcast_in_dim3A_1263 : vector<16xi1>, vector<16xi32>
      %jit3A_1265 = arith.constant 0 : i32
      %broadcast_in_dim3A_1266 = vector.broadcast %jit3A_1265 : i32 to vector<16xi32>
      %select_n3A_1267 = arith.select %ge3A_1258, %select_n3A_1264, %broadcast_in_dim3A_1266 : vector<16xi1>, vector<16xi32>
      %add3A_1268 = arith.addi %add3A_1246, %select_n3A_1267 : vector<16xi32>
      %sub3A_1269 = arith.constant 5 : i32
      %sub3A_1270 = vector.broadcast %sub3A_1269 : i32 to vector<16xi32>
      %sub3A_1271 = arith.subi %iota3A, %sub3A_1270 : vector<16xi32>
      %max3A_1272 = arith.constant 0 : i32
      %max3A_1273 = vector.broadcast %max3A_1272 : i32 to vector<16xi32>
      %max3A_1274 = arith.maxsi %sub3A_1271, %max3A_1273 : vector<16xi32>
      %broadcast_in_dim3A_1275 = vector.shape_cast %max3A_1274 : vector<16xi32> to vector<16x1xi32>
      %gather3A_1276 = vector.shape_cast %broadcast_in_dim3A_1275 : vector<16x1xi32> to vector<16xi32>
      %gather3A_1277 = tpu.dynamic_gather %get3A_1180[%gather3A_1276] in [0] : vector<16xi32>, vector<16xi32> -> vector<16xi32>
      %ge3A_1278 = arith.constant 5 : i32
      %ge3A_1279 = vector.broadcast %ge3A_1278 : i32 to vector<16xi32>
      %ge3A_1280 = arith.cmpi sge, %iota3A, %ge3A_1279 : vector<16xi32>
      %eq3A_1281 = arith.cmpi eq, %gather3A_1277, %get3A_1180 : vector<16xi32>
      %jit3A_1282 = arith.constant 1 : i32
      %jit3A_1283 = arith.constant 0 : i32
      %broadcast_in_dim3A_1284 = vector.broadcast %jit3A_1282 : i32 to vector<16xi32>
      %broadcast_in_dim3A_1285 = vector.broadcast %jit3A_1283 : i32 to vector<16xi32>
      %select_n3A_1286 = arith.select %eq3A_1281, %broadcast_in_dim3A_1284, %broadcast_in_dim3A_1285 : vector<16xi1>, vector<16xi32>
      %jit3A_1287 = arith.constant 0 : i32
      %broadcast_in_dim3A_1288 = vector.broadcast %jit3A_1287 : i32 to vector<16xi32>
      %select_n3A_1289 = arith.select %ge3A_1280, %select_n3A_1286, %broadcast_in_dim3A_1288 : vector<16xi1>, vector<16xi32>
      %add3A_1290 = arith.addi %add3A_1268, %select_n3A_1289 : vector<16xi32>
      %sub3A_1291 = arith.constant 6 : i32
      %sub3A_1292 = vector.broadcast %sub3A_1291 : i32 to vector<16xi32>
      %sub3A_1293 = arith.subi %iota3A, %sub3A_1292 : vector<16xi32>
      %max3A_1294 = arith.constant 0 : i32
      %max3A_1295 = vector.broadcast %max3A_1294 : i32 to vector<16xi32>
      %max3A_1296 = arith.maxsi %sub3A_1293, %max3A_1295 : vector<16xi32>
      %broadcast_in_dim3A_1297 = vector.shape_cast %max3A_1296 : vector<16xi32> to vector<16x1xi32>
      %gather3A_1298 = vector.shape_cast %broadcast_in_dim3A_1297 : vector<16x1xi32> to vector<16xi32>
      %gather3A_1299 = tpu.dynamic_gather %get3A_1180[%gather3A_1298] in [0] : vector<16xi32>, vector<16xi32> -> vector<16xi32>
      %ge3A_1300 = arith.constant 6 : i32
      %ge3A_1301 = vector.broadcast %ge3A_1300 : i32 to vector<16xi32>
      %ge3A_1302 = arith.cmpi sge, %iota3A, %ge3A_1301 : vector<16xi32>
      %eq3A_1303 = arith.cmpi eq, %gather3A_1299, %get3A_1180 : vector<16xi32>
      %jit3A_1304 = arith.constant 1 : i32
      %jit3A_1305 = arith.constant 0 : i32
      %broadcast_in_dim3A_1306 = vector.broadcast %jit3A_1304 : i32 to vector<16xi32>
      %broadcast_in_dim3A_1307 = vector.broadcast %jit3A_1305 : i32 to vector<16xi32>
      %select_n3A_1308 = arith.select %eq3A_1303, %broadcast_in_dim3A_1306, %broadcast_in_dim3A_1307 : vector<16xi1>, vector<16xi32>
      %jit3A_1309 = arith.constant 0 : i32
      %broadcast_in_dim3A_1310 = vector.broadcast %jit3A_1309 : i32 to vector<16xi32>
      %select_n3A_1311 = arith.select %ge3A_1302, %select_n3A_1308, %broadcast_in_dim3A_1310 : vector<16xi1>, vector<16xi32>
      %add3A_1312 = arith.addi %add3A_1290, %select_n3A_1311 : vector<16xi32>
      %sub3A_1313 = arith.constant 7 : i32
      %sub3A_1314 = vector.broadcast %sub3A_1313 : i32 to vector<16xi32>
      %sub3A_1315 = arith.subi %iota3A, %sub3A_1314 : vector<16xi32>
      %max3A_1316 = arith.constant 0 : i32
      %max3A_1317 = vector.broadcast %max3A_1316 : i32 to vector<16xi32>
      %max3A_1318 = arith.maxsi %sub3A_1315, %max3A_1317 : vector<16xi32>
      %broadcast_in_dim3A_1319 = vector.shape_cast %max3A_1318 : vector<16xi32> to vector<16x1xi32>
      %gather3A_1320 = vector.shape_cast %broadcast_in_dim3A_1319 : vector<16x1xi32> to vector<16xi32>
      %gather3A_1321 = tpu.dynamic_gather %get3A_1180[%gather3A_1320] in [0] : vector<16xi32>, vector<16xi32> -> vector<16xi32>
      %ge3A_1322 = arith.constant 7 : i32
      %ge3A_1323 = vector.broadcast %ge3A_1322 : i32 to vector<16xi32>
      %ge3A_1324 = arith.cmpi sge, %iota3A, %ge3A_1323 : vector<16xi32>
      %eq3A_1325 = arith.cmpi eq, %gather3A_1321, %get3A_1180 : vector<16xi32>
      %jit3A_1326 = arith.constant 1 : i32
      %jit3A_1327 = arith.constant 0 : i32
      %broadcast_in_dim3A_1328 = vector.broadcast %jit3A_1326 : i32 to vector<16xi32>
      %broadcast_in_dim3A_1329 = vector.broadcast %jit3A_1327 : i32 to vector<16xi32>
      %select_n3A_1330 = arith.select %eq3A_1325, %broadcast_in_dim3A_1328, %broadcast_in_dim3A_1329 : vector<16xi1>, vector<16xi32>
      %jit3A_1331 = arith.constant 0 : i32
      %broadcast_in_dim3A_1332 = vector.broadcast %jit3A_1331 : i32 to vector<16xi32>
      %select_n3A_1333 = arith.select %ge3A_1324, %select_n3A_1330, %broadcast_in_dim3A_1332 : vector<16xi1>, vector<16xi32>
      %add3A_1334 = arith.addi %add3A_1312, %select_n3A_1333 : vector<16xi32>
      %sub3A_1335 = arith.constant 8 : i32
      %sub3A_1336 = vector.broadcast %sub3A_1335 : i32 to vector<16xi32>
      %sub3A_1337 = arith.subi %iota3A, %sub3A_1336 : vector<16xi32>
      %max3A_1338 = arith.constant 0 : i32
      %max3A_1339 = vector.broadcast %max3A_1338 : i32 to vector<16xi32>
      %max3A_1340 = arith.maxsi %sub3A_1337, %max3A_1339 : vector<16xi32>
      %broadcast_in_dim3A_1341 = vector.shape_cast %max3A_1340 : vector<16xi32> to vector<16x1xi32>
      %gather3A_1342 = vector.shape_cast %broadcast_in_dim3A_1341 : vector<16x1xi32> to vector<16xi32>
      %gather3A_1343 = tpu.dynamic_gather %get3A_1180[%gather3A_1342] in [0] : vector<16xi32>, vector<16xi32> -> vector<16xi32>
      %ge3A_1344 = arith.constant 8 : i32
      %ge3A_1345 = vector.broadcast %ge3A_1344 : i32 to vector<16xi32>
      %ge3A_1346 = arith.cmpi sge, %iota3A, %ge3A_1345 : vector<16xi32>
      %eq3A_1347 = arith.cmpi eq, %gather3A_1343, %get3A_1180 : vector<16xi32>
      %jit3A_1348 = arith.constant 1 : i32
      %jit3A_1349 = arith.constant 0 : i32
      %broadcast_in_dim3A_1350 = vector.broadcast %jit3A_1348 : i32 to vector<16xi32>
      %broadcast_in_dim3A_1351 = vector.broadcast %jit3A_1349 : i32 to vector<16xi32>
      %select_n3A_1352 = arith.select %eq3A_1347, %broadcast_in_dim3A_1350, %broadcast_in_dim3A_1351 : vector<16xi1>, vector<16xi32>
      %jit3A_1353 = arith.constant 0 : i32
      %broadcast_in_dim3A_1354 = vector.broadcast %jit3A_1353 : i32 to vector<16xi32>
      %select_n3A_1355 = arith.select %ge3A_1346, %select_n3A_1352, %broadcast_in_dim3A_1354 : vector<16xi1>, vector<16xi32>
      %add3A_1356 = arith.addi %add3A_1334, %select_n3A_1355 : vector<16xi32>
      %sub3A_1357 = arith.constant 9 : i32
      %sub3A_1358 = vector.broadcast %sub3A_1357 : i32 to vector<16xi32>
      %sub3A_1359 = arith.subi %iota3A, %sub3A_1358 : vector<16xi32>
      %max3A_1360 = arith.constant 0 : i32
      %max3A_1361 = vector.broadcast %max3A_1360 : i32 to vector<16xi32>
      %max3A_1362 = arith.maxsi %sub3A_1359, %max3A_1361 : vector<16xi32>
      %broadcast_in_dim3A_1363 = vector.shape_cast %max3A_1362 : vector<16xi32> to vector<16x1xi32>
      %gather3A_1364 = vector.shape_cast %broadcast_in_dim3A_1363 : vector<16x1xi32> to vector<16xi32>
      %gather3A_1365 = tpu.dynamic_gather %get3A_1180[%gather3A_1364] in [0] : vector<16xi32>, vector<16xi32> -> vector<16xi32>
      %ge3A_1366 = arith.constant 9 : i32
      %ge3A_1367 = vector.broadcast %ge3A_1366 : i32 to vector<16xi32>
      %ge3A_1368 = arith.cmpi sge, %iota3A, %ge3A_1367 : vector<16xi32>
      %eq3A_1369 = arith.cmpi eq, %gather3A_1365, %get3A_1180 : vector<16xi32>
      %jit3A_1370 = arith.constant 1 : i32
      %jit3A_1371 = arith.constant 0 : i32
      %broadcast_in_dim3A_1372 = vector.broadcast %jit3A_1370 : i32 to vector<16xi32>
      %broadcast_in_dim3A_1373 = vector.broadcast %jit3A_1371 : i32 to vector<16xi32>
      %select_n3A_1374 = arith.select %eq3A_1369, %broadcast_in_dim3A_1372, %broadcast_in_dim3A_1373 : vector<16xi1>, vector<16xi32>
      %jit3A_1375 = arith.constant 0 : i32
      %broadcast_in_dim3A_1376 = vector.broadcast %jit3A_1375 : i32 to vector<16xi32>
      %select_n3A_1377 = arith.select %ge3A_1368, %select_n3A_1374, %broadcast_in_dim3A_1376 : vector<16xi1>, vector<16xi32>
      %add3A_1378 = arith.addi %add3A_1356, %select_n3A_1377 : vector<16xi32>
      %sub3A_1379 = arith.constant 10 : i32
      %sub3A_1380 = vector.broadcast %sub3A_1379 : i32 to vector<16xi32>
      %sub3A_1381 = arith.subi %iota3A, %sub3A_1380 : vector<16xi32>
      %max3A_1382 = arith.constant 0 : i32
      %max3A_1383 = vector.broadcast %max3A_1382 : i32 to vector<16xi32>
      %max3A_1384 = arith.maxsi %sub3A_1381, %max3A_1383 : vector<16xi32>
      %broadcast_in_dim3A_1385 = vector.shape_cast %max3A_1384 : vector<16xi32> to vector<16x1xi32>
      %gather3A_1386 = vector.shape_cast %broadcast_in_dim3A_1385 : vector<16x1xi32> to vector<16xi32>
      %gather3A_1387 = tpu.dynamic_gather %get3A_1180[%gather3A_1386] in [0] : vector<16xi32>, vector<16xi32> -> vector<16xi32>
      %ge3A_1388 = arith.constant 10 : i32
      %ge3A_1389 = vector.broadcast %ge3A_1388 : i32 to vector<16xi32>
      %ge3A_1390 = arith.cmpi sge, %iota3A, %ge3A_1389 : vector<16xi32>
      %eq3A_1391 = arith.cmpi eq, %gather3A_1387, %get3A_1180 : vector<16xi32>
      %jit3A_1392 = arith.constant 1 : i32
      %jit3A_1393 = arith.constant 0 : i32
      %broadcast_in_dim3A_1394 = vector.broadcast %jit3A_1392 : i32 to vector<16xi32>
      %broadcast_in_dim3A_1395 = vector.broadcast %jit3A_1393 : i32 to vector<16xi32>
      %select_n3A_1396 = arith.select %eq3A_1391, %broadcast_in_dim3A_1394, %broadcast_in_dim3A_1395 : vector<16xi1>, vector<16xi32>
      %jit3A_1397 = arith.constant 0 : i32
      %broadcast_in_dim3A_1398 = vector.broadcast %jit3A_1397 : i32 to vector<16xi32>
      %select_n3A_1399 = arith.select %ge3A_1390, %select_n3A_1396, %broadcast_in_dim3A_1398 : vector<16xi1>, vector<16xi32>
      %add3A_1400 = arith.addi %add3A_1378, %select_n3A_1399 : vector<16xi32>
      %sub3A_1401 = arith.constant 11 : i32
      %sub3A_1402 = vector.broadcast %sub3A_1401 : i32 to vector<16xi32>
      %sub3A_1403 = arith.subi %iota3A, %sub3A_1402 : vector<16xi32>
      %max3A_1404 = arith.constant 0 : i32
      %max3A_1405 = vector.broadcast %max3A_1404 : i32 to vector<16xi32>
      %max3A_1406 = arith.maxsi %sub3A_1403, %max3A_1405 : vector<16xi32>
      %broadcast_in_dim3A_1407 = vector.shape_cast %max3A_1406 : vector<16xi32> to vector<16x1xi32>
      %gather3A_1408 = vector.shape_cast %broadcast_in_dim3A_1407 : vector<16x1xi32> to vector<16xi32>
      %gather3A_1409 = tpu.dynamic_gather %get3A_1180[%gather3A_1408] in [0] : vector<16xi32>, vector<16xi32> -> vector<16xi32>
      %ge3A_1410 = arith.constant 11 : i32
      %ge3A_1411 = vector.broadcast %ge3A_1410 : i32 to vector<16xi32>
      %ge3A_1412 = arith.cmpi sge, %iota3A, %ge3A_1411 : vector<16xi32>
      %eq3A_1413 = arith.cmpi eq, %gather3A_1409, %get3A_1180 : vector<16xi32>
      %jit3A_1414 = arith.constant 1 : i32
      %jit3A_1415 = arith.constant 0 : i32
      %broadcast_in_dim3A_1416 = vector.broadcast %jit3A_1414 : i32 to vector<16xi32>
      %broadcast_in_dim3A_1417 = vector.broadcast %jit3A_1415 : i32 to vector<16xi32>
      %select_n3A_1418 = arith.select %eq3A_1413, %broadcast_in_dim3A_1416, %broadcast_in_dim3A_1417 : vector<16xi1>, vector<16xi32>
      %jit3A_1419 = arith.constant 0 : i32
      %broadcast_in_dim3A_1420 = vector.broadcast %jit3A_1419 : i32 to vector<16xi32>
      %select_n3A_1421 = arith.select %ge3A_1412, %select_n3A_1418, %broadcast_in_dim3A_1420 : vector<16xi1>, vector<16xi32>
      %add3A_1422 = arith.addi %add3A_1400, %select_n3A_1421 : vector<16xi32>
      %sub3A_1423 = arith.constant 12 : i32
      %sub3A_1424 = vector.broadcast %sub3A_1423 : i32 to vector<16xi32>
      %sub3A_1425 = arith.subi %iota3A, %sub3A_1424 : vector<16xi32>
      %max3A_1426 = arith.constant 0 : i32
      %max3A_1427 = vector.broadcast %max3A_1426 : i32 to vector<16xi32>
      %max3A_1428 = arith.maxsi %sub3A_1425, %max3A_1427 : vector<16xi32>
      %broadcast_in_dim3A_1429 = vector.shape_cast %max3A_1428 : vector<16xi32> to vector<16x1xi32>
      %gather3A_1430 = vector.shape_cast %broadcast_in_dim3A_1429 : vector<16x1xi32> to vector<16xi32>
      %gather3A_1431 = tpu.dynamic_gather %get3A_1180[%gather3A_1430] in [0] : vector<16xi32>, vector<16xi32> -> vector<16xi32>
      %ge3A_1432 = arith.constant 12 : i32
      %ge3A_1433 = vector.broadcast %ge3A_1432 : i32 to vector<16xi32>
      %ge3A_1434 = arith.cmpi sge, %iota3A, %ge3A_1433 : vector<16xi32>
      %eq3A_1435 = arith.cmpi eq, %gather3A_1431, %get3A_1180 : vector<16xi32>
      %jit3A_1436 = arith.constant 1 : i32
      %jit3A_1437 = arith.constant 0 : i32
      %broadcast_in_dim3A_1438 = vector.broadcast %jit3A_1436 : i32 to vector<16xi32>
      %broadcast_in_dim3A_1439 = vector.broadcast %jit3A_1437 : i32 to vector<16xi32>
      %select_n3A_1440 = arith.select %eq3A_1435, %broadcast_in_dim3A_1438, %broadcast_in_dim3A_1439 : vector<16xi1>, vector<16xi32>
      %jit3A_1441 = arith.constant 0 : i32
      %broadcast_in_dim3A_1442 = vector.broadcast %jit3A_1441 : i32 to vector<16xi32>
      %select_n3A_1443 = arith.select %ge3A_1434, %select_n3A_1440, %broadcast_in_dim3A_1442 : vector<16xi1>, vector<16xi32>
      %add3A_1444 = arith.addi %add3A_1422, %select_n3A_1443 : vector<16xi32>
      %sub3A_1445 = arith.constant 13 : i32
      %sub3A_1446 = vector.broadcast %sub3A_1445 : i32 to vector<16xi32>
      %sub3A_1447 = arith.subi %iota3A, %sub3A_1446 : vector<16xi32>
      %max3A_1448 = arith.constant 0 : i32
      %max3A_1449 = vector.broadcast %max3A_1448 : i32 to vector<16xi32>
      %max3A_1450 = arith.maxsi %sub3A_1447, %max3A_1449 : vector<16xi32>
      %broadcast_in_dim3A_1451 = vector.shape_cast %max3A_1450 : vector<16xi32> to vector<16x1xi32>
      %gather3A_1452 = vector.shape_cast %broadcast_in_dim3A_1451 : vector<16x1xi32> to vector<16xi32>
      %gather3A_1453 = tpu.dynamic_gather %get3A_1180[%gather3A_1452] in [0] : vector<16xi32>, vector<16xi32> -> vector<16xi32>
      %ge3A_1454 = arith.constant 13 : i32
      %ge3A_1455 = vector.broadcast %ge3A_1454 : i32 to vector<16xi32>
      %ge3A_1456 = arith.cmpi sge, %iota3A, %ge3A_1455 : vector<16xi32>
      %eq3A_1457 = arith.cmpi eq, %gather3A_1453, %get3A_1180 : vector<16xi32>
      %jit3A_1458 = arith.constant 1 : i32
      %jit3A_1459 = arith.constant 0 : i32
      %broadcast_in_dim3A_1460 = vector.broadcast %jit3A_1458 : i32 to vector<16xi32>
      %broadcast_in_dim3A_1461 = vector.broadcast %jit3A_1459 : i32 to vector<16xi32>
      %select_n3A_1462 = arith.select %eq3A_1457, %broadcast_in_dim3A_1460, %broadcast_in_dim3A_1461 : vector<16xi1>, vector<16xi32>
      %jit3A_1463 = arith.constant 0 : i32
      %broadcast_in_dim3A_1464 = vector.broadcast %jit3A_1463 : i32 to vector<16xi32>
      %select_n3A_1465 = arith.select %ge3A_1456, %select_n3A_1462, %broadcast_in_dim3A_1464 : vector<16xi1>, vector<16xi32>
      %add3A_1466 = arith.addi %add3A_1444, %select_n3A_1465 : vector<16xi32>
      %sub3A_1467 = arith.constant 14 : i32
      %sub3A_1468 = vector.broadcast %sub3A_1467 : i32 to vector<16xi32>
      %sub3A_1469 = arith.subi %iota3A, %sub3A_1468 : vector<16xi32>
      %max3A_1470 = arith.constant 0 : i32
      %max3A_1471 = vector.broadcast %max3A_1470 : i32 to vector<16xi32>
      %max3A_1472 = arith.maxsi %sub3A_1469, %max3A_1471 : vector<16xi32>
      %broadcast_in_dim3A_1473 = vector.shape_cast %max3A_1472 : vector<16xi32> to vector<16x1xi32>
      %gather3A_1474 = vector.shape_cast %broadcast_in_dim3A_1473 : vector<16x1xi32> to vector<16xi32>
      %gather3A_1475 = tpu.dynamic_gather %get3A_1180[%gather3A_1474] in [0] : vector<16xi32>, vector<16xi32> -> vector<16xi32>
      %ge3A_1476 = arith.constant 14 : i32
      %ge3A_1477 = vector.broadcast %ge3A_1476 : i32 to vector<16xi32>
      %ge3A_1478 = arith.cmpi sge, %iota3A, %ge3A_1477 : vector<16xi32>
      %eq3A_1479 = arith.cmpi eq, %gather3A_1475, %get3A_1180 : vector<16xi32>
      %jit3A_1480 = arith.constant 1 : i32
      %jit3A_1481 = arith.constant 0 : i32
      %broadcast_in_dim3A_1482 = vector.broadcast %jit3A_1480 : i32 to vector<16xi32>
      %broadcast_in_dim3A_1483 = vector.broadcast %jit3A_1481 : i32 to vector<16xi32>
      %select_n3A_1484 = arith.select %eq3A_1479, %broadcast_in_dim3A_1482, %broadcast_in_dim3A_1483 : vector<16xi1>, vector<16xi32>
      %jit3A_1485 = arith.constant 0 : i32
      %broadcast_in_dim3A_1486 = vector.broadcast %jit3A_1485 : i32 to vector<16xi32>
      %select_n3A_1487 = arith.select %ge3A_1478, %select_n3A_1484, %broadcast_in_dim3A_1486 : vector<16xi1>, vector<16xi32>
      %add3A_1488 = arith.addi %add3A_1466, %select_n3A_1487 : vector<16xi32>
      %sub3A_1489 = arith.constant 15 : i32
      %sub3A_1490 = vector.broadcast %sub3A_1489 : i32 to vector<16xi32>
      %sub3A_1491 = arith.subi %iota3A, %sub3A_1490 : vector<16xi32>
      %max3A_1492 = arith.constant 0 : i32
      %max3A_1493 = vector.broadcast %max3A_1492 : i32 to vector<16xi32>
      %max3A_1494 = arith.maxsi %sub3A_1491, %max3A_1493 : vector<16xi32>
      %broadcast_in_dim3A_1495 = vector.shape_cast %max3A_1494 : vector<16xi32> to vector<16x1xi32>
      %gather3A_1496 = vector.shape_cast %broadcast_in_dim3A_1495 : vector<16x1xi32> to vector<16xi32>
      %gather3A_1497 = tpu.dynamic_gather %get3A_1180[%gather3A_1496] in [0] : vector<16xi32>, vector<16xi32> -> vector<16xi32>
      %ge3A_1498 = arith.constant 15 : i32
      %ge3A_1499 = vector.broadcast %ge3A_1498 : i32 to vector<16xi32>
      %ge3A_1500 = arith.cmpi sge, %iota3A, %ge3A_1499 : vector<16xi32>
      %eq3A_1501 = arith.cmpi eq, %gather3A_1497, %get3A_1180 : vector<16xi32>
      %jit3A_1502 = arith.constant 1 : i32
      %jit3A_1503 = arith.constant 0 : i32
      %broadcast_in_dim3A_1504 = vector.broadcast %jit3A_1502 : i32 to vector<16xi32>
      %broadcast_in_dim3A_1505 = vector.broadcast %jit3A_1503 : i32 to vector<16xi32>
      %select_n3A_1506 = arith.select %eq3A_1501, %broadcast_in_dim3A_1504, %broadcast_in_dim3A_1505 : vector<16xi1>, vector<16xi32>
      %jit3A_1507 = arith.constant 0 : i32
      %broadcast_in_dim3A_1508 = vector.broadcast %jit3A_1507 : i32 to vector<16xi32>
      %select_n3A_1509 = arith.select %ge3A_1500, %select_n3A_1506, %broadcast_in_dim3A_1508 : vector<16xi1>, vector<16xi32>
      %add3A_1510 = arith.addi %add3A_1488, %select_n3A_1509 : vector<16xi32>
      %broadcast_in_dim3A_1511 = vector.shape_cast %get3A_1180 : vector<16xi32> to vector<16x1xi32>
      %gather3A_1512 = vector.shape_cast %broadcast_in_dim3A_1511 : vector<16x1xi32> to vector<16xi32>
      %gather3A_1513 = tpu.dynamic_gather %scan3A_1175[%gather3A_1512] in [0] : vector<16xi32>, vector<16xi32> -> vector<16xi32>
      %add3A_1514 = arith.addi %gather3A_1513, %add3A_1510 : vector<16xi32>
      %mul3A_1515 = arith.constant 16 : i32
      %mul3A_1516 = arith.muli %scan3A_1174, %mul3A_1515 : i32
      %swap3A_1517 = arith.index_cast %mul3A_1516 : i32 to index
      %swap3A_1518 = tpu.vector_load %arg11[%swap3A_1517] {strides = array<i32>} : memref<256xi32, #tpu.memory_space<vmem>>, vector<16xi32>,
      %swap3A_1519 = vector.shape_cast %swap3A_1518 : vector<16xi32> to vector<16xi32>
      %swap3A_1520 = vector.shape_cast %add3A_1514 : vector<16xi32> to vector<16xi32>
      tpu.vector_store %arg11[%swap3A_1517], %swap3A_1520 {strides = array<i32>} : memref<256xi32, #tpu.memory_space<vmem>>, vector<16xi32>,
      %shift_right_logical3A_1521 = arith.constant 3 : i32
      %shift_right_logical3A_1522 = arith.shrui %scan3A_1174, %shift_right_logical3A_1521 : i32
      %and3A = arith.constant 7 : i32
      %and3A_1523 = arith.andi %scan3A_1174, %and3A : i32
      %mul3A_1524 = arith.constant 16 : i32
      %mul3A_1525 = arith.muli %and3A_1523, %mul3A_1524 : i32
      %swap3A_1526 = arith.index_cast %shift_right_logical3A_1522 : i32 to index
      %swap3A_1527 = arith.index_cast %mul3A_1525 : i32 to index
      %swap3A_1528 = tpu.vector_load %arg13[%swap3A_1526, %swap3A_1527] {strides = array<i32>} : memref<2x128xi32, #tpu.memory_space<vmem>>, vector<1x16xi32>,
      %swap3A_1529 = vector.shape_cast %swap3A_1528 : vector<1x16xi32> to vector<16xi32>
      %swap3A_1530 = vector.shape_cast %add3A_1514 : vector<16xi32> to vector<1x16xi32>
      tpu.vector_store %arg13[%swap3A_1526, %swap3A_1527], %swap3A_1530 {strides = array<i32>} : memref<2x128xi32, #tpu.memory_space<vmem>>, vector<1x16xi32>,
      %mul3A_1531 = arith.constant 16 : i32
      %mul3A_1532 = arith.muli %scan3A_1174, %mul3A_1531 : i32
      %add3A_1533 = arith.addi %mul3A_2, %mul3A_1532 : i32
      %broadcast_in_dim3A_1534 = vector.broadcast %add3A_1533 : i32 to vector<16xi32>
      %add3A_1535 = arith.addi %broadcast_in_dim3A_1534, %iota3A : vector<16xi32>
      %shift_right_logical3A_1536 = arith.constant 1 : i32
      %shift_right_logical3A_1537 = vector.broadcast %shift_right_logical3A_1536 : i32 to vector<16xi32>
      %shift_right_logical3A_1538 = arith.shrui %add3A_1535, %shift_right_logical3A_1537 : vector<16xi32>
      %mul3A_1539 = arith.constant 16 : i32
      %mul3A_1540 = arith.muli %scan3A_1174, %mul3A_1539 : i32
      %swap3A_1541 = arith.index_cast %mul3A_1540 : i32 to index
      %swap3A_1542 = tpu.vector_load %arg12[%swap3A_1541] {strides = array<i32>} : memref<256xi32, #tpu.memory_space<vmem>>, vector<16xi32>,
      %swap3A_1543 = vector.shape_cast %swap3A_1542 : vector<16xi32> to vector<16xi32>
      %swap3A_1544 = vector.shape_cast %shift_right_logical3A_1538 : vector<16xi32> to vector<16xi32>
      tpu.vector_store %arg12[%swap3A_1541], %swap3A_1544 {strides = array<i32>} : memref<256xi32, #tpu.memory_space<vmem>>, vector<16xi32>,
      %eq3A_1545 = arith.constant 0 : i32
      %eq3A_1546 = vector.broadcast %eq3A_1545 : i32 to vector<16xi32>
      %eq3A_1547 = arith.cmpi eq, %get3A_1180, %eq3A_1546 : vector<16xi32>
      %jit3A_1548 = arith.constant 1 : i32
      %jit3A_1549 = arith.constant 0 : i32
      %broadcast_in_dim3A_1550 = vector.broadcast %jit3A_1548 : i32 to vector<16xi32>
      %broadcast_in_dim3A_1551 = vector.broadcast %jit3A_1549 : i32 to vector<16xi32>
      %select_n3A_1552 = arith.select %eq3A_1547, %broadcast_in_dim3A_1550, %broadcast_in_dim3A_1551 : vector<16xi1>, vector<16xi32>
      %eq3A_1553 = arith.constant 0 : i32
      %eq3A_1554 = vector.broadcast %eq3A_1553 : i32 to vector<16xi32>
      %eq3A_1555 = arith.cmpi eq, %iota3A, %eq3A_1554 : vector<16xi32>
      %xor3A_1556 = arith.constant 1 : i32
      %xor3A_1557 = vector.broadcast %xor3A_1556 : i32 to vector<16xi32>
      %xor3A_1558 = arith.xori %iota3A, %xor3A_1557 : vector<16xi32>
      %broadcast_in_dim3A_1559 = vector.shape_cast %xor3A_1558 : vector<16xi32> to vector<16x1xi32>
      %gather3A_1560 = vector.shape_cast %broadcast_in_dim3A_1559 : vector<16x1xi32> to vector<16xi32>
      %gather3A_1561 = tpu.dynamic_gather %select_n3A_1552[%gather3A_1560] in [0] : vector<16xi32>, vector<16xi32> -> vector<16xi32>
      %add3A_1562 = arith.addi %select_n3A_1552, %gather3A_1561 : vector<16xi32>
      %xor3A_1563 = arith.constant 2 : i32
      %xor3A_1564 = vector.broadcast %xor3A_1563 : i32 to vector<16xi32>
      %xor3A_1565 = arith.xori %iota3A, %xor3A_1564 : vector<16xi32>
      %broadcast_in_dim3A_1566 = vector.shape_cast %xor3A_1565 : vector<16xi32> to vector<16x1xi32>
      %gather3A_1567 = vector.shape_cast %broadcast_in_dim3A_1566 : vector<16x1xi32> to vector<16xi32>
      %gather3A_1568 = tpu.dynamic_gather %add3A_1562[%gather3A_1567] in [0] : vector<16xi32>, vector<16xi32> -> vector<16xi32>
      %add3A_1569 = arith.addi %add3A_1562, %gather3A_1568 : vector<16xi32>
      %xor3A_1570 = arith.constant 4 : i32
      %xor3A_1571 = vector.broadcast %xor3A_1570 : i32 to vector<16xi32>
      %xor3A_1572 = arith.xori %iota3A, %xor3A_1571 : vector<16xi32>
      %broadcast_in_dim3A_1573 = vector.shape_cast %xor3A_1572 : vector<16xi32> to vector<16x1xi32>
      %gather3A_1574 = vector.shape_cast %broadcast_in_dim3A_1573 : vector<16x1xi32> to vector<16xi32>
      %gather3A_1575 = tpu.dynamic_gather %add3A_1569[%gather3A_1574] in [0] : vector<16xi32>, vector<16xi32> -> vector<16xi32>
      %add3A_1576 = arith.addi %add3A_1569, %gather3A_1575 : vector<16xi32>
      %xor3A_1577 = arith.constant 8 : i32
      %xor3A_1578 = vector.broadcast %xor3A_1577 : i32 to vector<16xi32>
      %xor3A_1579 = arith.xori %iota3A, %xor3A_1578 : vector<16xi32>
      %broadcast_in_dim3A_1580 = vector.shape_cast %xor3A_1579 : vector<16xi32> to vector<16x1xi32>
      %gather3A_1581 = vector.shape_cast %broadcast_in_dim3A_1580 : vector<16x1xi32> to vector<16xi32>
      %gather3A_1582 = tpu.dynamic_gather %add3A_1576[%gather3A_1581] in [0] : vector<16xi32>, vector<16xi32> -> vector<16xi32>
      %add3A_1583 = arith.addi %add3A_1576, %gather3A_1582 : vector<16xi32>
      %select_n3A_1584 = arith.select %eq3A_1555, %add3A_1583, %broadcast_in_dim3A_3 : vector<16xi1>, vector<16xi32>
      %add3A_1585 = arith.addi %scan3A_1175, %select_n3A_1584 : vector<16xi32>
      %eq3A_1586 = arith.constant 1 : i32
      %eq3A_1587 = vector.broadcast %eq3A_1586 : i32 to vector<16xi32>
      %eq3A_1588 = arith.cmpi eq, %get3A_1180, %eq3A_1587 : vector<16xi32>
      %jit3A_1589 = arith.constant 1 : i32
      %jit3A_1590 = arith.constant 0 : i32
      %broadcast_in_dim3A_1591 = vector.broadcast %jit3A_1589 : i32 to vector<16xi32>
      %broadcast_in_dim3A_1592 = vector.broadcast %jit3A_1590 : i32 to vector<16xi32>
      %select_n3A_1593 = arith.select %eq3A_1588, %broadcast_in_dim3A_1591, %broadcast_in_dim3A_1592 : vector<16xi1>, vector<16xi32>
      %eq3A_1594 = arith.constant 1 : i32
      %eq3A_1595 = vector.broadcast %eq3A_1594 : i32 to vector<16xi32>
      %eq3A_1596 = arith.cmpi eq, %iota3A, %eq3A_1595 : vector<16xi32>
      %xor3A_1597 = arith.constant 1 : i32
      %xor3A_1598 = vector.broadcast %xor3A_1597 : i32 to vector<16xi32>
      %xor3A_1599 = arith.xori %iota3A, %xor3A_1598 : vector<16xi32>
      %broadcast_in_dim3A_1600 = vector.shape_cast %xor3A_1599 : vector<16xi32> to vector<16x1xi32>
      %gather3A_1601 = vector.shape_cast %broadcast_in_dim3A_1600 : vector<16x1xi32> to vector<16xi32>
      %gather3A_1602 = tpu.dynamic_gather %select_n3A_1593[%gather3A_1601] in [0] : vector<16xi32>, vector<16xi32> -> vector<16xi32>
      %add3A_1603 = arith.addi %select_n3A_1593, %gather3A_1602 : vector<16xi32>
      %xor3A_1604 = arith.constant 2 : i32
      %xor3A_1605 = vector.broadcast %xor3A_1604 : i32 to vector<16xi32>
      %xor3A_1606 = arith.xori %iota3A, %xor3A_1605 : vector<16xi32>
      %broadcast_in_dim3A_1607 = vector.shape_cast %xor3A_1606 : vector<16xi32> to vector<16x1xi32>
      %gather3A_1608 = vector.shape_cast %broadcast_in_dim3A_1607 : vector<16x1xi32> to vector<16xi32>
      %gather3A_1609 = tpu.dynamic_gather %add3A_1603[%gather3A_1608] in [0] : vector<16xi32>, vector<16xi32> -> vector<16xi32>
      %add3A_1610 = arith.addi %add3A_1603, %gather3A_1609 : vector<16xi32>
      %xor3A_1611 = arith.constant 4 : i32
      %xor3A_1612 = vector.broadcast %xor3A_1611 : i32 to vector<16xi32>
      %xor3A_1613 = arith.xori %iota3A, %xor3A_1612 : vector<16xi32>
      %broadcast_in_dim3A_1614 = vector.shape_cast %xor3A_1613 : vector<16xi32> to vector<16x1xi32>
      %gather3A_1615 = vector.shape_cast %broadcast_in_dim3A_1614 : vector<16x1xi32> to vector<16xi32>
      %gather3A_1616 = tpu.dynamic_gather %add3A_1610[%gather3A_1615] in [0] : vector<16xi32>, vector<16xi32> -> vector<16xi32>
      %add3A_1617 = arith.addi %add3A_1610, %gather3A_1616 : vector<16xi32>
      %xor3A_1618 = arith.constant 8 : i32
      %xor3A_1619 = vector.broadcast %xor3A_1618 : i32 to vector<16xi32>
      %xor3A_1620 = arith.xori %iota3A, %xor3A_1619 : vector<16xi32>
      %broadcast_in_dim3A_1621 = vector.shape_cast %xor3A_1620 : vector<16xi32> to vector<16x1xi32>
      %gather3A_1622 = vector.shape_cast %broadcast_in_dim3A_1621 : vector<16x1xi32> to vector<16xi32>
      %gather3A_1623 = tpu.dynamic_gather %add3A_1617[%gather3A_1622] in [0] : vector<16xi32>, vector<16xi32> -> vector<16xi32>
      %add3A_1624 = arith.addi %add3A_1617, %gather3A_1623 : vector<16xi32>
      %select_n3A_1625 = arith.select %eq3A_1596, %add3A_1624, %broadcast_in_dim3A_3 : vector<16xi1>, vector<16xi32>
      %add3A_1626 = arith.addi %add3A_1585, %select_n3A_1625 : vector<16xi32>
      %eq3A_1627 = arith.constant 2 : i32
      %eq3A_1628 = vector.broadcast %eq3A_1627 : i32 to vector<16xi32>
      %eq3A_1629 = arith.cmpi eq, %get3A_1180, %eq3A_1628 : vector<16xi32>
      %jit3A_1630 = arith.constant 1 : i32
      %jit3A_1631 = arith.constant 0 : i32
      %broadcast_in_dim3A_1632 = vector.broadcast %jit3A_1630 : i32 to vector<16xi32>
      %broadcast_in_dim3A_1633 = vector.broadcast %jit3A_1631 : i32 to vector<16xi32>
      %select_n3A_1634 = arith.select %eq3A_1629, %broadcast_in_dim3A_1632, %broadcast_in_dim3A_1633 : vector<16xi1>, vector<16xi32>
      %eq3A_1635 = arith.constant 2 : i32
      %eq3A_1636 = vector.broadcast %eq3A_1635 : i32 to vector<16xi32>
      %eq3A_1637 = arith.cmpi eq, %iota3A, %eq3A_1636 : vector<16xi32>
      %xor3A_1638 = arith.constant 1 : i32
      %xor3A_1639 = vector.broadcast %xor3A_1638 : i32 to vector<16xi32>
      %xor3A_1640 = arith.xori %iota3A, %xor3A_1639 : vector<16xi32>
      %broadcast_in_dim3A_1641 = vector.shape_cast %xor3A_1640 : vector<16xi32> to vector<16x1xi32>
      %gather3A_1642 = vector.shape_cast %broadcast_in_dim3A_1641 : vector<16x1xi32> to vector<16xi32>
      %gather3A_1643 = tpu.dynamic_gather %select_n3A_1634[%gather3A_1642] in [0] : vector<16xi32>, vector<16xi32> -> vector<16xi32>
      %add3A_1644 = arith.addi %select_n3A_1634, %gather3A_1643 : vector<16xi32>
      %xor3A_1645 = arith.constant 2 : i32
      %xor3A_1646 = vector.broadcast %xor3A_1645 : i32 to vector<16xi32>
      %xor3A_1647 = arith.xori %iota3A, %xor3A_1646 : vector<16xi32>
      %broadcast_in_dim3A_1648 = vector.shape_cast %xor3A_1647 : vector<16xi32> to vector<16x1xi32>
      %gather3A_1649 = vector.shape_cast %broadcast_in_dim3A_1648 : vector<16x1xi32> to vector<16xi32>
      %gather3A_1650 = tpu.dynamic_gather %add3A_1644[%gather3A_1649] in [0] : vector<16xi32>, vector<16xi32> -> vector<16xi32>
      %add3A_1651 = arith.addi %add3A_1644, %gather3A_1650 : vector<16xi32>
      %xor3A_1652 = arith.constant 4 : i32
      %xor3A_1653 = vector.broadcast %xor3A_1652 : i32 to vector<16xi32>
      %xor3A_1654 = arith.xori %iota3A, %xor3A_1653 : vector<16xi32>
      %broadcast_in_dim3A_1655 = vector.shape_cast %xor3A_1654 : vector<16xi32> to vector<16x1xi32>
      %gather3A_1656 = vector.shape_cast %broadcast_in_dim3A_1655 : vector<16x1xi32> to vector<16xi32>
      %gather3A_1657 = tpu.dynamic_gather %add3A_1651[%gather3A_1656] in [0] : vector<16xi32>, vector<16xi32> -> vector<16xi32>
      %add3A_1658 = arith.addi %add3A_1651, %gather3A_1657 : vector<16xi32>
      %xor3A_1659 = arith.constant 8 : i32
      %xor3A_1660 = vector.broadcast %xor3A_1659 : i32 to vector<16xi32>
      %xor3A_1661 = arith.xori %iota3A, %xor3A_1660 : vector<16xi32>
      %broadcast_in_dim3A_1662 = vector.shape_cast %xor3A_1661 : vector<16xi32> to vector<16x1xi32>
      %gather3A_1663 = vector.shape_cast %broadcast_in_dim3A_1662 : vector<16x1xi32> to vector<16xi32>
      %gather3A_1664 = tpu.dynamic_gather %add3A_1658[%gather3A_1663] in [0] : vector<16xi32>, vector<16xi32> -> vector<16xi32>
      %add3A_1665 = arith.addi %add3A_1658, %gather3A_1664 : vector<16xi32>
      %select_n3A_1666 = arith.select %eq3A_1637, %add3A_1665, %broadcast_in_dim3A_3 : vector<16xi1>, vector<16xi32>
      %add3A_1667 = arith.addi %add3A_1626, %select_n3A_1666 : vector<16xi32>
      %eq3A_1668 = arith.constant 3 : i32
      %eq3A_1669 = vector.broadcast %eq3A_1668 : i32 to vector<16xi32>
      %eq3A_1670 = arith.cmpi eq, %get3A_1180, %eq3A_1669 : vector<16xi32>
      %jit3A_1671 = arith.constant 1 : i32
      %jit3A_1672 = arith.constant 0 : i32
      %broadcast_in_dim3A_1673 = vector.broadcast %jit3A_1671 : i32 to vector<16xi32>
      %broadcast_in_dim3A_1674 = vector.broadcast %jit3A_1672 : i32 to vector<16xi32>
      %select_n3A_1675 = arith.select %eq3A_1670, %broadcast_in_dim3A_1673, %broadcast_in_dim3A_1674 : vector<16xi1>, vector<16xi32>
      %eq3A_1676 = arith.constant 3 : i32
      %eq3A_1677 = vector.broadcast %eq3A_1676 : i32 to vector<16xi32>
      %eq3A_1678 = arith.cmpi eq, %iota3A, %eq3A_1677 : vector<16xi32>
      %xor3A_1679 = arith.constant 1 : i32
      %xor3A_1680 = vector.broadcast %xor3A_1679 : i32 to vector<16xi32>
      %xor3A_1681 = arith.xori %iota3A, %xor3A_1680 : vector<16xi32>
      %broadcast_in_dim3A_1682 = vector.shape_cast %xor3A_1681 : vector<16xi32> to vector<16x1xi32>
      %gather3A_1683 = vector.shape_cast %broadcast_in_dim3A_1682 : vector<16x1xi32> to vector<16xi32>
      %gather3A_1684 = tpu.dynamic_gather %select_n3A_1675[%gather3A_1683] in [0] : vector<16xi32>, vector<16xi32> -> vector<16xi32>
      %add3A_1685 = arith.addi %select_n3A_1675, %gather3A_1684 : vector<16xi32>
      %xor3A_1686 = arith.constant 2 : i32
      %xor3A_1687 = vector.broadcast %xor3A_1686 : i32 to vector<16xi32>
      %xor3A_1688 = arith.xori %iota3A, %xor3A_1687 : vector<16xi32>
      %broadcast_in_dim3A_1689 = vector.shape_cast %xor3A_1688 : vector<16xi32> to vector<16x1xi32>
      %gather3A_1690 = vector.shape_cast %broadcast_in_dim3A_1689 : vector<16x1xi32> to vector<16xi32>
      %gather3A_1691 = tpu.dynamic_gather %add3A_1685[%gather3A_1690] in [0] : vector<16xi32>, vector<16xi32> -> vector<16xi32>
      %add3A_1692 = arith.addi %add3A_1685, %gather3A_1691 : vector<16xi32>
      %xor3A_1693 = arith.constant 4 : i32
      %xor3A_1694 = vector.broadcast %xor3A_1693 : i32 to vector<16xi32>
      %xor3A_1695 = arith.xori %iota3A, %xor3A_1694 : vector<16xi32>
      %broadcast_in_dim3A_1696 = vector.shape_cast %xor3A_1695 : vector<16xi32> to vector<16x1xi32>
      %gather3A_1697 = vector.shape_cast %broadcast_in_dim3A_1696 : vector<16x1xi32> to vector<16xi32>
      %gather3A_1698 = tpu.dynamic_gather %add3A_1692[%gather3A_1697] in [0] : vector<16xi32>, vector<16xi32> -> vector<16xi32>
      %add3A_1699 = arith.addi %add3A_1692, %gather3A_1698 : vector<16xi32>
      %xor3A_1700 = arith.constant 8 : i32
      %xor3A_1701 = vector.broadcast %xor3A_1700 : i32 to vector<16xi32>
      %xor3A_1702 = arith.xori %iota3A, %xor3A_1701 : vector<16xi32>
      %broadcast_in_dim3A_1703 = vector.shape_cast %xor3A_1702 : vector<16xi32> to vector<16x1xi32>
      %gather3A_1704 = vector.shape_cast %broadcast_in_dim3A_1703 : vector<16x1xi32> to vector<16xi32>
      %gather3A_1705 = tpu.dynamic_gather %add3A_1699[%gather3A_1704] in [0] : vector<16xi32>, vector<16xi32> -> vector<16xi32>
      %add3A_1706 = arith.addi %add3A_1699, %gather3A_1705 : vector<16xi32>
      %select_n3A_1707 = arith.select %eq3A_1678, %add3A_1706, %broadcast_in_dim3A_3 : vector<16xi1>, vector<16xi32>
      %add3A_1708 = arith.addi %add3A_1667, %select_n3A_1707 : vector<16xi32>
      %eq3A_1709 = arith.constant 4 : i32
      %eq3A_1710 = vector.broadcast %eq3A_1709 : i32 to vector<16xi32>
      %eq3A_1711 = arith.cmpi eq, %get3A_1180, %eq3A_1710 : vector<16xi32>
      %jit3A_1712 = arith.constant 1 : i32
      %jit3A_1713 = arith.constant 0 : i32
      %broadcast_in_dim3A_1714 = vector.broadcast %jit3A_1712 : i32 to vector<16xi32>
      %broadcast_in_dim3A_1715 = vector.broadcast %jit3A_1713 : i32 to vector<16xi32>
      %select_n3A_1716 = arith.select %eq3A_1711, %broadcast_in_dim3A_1714, %broadcast_in_dim3A_1715 : vector<16xi1>, vector<16xi32>
      %eq3A_1717 = arith.constant 4 : i32
      %eq3A_1718 = vector.broadcast %eq3A_1717 : i32 to vector<16xi32>
      %eq3A_1719 = arith.cmpi eq, %iota3A, %eq3A_1718 : vector<16xi32>
      %xor3A_1720 = arith.constant 1 : i32
      %xor3A_1721 = vector.broadcast %xor3A_1720 : i32 to vector<16xi32>
      %xor3A_1722 = arith.xori %iota3A, %xor3A_1721 : vector<16xi32>
      %broadcast_in_dim3A_1723 = vector.shape_cast %xor3A_1722 : vector<16xi32> to vector<16x1xi32>
      %gather3A_1724 = vector.shape_cast %broadcast_in_dim3A_1723 : vector<16x1xi32> to vector<16xi32>
      %gather3A_1725 = tpu.dynamic_gather %select_n3A_1716[%gather3A_1724] in [0] : vector<16xi32>, vector<16xi32> -> vector<16xi32>
      %add3A_1726 = arith.addi %select_n3A_1716, %gather3A_1725 : vector<16xi32>
      %xor3A_1727 = arith.constant 2 : i32
      %xor3A_1728 = vector.broadcast %xor3A_1727 : i32 to vector<16xi32>
      %xor3A_1729 = arith.xori %iota3A, %xor3A_1728 : vector<16xi32>
      %broadcast_in_dim3A_1730 = vector.shape_cast %xor3A_1729 : vector<16xi32> to vector<16x1xi32>
      %gather3A_1731 = vector.shape_cast %broadcast_in_dim3A_1730 : vector<16x1xi32> to vector<16xi32>
      %gather3A_1732 = tpu.dynamic_gather %add3A_1726[%gather3A_1731] in [0] : vector<16xi32>, vector<16xi32> -> vector<16xi32>
      %add3A_1733 = arith.addi %add3A_1726, %gather3A_1732 : vector<16xi32>
      %xor3A_1734 = arith.constant 4 : i32
      %xor3A_1735 = vector.broadcast %xor3A_1734 : i32 to vector<16xi32>
      %xor3A_1736 = arith.xori %iota3A, %xor3A_1735 : vector<16xi32>
      %broadcast_in_dim3A_1737 = vector.shape_cast %xor3A_1736 : vector<16xi32> to vector<16x1xi32>
      %gather3A_1738 = vector.shape_cast %broadcast_in_dim3A_1737 : vector<16x1xi32> to vector<16xi32>
      %gather3A_1739 = tpu.dynamic_gather %add3A_1733[%gather3A_1738] in [0] : vector<16xi32>, vector<16xi32> -> vector<16xi32>
      %add3A_1740 = arith.addi %add3A_1733, %gather3A_1739 : vector<16xi32>
      %xor3A_1741 = arith.constant 8 : i32
      %xor3A_1742 = vector.broadcast %xor3A_1741 : i32 to vector<16xi32>
      %xor3A_1743 = arith.xori %iota3A, %xor3A_1742 : vector<16xi32>
      %broadcast_in_dim3A_1744 = vector.shape_cast %xor3A_1743 : vector<16xi32> to vector<16x1xi32>
      %gather3A_1745 = vector.shape_cast %broadcast_in_dim3A_1744 : vector<16x1xi32> to vector<16xi32>
      %gather3A_1746 = tpu.dynamic_gather %add3A_1740[%gather3A_1745] in [0] : vector<16xi32>, vector<16xi32> -> vector<16xi32>
      %add3A_1747 = arith.addi %add3A_1740, %gather3A_1746 : vector<16xi32>
      %select_n3A_1748 = arith.select %eq3A_1719, %add3A_1747, %broadcast_in_dim3A_3 : vector<16xi1>, vector<16xi32>
      %add3A_1749 = arith.addi %add3A_1708, %select_n3A_1748 : vector<16xi32>
      %eq3A_1750 = arith.constant 5 : i32
      %eq3A_1751 = vector.broadcast %eq3A_1750 : i32 to vector<16xi32>
      %eq3A_1752 = arith.cmpi eq, %get3A_1180, %eq3A_1751 : vector<16xi32>
      %jit3A_1753 = arith.constant 1 : i32
      %jit3A_1754 = arith.constant 0 : i32
      %broadcast_in_dim3A_1755 = vector.broadcast %jit3A_1753 : i32 to vector<16xi32>
      %broadcast_in_dim3A_1756 = vector.broadcast %jit3A_1754 : i32 to vector<16xi32>
      %select_n3A_1757 = arith.select %eq3A_1752, %broadcast_in_dim3A_1755, %broadcast_in_dim3A_1756 : vector<16xi1>, vector<16xi32>
      %eq3A_1758 = arith.constant 5 : i32
      %eq3A_1759 = vector.broadcast %eq3A_1758 : i32 to vector<16xi32>
      %eq3A_1760 = arith.cmpi eq, %iota3A, %eq3A_1759 : vector<16xi32>
      %xor3A_1761 = arith.constant 1 : i32
      %xor3A_1762 = vector.broadcast %xor3A_1761 : i32 to vector<16xi32>
      %xor3A_1763 = arith.xori %iota3A, %xor3A_1762 : vector<16xi32>
      %broadcast_in_dim3A_1764 = vector.shape_cast %xor3A_1763 : vector<16xi32> to vector<16x1xi32>
      %gather3A_1765 = vector.shape_cast %broadcast_in_dim3A_1764 : vector<16x1xi32> to vector<16xi32>
      %gather3A_1766 = tpu.dynamic_gather %select_n3A_1757[%gather3A_1765] in [0] : vector<16xi32>, vector<16xi32> -> vector<16xi32>
      %add3A_1767 = arith.addi %select_n3A_1757, %gather3A_1766 : vector<16xi32>
      %xor3A_1768 = arith.constant 2 : i32
      %xor3A_1769 = vector.broadcast %xor3A_1768 : i32 to vector<16xi32>
      %xor3A_1770 = arith.xori %iota3A, %xor3A_1769 : vector<16xi32>
      %broadcast_in_dim3A_1771 = vector.shape_cast %xor3A_1770 : vector<16xi32> to vector<16x1xi32>
      %gather3A_1772 = vector.shape_cast %broadcast_in_dim3A_1771 : vector<16x1xi32> to vector<16xi32>
      %gather3A_1773 = tpu.dynamic_gather %add3A_1767[%gather3A_1772] in [0] : vector<16xi32>, vector<16xi32> -> vector<16xi32>
      %add3A_1774 = arith.addi %add3A_1767, %gather3A_1773 : vector<16xi32>
      %xor3A_1775 = arith.constant 4 : i32
      %xor3A_1776 = vector.broadcast %xor3A_1775 : i32 to vector<16xi32>
      %xor3A_1777 = arith.xori %iota3A, %xor3A_1776 : vector<16xi32>
      %broadcast_in_dim3A_1778 = vector.shape_cast %xor3A_1777 : vector<16xi32> to vector<16x1xi32>
      %gather3A_1779 = vector.shape_cast %broadcast_in_dim3A_1778 : vector<16x1xi32> to vector<16xi32>
      %gather3A_1780 = tpu.dynamic_gather %add3A_1774[%gather3A_1779] in [0] : vector<16xi32>, vector<16xi32> -> vector<16xi32>
      %add3A_1781 = arith.addi %add3A_1774, %gather3A_1780 : vector<16xi32>
      %xor3A_1782 = arith.constant 8 : i32
      %xor3A_1783 = vector.broadcast %xor3A_1782 : i32 to vector<16xi32>
      %xor3A_1784 = arith.xori %iota3A, %xor3A_1783 : vector<16xi32>
      %broadcast_in_dim3A_1785 = vector.shape_cast %xor3A_1784 : vector<16xi32> to vector<16x1xi32>
      %gather3A_1786 = vector.shape_cast %broadcast_in_dim3A_1785 : vector<16x1xi32> to vector<16xi32>
      %gather3A_1787 = tpu.dynamic_gather %add3A_1781[%gather3A_1786] in [0] : vector<16xi32>, vector<16xi32> -> vector<16xi32>
      %add3A_1788 = arith.addi %add3A_1781, %gather3A_1787 : vector<16xi32>
      %select_n3A_1789 = arith.select %eq3A_1760, %add3A_1788, %broadcast_in_dim3A_3 : vector<16xi1>, vector<16xi32>
      %add3A_1790 = arith.addi %add3A_1749, %select_n3A_1789 : vector<16xi32>
      %eq3A_1791 = arith.constant 6 : i32
      %eq3A_1792 = vector.broadcast %eq3A_1791 : i32 to vector<16xi32>
      %eq3A_1793 = arith.cmpi eq, %get3A_1180, %eq3A_1792 : vector<16xi32>
      %jit3A_1794 = arith.constant 1 : i32
      %jit3A_1795 = arith.constant 0 : i32
      %broadcast_in_dim3A_1796 = vector.broadcast %jit3A_1794 : i32 to vector<16xi32>
      %broadcast_in_dim3A_1797 = vector.broadcast %jit3A_1795 : i32 to vector<16xi32>
      %select_n3A_1798 = arith.select %eq3A_1793, %broadcast_in_dim3A_1796, %broadcast_in_dim3A_1797 : vector<16xi1>, vector<16xi32>
      %eq3A_1799 = arith.constant 6 : i32
      %eq3A_1800 = vector.broadcast %eq3A_1799 : i32 to vector<16xi32>
      %eq3A_1801 = arith.cmpi eq, %iota3A, %eq3A_1800 : vector<16xi32>
      %xor3A_1802 = arith.constant 1 : i32
      %xor3A_1803 = vector.broadcast %xor3A_1802 : i32 to vector<16xi32>
      %xor3A_1804 = arith.xori %iota3A, %xor3A_1803 : vector<16xi32>
      %broadcast_in_dim3A_1805 = vector.shape_cast %xor3A_1804 : vector<16xi32> to vector<16x1xi32>
      %gather3A_1806 = vector.shape_cast %broadcast_in_dim3A_1805 : vector<16x1xi32> to vector<16xi32>
      %gather3A_1807 = tpu.dynamic_gather %select_n3A_1798[%gather3A_1806] in [0] : vector<16xi32>, vector<16xi32> -> vector<16xi32>
      %add3A_1808 = arith.addi %select_n3A_1798, %gather3A_1807 : vector<16xi32>
      %xor3A_1809 = arith.constant 2 : i32
      %xor3A_1810 = vector.broadcast %xor3A_1809 : i32 to vector<16xi32>
      %xor3A_1811 = arith.xori %iota3A, %xor3A_1810 : vector<16xi32>
      %broadcast_in_dim3A_1812 = vector.shape_cast %xor3A_1811 : vector<16xi32> to vector<16x1xi32>
      %gather3A_1813 = vector.shape_cast %broadcast_in_dim3A_1812 : vector<16x1xi32> to vector<16xi32>
      %gather3A_1814 = tpu.dynamic_gather %add3A_1808[%gather3A_1813] in [0] : vector<16xi32>, vector<16xi32> -> vector<16xi32>
      %add3A_1815 = arith.addi %add3A_1808, %gather3A_1814 : vector<16xi32>
      %xor3A_1816 = arith.constant 4 : i32
      %xor3A_1817 = vector.broadcast %xor3A_1816 : i32 to vector<16xi32>
      %xor3A_1818 = arith.xori %iota3A, %xor3A_1817 : vector<16xi32>
      %broadcast_in_dim3A_1819 = vector.shape_cast %xor3A_1818 : vector<16xi32> to vector<16x1xi32>
      %gather3A_1820 = vector.shape_cast %broadcast_in_dim3A_1819 : vector<16x1xi32> to vector<16xi32>
      %gather3A_1821 = tpu.dynamic_gather %add3A_1815[%gather3A_1820] in [0] : vector<16xi32>, vector<16xi32> -> vector<16xi32>
      %add3A_1822 = arith.addi %add3A_1815, %gather3A_1821 : vector<16xi32>
      %xor3A_1823 = arith.constant 8 : i32
      %xor3A_1824 = vector.broadcast %xor3A_1823 : i32 to vector<16xi32>
      %xor3A_1825 = arith.xori %iota3A, %xor3A_1824 : vector<16xi32>
      %broadcast_in_dim3A_1826 = vector.shape_cast %xor3A_1825 : vector<16xi32> to vector<16x1xi32>
      %gather3A_1827 = vector.shape_cast %broadcast_in_dim3A_1826 : vector<16x1xi32> to vector<16xi32>
      %gather3A_1828 = tpu.dynamic_gather %add3A_1822[%gather3A_1827] in [0] : vector<16xi32>, vector<16xi32> -> vector<16xi32>
      %add3A_1829 = arith.addi %add3A_1822, %gather3A_1828 : vector<16xi32>
      %select_n3A_1830 = arith.select %eq3A_1801, %add3A_1829, %broadcast_in_dim3A_3 : vector<16xi1>, vector<16xi32>
      %add3A_1831 = arith.addi %add3A_1790, %select_n3A_1830 : vector<16xi32>
      %eq3A_1832 = arith.constant 7 : i32
      %eq3A_1833 = vector.broadcast %eq3A_1832 : i32 to vector<16xi32>
      %eq3A_1834 = arith.cmpi eq, %get3A_1180, %eq3A_1833 : vector<16xi32>
      %jit3A_1835 = arith.constant 1 : i32
      %jit3A_1836 = arith.constant 0 : i32
      %broadcast_in_dim3A_1837 = vector.broadcast %jit3A_1835 : i32 to vector<16xi32>
      %broadcast_in_dim3A_1838 = vector.broadcast %jit3A_1836 : i32 to vector<16xi32>
      %select_n3A_1839 = arith.select %eq3A_1834, %broadcast_in_dim3A_1837, %broadcast_in_dim3A_1838 : vector<16xi1>, vector<16xi32>
      %eq3A_1840 = arith.constant 7 : i32
      %eq3A_1841 = vector.broadcast %eq3A_1840 : i32 to vector<16xi32>
      %eq3A_1842 = arith.cmpi eq, %iota3A, %eq3A_1841 : vector<16xi32>
      %xor3A_1843 = arith.constant 1 : i32
      %xor3A_1844 = vector.broadcast %xor3A_1843 : i32 to vector<16xi32>
      %xor3A_1845 = arith.xori %iota3A, %xor3A_1844 : vector<16xi32>
      %broadcast_in_dim3A_1846 = vector.shape_cast %xor3A_1845 : vector<16xi32> to vector<16x1xi32>
      %gather3A_1847 = vector.shape_cast %broadcast_in_dim3A_1846 : vector<16x1xi32> to vector<16xi32>
      %gather3A_1848 = tpu.dynamic_gather %select_n3A_1839[%gather3A_1847] in [0] : vector<16xi32>, vector<16xi32> -> vector<16xi32>
      %add3A_1849 = arith.addi %select_n3A_1839, %gather3A_1848 : vector<16xi32>
      %xor3A_1850 = arith.constant 2 : i32
      %xor3A_1851 = vector.broadcast %xor3A_1850 : i32 to vector<16xi32>
      %xor3A_1852 = arith.xori %iota3A, %xor3A_1851 : vector<16xi32>
      %broadcast_in_dim3A_1853 = vector.shape_cast %xor3A_1852 : vector<16xi32> to vector<16x1xi32>
      %gather3A_1854 = vector.shape_cast %broadcast_in_dim3A_1853 : vector<16x1xi32> to vector<16xi32>
      %gather3A_1855 = tpu.dynamic_gather %add3A_1849[%gather3A_1854] in [0] : vector<16xi32>, vector<16xi32> -> vector<16xi32>
      %add3A_1856 = arith.addi %add3A_1849, %gather3A_1855 : vector<16xi32>
      %xor3A_1857 = arith.constant 4 : i32
      %xor3A_1858 = vector.broadcast %xor3A_1857 : i32 to vector<16xi32>
      %xor3A_1859 = arith.xori %iota3A, %xor3A_1858 : vector<16xi32>
      %broadcast_in_dim3A_1860 = vector.shape_cast %xor3A_1859 : vector<16xi32> to vector<16x1xi32>
      %gather3A_1861 = vector.shape_cast %broadcast_in_dim3A_1860 : vector<16x1xi32> to vector<16xi32>
      %gather3A_1862 = tpu.dynamic_gather %add3A_1856[%gather3A_1861] in [0] : vector<16xi32>, vector<16xi32> -> vector<16xi32>
      %add3A_1863 = arith.addi %add3A_1856, %gather3A_1862 : vector<16xi32>
      %xor3A_1864 = arith.constant 8 : i32
      %xor3A_1865 = vector.broadcast %xor3A_1864 : i32 to vector<16xi32>
      %xor3A_1866 = arith.xori %iota3A, %xor3A_1865 : vector<16xi32>
      %broadcast_in_dim3A_1867 = vector.shape_cast %xor3A_1866 : vector<16xi32> to vector<16x1xi32>
      %gather3A_1868 = vector.shape_cast %broadcast_in_dim3A_1867 : vector<16x1xi32> to vector<16xi32>
      %gather3A_1869 = tpu.dynamic_gather %add3A_1863[%gather3A_1868] in [0] : vector<16xi32>, vector<16xi32> -> vector<16xi32>
      %add3A_1870 = arith.addi %add3A_1863, %gather3A_1869 : vector<16xi32>
      %select_n3A_1871 = arith.select %eq3A_1842, %add3A_1870, %broadcast_in_dim3A_3 : vector<16xi1>, vector<16xi32>
      %add3A_1872 = arith.addi %add3A_1831, %select_n3A_1871 : vector<16xi32>
      scf.yield %add3A_1872 : vector<16xi32>
    }
    %scan3A_565 = arith.constant 16 : i32
    %dma_start3A = arith.constant 0 : i32
    %dma_start3A_566 = arith.constant 0 : i32
    %dma_start3A_567 = tpu.memref_slice %arg12[%dma_start3A_566] : memref<256xi32, #tpu.memory_space<vmem>> -> memref<128xi32, #tpu.memory_space<vmem>>
    %dma_start3A_568 = arith.constant 0 : i32
    %dma_start3A_569 = tpu.memref_slice %arg13[%dma_start3A, %dma_start3A_568] : memref<2x128xi32, #tpu.memory_space<vmem>> -> memref<1x128xi32, #tpu.memory_space<vmem>>
    %dma_start3A_570 = tpu.memref_squeeze %dma_start3A_569 : memref<1x128xi32, #tpu.memory_space<vmem>> -> memref<128xi32, #tpu.memory_space<vmem>>
    %dma_start3A_571 = arith.constant 0 : i32
    %dma_start3A_572 = tpu.memref_slice %arg5[%dma_start3A_571] : memref<9216xi32, #tpu.memory_space<hbm>> -> memref<9216xi32, #tpu.memory_space<hbm>>
    tpu.enqueue_indirect_dma source(%dma_start3A_567 : memref<128xi32, #tpu.memory_space<vmem>>) target(%dma_start3A_572 : memref<9216xi32, #tpu.memory_space<hbm>>) offsets(%dma_start3A_570 : memref<128xi32, #tpu.memory_space<vmem>>) semaphore(%arg15 : memref<!tpu.dma_semaphore, #tpu.memory_space<semaphore_mem>>)
    %dma_start3A_573 = arith.constant 0 : i32
    %dma_start3A_574 = arith.constant 0 : i32
    %dma_start3A_575 = tpu.memref_slice %arg10[%dma_start3A_574] : memref<256xf32, #tpu.memory_space<vmem>> -> memref<128xf32, #tpu.memory_space<vmem>>
    %dma_start3A_576 = arith.constant 0 : i32
    %dma_start3A_577 = tpu.memref_slice %arg13[%dma_start3A_573, %dma_start3A_576] : memref<2x128xi32, #tpu.memory_space<vmem>> -> memref<1x128xi32, #tpu.memory_space<vmem>>
    %dma_start3A_578 = tpu.memref_squeeze %dma_start3A_577 : memref<1x128xi32, #tpu.memory_space<vmem>> -> memref<128xi32, #tpu.memory_space<vmem>>
    %dma_start3A_579 = arith.constant 0 : i32
    %dma_start3A_580 = tpu.memref_slice %arg6[%dma_start3A_579] : memref<9216xf32, #tpu.memory_space<hbm>> -> memref<9216xf32, #tpu.memory_space<hbm>>
    tpu.enqueue_indirect_dma source(%dma_start3A_575 : memref<128xf32, #tpu.memory_space<vmem>>) target(%dma_start3A_580 : memref<9216xf32, #tpu.memory_space<hbm>>) offsets(%dma_start3A_578 : memref<128xi32, #tpu.memory_space<vmem>>) semaphore(%arg15 : memref<!tpu.dma_semaphore, #tpu.memory_space<semaphore_mem>>)
    %dma_start3A_581 = arith.constant 1 : i32
    %dma_start3A_582 = arith.constant 128 : i32
    %dma_start3A_583 = tpu.memref_slice %arg12[%dma_start3A_582] : memref<256xi32, #tpu.memory_space<vmem>> -> memref<128xi32, #tpu.memory_space<vmem>>
    %dma_start3A_584 = arith.constant 0 : i32
    %dma_start3A_585 = tpu.memref_slice %arg13[%dma_start3A_581, %dma_start3A_584] : memref<2x128xi32, #tpu.memory_space<vmem>> -> memref<1x128xi32, #tpu.memory_space<vmem>>
    %dma_start3A_586 = tpu.memref_squeeze %dma_start3A_585 : memref<1x128xi32, #tpu.memory_space<vmem>> -> memref<128xi32, #tpu.memory_space<vmem>>
    %dma_start3A_587 = arith.constant 0 : i32
    %dma_start3A_588 = tpu.memref_slice %arg5[%dma_start3A_587] : memref<9216xi32, #tpu.memory_space<hbm>> -> memref<9216xi32, #tpu.memory_space<hbm>>
    tpu.enqueue_indirect_dma source(%dma_start3A_583 : memref<128xi32, #tpu.memory_space<vmem>>) target(%dma_start3A_588 : memref<9216xi32, #tpu.memory_space<hbm>>) offsets(%dma_start3A_586 : memref<128xi32, #tpu.memory_space<vmem>>) semaphore(%arg15 : memref<!tpu.dma_semaphore, #tpu.memory_space<semaphore_mem>>)
    %dma_start3A_589 = arith.constant 1 : i32
    %dma_start3A_590 = arith.constant 128 : i32
    %dma_start3A_591 = tpu.memref_slice %arg10[%dma_start3A_590] : memref<256xf32, #tpu.memory_space<vmem>> -> memref<128xf32, #tpu.memory_space<vmem>>
    %dma_start3A_592 = arith.constant 0 : i32
    %dma_start3A_593 = tpu.memref_slice %arg13[%dma_start3A_589, %dma_start3A_592] : memref<2x128xi32, #tpu.memory_space<vmem>> -> memref<1x128xi32, #tpu.memory_space<vmem>>
    %dma_start3A_594 = tpu.memref_squeeze %dma_start3A_593 : memref<1x128xi32, #tpu.memory_space<vmem>> -> memref<128xi32, #tpu.memory_space<vmem>>
    %dma_start3A_595 = arith.constant 0 : i32
    %dma_start3A_596 = tpu.memref_slice %arg6[%dma_start3A_595] : memref<9216xf32, #tpu.memory_space<hbm>> -> memref<9216xf32, #tpu.memory_space<hbm>>
    tpu.enqueue_indirect_dma source(%dma_start3A_591 : memref<128xf32, #tpu.memory_space<vmem>>) target(%dma_start3A_596 : memref<9216xf32, #tpu.memory_space<hbm>>) offsets(%dma_start3A_594 : memref<128xi32, #tpu.memory_space<vmem>>) semaphore(%arg15 : memref<!tpu.dma_semaphore, #tpu.memory_space<semaphore_mem>>)
    "tpu.region"() ({
      %run_scoped3A = tpu.sem_alloc : memref<!tpu.dma_semaphore, #tpu.memory_space<semaphore_mem>>
      %dma_start3A_1174 = tpu.memref_slice %arg4[%mul3A_2] : memref<8192xi32, #tpu.memory_space<hbm>> -> memref<256xi32, #tpu.memory_space<hbm>>
      %dma_start3A_1175 = tpu.memref_slice %arg4[%mul3A_2] : memref<8192xi32, #tpu.memory_space<hbm>> -> memref<256xi32, #tpu.memory_space<hbm>>
      tpu.enqueue_dma source(%arg11 : memref<256xi32, #tpu.memory_space<vmem>>) target(%dma_start3A_1175 : memref<256xi32, #tpu.memory_space<hbm>>) target_semaphore(%run_scoped3A : memref<!tpu.dma_semaphore, #tpu.memory_space<semaphore_mem>>)
      %dma_wait3A_1176 = tpu.memref_slice %arg4[%mul3A_2] : memref<8192xi32, #tpu.memory_space<hbm>> -> memref<256xi32, #tpu.memory_space<hbm>>
      %dma_wait3A_1177 = tpu.memref_slice %arg4[%mul3A_2] : memref<8192xi32, #tpu.memory_space<hbm>> -> memref<256xi32, #tpu.memory_space<hbm>>
      tpu.wait_dma2 semaphore(%run_scoped3A : memref<!tpu.dma_semaphore, #tpu.memory_space<semaphore_mem>>) src(%arg11 : memref<256xi32, #tpu.memory_space<vmem>>) dst(%dma_wait3A_1177 : memref<256xi32, #tpu.memory_space<hbm>>)
      tpu.yield
    }) : () -> ()
    %dma_wait3A = arith.constant 0 : i32
    %dma_wait3A_597 = arith.constant 0 : i32
    %dma_wait3A_598 = tpu.memref_slice %arg12[%dma_wait3A_597] : memref<256xi32, #tpu.memory_space<vmem>> -> memref<128xi32, #tpu.memory_space<vmem>>
    %dma_wait3A_599 = arith.constant 0 : i32
    %dma_wait3A_600 = tpu.memref_slice %arg13[%dma_wait3A, %dma_wait3A_599] : memref<2x128xi32, #tpu.memory_space<vmem>> -> memref<1x128xi32, #tpu.memory_space<vmem>>
    %dma_wait3A_601 = tpu.memref_squeeze %dma_wait3A_600 : memref<1x128xi32, #tpu.memory_space<vmem>> -> memref<128xi32, #tpu.memory_space<vmem>>
    %dma_wait3A_602 = arith.constant 0 : i32
    %dma_wait3A_603 = tpu.memref_slice %arg5[%dma_wait3A_602] : memref<9216xi32, #tpu.memory_space<hbm>> -> memref<9216xi32, #tpu.memory_space<hbm>>
    tpu.wait_indirect_dma semaphore(%arg15 : memref<!tpu.dma_semaphore, #tpu.memory_space<semaphore_mem>>) src(%dma_wait3A_598 : memref<128xi32, #tpu.memory_space<vmem>>) dst(%dma_wait3A_603 : memref<9216xi32, #tpu.memory_space<hbm>>)
    %dma_wait3A_604 = arith.constant 0 : i32
    %dma_wait3A_605 = arith.constant 0 : i32
    %dma_wait3A_606 = tpu.memref_slice %arg10[%dma_wait3A_605] : memref<256xf32, #tpu.memory_space<vmem>> -> memref<128xf32, #tpu.memory_space<vmem>>
    %dma_wait3A_607 = arith.constant 0 : i32
    %dma_wait3A_608 = tpu.memref_slice %arg13[%dma_wait3A_604, %dma_wait3A_607] : memref<2x128xi32, #tpu.memory_space<vmem>> -> memref<1x128xi32, #tpu.memory_space<vmem>>
    %dma_wait3A_609 = tpu.memref_squeeze %dma_wait3A_608 : memref<1x128xi32, #tpu.memory_space<vmem>> -> memref<128xi32, #tpu.memory_space<vmem>>
    %dma_wait3A_610 = arith.constant 0 : i32
    %dma_wait3A_611 = tpu.memref_slice %arg6[%dma_wait3A_610] : memref<9216xf32, #tpu.memory_space<hbm>> -> memref<9216xf32, #tpu.memory_space<hbm>>
    tpu.wait_indirect_dma semaphore(%arg15 : memref<!tpu.dma_semaphore, #tpu.memory_space<semaphore_mem>>) src(%dma_wait3A_606 : memref<128xf32, #tpu.memory_space<vmem>>) dst(%dma_wait3A_611 : memref<9216xf32, #tpu.memory_space<hbm>>)
    %dma_wait3A_612 = arith.constant 1 : i32
    %dma_wait3A_613 = arith.constant 128 : i32
    %dma_wait3A_614 = tpu.memref_slice %arg12[%dma_wait3A_613] : memref<256xi32, #tpu.memory_space<vmem>> -> memref<128xi32, #tpu.memory_space<vmem>>
    %dma_wait3A_615 = arith.constant 0 : i32
    %dma_wait3A_616 = tpu.memref_slice %arg13[%dma_wait3A_612, %dma_wait3A_615] : memref<2x128xi32, #tpu.memory_space<vmem>> -> memref<1x128xi32, #tpu.memory_space<vmem>>
    %dma_wait3A_617 = tpu.memref_squeeze %dma_wait3A_616 : memref<1x128xi32, #tpu.memory_space<vmem>> -> memref<128xi32, #tpu.memory_space<vmem>>
    %dma_wait3A_618 = arith.constant 0 : i32
    %dma_wait3A_619 = tpu.memref_slice %arg5[%dma_wait3A_618] : memref<9216xi32, #tpu.memory_space<hbm>> -> memref<9216xi32, #tpu.memory_space<hbm>>
    tpu.wait_indirect_dma semaphore(%arg15 : memref<!tpu.dma_semaphore, #tpu.memory_space<semaphore_mem>>) src(%dma_wait3A_614 : memref<128xi32, #tpu.memory_space<vmem>>) dst(%dma_wait3A_619 : memref<9216xi32, #tpu.memory_space<hbm>>)
    %dma_wait3A_620 = arith.constant 1 : i32
    %dma_wait3A_621 = arith.constant 128 : i32
    %dma_wait3A_622 = tpu.memref_slice %arg10[%dma_wait3A_621] : memref<256xf32, #tpu.memory_space<vmem>> -> memref<128xf32, #tpu.memory_space<vmem>>
    %dma_wait3A_623 = arith.constant 0 : i32
    %dma_wait3A_624 = tpu.memref_slice %arg13[%dma_wait3A_620, %dma_wait3A_623] : memref<2x128xi32, #tpu.memory_space<vmem>> -> memref<1x128xi32, #tpu.memory_space<vmem>>
    %dma_wait3A_625 = tpu.memref_squeeze %dma_wait3A_624 : memref<1x128xi32, #tpu.memory_space<vmem>> -> memref<128xi32, #tpu.memory_space<vmem>>
    %dma_wait3A_626 = arith.constant 0 : i32
    %dma_wait3A_627 = tpu.memref_slice %arg6[%dma_wait3A_626] : memref<9216xf32, #tpu.memory_space<hbm>> -> memref<9216xf32, #tpu.memory_space<hbm>>
    tpu.wait_indirect_dma semaphore(%arg15 : memref<!tpu.dma_semaphore, #tpu.memory_space<semaphore_mem>>) src(%dma_wait3A_622 : memref<128xf32, #tpu.memory_space<vmem>>) dst(%dma_wait3A_627 : memref<9216xf32, #tpu.memory_space<hbm>>)
    %swap3A = arith.constant 0 : index
    %swap3A_628 = tpu.vector_load %arg14[%swap3A] {strides = array<i32>} : memref<96xi32, #tpu.memory_space<vmem>>, vector<16xi32>,
    %swap3A_629 = vector.shape_cast %swap3A_628 : vector<16xi32> to vector<16xi32>
    %swap3A_630 = vector.shape_cast %add3A_557 : vector<16xi32> to vector<16xi32>
    tpu.vector_store %arg14[%swap3A], %swap3A_630 {strides = array<i32>} : memref<96xi32, #tpu.memory_space<vmem>>, vector<16xi32>,
    %add3A_631 = arith.constant 0 : i32
    %add3A_632 = vector.broadcast %add3A_631 : i32 to vector<16xi32>
    %add3A_633 = arith.addi %iota3A, %add3A_632 : vector<16xi32>
    %mul3A_634 = arith.constant 128 : i32
    %mul3A_635 = vector.broadcast %mul3A_634 : i32 to vector<16xi32>
    %mul3A_636 = arith.muli %add3A_633, %mul3A_635 : vector<16xi32>
    %broadcast_in_dim3A_637 = arith.constant 0 : i32
    %broadcast_in_dim3A_638 = vector.broadcast %broadcast_in_dim3A_637 : i32 to vector<16xi32>
    %broadcast_in_dim3A_639 = vector.shape_cast %broadcast_in_dim3A_638 : vector<16xi32> to vector<16x1xi32>
    %gather3A_640 = vector.shape_cast %broadcast_in_dim3A_639 : vector<16x1xi32> to vector<16xi32>
    %gather3A_641 = tpu.dynamic_gather %add3A_557[%gather3A_640] in [0] : vector<16xi32>, vector<16xi32> -> vector<16xi32>
    %ge3A_642 = arith.cmpi sge, %mul3A_636, %gather3A_641 : vector<16xi32>
    %jit3A = arith.constant 1 : i32
    %jit3A_643 = arith.constant 0 : i32
    %broadcast_in_dim3A_644 = vector.broadcast %jit3A : i32 to vector<16xi32>
    %broadcast_in_dim3A_645 = vector.broadcast %jit3A_643 : i32 to vector<16xi32>
    %select_n3A_646 = arith.select %ge3A_642, %broadcast_in_dim3A_644, %broadcast_in_dim3A_645 : vector<16xi1>, vector<16xi32>
    %add3A_647 = arith.addi %broadcast_in_dim3A_3, %select_n3A_646 : vector<16xi32>
    %broadcast_in_dim3A_648 = arith.constant 1 : i32
    %broadcast_in_dim3A_649 = vector.broadcast %broadcast_in_dim3A_648 : i32 to vector<16xi32>
    %broadcast_in_dim3A_650 = vector.shape_cast %broadcast_in_dim3A_649 : vector<16xi32> to vector<16x1xi32>
    %gather3A_651 = vector.shape_cast %broadcast_in_dim3A_650 : vector<16x1xi32> to vector<16xi32>
    %gather3A_652 = tpu.dynamic_gather %add3A_557[%gather3A_651] in [0] : vector<16xi32>, vector<16xi32> -> vector<16xi32>
    %ge3A_653 = arith.cmpi sge, %mul3A_636, %gather3A_652 : vector<16xi32>
    %jit3A_654 = arith.constant 1 : i32
    %jit3A_655 = arith.constant 0 : i32
    %broadcast_in_dim3A_656 = vector.broadcast %jit3A_654 : i32 to vector<16xi32>
    %broadcast_in_dim3A_657 = vector.broadcast %jit3A_655 : i32 to vector<16xi32>
    %select_n3A_658 = arith.select %ge3A_653, %broadcast_in_dim3A_656, %broadcast_in_dim3A_657 : vector<16xi1>, vector<16xi32>
    %add3A_659 = arith.addi %add3A_647, %select_n3A_658 : vector<16xi32>
    %broadcast_in_dim3A_660 = arith.constant 2 : i32
    %broadcast_in_dim3A_661 = vector.broadcast %broadcast_in_dim3A_660 : i32 to vector<16xi32>
    %broadcast_in_dim3A_662 = vector.shape_cast %broadcast_in_dim3A_661 : vector<16xi32> to vector<16x1xi32>
    %gather3A_663 = vector.shape_cast %broadcast_in_dim3A_662 : vector<16x1xi32> to vector<16xi32>
    %gather3A_664 = tpu.dynamic_gather %add3A_557[%gather3A_663] in [0] : vector<16xi32>, vector<16xi32> -> vector<16xi32>
    %ge3A_665 = arith.cmpi sge, %mul3A_636, %gather3A_664 : vector<16xi32>
    %jit3A_666 = arith.constant 1 : i32
    %jit3A_667 = arith.constant 0 : i32
    %broadcast_in_dim3A_668 = vector.broadcast %jit3A_666 : i32 to vector<16xi32>
    %broadcast_in_dim3A_669 = vector.broadcast %jit3A_667 : i32 to vector<16xi32>
    %select_n3A_670 = arith.select %ge3A_665, %broadcast_in_dim3A_668, %broadcast_in_dim3A_669 : vector<16xi1>, vector<16xi32>
    %add3A_671 = arith.addi %add3A_659, %select_n3A_670 : vector<16xi32>
    %broadcast_in_dim3A_672 = arith.constant 3 : i32
    %broadcast_in_dim3A_673 = vector.broadcast %broadcast_in_dim3A_672 : i32 to vector<16xi32>
    %broadcast_in_dim3A_674 = vector.shape_cast %broadcast_in_dim3A_673 : vector<16xi32> to vector<16x1xi32>
    %gather3A_675 = vector.shape_cast %broadcast_in_dim3A_674 : vector<16x1xi32> to vector<16xi32>
    %gather3A_676 = tpu.dynamic_gather %add3A_557[%gather3A_675] in [0] : vector<16xi32>, vector<16xi32> -> vector<16xi32>
    %ge3A_677 = arith.cmpi sge, %mul3A_636, %gather3A_676 : vector<16xi32>
    %jit3A_678 = arith.constant 1 : i32
    %jit3A_679 = arith.constant 0 : i32
    %broadcast_in_dim3A_680 = vector.broadcast %jit3A_678 : i32 to vector<16xi32>
    %broadcast_in_dim3A_681 = vector.broadcast %jit3A_679 : i32 to vector<16xi32>
    %select_n3A_682 = arith.select %ge3A_677, %broadcast_in_dim3A_680, %broadcast_in_dim3A_681 : vector<16xi1>, vector<16xi32>
    %add3A_683 = arith.addi %add3A_671, %select_n3A_682 : vector<16xi32>
    %broadcast_in_dim3A_684 = arith.constant 4 : i32
    %broadcast_in_dim3A_685 = vector.broadcast %broadcast_in_dim3A_684 : i32 to vector<16xi32>
    %broadcast_in_dim3A_686 = vector.shape_cast %broadcast_in_dim3A_685 : vector<16xi32> to vector<16x1xi32>
    %gather3A_687 = vector.shape_cast %broadcast_in_dim3A_686 : vector<16x1xi32> to vector<16xi32>
    %gather3A_688 = tpu.dynamic_gather %add3A_557[%gather3A_687] in [0] : vector<16xi32>, vector<16xi32> -> vector<16xi32>
    %ge3A_689 = arith.cmpi sge, %mul3A_636, %gather3A_688 : vector<16xi32>
    %jit3A_690 = arith.constant 1 : i32
    %jit3A_691 = arith.constant 0 : i32
    %broadcast_in_dim3A_692 = vector.broadcast %jit3A_690 : i32 to vector<16xi32>
    %broadcast_in_dim3A_693 = vector.broadcast %jit3A_691 : i32 to vector<16xi32>
    %select_n3A_694 = arith.select %ge3A_689, %broadcast_in_dim3A_692, %broadcast_in_dim3A_693 : vector<16xi1>, vector<16xi32>
    %add3A_695 = arith.addi %add3A_683, %select_n3A_694 : vector<16xi32>
    %broadcast_in_dim3A_696 = arith.constant 5 : i32
    %broadcast_in_dim3A_697 = vector.broadcast %broadcast_in_dim3A_696 : i32 to vector<16xi32>
    %broadcast_in_dim3A_698 = vector.shape_cast %broadcast_in_dim3A_697 : vector<16xi32> to vector<16x1xi32>
    %gather3A_699 = vector.shape_cast %broadcast_in_dim3A_698 : vector<16x1xi32> to vector<16xi32>
    %gather3A_700 = tpu.dynamic_gather %add3A_557[%gather3A_699] in [0] : vector<16xi32>, vector<16xi32> -> vector<16xi32>
    %ge3A_701 = arith.cmpi sge, %mul3A_636, %gather3A_700 : vector<16xi32>
    %jit3A_702 = arith.constant 1 : i32
    %jit3A_703 = arith.constant 0 : i32
    %broadcast_in_dim3A_704 = vector.broadcast %jit3A_702 : i32 to vector<16xi32>
    %broadcast_in_dim3A_705 = vector.broadcast %jit3A_703 : i32 to vector<16xi32>
    %select_n3A_706 = arith.select %ge3A_701, %broadcast_in_dim3A_704, %broadcast_in_dim3A_705 : vector<16xi1>, vector<16xi32>
    %add3A_707 = arith.addi %add3A_695, %select_n3A_706 : vector<16xi32>
    %broadcast_in_dim3A_708 = arith.constant 6 : i32
    %broadcast_in_dim3A_709 = vector.broadcast %broadcast_in_dim3A_708 : i32 to vector<16xi32>
    %broadcast_in_dim3A_710 = vector.shape_cast %broadcast_in_dim3A_709 : vector<16xi32> to vector<16x1xi32>
    %gather3A_711 = vector.shape_cast %broadcast_in_dim3A_710 : vector<16x1xi32> to vector<16xi32>
    %gather3A_712 = tpu.dynamic_gather %add3A_557[%gather3A_711] in [0] : vector<16xi32>, vector<16xi32> -> vector<16xi32>
    %ge3A_713 = arith.cmpi sge, %mul3A_636, %gather3A_712 : vector<16xi32>
    %jit3A_714 = arith.constant 1 : i32
    %jit3A_715 = arith.constant 0 : i32
    %broadcast_in_dim3A_716 = vector.broadcast %jit3A_714 : i32 to vector<16xi32>
    %broadcast_in_dim3A_717 = vector.broadcast %jit3A_715 : i32 to vector<16xi32>
    %select_n3A_718 = arith.select %ge3A_713, %broadcast_in_dim3A_716, %broadcast_in_dim3A_717 : vector<16xi1>, vector<16xi32>
    %add3A_719 = arith.addi %add3A_707, %select_n3A_718 : vector<16xi32>
    %broadcast_in_dim3A_720 = arith.constant 7 : i32
    %broadcast_in_dim3A_721 = vector.broadcast %broadcast_in_dim3A_720 : i32 to vector<16xi32>
    %broadcast_in_dim3A_722 = vector.shape_cast %broadcast_in_dim3A_721 : vector<16xi32> to vector<16x1xi32>
    %gather3A_723 = vector.shape_cast %broadcast_in_dim3A_722 : vector<16x1xi32> to vector<16xi32>
    %gather3A_724 = tpu.dynamic_gather %add3A_557[%gather3A_723] in [0] : vector<16xi32>, vector<16xi32> -> vector<16xi32>
    %ge3A_725 = arith.cmpi sge, %mul3A_636, %gather3A_724 : vector<16xi32>
    %jit3A_726 = arith.constant 1 : i32
    %jit3A_727 = arith.constant 0 : i32
    %broadcast_in_dim3A_728 = vector.broadcast %jit3A_726 : i32 to vector<16xi32>
    %broadcast_in_dim3A_729 = vector.broadcast %jit3A_727 : i32 to vector<16xi32>
    %select_n3A_730 = arith.select %ge3A_725, %broadcast_in_dim3A_728, %broadcast_in_dim3A_729 : vector<16xi1>, vector<16xi32>
    %add3A_731 = arith.addi %add3A_719, %select_n3A_730 : vector<16xi32>
    %min3A = arith.constant 7 : i32
    %min3A_732 = vector.broadcast %min3A : i32 to vector<16xi32>
    %min3A_733 = arith.minsi %add3A_731, %min3A_732 : vector<16xi32>
    %swap3A_734 = arith.constant 16 : index
    %swap3A_735 = tpu.vector_load %arg14[%swap3A_734] {strides = array<i32>} : memref<96xi32, #tpu.memory_space<vmem>>, vector<16xi32>,
    %swap3A_736 = vector.shape_cast %swap3A_735 : vector<16xi32> to vector<16xi32>
    %swap3A_737 = vector.shape_cast %min3A_733 : vector<16xi32> to vector<16xi32>
    tpu.vector_store %arg14[%swap3A_734], %swap3A_737 {strides = array<i32>} : memref<96xi32, #tpu.memory_space<vmem>>, vector<16xi32>,
    %add3A_738 = arith.constant 16 : i32
    %add3A_739 = vector.broadcast %add3A_738 : i32 to vector<16xi32>
    %add3A_740 = arith.addi %iota3A, %add3A_739 : vector<16xi32>
    %mul3A_741 = arith.constant 128 : i32
    %mul3A_742 = vector.broadcast %mul3A_741 : i32 to vector<16xi32>
    %mul3A_743 = arith.muli %add3A_740, %mul3A_742 : vector<16xi32>
    %broadcast_in_dim3A_744 = arith.constant 0 : i32
    %broadcast_in_dim3A_745 = vector.broadcast %broadcast_in_dim3A_744 : i32 to vector<16xi32>
    %broadcast_in_dim3A_746 = vector.shape_cast %broadcast_in_dim3A_745 : vector<16xi32> to vector<16x1xi32>
    %gather3A_747 = vector.shape_cast %broadcast_in_dim3A_746 : vector<16x1xi32> to vector<16xi32>
    %gather3A_748 = tpu.dynamic_gather %add3A_557[%gather3A_747] in [0] : vector<16xi32>, vector<16xi32> -> vector<16xi32>
    %ge3A_749 = arith.cmpi sge, %mul3A_743, %gather3A_748 : vector<16xi32>
    %jit3A_750 = arith.constant 1 : i32
    %jit3A_751 = arith.constant 0 : i32
    %broadcast_in_dim3A_752 = vector.broadcast %jit3A_750 : i32 to vector<16xi32>
    %broadcast_in_dim3A_753 = vector.broadcast %jit3A_751 : i32 to vector<16xi32>
    %select_n3A_754 = arith.select %ge3A_749, %broadcast_in_dim3A_752, %broadcast_in_dim3A_753 : vector<16xi1>, vector<16xi32>
    %add3A_755 = arith.addi %broadcast_in_dim3A_3, %select_n3A_754 : vector<16xi32>
    %broadcast_in_dim3A_756 = arith.constant 1 : i32
    %broadcast_in_dim3A_757 = vector.broadcast %broadcast_in_dim3A_756 : i32 to vector<16xi32>
    %broadcast_in_dim3A_758 = vector.shape_cast %broadcast_in_dim3A_757 : vector<16xi32> to vector<16x1xi32>
    %gather3A_759 = vector.shape_cast %broadcast_in_dim3A_758 : vector<16x1xi32> to vector<16xi32>
    %gather3A_760 = tpu.dynamic_gather %add3A_557[%gather3A_759] in [0] : vector<16xi32>, vector<16xi32> -> vector<16xi32>
    %ge3A_761 = arith.cmpi sge, %mul3A_743, %gather3A_760 : vector<16xi32>
    %jit3A_762 = arith.constant 1 : i32
    %jit3A_763 = arith.constant 0 : i32
    %broadcast_in_dim3A_764 = vector.broadcast %jit3A_762 : i32 to vector<16xi32>
    %broadcast_in_dim3A_765 = vector.broadcast %jit3A_763 : i32 to vector<16xi32>
    %select_n3A_766 = arith.select %ge3A_761, %broadcast_in_dim3A_764, %broadcast_in_dim3A_765 : vector<16xi1>, vector<16xi32>
    %add3A_767 = arith.addi %add3A_755, %select_n3A_766 : vector<16xi32>
    %broadcast_in_dim3A_768 = arith.constant 2 : i32
    %broadcast_in_dim3A_769 = vector.broadcast %broadcast_in_dim3A_768 : i32 to vector<16xi32>
    %broadcast_in_dim3A_770 = vector.shape_cast %broadcast_in_dim3A_769 : vector<16xi32> to vector<16x1xi32>
    %gather3A_771 = vector.shape_cast %broadcast_in_dim3A_770 : vector<16x1xi32> to vector<16xi32>
    %gather3A_772 = tpu.dynamic_gather %add3A_557[%gather3A_771] in [0] : vector<16xi32>, vector<16xi32> -> vector<16xi32>
    %ge3A_773 = arith.cmpi sge, %mul3A_743, %gather3A_772 : vector<16xi32>
    %jit3A_774 = arith.constant 1 : i32
    %jit3A_775 = arith.constant 0 : i32
    %broadcast_in_dim3A_776 = vector.broadcast %jit3A_774 : i32 to vector<16xi32>
    %broadcast_in_dim3A_777 = vector.broadcast %jit3A_775 : i32 to vector<16xi32>
    %select_n3A_778 = arith.select %ge3A_773, %broadcast_in_dim3A_776, %broadcast_in_dim3A_777 : vector<16xi1>, vector<16xi32>
    %add3A_779 = arith.addi %add3A_767, %select_n3A_778 : vector<16xi32>
    %broadcast_in_dim3A_780 = arith.constant 3 : i32
    %broadcast_in_dim3A_781 = vector.broadcast %broadcast_in_dim3A_780 : i32 to vector<16xi32>
    %broadcast_in_dim3A_782 = vector.shape_cast %broadcast_in_dim3A_781 : vector<16xi32> to vector<16x1xi32>
    %gather3A_783 = vector.shape_cast %broadcast_in_dim3A_782 : vector<16x1xi32> to vector<16xi32>
    %gather3A_784 = tpu.dynamic_gather %add3A_557[%gather3A_783] in [0] : vector<16xi32>, vector<16xi32> -> vector<16xi32>
    %ge3A_785 = arith.cmpi sge, %mul3A_743, %gather3A_784 : vector<16xi32>
    %jit3A_786 = arith.constant 1 : i32
    %jit3A_787 = arith.constant 0 : i32
    %broadcast_in_dim3A_788 = vector.broadcast %jit3A_786 : i32 to vector<16xi32>
    %broadcast_in_dim3A_789 = vector.broadcast %jit3A_787 : i32 to vector<16xi32>
    %select_n3A_790 = arith.select %ge3A_785, %broadcast_in_dim3A_788, %broadcast_in_dim3A_789 : vector<16xi1>, vector<16xi32>
    %add3A_791 = arith.addi %add3A_779, %select_n3A_790 : vector<16xi32>
    %broadcast_in_dim3A_792 = arith.constant 4 : i32
    %broadcast_in_dim3A_793 = vector.broadcast %broadcast_in_dim3A_792 : i32 to vector<16xi32>
    %broadcast_in_dim3A_794 = vector.shape_cast %broadcast_in_dim3A_793 : vector<16xi32> to vector<16x1xi32>
    %gather3A_795 = vector.shape_cast %broadcast_in_dim3A_794 : vector<16x1xi32> to vector<16xi32>
    %gather3A_796 = tpu.dynamic_gather %add3A_557[%gather3A_795] in [0] : vector<16xi32>, vector<16xi32> -> vector<16xi32>
    %ge3A_797 = arith.cmpi sge, %mul3A_743, %gather3A_796 : vector<16xi32>
    %jit3A_798 = arith.constant 1 : i32
    %jit3A_799 = arith.constant 0 : i32
    %broadcast_in_dim3A_800 = vector.broadcast %jit3A_798 : i32 to vector<16xi32>
    %broadcast_in_dim3A_801 = vector.broadcast %jit3A_799 : i32 to vector<16xi32>
    %select_n3A_802 = arith.select %ge3A_797, %broadcast_in_dim3A_800, %broadcast_in_dim3A_801 : vector<16xi1>, vector<16xi32>
    %add3A_803 = arith.addi %add3A_791, %select_n3A_802 : vector<16xi32>
    %broadcast_in_dim3A_804 = arith.constant 5 : i32
    %broadcast_in_dim3A_805 = vector.broadcast %broadcast_in_dim3A_804 : i32 to vector<16xi32>
    %broadcast_in_dim3A_806 = vector.shape_cast %broadcast_in_dim3A_805 : vector<16xi32> to vector<16x1xi32>
    %gather3A_807 = vector.shape_cast %broadcast_in_dim3A_806 : vector<16x1xi32> to vector<16xi32>
    %gather3A_808 = tpu.dynamic_gather %add3A_557[%gather3A_807] in [0] : vector<16xi32>, vector<16xi32> -> vector<16xi32>
    %ge3A_809 = arith.cmpi sge, %mul3A_743, %gather3A_808 : vector<16xi32>
    %jit3A_810 = arith.constant 1 : i32
    %jit3A_811 = arith.constant 0 : i32
    %broadcast_in_dim3A_812 = vector.broadcast %jit3A_810 : i32 to vector<16xi32>
    %broadcast_in_dim3A_813 = vector.broadcast %jit3A_811 : i32 to vector<16xi32>
    %select_n3A_814 = arith.select %ge3A_809, %broadcast_in_dim3A_812, %broadcast_in_dim3A_813 : vector<16xi1>, vector<16xi32>
    %add3A_815 = arith.addi %add3A_803, %select_n3A_814 : vector<16xi32>
    %broadcast_in_dim3A_816 = arith.constant 6 : i32
    %broadcast_in_dim3A_817 = vector.broadcast %broadcast_in_dim3A_816 : i32 to vector<16xi32>
    %broadcast_in_dim3A_818 = vector.shape_cast %broadcast_in_dim3A_817 : vector<16xi32> to vector<16x1xi32>
    %gather3A_819 = vector.shape_cast %broadcast_in_dim3A_818 : vector<16x1xi32> to vector<16xi32>
    %gather3A_820 = tpu.dynamic_gather %add3A_557[%gather3A_819] in [0] : vector<16xi32>, vector<16xi32> -> vector<16xi32>
    %ge3A_821 = arith.cmpi sge, %mul3A_743, %gather3A_820 : vector<16xi32>
    %jit3A_822 = arith.constant 1 : i32
    %jit3A_823 = arith.constant 0 : i32
    %broadcast_in_dim3A_824 = vector.broadcast %jit3A_822 : i32 to vector<16xi32>
    %broadcast_in_dim3A_825 = vector.broadcast %jit3A_823 : i32 to vector<16xi32>
    %select_n3A_826 = arith.select %ge3A_821, %broadcast_in_dim3A_824, %broadcast_in_dim3A_825 : vector<16xi1>, vector<16xi32>
    %add3A_827 = arith.addi %add3A_815, %select_n3A_826 : vector<16xi32>
    %broadcast_in_dim3A_828 = arith.constant 7 : i32
    %broadcast_in_dim3A_829 = vector.broadcast %broadcast_in_dim3A_828 : i32 to vector<16xi32>
    %broadcast_in_dim3A_830 = vector.shape_cast %broadcast_in_dim3A_829 : vector<16xi32> to vector<16x1xi32>
    %gather3A_831 = vector.shape_cast %broadcast_in_dim3A_830 : vector<16x1xi32> to vector<16xi32>
    %gather3A_832 = tpu.dynamic_gather %add3A_557[%gather3A_831] in [0] : vector<16xi32>, vector<16xi32> -> vector<16xi32>
    %ge3A_833 = arith.cmpi sge, %mul3A_743, %gather3A_832 : vector<16xi32>
    %jit3A_834 = arith.constant 1 : i32
    %jit3A_835 = arith.constant 0 : i32
    %broadcast_in_dim3A_836 = vector.broadcast %jit3A_834 : i32 to vector<16xi32>
    %broadcast_in_dim3A_837 = vector.broadcast %jit3A_835 : i32 to vector<16xi32>
    %select_n3A_838 = arith.select %ge3A_833, %broadcast_in_dim3A_836, %broadcast_in_dim3A_837 : vector<16xi1>, vector<16xi32>
    %add3A_839 = arith.addi %add3A_827, %select_n3A_838 : vector<16xi32>
    %min3A_840 = arith.constant 7 : i32
    %min3A_841 = vector.broadcast %min3A_840 : i32 to vector<16xi32>
    %min3A_842 = arith.minsi %add3A_839, %min3A_841 : vector<16xi32>
    %swap3A_843 = arith.constant 32 : index
    %swap3A_844 = tpu.vector_load %arg14[%swap3A_843] {strides = array<i32>} : memref<96xi32, #tpu.memory_space<vmem>>, vector<16xi32>,
    %swap3A_845 = vector.shape_cast %swap3A_844 : vector<16xi32> to vector<16xi32>
    %swap3A_846 = vector.shape_cast %min3A_842 : vector<16xi32> to vector<16xi32>
    tpu.vector_store %arg14[%swap3A_843], %swap3A_846 {strides = array<i32>} : memref<96xi32, #tpu.memory_space<vmem>>, vector<16xi32>,
    %add3A_847 = arith.constant 32 : i32
    %add3A_848 = vector.broadcast %add3A_847 : i32 to vector<16xi32>
    %add3A_849 = arith.addi %iota3A, %add3A_848 : vector<16xi32>
    %mul3A_850 = arith.constant 128 : i32
    %mul3A_851 = vector.broadcast %mul3A_850 : i32 to vector<16xi32>
    %mul3A_852 = arith.muli %add3A_849, %mul3A_851 : vector<16xi32>
    %broadcast_in_dim3A_853 = arith.constant 0 : i32
    %broadcast_in_dim3A_854 = vector.broadcast %broadcast_in_dim3A_853 : i32 to vector<16xi32>
    %broadcast_in_dim3A_855 = vector.shape_cast %broadcast_in_dim3A_854 : vector<16xi32> to vector<16x1xi32>
    %gather3A_856 = vector.shape_cast %broadcast_in_dim3A_855 : vector<16x1xi32> to vector<16xi32>
    %gather3A_857 = tpu.dynamic_gather %add3A_557[%gather3A_856] in [0] : vector<16xi32>, vector<16xi32> -> vector<16xi32>
    %ge3A_858 = arith.cmpi sge, %mul3A_852, %gather3A_857 : vector<16xi32>
    %jit3A_859 = arith.constant 1 : i32
    %jit3A_860 = arith.constant 0 : i32
    %broadcast_in_dim3A_861 = vector.broadcast %jit3A_859 : i32 to vector<16xi32>
    %broadcast_in_dim3A_862 = vector.broadcast %jit3A_860 : i32 to vector<16xi32>
    %select_n3A_863 = arith.select %ge3A_858, %broadcast_in_dim3A_861, %broadcast_in_dim3A_862 : vector<16xi1>, vector<16xi32>
    %add3A_864 = arith.addi %broadcast_in_dim3A_3, %select_n3A_863 : vector<16xi32>
    %broadcast_in_dim3A_865 = arith.constant 1 : i32
    %broadcast_in_dim3A_866 = vector.broadcast %broadcast_in_dim3A_865 : i32 to vector<16xi32>
    %broadcast_in_dim3A_867 = vector.shape_cast %broadcast_in_dim3A_866 : vector<16xi32> to vector<16x1xi32>
    %gather3A_868 = vector.shape_cast %broadcast_in_dim3A_867 : vector<16x1xi32> to vector<16xi32>
    %gather3A_869 = tpu.dynamic_gather %add3A_557[%gather3A_868] in [0] : vector<16xi32>, vector<16xi32> -> vector<16xi32>
    %ge3A_870 = arith.cmpi sge, %mul3A_852, %gather3A_869 : vector<16xi32>
    %jit3A_871 = arith.constant 1 : i32
    %jit3A_872 = arith.constant 0 : i32
    %broadcast_in_dim3A_873 = vector.broadcast %jit3A_871 : i32 to vector<16xi32>
    %broadcast_in_dim3A_874 = vector.broadcast %jit3A_872 : i32 to vector<16xi32>
    %select_n3A_875 = arith.select %ge3A_870, %broadcast_in_dim3A_873, %broadcast_in_dim3A_874 : vector<16xi1>, vector<16xi32>
    %add3A_876 = arith.addi %add3A_864, %select_n3A_875 : vector<16xi32>
    %broadcast_in_dim3A_877 = arith.constant 2 : i32
    %broadcast_in_dim3A_878 = vector.broadcast %broadcast_in_dim3A_877 : i32 to vector<16xi32>
    %broadcast_in_dim3A_879 = vector.shape_cast %broadcast_in_dim3A_878 : vector<16xi32> to vector<16x1xi32>
    %gather3A_880 = vector.shape_cast %broadcast_in_dim3A_879 : vector<16x1xi32> to vector<16xi32>
    %gather3A_881 = tpu.dynamic_gather %add3A_557[%gather3A_880] in [0] : vector<16xi32>, vector<16xi32> -> vector<16xi32>
    %ge3A_882 = arith.cmpi sge, %mul3A_852, %gather3A_881 : vector<16xi32>
    %jit3A_883 = arith.constant 1 : i32
    %jit3A_884 = arith.constant 0 : i32
    %broadcast_in_dim3A_885 = vector.broadcast %jit3A_883 : i32 to vector<16xi32>
    %broadcast_in_dim3A_886 = vector.broadcast %jit3A_884 : i32 to vector<16xi32>
    %select_n3A_887 = arith.select %ge3A_882, %broadcast_in_dim3A_885, %broadcast_in_dim3A_886 : vector<16xi1>, vector<16xi32>
    %add3A_888 = arith.addi %add3A_876, %select_n3A_887 : vector<16xi32>
    %broadcast_in_dim3A_889 = arith.constant 3 : i32
    %broadcast_in_dim3A_890 = vector.broadcast %broadcast_in_dim3A_889 : i32 to vector<16xi32>
    %broadcast_in_dim3A_891 = vector.shape_cast %broadcast_in_dim3A_890 : vector<16xi32> to vector<16x1xi32>
    %gather3A_892 = vector.shape_cast %broadcast_in_dim3A_891 : vector<16x1xi32> to vector<16xi32>
    %gather3A_893 = tpu.dynamic_gather %add3A_557[%gather3A_892] in [0] : vector<16xi32>, vector<16xi32> -> vector<16xi32>
    %ge3A_894 = arith.cmpi sge, %mul3A_852, %gather3A_893 : vector<16xi32>
    %jit3A_895 = arith.constant 1 : i32
    %jit3A_896 = arith.constant 0 : i32
    %broadcast_in_dim3A_897 = vector.broadcast %jit3A_895 : i32 to vector<16xi32>
    %broadcast_in_dim3A_898 = vector.broadcast %jit3A_896 : i32 to vector<16xi32>
    %select_n3A_899 = arith.select %ge3A_894, %broadcast_in_dim3A_897, %broadcast_in_dim3A_898 : vector<16xi1>, vector<16xi32>
    %add3A_900 = arith.addi %add3A_888, %select_n3A_899 : vector<16xi32>
    %broadcast_in_dim3A_901 = arith.constant 4 : i32
    %broadcast_in_dim3A_902 = vector.broadcast %broadcast_in_dim3A_901 : i32 to vector<16xi32>
    %broadcast_in_dim3A_903 = vector.shape_cast %broadcast_in_dim3A_902 : vector<16xi32> to vector<16x1xi32>
    %gather3A_904 = vector.shape_cast %broadcast_in_dim3A_903 : vector<16x1xi32> to vector<16xi32>
    %gather3A_905 = tpu.dynamic_gather %add3A_557[%gather3A_904] in [0] : vector<16xi32>, vector<16xi32> -> vector<16xi32>
    %ge3A_906 = arith.cmpi sge, %mul3A_852, %gather3A_905 : vector<16xi32>
    %jit3A_907 = arith.constant 1 : i32
    %jit3A_908 = arith.constant 0 : i32
    %broadcast_in_dim3A_909 = vector.broadcast %jit3A_907 : i32 to vector<16xi32>
    %broadcast_in_dim3A_910 = vector.broadcast %jit3A_908 : i32 to vector<16xi32>
    %select_n3A_911 = arith.select %ge3A_906, %broadcast_in_dim3A_909, %broadcast_in_dim3A_910 : vector<16xi1>, vector<16xi32>
    %add3A_912 = arith.addi %add3A_900, %select_n3A_911 : vector<16xi32>
    %broadcast_in_dim3A_913 = arith.constant 5 : i32
    %broadcast_in_dim3A_914 = vector.broadcast %broadcast_in_dim3A_913 : i32 to vector<16xi32>
    %broadcast_in_dim3A_915 = vector.shape_cast %broadcast_in_dim3A_914 : vector<16xi32> to vector<16x1xi32>
    %gather3A_916 = vector.shape_cast %broadcast_in_dim3A_915 : vector<16x1xi32> to vector<16xi32>
    %gather3A_917 = tpu.dynamic_gather %add3A_557[%gather3A_916] in [0] : vector<16xi32>, vector<16xi32> -> vector<16xi32>
    %ge3A_918 = arith.cmpi sge, %mul3A_852, %gather3A_917 : vector<16xi32>
    %jit3A_919 = arith.constant 1 : i32
    %jit3A_920 = arith.constant 0 : i32
    %broadcast_in_dim3A_921 = vector.broadcast %jit3A_919 : i32 to vector<16xi32>
    %broadcast_in_dim3A_922 = vector.broadcast %jit3A_920 : i32 to vector<16xi32>
    %select_n3A_923 = arith.select %ge3A_918, %broadcast_in_dim3A_921, %broadcast_in_dim3A_922 : vector<16xi1>, vector<16xi32>
    %add3A_924 = arith.addi %add3A_912, %select_n3A_923 : vector<16xi32>
    %broadcast_in_dim3A_925 = arith.constant 6 : i32
    %broadcast_in_dim3A_926 = vector.broadcast %broadcast_in_dim3A_925 : i32 to vector<16xi32>
    %broadcast_in_dim3A_927 = vector.shape_cast %broadcast_in_dim3A_926 : vector<16xi32> to vector<16x1xi32>
    %gather3A_928 = vector.shape_cast %broadcast_in_dim3A_927 : vector<16x1xi32> to vector<16xi32>
    %gather3A_929 = tpu.dynamic_gather %add3A_557[%gather3A_928] in [0] : vector<16xi32>, vector<16xi32> -> vector<16xi32>
    %ge3A_930 = arith.cmpi sge, %mul3A_852, %gather3A_929 : vector<16xi32>
    %jit3A_931 = arith.constant 1 : i32
    %jit3A_932 = arith.constant 0 : i32
    %broadcast_in_dim3A_933 = vector.broadcast %jit3A_931 : i32 to vector<16xi32>
    %broadcast_in_dim3A_934 = vector.broadcast %jit3A_932 : i32 to vector<16xi32>
    %select_n3A_935 = arith.select %ge3A_930, %broadcast_in_dim3A_933, %broadcast_in_dim3A_934 : vector<16xi1>, vector<16xi32>
    %add3A_936 = arith.addi %add3A_924, %select_n3A_935 : vector<16xi32>
    %broadcast_in_dim3A_937 = arith.constant 7 : i32
    %broadcast_in_dim3A_938 = vector.broadcast %broadcast_in_dim3A_937 : i32 to vector<16xi32>
    %broadcast_in_dim3A_939 = vector.shape_cast %broadcast_in_dim3A_938 : vector<16xi32> to vector<16x1xi32>
    %gather3A_940 = vector.shape_cast %broadcast_in_dim3A_939 : vector<16x1xi32> to vector<16xi32>
    %gather3A_941 = tpu.dynamic_gather %add3A_557[%gather3A_940] in [0] : vector<16xi32>, vector<16xi32> -> vector<16xi32>
    %ge3A_942 = arith.cmpi sge, %mul3A_852, %gather3A_941 : vector<16xi32>
    %jit3A_943 = arith.constant 1 : i32
    %jit3A_944 = arith.constant 0 : i32
    %broadcast_in_dim3A_945 = vector.broadcast %jit3A_943 : i32 to vector<16xi32>
    %broadcast_in_dim3A_946 = vector.broadcast %jit3A_944 : i32 to vector<16xi32>
    %select_n3A_947 = arith.select %ge3A_942, %broadcast_in_dim3A_945, %broadcast_in_dim3A_946 : vector<16xi1>, vector<16xi32>
    %add3A_948 = arith.addi %add3A_936, %select_n3A_947 : vector<16xi32>
    %min3A_949 = arith.constant 7 : i32
    %min3A_950 = vector.broadcast %min3A_949 : i32 to vector<16xi32>
    %min3A_951 = arith.minsi %add3A_948, %min3A_950 : vector<16xi32>
    %swap3A_952 = arith.constant 48 : index
    %swap3A_953 = tpu.vector_load %arg14[%swap3A_952] {strides = array<i32>} : memref<96xi32, #tpu.memory_space<vmem>>, vector<16xi32>,
    %swap3A_954 = vector.shape_cast %swap3A_953 : vector<16xi32> to vector<16xi32>
    %swap3A_955 = vector.shape_cast %min3A_951 : vector<16xi32> to vector<16xi32>
    tpu.vector_store %arg14[%swap3A_952], %swap3A_955 {strides = array<i32>} : memref<96xi32, #tpu.memory_space<vmem>>, vector<16xi32>,
    %add3A_956 = arith.constant 48 : i32
    %add3A_957 = vector.broadcast %add3A_956 : i32 to vector<16xi32>
    %add3A_958 = arith.addi %iota3A, %add3A_957 : vector<16xi32>
    %mul3A_959 = arith.constant 128 : i32
    %mul3A_960 = vector.broadcast %mul3A_959 : i32 to vector<16xi32>
    %mul3A_961 = arith.muli %add3A_958, %mul3A_960 : vector<16xi32>
    %broadcast_in_dim3A_962 = arith.constant 0 : i32
    %broadcast_in_dim3A_963 = vector.broadcast %broadcast_in_dim3A_962 : i32 to vector<16xi32>
    %broadcast_in_dim3A_964 = vector.shape_cast %broadcast_in_dim3A_963 : vector<16xi32> to vector<16x1xi32>
    %gather3A_965 = vector.shape_cast %broadcast_in_dim3A_964 : vector<16x1xi32> to vector<16xi32>
    %gather3A_966 = tpu.dynamic_gather %add3A_557[%gather3A_965] in [0] : vector<16xi32>, vector<16xi32> -> vector<16xi32>
    %ge3A_967 = arith.cmpi sge, %mul3A_961, %gather3A_966 : vector<16xi32>
    %jit3A_968 = arith.constant 1 : i32
    %jit3A_969 = arith.constant 0 : i32
    %broadcast_in_dim3A_970 = vector.broadcast %jit3A_968 : i32 to vector<16xi32>
    %broadcast_in_dim3A_971 = vector.broadcast %jit3A_969 : i32 to vector<16xi32>
    %select_n3A_972 = arith.select %ge3A_967, %broadcast_in_dim3A_970, %broadcast_in_dim3A_971 : vector<16xi1>, vector<16xi32>
    %add3A_973 = arith.addi %broadcast_in_dim3A_3, %select_n3A_972 : vector<16xi32>
    %broadcast_in_dim3A_974 = arith.constant 1 : i32
    %broadcast_in_dim3A_975 = vector.broadcast %broadcast_in_dim3A_974 : i32 to vector<16xi32>
    %broadcast_in_dim3A_976 = vector.shape_cast %broadcast_in_dim3A_975 : vector<16xi32> to vector<16x1xi32>
    %gather3A_977 = vector.shape_cast %broadcast_in_dim3A_976 : vector<16x1xi32> to vector<16xi32>
    %gather3A_978 = tpu.dynamic_gather %add3A_557[%gather3A_977] in [0] : vector<16xi32>, vector<16xi32> -> vector<16xi32>
    %ge3A_979 = arith.cmpi sge, %mul3A_961, %gather3A_978 : vector<16xi32>
    %jit3A_980 = arith.constant 1 : i32
    %jit3A_981 = arith.constant 0 : i32
    %broadcast_in_dim3A_982 = vector.broadcast %jit3A_980 : i32 to vector<16xi32>
    %broadcast_in_dim3A_983 = vector.broadcast %jit3A_981 : i32 to vector<16xi32>
    %select_n3A_984 = arith.select %ge3A_979, %broadcast_in_dim3A_982, %broadcast_in_dim3A_983 : vector<16xi1>, vector<16xi32>
    %add3A_985 = arith.addi %add3A_973, %select_n3A_984 : vector<16xi32>
    %broadcast_in_dim3A_986 = arith.constant 2 : i32
    %broadcast_in_dim3A_987 = vector.broadcast %broadcast_in_dim3A_986 : i32 to vector<16xi32>
    %broadcast_in_dim3A_988 = vector.shape_cast %broadcast_in_dim3A_987 : vector<16xi32> to vector<16x1xi32>
    %gather3A_989 = vector.shape_cast %broadcast_in_dim3A_988 : vector<16x1xi32> to vector<16xi32>
    %gather3A_990 = tpu.dynamic_gather %add3A_557[%gather3A_989] in [0] : vector<16xi32>, vector<16xi32> -> vector<16xi32>
    %ge3A_991 = arith.cmpi sge, %mul3A_961, %gather3A_990 : vector<16xi32>
    %jit3A_992 = arith.constant 1 : i32
    %jit3A_993 = arith.constant 0 : i32
    %broadcast_in_dim3A_994 = vector.broadcast %jit3A_992 : i32 to vector<16xi32>
    %broadcast_in_dim3A_995 = vector.broadcast %jit3A_993 : i32 to vector<16xi32>
    %select_n3A_996 = arith.select %ge3A_991, %broadcast_in_dim3A_994, %broadcast_in_dim3A_995 : vector<16xi1>, vector<16xi32>
    %add3A_997 = arith.addi %add3A_985, %select_n3A_996 : vector<16xi32>
    %broadcast_in_dim3A_998 = arith.constant 3 : i32
    %broadcast_in_dim3A_999 = vector.broadcast %broadcast_in_dim3A_998 : i32 to vector<16xi32>
    %broadcast_in_dim3A_1000 = vector.shape_cast %broadcast_in_dim3A_999 : vector<16xi32> to vector<16x1xi32>
    %gather3A_1001 = vector.shape_cast %broadcast_in_dim3A_1000 : vector<16x1xi32> to vector<16xi32>
    %gather3A_1002 = tpu.dynamic_gather %add3A_557[%gather3A_1001] in [0] : vector<16xi32>, vector<16xi32> -> vector<16xi32>
    %ge3A_1003 = arith.cmpi sge, %mul3A_961, %gather3A_1002 : vector<16xi32>
    %jit3A_1004 = arith.constant 1 : i32
    %jit3A_1005 = arith.constant 0 : i32
    %broadcast_in_dim3A_1006 = vector.broadcast %jit3A_1004 : i32 to vector<16xi32>
    %broadcast_in_dim3A_1007 = vector.broadcast %jit3A_1005 : i32 to vector<16xi32>
    %select_n3A_1008 = arith.select %ge3A_1003, %broadcast_in_dim3A_1006, %broadcast_in_dim3A_1007 : vector<16xi1>, vector<16xi32>
    %add3A_1009 = arith.addi %add3A_997, %select_n3A_1008 : vector<16xi32>
    %broadcast_in_dim3A_1010 = arith.constant 4 : i32
    %broadcast_in_dim3A_1011 = vector.broadcast %broadcast_in_dim3A_1010 : i32 to vector<16xi32>
    %broadcast_in_dim3A_1012 = vector.shape_cast %broadcast_in_dim3A_1011 : vector<16xi32> to vector<16x1xi32>
    %gather3A_1013 = vector.shape_cast %broadcast_in_dim3A_1012 : vector<16x1xi32> to vector<16xi32>
    %gather3A_1014 = tpu.dynamic_gather %add3A_557[%gather3A_1013] in [0] : vector<16xi32>, vector<16xi32> -> vector<16xi32>
    %ge3A_1015 = arith.cmpi sge, %mul3A_961, %gather3A_1014 : vector<16xi32>
    %jit3A_1016 = arith.constant 1 : i32
    %jit3A_1017 = arith.constant 0 : i32
    %broadcast_in_dim3A_1018 = vector.broadcast %jit3A_1016 : i32 to vector<16xi32>
    %broadcast_in_dim3A_1019 = vector.broadcast %jit3A_1017 : i32 to vector<16xi32>
    %select_n3A_1020 = arith.select %ge3A_1015, %broadcast_in_dim3A_1018, %broadcast_in_dim3A_1019 : vector<16xi1>, vector<16xi32>
    %add3A_1021 = arith.addi %add3A_1009, %select_n3A_1020 : vector<16xi32>
    %broadcast_in_dim3A_1022 = arith.constant 5 : i32
    %broadcast_in_dim3A_1023 = vector.broadcast %broadcast_in_dim3A_1022 : i32 to vector<16xi32>
    %broadcast_in_dim3A_1024 = vector.shape_cast %broadcast_in_dim3A_1023 : vector<16xi32> to vector<16x1xi32>
    %gather3A_1025 = vector.shape_cast %broadcast_in_dim3A_1024 : vector<16x1xi32> to vector<16xi32>
    %gather3A_1026 = tpu.dynamic_gather %add3A_557[%gather3A_1025] in [0] : vector<16xi32>, vector<16xi32> -> vector<16xi32>
    %ge3A_1027 = arith.cmpi sge, %mul3A_961, %gather3A_1026 : vector<16xi32>
    %jit3A_1028 = arith.constant 1 : i32
    %jit3A_1029 = arith.constant 0 : i32
    %broadcast_in_dim3A_1030 = vector.broadcast %jit3A_1028 : i32 to vector<16xi32>
    %broadcast_in_dim3A_1031 = vector.broadcast %jit3A_1029 : i32 to vector<16xi32>
    %select_n3A_1032 = arith.select %ge3A_1027, %broadcast_in_dim3A_1030, %broadcast_in_dim3A_1031 : vector<16xi1>, vector<16xi32>
    %add3A_1033 = arith.addi %add3A_1021, %select_n3A_1032 : vector<16xi32>
    %broadcast_in_dim3A_1034 = arith.constant 6 : i32
    %broadcast_in_dim3A_1035 = vector.broadcast %broadcast_in_dim3A_1034 : i32 to vector<16xi32>
    %broadcast_in_dim3A_1036 = vector.shape_cast %broadcast_in_dim3A_1035 : vector<16xi32> to vector<16x1xi32>
    %gather3A_1037 = vector.shape_cast %broadcast_in_dim3A_1036 : vector<16x1xi32> to vector<16xi32>
    %gather3A_1038 = tpu.dynamic_gather %add3A_557[%gather3A_1037] in [0] : vector<16xi32>, vector<16xi32> -> vector<16xi32>
    %ge3A_1039 = arith.cmpi sge, %mul3A_961, %gather3A_1038 : vector<16xi32>
    %jit3A_1040 = arith.constant 1 : i32
    %jit3A_1041 = arith.constant 0 : i32
    %broadcast_in_dim3A_1042 = vector.broadcast %jit3A_1040 : i32 to vector<16xi32>
    %broadcast_in_dim3A_1043 = vector.broadcast %jit3A_1041 : i32 to vector<16xi32>
    %select_n3A_1044 = arith.select %ge3A_1039, %broadcast_in_dim3A_1042, %broadcast_in_dim3A_1043 : vector<16xi1>, vector<16xi32>
    %add3A_1045 = arith.addi %add3A_1033, %select_n3A_1044 : vector<16xi32>
    %broadcast_in_dim3A_1046 = arith.constant 7 : i32
    %broadcast_in_dim3A_1047 = vector.broadcast %broadcast_in_dim3A_1046 : i32 to vector<16xi32>
    %broadcast_in_dim3A_1048 = vector.shape_cast %broadcast_in_dim3A_1047 : vector<16xi32> to vector<16x1xi32>
    %gather3A_1049 = vector.shape_cast %broadcast_in_dim3A_1048 : vector<16x1xi32> to vector<16xi32>
    %gather3A_1050 = tpu.dynamic_gather %add3A_557[%gather3A_1049] in [0] : vector<16xi32>, vector<16xi32> -> vector<16xi32>
    %ge3A_1051 = arith.cmpi sge, %mul3A_961, %gather3A_1050 : vector<16xi32>
    %jit3A_1052 = arith.constant 1 : i32
    %jit3A_1053 = arith.constant 0 : i32
    %broadcast_in_dim3A_1054 = vector.broadcast %jit3A_1052 : i32 to vector<16xi32>
    %broadcast_in_dim3A_1055 = vector.broadcast %jit3A_1053 : i32 to vector<16xi32>
    %select_n3A_1056 = arith.select %ge3A_1051, %broadcast_in_dim3A_1054, %broadcast_in_dim3A_1055 : vector<16xi1>, vector<16xi32>
    %add3A_1057 = arith.addi %add3A_1045, %select_n3A_1056 : vector<16xi32>
    %min3A_1058 = arith.constant 7 : i32
    %min3A_1059 = vector.broadcast %min3A_1058 : i32 to vector<16xi32>
    %min3A_1060 = arith.minsi %add3A_1057, %min3A_1059 : vector<16xi32>
    %swap3A_1061 = arith.constant 64 : index
    %swap3A_1062 = tpu.vector_load %arg14[%swap3A_1061] {strides = array<i32>} : memref<96xi32, #tpu.memory_space<vmem>>, vector<16xi32>,
    %swap3A_1063 = vector.shape_cast %swap3A_1062 : vector<16xi32> to vector<16xi32>
    %swap3A_1064 = vector.shape_cast %min3A_1060 : vector<16xi32> to vector<16xi32>
    tpu.vector_store %arg14[%swap3A_1061], %swap3A_1064 {strides = array<i32>} : memref<96xi32, #tpu.memory_space<vmem>>, vector<16xi32>,
    %add3A_1065 = arith.constant 64 : i32
    %add3A_1066 = vector.broadcast %add3A_1065 : i32 to vector<16xi32>
    %add3A_1067 = arith.addi %iota3A, %add3A_1066 : vector<16xi32>
    %mul3A_1068 = arith.constant 128 : i32
    %mul3A_1069 = vector.broadcast %mul3A_1068 : i32 to vector<16xi32>
    %mul3A_1070 = arith.muli %add3A_1067, %mul3A_1069 : vector<16xi32>
    %broadcast_in_dim3A_1071 = arith.constant 0 : i32
    %broadcast_in_dim3A_1072 = vector.broadcast %broadcast_in_dim3A_1071 : i32 to vector<16xi32>
    %broadcast_in_dim3A_1073 = vector.shape_cast %broadcast_in_dim3A_1072 : vector<16xi32> to vector<16x1xi32>
    %gather3A_1074 = vector.shape_cast %broadcast_in_dim3A_1073 : vector<16x1xi32> to vector<16xi32>
    %gather3A_1075 = tpu.dynamic_gather %add3A_557[%gather3A_1074] in [0] : vector<16xi32>, vector<16xi32> -> vector<16xi32>
    %ge3A_1076 = arith.cmpi sge, %mul3A_1070, %gather3A_1075 : vector<16xi32>
    %jit3A_1077 = arith.constant 1 : i32
    %jit3A_1078 = arith.constant 0 : i32
    %broadcast_in_dim3A_1079 = vector.broadcast %jit3A_1077 : i32 to vector<16xi32>
    %broadcast_in_dim3A_1080 = vector.broadcast %jit3A_1078 : i32 to vector<16xi32>
    %select_n3A_1081 = arith.select %ge3A_1076, %broadcast_in_dim3A_1079, %broadcast_in_dim3A_1080 : vector<16xi1>, vector<16xi32>
    %add3A_1082 = arith.addi %broadcast_in_dim3A_3, %select_n3A_1081 : vector<16xi32>
    %broadcast_in_dim3A_1083 = arith.constant 1 : i32
    %broadcast_in_dim3A_1084 = vector.broadcast %broadcast_in_dim3A_1083 : i32 to vector<16xi32>
    %broadcast_in_dim3A_1085 = vector.shape_cast %broadcast_in_dim3A_1084 : vector<16xi32> to vector<16x1xi32>
    %gather3A_1086 = vector.shape_cast %broadcast_in_dim3A_1085 : vector<16x1xi32> to vector<16xi32>
    %gather3A_1087 = tpu.dynamic_gather %add3A_557[%gather3A_1086] in [0] : vector<16xi32>, vector<16xi32> -> vector<16xi32>
    %ge3A_1088 = arith.cmpi sge, %mul3A_1070, %gather3A_1087 : vector<16xi32>
    %jit3A_1089 = arith.constant 1 : i32
    %jit3A_1090 = arith.constant 0 : i32
    %broadcast_in_dim3A_1091 = vector.broadcast %jit3A_1089 : i32 to vector<16xi32>
    %broadcast_in_dim3A_1092 = vector.broadcast %jit3A_1090 : i32 to vector<16xi32>
    %select_n3A_1093 = arith.select %ge3A_1088, %broadcast_in_dim3A_1091, %broadcast_in_dim3A_1092 : vector<16xi1>, vector<16xi32>
    %add3A_1094 = arith.addi %add3A_1082, %select_n3A_1093 : vector<16xi32>
    %broadcast_in_dim3A_1095 = arith.constant 2 : i32
    %broadcast_in_dim3A_1096 = vector.broadcast %broadcast_in_dim3A_1095 : i32 to vector<16xi32>
    %broadcast_in_dim3A_1097 = vector.shape_cast %broadcast_in_dim3A_1096 : vector<16xi32> to vector<16x1xi32>
    %gather3A_1098 = vector.shape_cast %broadcast_in_dim3A_1097 : vector<16x1xi32> to vector<16xi32>
    %gather3A_1099 = tpu.dynamic_gather %add3A_557[%gather3A_1098] in [0] : vector<16xi32>, vector<16xi32> -> vector<16xi32>
    %ge3A_1100 = arith.cmpi sge, %mul3A_1070, %gather3A_1099 : vector<16xi32>
    %jit3A_1101 = arith.constant 1 : i32
    %jit3A_1102 = arith.constant 0 : i32
    %broadcast_in_dim3A_1103 = vector.broadcast %jit3A_1101 : i32 to vector<16xi32>
    %broadcast_in_dim3A_1104 = vector.broadcast %jit3A_1102 : i32 to vector<16xi32>
    %select_n3A_1105 = arith.select %ge3A_1100, %broadcast_in_dim3A_1103, %broadcast_in_dim3A_1104 : vector<16xi1>, vector<16xi32>
    %add3A_1106 = arith.addi %add3A_1094, %select_n3A_1105 : vector<16xi32>
    %broadcast_in_dim3A_1107 = arith.constant 3 : i32
    %broadcast_in_dim3A_1108 = vector.broadcast %broadcast_in_dim3A_1107 : i32 to vector<16xi32>
    %broadcast_in_dim3A_1109 = vector.shape_cast %broadcast_in_dim3A_1108 : vector<16xi32> to vector<16x1xi32>
    %gather3A_1110 = vector.shape_cast %broadcast_in_dim3A_1109 : vector<16x1xi32> to vector<16xi32>
    %gather3A_1111 = tpu.dynamic_gather %add3A_557[%gather3A_1110] in [0] : vector<16xi32>, vector<16xi32> -> vector<16xi32>
    %ge3A_1112 = arith.cmpi sge, %mul3A_1070, %gather3A_1111 : vector<16xi32>
    %jit3A_1113 = arith.constant 1 : i32
    %jit3A_1114 = arith.constant 0 : i32
    %broadcast_in_dim3A_1115 = vector.broadcast %jit3A_1113 : i32 to vector<16xi32>
    %broadcast_in_dim3A_1116 = vector.broadcast %jit3A_1114 : i32 to vector<16xi32>
    %select_n3A_1117 = arith.select %ge3A_1112, %broadcast_in_dim3A_1115, %broadcast_in_dim3A_1116 : vector<16xi1>, vector<16xi32>
    %add3A_1118 = arith.addi %add3A_1106, %select_n3A_1117 : vector<16xi32>
    %broadcast_in_dim3A_1119 = arith.constant 4 : i32
    %broadcast_in_dim3A_1120 = vector.broadcast %broadcast_in_dim3A_1119 : i32 to vector<16xi32>
    %broadcast_in_dim3A_1121 = vector.shape_cast %broadcast_in_dim3A_1120 : vector<16xi32> to vector<16x1xi32>
    %gather3A_1122 = vector.shape_cast %broadcast_in_dim3A_1121 : vector<16x1xi32> to vector<16xi32>
    %gather3A_1123 = tpu.dynamic_gather %add3A_557[%gather3A_1122] in [0] : vector<16xi32>, vector<16xi32> -> vector<16xi32>
    %ge3A_1124 = arith.cmpi sge, %mul3A_1070, %gather3A_1123 : vector<16xi32>
    %jit3A_1125 = arith.constant 1 : i32
    %jit3A_1126 = arith.constant 0 : i32
    %broadcast_in_dim3A_1127 = vector.broadcast %jit3A_1125 : i32 to vector<16xi32>
    %broadcast_in_dim3A_1128 = vector.broadcast %jit3A_1126 : i32 to vector<16xi32>
    %select_n3A_1129 = arith.select %ge3A_1124, %broadcast_in_dim3A_1127, %broadcast_in_dim3A_1128 : vector<16xi1>, vector<16xi32>
    %add3A_1130 = arith.addi %add3A_1118, %select_n3A_1129 : vector<16xi32>
    %broadcast_in_dim3A_1131 = arith.constant 5 : i32
    %broadcast_in_dim3A_1132 = vector.broadcast %broadcast_in_dim3A_1131 : i32 to vector<16xi32>
    %broadcast_in_dim3A_1133 = vector.shape_cast %broadcast_in_dim3A_1132 : vector<16xi32> to vector<16x1xi32>
    %gather3A_1134 = vector.shape_cast %broadcast_in_dim3A_1133 : vector<16x1xi32> to vector<16xi32>
    %gather3A_1135 = tpu.dynamic_gather %add3A_557[%gather3A_1134] in [0] : vector<16xi32>, vector<16xi32> -> vector<16xi32>
    %ge3A_1136 = arith.cmpi sge, %mul3A_1070, %gather3A_1135 : vector<16xi32>
    %jit3A_1137 = arith.constant 1 : i32
    %jit3A_1138 = arith.constant 0 : i32
    %broadcast_in_dim3A_1139 = vector.broadcast %jit3A_1137 : i32 to vector<16xi32>
    %broadcast_in_dim3A_1140 = vector.broadcast %jit3A_1138 : i32 to vector<16xi32>
    %select_n3A_1141 = arith.select %ge3A_1136, %broadcast_in_dim3A_1139, %broadcast_in_dim3A_1140 : vector<16xi1>, vector<16xi32>
    %add3A_1142 = arith.addi %add3A_1130, %select_n3A_1141 : vector<16xi32>
    %broadcast_in_dim3A_1143 = arith.constant 6 : i32
    %broadcast_in_dim3A_1144 = vector.broadcast %broadcast_in_dim3A_1143 : i32 to vector<16xi32>
    %broadcast_in_dim3A_1145 = vector.shape_cast %broadcast_in_dim3A_1144 : vector<16xi32> to vector<16x1xi32>
    %gather3A_1146 = vector.shape_cast %broadcast_in_dim3A_1145 : vector<16x1xi32> to vector<16xi32>
    %gather3A_1147 = tpu.dynamic_gather %add3A_557[%gather3A_1146] in [0] : vector<16xi32>, vector<16xi32> -> vector<16xi32>
    %ge3A_1148 = arith.cmpi sge, %mul3A_1070, %gather3A_1147 : vector<16xi32>
    %jit3A_1149 = arith.constant 1 : i32
    %jit3A_1150 = arith.constant 0 : i32
    %broadcast_in_dim3A_1151 = vector.broadcast %jit3A_1149 : i32 to vector<16xi32>
    %broadcast_in_dim3A_1152 = vector.broadcast %jit3A_1150 : i32 to vector<16xi32>
    %select_n3A_1153 = arith.select %ge3A_1148, %broadcast_in_dim3A_1151, %broadcast_in_dim3A_1152 : vector<16xi1>, vector<16xi32>
    %add3A_1154 = arith.addi %add3A_1142, %select_n3A_1153 : vector<16xi32>
    %broadcast_in_dim3A_1155 = arith.constant 7 : i32
    %broadcast_in_dim3A_1156 = vector.broadcast %broadcast_in_dim3A_1155 : i32 to vector<16xi32>
    %broadcast_in_dim3A_1157 = vector.shape_cast %broadcast_in_dim3A_1156 : vector<16xi32> to vector<16x1xi32>
    %gather3A_1158 = vector.shape_cast %broadcast_in_dim3A_1157 : vector<16x1xi32> to vector<16xi32>
    %gather3A_1159 = tpu.dynamic_gather %add3A_557[%gather3A_1158] in [0] : vector<16xi32>, vector<16xi32> -> vector<16xi32>
    %ge3A_1160 = arith.cmpi sge, %mul3A_1070, %gather3A_1159 : vector<16xi32>
    %jit3A_1161 = arith.constant 1 : i32
    %jit3A_1162 = arith.constant 0 : i32
    %broadcast_in_dim3A_1163 = vector.broadcast %jit3A_1161 : i32 to vector<16xi32>
    %broadcast_in_dim3A_1164 = vector.broadcast %jit3A_1162 : i32 to vector<16xi32>
    %select_n3A_1165 = arith.select %ge3A_1160, %broadcast_in_dim3A_1163, %broadcast_in_dim3A_1164 : vector<16xi1>, vector<16xi32>
    %add3A_1166 = arith.addi %add3A_1154, %select_n3A_1165 : vector<16xi32>
    %min3A_1167 = arith.constant 7 : i32
    %min3A_1168 = vector.broadcast %min3A_1167 : i32 to vector<16xi32>
    %min3A_1169 = arith.minsi %add3A_1166, %min3A_1168 : vector<16xi32>
    %swap3A_1170 = arith.constant 80 : index
    %swap3A_1171 = tpu.vector_load %arg14[%swap3A_1170] {strides = array<i32>} : memref<96xi32, #tpu.memory_space<vmem>>, vector<16xi32>,
    %swap3A_1172 = vector.shape_cast %swap3A_1171 : vector<16xi32> to vector<16xi32>
    %swap3A_1173 = vector.shape_cast %min3A_1169 : vector<16xi32> to vector<16xi32>
    tpu.vector_store %arg14[%swap3A_1170], %swap3A_1173 {strides = array<i32>} : memref<96xi32, #tpu.memory_space<vmem>>, vector<16xi32>,
    "tpu.region"() ({
      %run_scoped3A = tpu.sem_alloc : memref<!tpu.dma_semaphore, #tpu.memory_space<semaphore_mem>>
      %dma_start3A_1174 = arith.constant 0 : i32
      %dma_start3A_1175 = tpu.memref_slice %arg14[%dma_start3A_1174] : memref<96xi32, #tpu.memory_space<vmem>> -> memref<16xi32, #tpu.memory_space<vmem>>
      %dma_start3A_1176 = arith.constant 0 : i32
      %dma_start3A_1177 = tpu.memref_slice %arg14[%dma_start3A_1176] : memref<96xi32, #tpu.memory_space<vmem>> -> memref<16xi32, #tpu.memory_space<vmem>>
      tpu.enqueue_dma source(%dma_start3A_1177 : memref<16xi32, #tpu.memory_space<vmem>>) target(%arg8 : memref<16xi32, #tpu.memory_space<hbm>>) target_semaphore(%run_scoped3A : memref<!tpu.dma_semaphore, #tpu.memory_space<semaphore_mem>>)
      %dma_wait3A_1178 = arith.constant 0 : i32
      %dma_wait3A_1179 = tpu.memref_slice %arg14[%dma_wait3A_1178] : memref<96xi32, #tpu.memory_space<vmem>> -> memref<16xi32, #tpu.memory_space<vmem>>
      %dma_wait3A_1180 = arith.constant 0 : i32
      %dma_wait3A_1181 = tpu.memref_slice %arg14[%dma_wait3A_1180] : memref<96xi32, #tpu.memory_space<vmem>> -> memref<16xi32, #tpu.memory_space<vmem>>
      tpu.wait_dma2 semaphore(%run_scoped3A : memref<!tpu.dma_semaphore, #tpu.memory_space<semaphore_mem>>) src(%dma_wait3A_1181 : memref<16xi32, #tpu.memory_space<vmem>>) dst(%arg8 : memref<16xi32, #tpu.memory_space<hbm>>)
      tpu.yield
    }) : () -> ()
    "tpu.region"() ({
      %run_scoped3A = tpu.sem_alloc : memref<!tpu.dma_semaphore, #tpu.memory_space<semaphore_mem>>
      %dma_start3A_1174 = arith.constant 16 : i32
      %dma_start3A_1175 = tpu.memref_slice %arg14[%dma_start3A_1174] : memref<96xi32, #tpu.memory_space<vmem>> -> memref<80xi32, #tpu.memory_space<vmem>>
      %dma_start3A_1176 = arith.constant 16 : i32
      %dma_start3A_1177 = tpu.memref_slice %arg14[%dma_start3A_1176] : memref<96xi32, #tpu.memory_space<vmem>> -> memref<80xi32, #tpu.memory_space<vmem>>
      tpu.enqueue_dma source(%dma_start3A_1177 : memref<80xi32, #tpu.memory_space<vmem>>) target(%arg7 : memref<80xi32, #tpu.memory_space<hbm>>) target_semaphore(%run_scoped3A : memref<!tpu.dma_semaphore, #tpu.memory_space<semaphore_mem>>)
      %dma_wait3A_1178 = arith.constant 16 : i32
      %dma_wait3A_1179 = tpu.memref_slice %arg14[%dma_wait3A_1178] : memref<96xi32, #tpu.memory_space<vmem>> -> memref<80xi32, #tpu.memory_space<vmem>>
      %dma_wait3A_1180 = arith.constant 16 : i32
      %dma_wait3A_1181 = tpu.memref_slice %arg14[%dma_wait3A_1180] : memref<96xi32, #tpu.memory_space<vmem>> -> memref<80xi32, #tpu.memory_space<vmem>>
      tpu.wait_dma2 semaphore(%run_scoped3A : memref<!tpu.dma_semaphore, #tpu.memory_space<semaphore_mem>>) src(%dma_wait3A_1181 : memref<80xi32, #tpu.memory_space<vmem>>) dst(%arg7 : memref<80xi32, #tpu.memory_space<hbm>>)
      tpu.yield
    }) : () -> ()
    return
  }
}

#map = affine_map<(d0, d1) -> (0, 0)>
#map1 = affine_map<(d0, d1) -> (0)>
module attributes {stable_mosaic.version = 14 : i64} {
  func.func @_combine_body(%arg0: i32, %arg1: i32, %arg2: memref<9216x1024xf32, #tpu.memory_space<hbm>>, %arg3: memref<8192xi32, #tpu.memory_space<hbm>>, %arg4: memref<4096x1024xf32, #tpu.memory_space<hbm>>, %arg5: memref<256xi32, #tpu.memory_space<vmem>>, %arg6: memref<32x1024xf32, #tpu.memory_space<vmem>>, %arg7: memref<32x1024xf32, #tpu.memory_space<vmem>>, %arg8: memref<16x1024xf32, #tpu.memory_space<vmem>>, %arg9: memref<!tpu.dma_semaphore, #tpu.memory_space<semaphore_mem>>) attributes {dimension_semantics = [#tpu.dimension_semantics<core_parallel>, #tpu.dimension_semantics<subcore_parallel>], iteration_bounds = array<i64: 2, 16>, scalar_prefetch = 0 : i64, scratch_operands = 5 : i64, tpu.core_type = #tpu.core_type<sc_vector_subcore>, window_params = [{transform_indices = #map}, {transform_indices = #map1}, {transform_indices = #map}]} {
    %mul3A = arith.constant 2 : i32
    %mul3A_0 = arith.muli %arg1, %mul3A : i32
    %add3A = arith.addi %mul3A_0, %arg0 : i32
    %mul3A_1 = arith.constant 128 : i32
    %mul3A_2 = arith.muli %add3A, %mul3A_1 : i32
    %mul3A_3 = arith.constant 2 : i32
    %mul3A_4 = arith.muli %mul3A_2, %mul3A_3 : i32
    "tpu.region"() ({
      %run_scoped3A = tpu.sem_alloc : memref<!tpu.dma_semaphore, #tpu.memory_space<semaphore_mem>>
      %dma_start3A_146 = tpu.memref_slice %arg3[%mul3A_4] : memref<8192xi32, #tpu.memory_space<hbm>> -> memref<256xi32, #tpu.memory_space<hbm>>
      %dma_start3A_147 = tpu.memref_slice %arg3[%mul3A_4] : memref<8192xi32, #tpu.memory_space<hbm>> -> memref<256xi32, #tpu.memory_space<hbm>>
      tpu.enqueue_dma source(%dma_start3A_147 : memref<256xi32, #tpu.memory_space<hbm>>) target(%arg5 : memref<256xi32, #tpu.memory_space<vmem>>) target_semaphore(%run_scoped3A : memref<!tpu.dma_semaphore, #tpu.memory_space<semaphore_mem>>)
      %dma_wait3A_148 = tpu.memref_slice %arg3[%mul3A_4] : memref<8192xi32, #tpu.memory_space<hbm>> -> memref<256xi32, #tpu.memory_space<hbm>>
      %dma_wait3A_149 = tpu.memref_slice %arg3[%mul3A_4] : memref<8192xi32, #tpu.memory_space<hbm>> -> memref<256xi32, #tpu.memory_space<hbm>>
      tpu.wait_dma2 semaphore(%run_scoped3A : memref<!tpu.dma_semaphore, #tpu.memory_space<semaphore_mem>>) src(%dma_wait3A_149 : memref<256xi32, #tpu.memory_space<hbm>>) dst(%arg5 : memref<256xi32, #tpu.memory_space<vmem>>)
      tpu.yield
    }) : () -> ()
    %dma_start3A = arith.constant 0 : i32
    %dma_start3A_5 = tpu.memref_slice %arg5[%dma_start3A] : memref<256xi32, #tpu.memory_space<vmem>> -> memref<32xi32, #tpu.memory_space<vmem>>
    %dma_start3A_6 = arith.constant 0 : i32
    %dma_start3A_7 = arith.constant 0 : i32
    %dma_start3A_8 = tpu.memref_slice %arg2[%dma_start3A_6, %dma_start3A_7] : memref<9216x1024xf32, #tpu.memory_space<hbm>> -> memref<9216x1024xf32, #tpu.memory_space<hbm>>
    tpu.enqueue_indirect_dma source(%dma_start3A_8 : memref<9216x1024xf32, #tpu.memory_space<hbm>>) target(%arg6 : memref<32x1024xf32, #tpu.memory_space<vmem>>) offsets(%dma_start3A_5 : memref<32xi32, #tpu.memory_space<vmem>>) semaphore(%arg9 : memref<!tpu.dma_semaphore, #tpu.memory_space<semaphore_mem>>)
    %dma_wait3A = arith.constant 0 : i32
    %dma_wait3A_9 = tpu.memref_slice %arg5[%dma_wait3A] : memref<256xi32, #tpu.memory_space<vmem>> -> memref<32xi32, #tpu.memory_space<vmem>>
    %dma_wait3A_10 = arith.constant 0 : i32
    %dma_wait3A_11 = arith.constant 0 : i32
    %dma_wait3A_12 = tpu.memref_slice %arg2[%dma_wait3A_10, %dma_wait3A_11] : memref<9216x1024xf32, #tpu.memory_space<hbm>> -> memref<9216x1024xf32, #tpu.memory_space<hbm>>
    tpu.wait_indirect_dma semaphore(%arg9 : memref<!tpu.dma_semaphore, #tpu.memory_space<semaphore_mem>>) src(%dma_wait3A_12 : memref<9216x1024xf32, #tpu.memory_space<hbm>>) dst(%arg6 : memref<32x1024xf32, #tpu.memory_space<vmem>>)
    %dma_start3A_13 = arith.constant 32 : i32
    %dma_start3A_14 = tpu.memref_slice %arg5[%dma_start3A_13] : memref<256xi32, #tpu.memory_space<vmem>> -> memref<32xi32, #tpu.memory_space<vmem>>
    %dma_start3A_15 = arith.constant 0 : i32
    %dma_start3A_16 = arith.constant 0 : i32
    %dma_start3A_17 = tpu.memref_slice %arg2[%dma_start3A_15, %dma_start3A_16] : memref<9216x1024xf32, #tpu.memory_space<hbm>> -> memref<9216x1024xf32, #tpu.memory_space<hbm>>
    tpu.enqueue_indirect_dma source(%dma_start3A_17 : memref<9216x1024xf32, #tpu.memory_space<hbm>>) target(%arg7 : memref<32x1024xf32, #tpu.memory_space<vmem>>) offsets(%dma_start3A_14 : memref<32xi32, #tpu.memory_space<vmem>>) semaphore(%arg9 : memref<!tpu.dma_semaphore, #tpu.memory_space<semaphore_mem>>)
    %scan3A = arith.constant 0 : i32
    %scan3A_18 = arith.constant 0 : i32
    %scan3A_19 = arith.constant 1024 : i32
    %scan3A_20 = arith.addi %scan3A_18, %scan3A_19 : i32
    %scan3A_21 = arith.constant 1 : i32
    scf.for %scan3A_146 = %scan3A_18 to %scan3A_20 step %scan3A_21  : i32 {
      %shift_right_logical3A = arith.constant 6 : i32
      %shift_right_logical3A_147 = arith.shrui %scan3A_146, %shift_right_logical3A : i32
      %and3A = arith.constant 63 : i32
      %and3A_148 = arith.andi %scan3A_146, %and3A : i32
      %shift_left3A = arith.constant 4 : i32
      %shift_left3A_149 = arith.shli %and3A_148, %shift_left3A : i32
      %multiple_of3A = tpu.assume_multiple %shift_left3A_149, 16 : i32
      %mul3A_150 = arith.constant 2 : i32
      %mul3A_151 = arith.muli %shift_right_logical3A_147, %mul3A_150 : i32
      %get3A = arith.index_cast %mul3A_151 : i32 to index
      %get3A_152 = arith.index_cast %multiple_of3A : i32 to index
      %get3A_153 = tpu.vector_load %arg6[%get3A, %get3A_152] {strides = array<i32>} : memref<32x1024xf32, #tpu.memory_space<vmem>>, vector<1x16xf32>,
      %get3A_154 = vector.shape_cast %get3A_153 : vector<1x16xf32> to vector<16xf32>
      %mul3A_155 = arith.constant 2 : i32
      %mul3A_156 = arith.muli %shift_right_logical3A_147, %mul3A_155 : i32
      %add3A_157 = arith.constant 1 : i32
      %add3A_158 = arith.addi %mul3A_156, %add3A_157 : i32
      %get3A_159 = arith.index_cast %add3A_158 : i32 to index
      %get3A_160 = arith.index_cast %multiple_of3A : i32 to index
      %get3A_161 = tpu.vector_load %arg6[%get3A_159, %get3A_160] {strides = array<i32>} : memref<32x1024xf32, #tpu.memory_space<vmem>>, vector<1x16xf32>,
      %get3A_162 = vector.shape_cast %get3A_161 : vector<1x16xf32> to vector<16xf32>
      %add3A_163 = arith.addf %get3A_154, %get3A_162 : vector<16xf32>
      %swap3A = arith.index_cast %shift_right_logical3A_147 : i32 to index
      %swap3A_164 = arith.index_cast %multiple_of3A : i32 to index
      %swap3A_165 = tpu.vector_load %arg8[%swap3A, %swap3A_164] {strides = array<i32>} : memref<16x1024xf32, #tpu.memory_space<vmem>>, vector<1x16xf32>,
      %swap3A_166 = vector.shape_cast %swap3A_165 : vector<1x16xf32> to vector<16xf32>
      %swap3A_167 = vector.shape_cast %add3A_163 : vector<16xf32> to vector<1x16xf32>
      tpu.vector_store %arg8[%swap3A, %swap3A_164], %swap3A_167 {strides = array<i32>} : memref<16x1024xf32, #tpu.memory_space<vmem>>, vector<1x16xf32>,
    }
    %scan3A_22 = arith.constant 1024 : i32
    %add3A_23 = arith.constant 0 : i32
    %add3A_24 = arith.addi %mul3A_2, %add3A_23 : i32
    "tpu.region"() ({
      %run_scoped3A = tpu.sem_alloc : memref<!tpu.dma_semaphore, #tpu.memory_space<semaphore_mem>>
      %dma_start3A_146 = arith.constant 0 : i32
      %dma_start3A_147 = tpu.memref_slice %arg4[%add3A_24, %dma_start3A_146] : memref<4096x1024xf32, #tpu.memory_space<hbm>> -> memref<16x1024xf32, #tpu.memory_space<hbm>>
      %dma_start3A_148 = arith.constant 0 : i32
      %dma_start3A_149 = tpu.memref_slice %arg4[%add3A_24, %dma_start3A_148] : memref<4096x1024xf32, #tpu.memory_space<hbm>> -> memref<16x1024xf32, #tpu.memory_space<hbm>>
      tpu.enqueue_dma source(%arg8 : memref<16x1024xf32, #tpu.memory_space<vmem>>) target(%dma_start3A_149 : memref<16x1024xf32, #tpu.memory_space<hbm>>) target_semaphore(%run_scoped3A : memref<!tpu.dma_semaphore, #tpu.memory_space<semaphore_mem>>)
      %dma_wait3A_150 = arith.constant 0 : i32
      %dma_wait3A_151 = tpu.memref_slice %arg4[%add3A_24, %dma_wait3A_150] : memref<4096x1024xf32, #tpu.memory_space<hbm>> -> memref<16x1024xf32, #tpu.memory_space<hbm>>
      %dma_wait3A_152 = arith.constant 0 : i32
      %dma_wait3A_153 = tpu.memref_slice %arg4[%add3A_24, %dma_wait3A_152] : memref<4096x1024xf32, #tpu.memory_space<hbm>> -> memref<16x1024xf32, #tpu.memory_space<hbm>>
      tpu.wait_dma2 semaphore(%run_scoped3A : memref<!tpu.dma_semaphore, #tpu.memory_space<semaphore_mem>>) src(%arg8 : memref<16x1024xf32, #tpu.memory_space<vmem>>) dst(%dma_wait3A_153 : memref<16x1024xf32, #tpu.memory_space<hbm>>)
      tpu.yield
    }) : () -> ()
    %dma_wait3A_25 = arith.constant 32 : i32
    %dma_wait3A_26 = tpu.memref_slice %arg5[%dma_wait3A_25] : memref<256xi32, #tpu.memory_space<vmem>> -> memref<32xi32, #tpu.memory_space<vmem>>
    %dma_wait3A_27 = arith.constant 0 : i32
    %dma_wait3A_28 = arith.constant 0 : i32
    %dma_wait3A_29 = tpu.memref_slice %arg2[%dma_wait3A_27, %dma_wait3A_28] : memref<9216x1024xf32, #tpu.memory_space<hbm>> -> memref<9216x1024xf32, #tpu.memory_space<hbm>>
    tpu.wait_indirect_dma semaphore(%arg9 : memref<!tpu.dma_semaphore, #tpu.memory_space<semaphore_mem>>) src(%dma_wait3A_29 : memref<9216x1024xf32, #tpu.memory_space<hbm>>) dst(%arg7 : memref<32x1024xf32, #tpu.memory_space<vmem>>)
    %dma_start3A_30 = arith.constant 64 : i32
    %dma_start3A_31 = tpu.memref_slice %arg5[%dma_start3A_30] : memref<256xi32, #tpu.memory_space<vmem>> -> memref<32xi32, #tpu.memory_space<vmem>>
    %dma_start3A_32 = arith.constant 0 : i32
    %dma_start3A_33 = arith.constant 0 : i32
    %dma_start3A_34 = tpu.memref_slice %arg2[%dma_start3A_32, %dma_start3A_33] : memref<9216x1024xf32, #tpu.memory_space<hbm>> -> memref<9216x1024xf32, #tpu.memory_space<hbm>>
    tpu.enqueue_indirect_dma source(%dma_start3A_34 : memref<9216x1024xf32, #tpu.memory_space<hbm>>) target(%arg6 : memref<32x1024xf32, #tpu.memory_space<vmem>>) offsets(%dma_start3A_31 : memref<32xi32, #tpu.memory_space<vmem>>) semaphore(%arg9 : memref<!tpu.dma_semaphore, #tpu.memory_space<semaphore_mem>>)
    %scan3A_35 = arith.constant 0 : i32
    %scan3A_36 = arith.constant 0 : i32
    %scan3A_37 = arith.constant 1024 : i32
    %scan3A_38 = arith.addi %scan3A_36, %scan3A_37 : i32
    %scan3A_39 = arith.constant 1 : i32
    scf.for %scan3A_146 = %scan3A_36 to %scan3A_38 step %scan3A_39  : i32 {
      %shift_right_logical3A = arith.constant 6 : i32
      %shift_right_logical3A_147 = arith.shrui %scan3A_146, %shift_right_logical3A : i32
      %and3A = arith.constant 63 : i32
      %and3A_148 = arith.andi %scan3A_146, %and3A : i32
      %shift_left3A = arith.constant 4 : i32
      %shift_left3A_149 = arith.shli %and3A_148, %shift_left3A : i32
      %multiple_of3A = tpu.assume_multiple %shift_left3A_149, 16 : i32
      %mul3A_150 = arith.constant 2 : i32
      %mul3A_151 = arith.muli %shift_right_logical3A_147, %mul3A_150 : i32
      %get3A = arith.index_cast %mul3A_151 : i32 to index
      %get3A_152 = arith.index_cast %multiple_of3A : i32 to index
      %get3A_153 = tpu.vector_load %arg7[%get3A, %get3A_152] {strides = array<i32>} : memref<32x1024xf32, #tpu.memory_space<vmem>>, vector<1x16xf32>,
      %get3A_154 = vector.shape_cast %get3A_153 : vector<1x16xf32> to vector<16xf32>
      %mul3A_155 = arith.constant 2 : i32
      %mul3A_156 = arith.muli %shift_right_logical3A_147, %mul3A_155 : i32
      %add3A_157 = arith.constant 1 : i32
      %add3A_158 = arith.addi %mul3A_156, %add3A_157 : i32
      %get3A_159 = arith.index_cast %add3A_158 : i32 to index
      %get3A_160 = arith.index_cast %multiple_of3A : i32 to index
      %get3A_161 = tpu.vector_load %arg7[%get3A_159, %get3A_160] {strides = array<i32>} : memref<32x1024xf32, #tpu.memory_space<vmem>>, vector<1x16xf32>,
      %get3A_162 = vector.shape_cast %get3A_161 : vector<1x16xf32> to vector<16xf32>
      %add3A_163 = arith.addf %get3A_154, %get3A_162 : vector<16xf32>
      %swap3A = arith.index_cast %shift_right_logical3A_147 : i32 to index
      %swap3A_164 = arith.index_cast %multiple_of3A : i32 to index
      %swap3A_165 = tpu.vector_load %arg8[%swap3A, %swap3A_164] {strides = array<i32>} : memref<16x1024xf32, #tpu.memory_space<vmem>>, vector<1x16xf32>,
      %swap3A_166 = vector.shape_cast %swap3A_165 : vector<1x16xf32> to vector<16xf32>
      %swap3A_167 = vector.shape_cast %add3A_163 : vector<16xf32> to vector<1x16xf32>
      tpu.vector_store %arg8[%swap3A, %swap3A_164], %swap3A_167 {strides = array<i32>} : memref<16x1024xf32, #tpu.memory_space<vmem>>, vector<1x16xf32>,
    }
    %scan3A_40 = arith.constant 1024 : i32
    %add3A_41 = arith.constant 16 : i32
    %add3A_42 = arith.addi %mul3A_2, %add3A_41 : i32
    "tpu.region"() ({
      %run_scoped3A = tpu.sem_alloc : memref<!tpu.dma_semaphore, #tpu.memory_space<semaphore_mem>>
      %dma_start3A_146 = arith.constant 0 : i32
      %dma_start3A_147 = tpu.memref_slice %arg4[%add3A_42, %dma_start3A_146] : memref<4096x1024xf32, #tpu.memory_space<hbm>> -> memref<16x1024xf32, #tpu.memory_space<hbm>>
      %dma_start3A_148 = arith.constant 0 : i32
      %dma_start3A_149 = tpu.memref_slice %arg4[%add3A_42, %dma_start3A_148] : memref<4096x1024xf32, #tpu.memory_space<hbm>> -> memref<16x1024xf32, #tpu.memory_space<hbm>>
      tpu.enqueue_dma source(%arg8 : memref<16x1024xf32, #tpu.memory_space<vmem>>) target(%dma_start3A_149 : memref<16x1024xf32, #tpu.memory_space<hbm>>) target_semaphore(%run_scoped3A : memref<!tpu.dma_semaphore, #tpu.memory_space<semaphore_mem>>)
      %dma_wait3A_150 = arith.constant 0 : i32
      %dma_wait3A_151 = tpu.memref_slice %arg4[%add3A_42, %dma_wait3A_150] : memref<4096x1024xf32, #tpu.memory_space<hbm>> -> memref<16x1024xf32, #tpu.memory_space<hbm>>
      %dma_wait3A_152 = arith.constant 0 : i32
      %dma_wait3A_153 = tpu.memref_slice %arg4[%add3A_42, %dma_wait3A_152] : memref<4096x1024xf32, #tpu.memory_space<hbm>> -> memref<16x1024xf32, #tpu.memory_space<hbm>>
      tpu.wait_dma2 semaphore(%run_scoped3A : memref<!tpu.dma_semaphore, #tpu.memory_space<semaphore_mem>>) src(%arg8 : memref<16x1024xf32, #tpu.memory_space<vmem>>) dst(%dma_wait3A_153 : memref<16x1024xf32, #tpu.memory_space<hbm>>)
      tpu.yield
    }) : () -> ()
    %dma_wait3A_43 = arith.constant 64 : i32
    %dma_wait3A_44 = tpu.memref_slice %arg5[%dma_wait3A_43] : memref<256xi32, #tpu.memory_space<vmem>> -> memref<32xi32, #tpu.memory_space<vmem>>
    %dma_wait3A_45 = arith.constant 0 : i32
    %dma_wait3A_46 = arith.constant 0 : i32
    %dma_wait3A_47 = tpu.memref_slice %arg2[%dma_wait3A_45, %dma_wait3A_46] : memref<9216x1024xf32, #tpu.memory_space<hbm>> -> memref<9216x1024xf32, #tpu.memory_space<hbm>>
    tpu.wait_indirect_dma semaphore(%arg9 : memref<!tpu.dma_semaphore, #tpu.memory_space<semaphore_mem>>) src(%dma_wait3A_47 : memref<9216x1024xf32, #tpu.memory_space<hbm>>) dst(%arg6 : memref<32x1024xf32, #tpu.memory_space<vmem>>)
    %dma_start3A_48 = arith.constant 96 : i32
    %dma_start3A_49 = tpu.memref_slice %arg5[%dma_start3A_48] : memref<256xi32, #tpu.memory_space<vmem>> -> memref<32xi32, #tpu.memory_space<vmem>>
    %dma_start3A_50 = arith.constant 0 : i32
    %dma_start3A_51 = arith.constant 0 : i32
    %dma_start3A_52 = tpu.memref_slice %arg2[%dma_start3A_50, %dma_start3A_51] : memref<9216x1024xf32, #tpu.memory_space<hbm>> -> memref<9216x1024xf32, #tpu.memory_space<hbm>>
    tpu.enqueue_indirect_dma source(%dma_start3A_52 : memref<9216x1024xf32, #tpu.memory_space<hbm>>) target(%arg7 : memref<32x1024xf32, #tpu.memory_space<vmem>>) offsets(%dma_start3A_49 : memref<32xi32, #tpu.memory_space<vmem>>) semaphore(%arg9 : memref<!tpu.dma_semaphore, #tpu.memory_space<semaphore_mem>>)
    %scan3A_53 = arith.constant 0 : i32
    %scan3A_54 = arith.constant 0 : i32
    %scan3A_55 = arith.constant 1024 : i32
    %scan3A_56 = arith.addi %scan3A_54, %scan3A_55 : i32
    %scan3A_57 = arith.constant 1 : i32
    scf.for %scan3A_146 = %scan3A_54 to %scan3A_56 step %scan3A_57  : i32 {
      %shift_right_logical3A = arith.constant 6 : i32
      %shift_right_logical3A_147 = arith.shrui %scan3A_146, %shift_right_logical3A : i32
      %and3A = arith.constant 63 : i32
      %and3A_148 = arith.andi %scan3A_146, %and3A : i32
      %shift_left3A = arith.constant 4 : i32
      %shift_left3A_149 = arith.shli %and3A_148, %shift_left3A : i32
      %multiple_of3A = tpu.assume_multiple %shift_left3A_149, 16 : i32
      %mul3A_150 = arith.constant 2 : i32
      %mul3A_151 = arith.muli %shift_right_logical3A_147, %mul3A_150 : i32
      %get3A = arith.index_cast %mul3A_151 : i32 to index
      %get3A_152 = arith.index_cast %multiple_of3A : i32 to index
      %get3A_153 = tpu.vector_load %arg6[%get3A, %get3A_152] {strides = array<i32>} : memref<32x1024xf32, #tpu.memory_space<vmem>>, vector<1x16xf32>,
      %get3A_154 = vector.shape_cast %get3A_153 : vector<1x16xf32> to vector<16xf32>
      %mul3A_155 = arith.constant 2 : i32
      %mul3A_156 = arith.muli %shift_right_logical3A_147, %mul3A_155 : i32
      %add3A_157 = arith.constant 1 : i32
      %add3A_158 = arith.addi %mul3A_156, %add3A_157 : i32
      %get3A_159 = arith.index_cast %add3A_158 : i32 to index
      %get3A_160 = arith.index_cast %multiple_of3A : i32 to index
      %get3A_161 = tpu.vector_load %arg6[%get3A_159, %get3A_160] {strides = array<i32>} : memref<32x1024xf32, #tpu.memory_space<vmem>>, vector<1x16xf32>,
      %get3A_162 = vector.shape_cast %get3A_161 : vector<1x16xf32> to vector<16xf32>
      %add3A_163 = arith.addf %get3A_154, %get3A_162 : vector<16xf32>
      %swap3A = arith.index_cast %shift_right_logical3A_147 : i32 to index
      %swap3A_164 = arith.index_cast %multiple_of3A : i32 to index
      %swap3A_165 = tpu.vector_load %arg8[%swap3A, %swap3A_164] {strides = array<i32>} : memref<16x1024xf32, #tpu.memory_space<vmem>>, vector<1x16xf32>,
      %swap3A_166 = vector.shape_cast %swap3A_165 : vector<1x16xf32> to vector<16xf32>
      %swap3A_167 = vector.shape_cast %add3A_163 : vector<16xf32> to vector<1x16xf32>
      tpu.vector_store %arg8[%swap3A, %swap3A_164], %swap3A_167 {strides = array<i32>} : memref<16x1024xf32, #tpu.memory_space<vmem>>, vector<1x16xf32>,
    }
    %scan3A_58 = arith.constant 1024 : i32
    %add3A_59 = arith.constant 32 : i32
    %add3A_60 = arith.addi %mul3A_2, %add3A_59 : i32
    "tpu.region"() ({
      %run_scoped3A = tpu.sem_alloc : memref<!tpu.dma_semaphore, #tpu.memory_space<semaphore_mem>>
      %dma_start3A_146 = arith.constant 0 : i32
      %dma_start3A_147 = tpu.memref_slice %arg4[%add3A_60, %dma_start3A_146] : memref<4096x1024xf32, #tpu.memory_space<hbm>> -> memref<16x1024xf32, #tpu.memory_space<hbm>>
      %dma_start3A_148 = arith.constant 0 : i32
      %dma_start3A_149 = tpu.memref_slice %arg4[%add3A_60, %dma_start3A_148] : memref<4096x1024xf32, #tpu.memory_space<hbm>> -> memref<16x1024xf32, #tpu.memory_space<hbm>>
      tpu.enqueue_dma source(%arg8 : memref<16x1024xf32, #tpu.memory_space<vmem>>) target(%dma_start3A_149 : memref<16x1024xf32, #tpu.memory_space<hbm>>) target_semaphore(%run_scoped3A : memref<!tpu.dma_semaphore, #tpu.memory_space<semaphore_mem>>)
      %dma_wait3A_150 = arith.constant 0 : i32
      %dma_wait3A_151 = tpu.memref_slice %arg4[%add3A_60, %dma_wait3A_150] : memref<4096x1024xf32, #tpu.memory_space<hbm>> -> memref<16x1024xf32, #tpu.memory_space<hbm>>
      %dma_wait3A_152 = arith.constant 0 : i32
      %dma_wait3A_153 = tpu.memref_slice %arg4[%add3A_60, %dma_wait3A_152] : memref<4096x1024xf32, #tpu.memory_space<hbm>> -> memref<16x1024xf32, #tpu.memory_space<hbm>>
      tpu.wait_dma2 semaphore(%run_scoped3A : memref<!tpu.dma_semaphore, #tpu.memory_space<semaphore_mem>>) src(%arg8 : memref<16x1024xf32, #tpu.memory_space<vmem>>) dst(%dma_wait3A_153 : memref<16x1024xf32, #tpu.memory_space<hbm>>)
      tpu.yield
    }) : () -> ()
    %dma_wait3A_61 = arith.constant 96 : i32
    %dma_wait3A_62 = tpu.memref_slice %arg5[%dma_wait3A_61] : memref<256xi32, #tpu.memory_space<vmem>> -> memref<32xi32, #tpu.memory_space<vmem>>
    %dma_wait3A_63 = arith.constant 0 : i32
    %dma_wait3A_64 = arith.constant 0 : i32
    %dma_wait3A_65 = tpu.memref_slice %arg2[%dma_wait3A_63, %dma_wait3A_64] : memref<9216x1024xf32, #tpu.memory_space<hbm>> -> memref<9216x1024xf32, #tpu.memory_space<hbm>>
    tpu.wait_indirect_dma semaphore(%arg9 : memref<!tpu.dma_semaphore, #tpu.memory_space<semaphore_mem>>) src(%dma_wait3A_65 : memref<9216x1024xf32, #tpu.memory_space<hbm>>) dst(%arg7 : memref<32x1024xf32, #tpu.memory_space<vmem>>)
    %dma_start3A_66 = arith.constant 128 : i32
    %dma_start3A_67 = tpu.memref_slice %arg5[%dma_start3A_66] : memref<256xi32, #tpu.memory_space<vmem>> -> memref<32xi32, #tpu.memory_space<vmem>>
    %dma_start3A_68 = arith.constant 0 : i32
    %dma_start3A_69 = arith.constant 0 : i32
    %dma_start3A_70 = tpu.memref_slice %arg2[%dma_start3A_68, %dma_start3A_69] : memref<9216x1024xf32, #tpu.memory_space<hbm>> -> memref<9216x1024xf32, #tpu.memory_space<hbm>>
    tpu.enqueue_indirect_dma source(%dma_start3A_70 : memref<9216x1024xf32, #tpu.memory_space<hbm>>) target(%arg6 : memref<32x1024xf32, #tpu.memory_space<vmem>>) offsets(%dma_start3A_67 : memref<32xi32, #tpu.memory_space<vmem>>) semaphore(%arg9 : memref<!tpu.dma_semaphore, #tpu.memory_space<semaphore_mem>>)
    %scan3A_71 = arith.constant 0 : i32
    %scan3A_72 = arith.constant 0 : i32
    %scan3A_73 = arith.constant 1024 : i32
    %scan3A_74 = arith.addi %scan3A_72, %scan3A_73 : i32
    %scan3A_75 = arith.constant 1 : i32
    scf.for %scan3A_146 = %scan3A_72 to %scan3A_74 step %scan3A_75  : i32 {
      %shift_right_logical3A = arith.constant 6 : i32
      %shift_right_logical3A_147 = arith.shrui %scan3A_146, %shift_right_logical3A : i32
      %and3A = arith.constant 63 : i32
      %and3A_148 = arith.andi %scan3A_146, %and3A : i32
      %shift_left3A = arith.constant 4 : i32
      %shift_left3A_149 = arith.shli %and3A_148, %shift_left3A : i32
      %multiple_of3A = tpu.assume_multiple %shift_left3A_149, 16 : i32
      %mul3A_150 = arith.constant 2 : i32
      %mul3A_151 = arith.muli %shift_right_logical3A_147, %mul3A_150 : i32
      %get3A = arith.index_cast %mul3A_151 : i32 to index
      %get3A_152 = arith.index_cast %multiple_of3A : i32 to index
      %get3A_153 = tpu.vector_load %arg7[%get3A, %get3A_152] {strides = array<i32>} : memref<32x1024xf32, #tpu.memory_space<vmem>>, vector<1x16xf32>,
      %get3A_154 = vector.shape_cast %get3A_153 : vector<1x16xf32> to vector<16xf32>
      %mul3A_155 = arith.constant 2 : i32
      %mul3A_156 = arith.muli %shift_right_logical3A_147, %mul3A_155 : i32
      %add3A_157 = arith.constant 1 : i32
      %add3A_158 = arith.addi %mul3A_156, %add3A_157 : i32
      %get3A_159 = arith.index_cast %add3A_158 : i32 to index
      %get3A_160 = arith.index_cast %multiple_of3A : i32 to index
      %get3A_161 = tpu.vector_load %arg7[%get3A_159, %get3A_160] {strides = array<i32>} : memref<32x1024xf32, #tpu.memory_space<vmem>>, vector<1x16xf32>,
      %get3A_162 = vector.shape_cast %get3A_161 : vector<1x16xf32> to vector<16xf32>
      %add3A_163 = arith.addf %get3A_154, %get3A_162 : vector<16xf32>
      %swap3A = arith.index_cast %shift_right_logical3A_147 : i32 to index
      %swap3A_164 = arith.index_cast %multiple_of3A : i32 to index
      %swap3A_165 = tpu.vector_load %arg8[%swap3A, %swap3A_164] {strides = array<i32>} : memref<16x1024xf32, #tpu.memory_space<vmem>>, vector<1x16xf32>,
      %swap3A_166 = vector.shape_cast %swap3A_165 : vector<1x16xf32> to vector<16xf32>
      %swap3A_167 = vector.shape_cast %add3A_163 : vector<16xf32> to vector<1x16xf32>
      tpu.vector_store %arg8[%swap3A, %swap3A_164], %swap3A_167 {strides = array<i32>} : memref<16x1024xf32, #tpu.memory_space<vmem>>, vector<1x16xf32>,
    }
    %scan3A_76 = arith.constant 1024 : i32
    %add3A_77 = arith.constant 48 : i32
    %add3A_78 = arith.addi %mul3A_2, %add3A_77 : i32
    "tpu.region"() ({
      %run_scoped3A = tpu.sem_alloc : memref<!tpu.dma_semaphore, #tpu.memory_space<semaphore_mem>>
      %dma_start3A_146 = arith.constant 0 : i32
      %dma_start3A_147 = tpu.memref_slice %arg4[%add3A_78, %dma_start3A_146] : memref<4096x1024xf32, #tpu.memory_space<hbm>> -> memref<16x1024xf32, #tpu.memory_space<hbm>>
      %dma_start3A_148 = arith.constant 0 : i32
      %dma_start3A_149 = tpu.memref_slice %arg4[%add3A_78, %dma_start3A_148] : memref<4096x1024xf32, #tpu.memory_space<hbm>> -> memref<16x1024xf32, #tpu.memory_space<hbm>>
      tpu.enqueue_dma source(%arg8 : memref<16x1024xf32, #tpu.memory_space<vmem>>) target(%dma_start3A_149 : memref<16x1024xf32, #tpu.memory_space<hbm>>) target_semaphore(%run_scoped3A : memref<!tpu.dma_semaphore, #tpu.memory_space<semaphore_mem>>)
      %dma_wait3A_150 = arith.constant 0 : i32
      %dma_wait3A_151 = tpu.memref_slice %arg4[%add3A_78, %dma_wait3A_150] : memref<4096x1024xf32, #tpu.memory_space<hbm>> -> memref<16x1024xf32, #tpu.memory_space<hbm>>
      %dma_wait3A_152 = arith.constant 0 : i32
      %dma_wait3A_153 = tpu.memref_slice %arg4[%add3A_78, %dma_wait3A_152] : memref<4096x1024xf32, #tpu.memory_space<hbm>> -> memref<16x1024xf32, #tpu.memory_space<hbm>>
      tpu.wait_dma2 semaphore(%run_scoped3A : memref<!tpu.dma_semaphore, #tpu.memory_space<semaphore_mem>>) src(%arg8 : memref<16x1024xf32, #tpu.memory_space<vmem>>) dst(%dma_wait3A_153 : memref<16x1024xf32, #tpu.memory_space<hbm>>)
      tpu.yield
    }) : () -> ()
    %dma_wait3A_79 = arith.constant 128 : i32
    %dma_wait3A_80 = tpu.memref_slice %arg5[%dma_wait3A_79] : memref<256xi32, #tpu.memory_space<vmem>> -> memref<32xi32, #tpu.memory_space<vmem>>
    %dma_wait3A_81 = arith.constant 0 : i32
    %dma_wait3A_82 = arith.constant 0 : i32
    %dma_wait3A_83 = tpu.memref_slice %arg2[%dma_wait3A_81, %dma_wait3A_82] : memref<9216x1024xf32, #tpu.memory_space<hbm>> -> memref<9216x1024xf32, #tpu.memory_space<hbm>>
    tpu.wait_indirect_dma semaphore(%arg9 : memref<!tpu.dma_semaphore, #tpu.memory_space<semaphore_mem>>) src(%dma_wait3A_83 : memref<9216x1024xf32, #tpu.memory_space<hbm>>) dst(%arg6 : memref<32x1024xf32, #tpu.memory_space<vmem>>)
    %dma_start3A_84 = arith.constant 160 : i32
    %dma_start3A_85 = tpu.memref_slice %arg5[%dma_start3A_84] : memref<256xi32, #tpu.memory_space<vmem>> -> memref<32xi32, #tpu.memory_space<vmem>>
    %dma_start3A_86 = arith.constant 0 : i32
    %dma_start3A_87 = arith.constant 0 : i32
    %dma_start3A_88 = tpu.memref_slice %arg2[%dma_start3A_86, %dma_start3A_87] : memref<9216x1024xf32, #tpu.memory_space<hbm>> -> memref<9216x1024xf32, #tpu.memory_space<hbm>>
    tpu.enqueue_indirect_dma source(%dma_start3A_88 : memref<9216x1024xf32, #tpu.memory_space<hbm>>) target(%arg7 : memref<32x1024xf32, #tpu.memory_space<vmem>>) offsets(%dma_start3A_85 : memref<32xi32, #tpu.memory_space<vmem>>) semaphore(%arg9 : memref<!tpu.dma_semaphore, #tpu.memory_space<semaphore_mem>>)
    %scan3A_89 = arith.constant 0 : i32
    %scan3A_90 = arith.constant 0 : i32
    %scan3A_91 = arith.constant 1024 : i32
    %scan3A_92 = arith.addi %scan3A_90, %scan3A_91 : i32
    %scan3A_93 = arith.constant 1 : i32
    scf.for %scan3A_146 = %scan3A_90 to %scan3A_92 step %scan3A_93  : i32 {
      %shift_right_logical3A = arith.constant 6 : i32
      %shift_right_logical3A_147 = arith.shrui %scan3A_146, %shift_right_logical3A : i32
      %and3A = arith.constant 63 : i32
      %and3A_148 = arith.andi %scan3A_146, %and3A : i32
      %shift_left3A = arith.constant 4 : i32
      %shift_left3A_149 = arith.shli %and3A_148, %shift_left3A : i32
      %multiple_of3A = tpu.assume_multiple %shift_left3A_149, 16 : i32
      %mul3A_150 = arith.constant 2 : i32
      %mul3A_151 = arith.muli %shift_right_logical3A_147, %mul3A_150 : i32
      %get3A = arith.index_cast %mul3A_151 : i32 to index
      %get3A_152 = arith.index_cast %multiple_of3A : i32 to index
      %get3A_153 = tpu.vector_load %arg6[%get3A, %get3A_152] {strides = array<i32>} : memref<32x1024xf32, #tpu.memory_space<vmem>>, vector<1x16xf32>,
      %get3A_154 = vector.shape_cast %get3A_153 : vector<1x16xf32> to vector<16xf32>
      %mul3A_155 = arith.constant 2 : i32
      %mul3A_156 = arith.muli %shift_right_logical3A_147, %mul3A_155 : i32
      %add3A_157 = arith.constant 1 : i32
      %add3A_158 = arith.addi %mul3A_156, %add3A_157 : i32
      %get3A_159 = arith.index_cast %add3A_158 : i32 to index
      %get3A_160 = arith.index_cast %multiple_of3A : i32 to index
      %get3A_161 = tpu.vector_load %arg6[%get3A_159, %get3A_160] {strides = array<i32>} : memref<32x1024xf32, #tpu.memory_space<vmem>>, vector<1x16xf32>,
      %get3A_162 = vector.shape_cast %get3A_161 : vector<1x16xf32> to vector<16xf32>
      %add3A_163 = arith.addf %get3A_154, %get3A_162 : vector<16xf32>
      %swap3A = arith.index_cast %shift_right_logical3A_147 : i32 to index
      %swap3A_164 = arith.index_cast %multiple_of3A : i32 to index
      %swap3A_165 = tpu.vector_load %arg8[%swap3A, %swap3A_164] {strides = array<i32>} : memref<16x1024xf32, #tpu.memory_space<vmem>>, vector<1x16xf32>,
      %swap3A_166 = vector.shape_cast %swap3A_165 : vector<1x16xf32> to vector<16xf32>
      %swap3A_167 = vector.shape_cast %add3A_163 : vector<16xf32> to vector<1x16xf32>
      tpu.vector_store %arg8[%swap3A, %swap3A_164], %swap3A_167 {strides = array<i32>} : memref<16x1024xf32, #tpu.memory_space<vmem>>, vector<1x16xf32>,
    }
    %scan3A_94 = arith.constant 1024 : i32
    %add3A_95 = arith.constant 64 : i32
    %add3A_96 = arith.addi %mul3A_2, %add3A_95 : i32
    "tpu.region"() ({
      %run_scoped3A = tpu.sem_alloc : memref<!tpu.dma_semaphore, #tpu.memory_space<semaphore_mem>>
      %dma_start3A_146 = arith.constant 0 : i32
      %dma_start3A_147 = tpu.memref_slice %arg4[%add3A_96, %dma_start3A_146] : memref<4096x1024xf32, #tpu.memory_space<hbm>> -> memref<16x1024xf32, #tpu.memory_space<hbm>>
      %dma_start3A_148 = arith.constant 0 : i32
      %dma_start3A_149 = tpu.memref_slice %arg4[%add3A_96, %dma_start3A_148] : memref<4096x1024xf32, #tpu.memory_space<hbm>> -> memref<16x1024xf32, #tpu.memory_space<hbm>>
      tpu.enqueue_dma source(%arg8 : memref<16x1024xf32, #tpu.memory_space<vmem>>) target(%dma_start3A_149 : memref<16x1024xf32, #tpu.memory_space<hbm>>) target_semaphore(%run_scoped3A : memref<!tpu.dma_semaphore, #tpu.memory_space<semaphore_mem>>)
      %dma_wait3A_150 = arith.constant 0 : i32
      %dma_wait3A_151 = tpu.memref_slice %arg4[%add3A_96, %dma_wait3A_150] : memref<4096x1024xf32, #tpu.memory_space<hbm>> -> memref<16x1024xf32, #tpu.memory_space<hbm>>
      %dma_wait3A_152 = arith.constant 0 : i32
      %dma_wait3A_153 = tpu.memref_slice %arg4[%add3A_96, %dma_wait3A_152] : memref<4096x1024xf32, #tpu.memory_space<hbm>> -> memref<16x1024xf32, #tpu.memory_space<hbm>>
      tpu.wait_dma2 semaphore(%run_scoped3A : memref<!tpu.dma_semaphore, #tpu.memory_space<semaphore_mem>>) src(%arg8 : memref<16x1024xf32, #tpu.memory_space<vmem>>) dst(%dma_wait3A_153 : memref<16x1024xf32, #tpu.memory_space<hbm>>)
      tpu.yield
    }) : () -> ()
    %dma_wait3A_97 = arith.constant 160 : i32
    %dma_wait3A_98 = tpu.memref_slice %arg5[%dma_wait3A_97] : memref<256xi32, #tpu.memory_space<vmem>> -> memref<32xi32, #tpu.memory_space<vmem>>
    %dma_wait3A_99 = arith.constant 0 : i32
    %dma_wait3A_100 = arith.constant 0 : i32
    %dma_wait3A_101 = tpu.memref_slice %arg2[%dma_wait3A_99, %dma_wait3A_100] : memref<9216x1024xf32, #tpu.memory_space<hbm>> -> memref<9216x1024xf32, #tpu.memory_space<hbm>>
    tpu.wait_indirect_dma semaphore(%arg9 : memref<!tpu.dma_semaphore, #tpu.memory_space<semaphore_mem>>) src(%dma_wait3A_101 : memref<9216x1024xf32, #tpu.memory_space<hbm>>) dst(%arg7 : memref<32x1024xf32, #tpu.memory_space<vmem>>)
    %dma_start3A_102 = arith.constant 192 : i32
    %dma_start3A_103 = tpu.memref_slice %arg5[%dma_start3A_102] : memref<256xi32, #tpu.memory_space<vmem>> -> memref<32xi32, #tpu.memory_space<vmem>>
    %dma_start3A_104 = arith.constant 0 : i32
    %dma_start3A_105 = arith.constant 0 : i32
    %dma_start3A_106 = tpu.memref_slice %arg2[%dma_start3A_104, %dma_start3A_105] : memref<9216x1024xf32, #tpu.memory_space<hbm>> -> memref<9216x1024xf32, #tpu.memory_space<hbm>>
    tpu.enqueue_indirect_dma source(%dma_start3A_106 : memref<9216x1024xf32, #tpu.memory_space<hbm>>) target(%arg6 : memref<32x1024xf32, #tpu.memory_space<vmem>>) offsets(%dma_start3A_103 : memref<32xi32, #tpu.memory_space<vmem>>) semaphore(%arg9 : memref<!tpu.dma_semaphore, #tpu.memory_space<semaphore_mem>>)
    %scan3A_107 = arith.constant 0 : i32
    %scan3A_108 = arith.constant 0 : i32
    %scan3A_109 = arith.constant 1024 : i32
    %scan3A_110 = arith.addi %scan3A_108, %scan3A_109 : i32
    %scan3A_111 = arith.constant 1 : i32
    scf.for %scan3A_146 = %scan3A_108 to %scan3A_110 step %scan3A_111  : i32 {
      %shift_right_logical3A = arith.constant 6 : i32
      %shift_right_logical3A_147 = arith.shrui %scan3A_146, %shift_right_logical3A : i32
      %and3A = arith.constant 63 : i32
      %and3A_148 = arith.andi %scan3A_146, %and3A : i32
      %shift_left3A = arith.constant 4 : i32
      %shift_left3A_149 = arith.shli %and3A_148, %shift_left3A : i32
      %multiple_of3A = tpu.assume_multiple %shift_left3A_149, 16 : i32
      %mul3A_150 = arith.constant 2 : i32
      %mul3A_151 = arith.muli %shift_right_logical3A_147, %mul3A_150 : i32
      %get3A = arith.index_cast %mul3A_151 : i32 to index
      %get3A_152 = arith.index_cast %multiple_of3A : i32 to index
      %get3A_153 = tpu.vector_load %arg7[%get3A, %get3A_152] {strides = array<i32>} : memref<32x1024xf32, #tpu.memory_space<vmem>>, vector<1x16xf32>,
      %get3A_154 = vector.shape_cast %get3A_153 : vector<1x16xf32> to vector<16xf32>
      %mul3A_155 = arith.constant 2 : i32
      %mul3A_156 = arith.muli %shift_right_logical3A_147, %mul3A_155 : i32
      %add3A_157 = arith.constant 1 : i32
      %add3A_158 = arith.addi %mul3A_156, %add3A_157 : i32
      %get3A_159 = arith.index_cast %add3A_158 : i32 to index
      %get3A_160 = arith.index_cast %multiple_of3A : i32 to index
      %get3A_161 = tpu.vector_load %arg7[%get3A_159, %get3A_160] {strides = array<i32>} : memref<32x1024xf32, #tpu.memory_space<vmem>>, vector<1x16xf32>,
      %get3A_162 = vector.shape_cast %get3A_161 : vector<1x16xf32> to vector<16xf32>
      %add3A_163 = arith.addf %get3A_154, %get3A_162 : vector<16xf32>
      %swap3A = arith.index_cast %shift_right_logical3A_147 : i32 to index
      %swap3A_164 = arith.index_cast %multiple_of3A : i32 to index
      %swap3A_165 = tpu.vector_load %arg8[%swap3A, %swap3A_164] {strides = array<i32>} : memref<16x1024xf32, #tpu.memory_space<vmem>>, vector<1x16xf32>,
      %swap3A_166 = vector.shape_cast %swap3A_165 : vector<1x16xf32> to vector<16xf32>
      %swap3A_167 = vector.shape_cast %add3A_163 : vector<16xf32> to vector<1x16xf32>
      tpu.vector_store %arg8[%swap3A, %swap3A_164], %swap3A_167 {strides = array<i32>} : memref<16x1024xf32, #tpu.memory_space<vmem>>, vector<1x16xf32>,
    }
    %scan3A_112 = arith.constant 1024 : i32
    %add3A_113 = arith.constant 80 : i32
    %add3A_114 = arith.addi %mul3A_2, %add3A_113 : i32
    "tpu.region"() ({
      %run_scoped3A = tpu.sem_alloc : memref<!tpu.dma_semaphore, #tpu.memory_space<semaphore_mem>>
      %dma_start3A_146 = arith.constant 0 : i32
      %dma_start3A_147 = tpu.memref_slice %arg4[%add3A_114, %dma_start3A_146] : memref<4096x1024xf32, #tpu.memory_space<hbm>> -> memref<16x1024xf32, #tpu.memory_space<hbm>>
      %dma_start3A_148 = arith.constant 0 : i32
      %dma_start3A_149 = tpu.memref_slice %arg4[%add3A_114, %dma_start3A_148] : memref<4096x1024xf32, #tpu.memory_space<hbm>> -> memref<16x1024xf32, #tpu.memory_space<hbm>>
      tpu.enqueue_dma source(%arg8 : memref<16x1024xf32, #tpu.memory_space<vmem>>) target(%dma_start3A_149 : memref<16x1024xf32, #tpu.memory_space<hbm>>) target_semaphore(%run_scoped3A : memref<!tpu.dma_semaphore, #tpu.memory_space<semaphore_mem>>)
      %dma_wait3A_150 = arith.constant 0 : i32
      %dma_wait3A_151 = tpu.memref_slice %arg4[%add3A_114, %dma_wait3A_150] : memref<4096x1024xf32, #tpu.memory_space<hbm>> -> memref<16x1024xf32, #tpu.memory_space<hbm>>
      %dma_wait3A_152 = arith.constant 0 : i32
      %dma_wait3A_153 = tpu.memref_slice %arg4[%add3A_114, %dma_wait3A_152] : memref<4096x1024xf32, #tpu.memory_space<hbm>> -> memref<16x1024xf32, #tpu.memory_space<hbm>>
      tpu.wait_dma2 semaphore(%run_scoped3A : memref<!tpu.dma_semaphore, #tpu.memory_space<semaphore_mem>>) src(%arg8 : memref<16x1024xf32, #tpu.memory_space<vmem>>) dst(%dma_wait3A_153 : memref<16x1024xf32, #tpu.memory_space<hbm>>)
      tpu.yield
    }) : () -> ()
    %dma_wait3A_115 = arith.constant 192 : i32
    %dma_wait3A_116 = tpu.memref_slice %arg5[%dma_wait3A_115] : memref<256xi32, #tpu.memory_space<vmem>> -> memref<32xi32, #tpu.memory_space<vmem>>
    %dma_wait3A_117 = arith.constant 0 : i32
    %dma_wait3A_118 = arith.constant 0 : i32
    %dma_wait3A_119 = tpu.memref_slice %arg2[%dma_wait3A_117, %dma_wait3A_118] : memref<9216x1024xf32, #tpu.memory_space<hbm>> -> memref<9216x1024xf32, #tpu.memory_space<hbm>>
    tpu.wait_indirect_dma semaphore(%arg9 : memref<!tpu.dma_semaphore, #tpu.memory_space<semaphore_mem>>) src(%dma_wait3A_119 : memref<9216x1024xf32, #tpu.memory_space<hbm>>) dst(%arg6 : memref<32x1024xf32, #tpu.memory_space<vmem>>)
    %dma_start3A_120 = arith.constant 224 : i32
    %dma_start3A_121 = tpu.memref_slice %arg5[%dma_start3A_120] : memref<256xi32, #tpu.memory_space<vmem>> -> memref<32xi32, #tpu.memory_space<vmem>>
    %dma_start3A_122 = arith.constant 0 : i32
    %dma_start3A_123 = arith.constant 0 : i32
    %dma_start3A_124 = tpu.memref_slice %arg2[%dma_start3A_122, %dma_start3A_123] : memref<9216x1024xf32, #tpu.memory_space<hbm>> -> memref<9216x1024xf32, #tpu.memory_space<hbm>>
    tpu.enqueue_indirect_dma source(%dma_start3A_124 : memref<9216x1024xf32, #tpu.memory_space<hbm>>) target(%arg7 : memref<32x1024xf32, #tpu.memory_space<vmem>>) offsets(%dma_start3A_121 : memref<32xi32, #tpu.memory_space<vmem>>) semaphore(%arg9 : memref<!tpu.dma_semaphore, #tpu.memory_space<semaphore_mem>>)
    %scan3A_125 = arith.constant 0 : i32
    %scan3A_126 = arith.constant 0 : i32
    %scan3A_127 = arith.constant 1024 : i32
    %scan3A_128 = arith.addi %scan3A_126, %scan3A_127 : i32
    %scan3A_129 = arith.constant 1 : i32
    scf.for %scan3A_146 = %scan3A_126 to %scan3A_128 step %scan3A_129  : i32 {
      %shift_right_logical3A = arith.constant 6 : i32
      %shift_right_logical3A_147 = arith.shrui %scan3A_146, %shift_right_logical3A : i32
      %and3A = arith.constant 63 : i32
      %and3A_148 = arith.andi %scan3A_146, %and3A : i32
      %shift_left3A = arith.constant 4 : i32
      %shift_left3A_149 = arith.shli %and3A_148, %shift_left3A : i32
      %multiple_of3A = tpu.assume_multiple %shift_left3A_149, 16 : i32
      %mul3A_150 = arith.constant 2 : i32
      %mul3A_151 = arith.muli %shift_right_logical3A_147, %mul3A_150 : i32
      %get3A = arith.index_cast %mul3A_151 : i32 to index
      %get3A_152 = arith.index_cast %multiple_of3A : i32 to index
      %get3A_153 = tpu.vector_load %arg6[%get3A, %get3A_152] {strides = array<i32>} : memref<32x1024xf32, #tpu.memory_space<vmem>>, vector<1x16xf32>,
      %get3A_154 = vector.shape_cast %get3A_153 : vector<1x16xf32> to vector<16xf32>
      %mul3A_155 = arith.constant 2 : i32
      %mul3A_156 = arith.muli %shift_right_logical3A_147, %mul3A_155 : i32
      %add3A_157 = arith.constant 1 : i32
      %add3A_158 = arith.addi %mul3A_156, %add3A_157 : i32
      %get3A_159 = arith.index_cast %add3A_158 : i32 to index
      %get3A_160 = arith.index_cast %multiple_of3A : i32 to index
      %get3A_161 = tpu.vector_load %arg6[%get3A_159, %get3A_160] {strides = array<i32>} : memref<32x1024xf32, #tpu.memory_space<vmem>>, vector<1x16xf32>,
      %get3A_162 = vector.shape_cast %get3A_161 : vector<1x16xf32> to vector<16xf32>
      %add3A_163 = arith.addf %get3A_154, %get3A_162 : vector<16xf32>
      %swap3A = arith.index_cast %shift_right_logical3A_147 : i32 to index
      %swap3A_164 = arith.index_cast %multiple_of3A : i32 to index
      %swap3A_165 = tpu.vector_load %arg8[%swap3A, %swap3A_164] {strides = array<i32>} : memref<16x1024xf32, #tpu.memory_space<vmem>>, vector<1x16xf32>,
      %swap3A_166 = vector.shape_cast %swap3A_165 : vector<1x16xf32> to vector<16xf32>
      %swap3A_167 = vector.shape_cast %add3A_163 : vector<16xf32> to vector<1x16xf32>
      tpu.vector_store %arg8[%swap3A, %swap3A_164], %swap3A_167 {strides = array<i32>} : memref<16x1024xf32, #tpu.memory_space<vmem>>, vector<1x16xf32>,
    }
    %scan3A_130 = arith.constant 1024 : i32
    %add3A_131 = arith.constant 96 : i32
    %add3A_132 = arith.addi %mul3A_2, %add3A_131 : i32
    "tpu.region"() ({
      %run_scoped3A = tpu.sem_alloc : memref<!tpu.dma_semaphore, #tpu.memory_space<semaphore_mem>>
      %dma_start3A_146 = arith.constant 0 : i32
      %dma_start3A_147 = tpu.memref_slice %arg4[%add3A_132, %dma_start3A_146] : memref<4096x1024xf32, #tpu.memory_space<hbm>> -> memref<16x1024xf32, #tpu.memory_space<hbm>>
      %dma_start3A_148 = arith.constant 0 : i32
      %dma_start3A_149 = tpu.memref_slice %arg4[%add3A_132, %dma_start3A_148] : memref<4096x1024xf32, #tpu.memory_space<hbm>> -> memref<16x1024xf32, #tpu.memory_space<hbm>>
      tpu.enqueue_dma source(%arg8 : memref<16x1024xf32, #tpu.memory_space<vmem>>) target(%dma_start3A_149 : memref<16x1024xf32, #tpu.memory_space<hbm>>) target_semaphore(%run_scoped3A : memref<!tpu.dma_semaphore, #tpu.memory_space<semaphore_mem>>)
      %dma_wait3A_150 = arith.constant 0 : i32
      %dma_wait3A_151 = tpu.memref_slice %arg4[%add3A_132, %dma_wait3A_150] : memref<4096x1024xf32, #tpu.memory_space<hbm>> -> memref<16x1024xf32, #tpu.memory_space<hbm>>
      %dma_wait3A_152 = arith.constant 0 : i32
      %dma_wait3A_153 = tpu.memref_slice %arg4[%add3A_132, %dma_wait3A_152] : memref<4096x1024xf32, #tpu.memory_space<hbm>> -> memref<16x1024xf32, #tpu.memory_space<hbm>>
      tpu.wait_dma2 semaphore(%run_scoped3A : memref<!tpu.dma_semaphore, #tpu.memory_space<semaphore_mem>>) src(%arg8 : memref<16x1024xf32, #tpu.memory_space<vmem>>) dst(%dma_wait3A_153 : memref<16x1024xf32, #tpu.memory_space<hbm>>)
      tpu.yield
    }) : () -> ()
    %dma_wait3A_133 = arith.constant 224 : i32
    %dma_wait3A_134 = tpu.memref_slice %arg5[%dma_wait3A_133] : memref<256xi32, #tpu.memory_space<vmem>> -> memref<32xi32, #tpu.memory_space<vmem>>
    %dma_wait3A_135 = arith.constant 0 : i32
    %dma_wait3A_136 = arith.constant 0 : i32
    %dma_wait3A_137 = tpu.memref_slice %arg2[%dma_wait3A_135, %dma_wait3A_136] : memref<9216x1024xf32, #tpu.memory_space<hbm>> -> memref<9216x1024xf32, #tpu.memory_space<hbm>>
    tpu.wait_indirect_dma semaphore(%arg9 : memref<!tpu.dma_semaphore, #tpu.memory_space<semaphore_mem>>) src(%dma_wait3A_137 : memref<9216x1024xf32, #tpu.memory_space<hbm>>) dst(%arg7 : memref<32x1024xf32, #tpu.memory_space<vmem>>)
    %scan3A_138 = arith.constant 0 : i32
    %scan3A_139 = arith.constant 0 : i32
    %scan3A_140 = arith.constant 1024 : i32
    %scan3A_141 = arith.addi %scan3A_139, %scan3A_140 : i32
    %scan3A_142 = arith.constant 1 : i32
    scf.for %scan3A_146 = %scan3A_139 to %scan3A_141 step %scan3A_142  : i32 {
      %shift_right_logical3A = arith.constant 6 : i32
      %shift_right_logical3A_147 = arith.shrui %scan3A_146, %shift_right_logical3A : i32
      %and3A = arith.constant 63 : i32
      %and3A_148 = arith.andi %scan3A_146, %and3A : i32
      %shift_left3A = arith.constant 4 : i32
      %shift_left3A_149 = arith.shli %and3A_148, %shift_left3A : i32
      %multiple_of3A = tpu.assume_multiple %shift_left3A_149, 16 : i32
      %mul3A_150 = arith.constant 2 : i32
      %mul3A_151 = arith.muli %shift_right_logical3A_147, %mul3A_150 : i32
      %get3A = arith.index_cast %mul3A_151 : i32 to index
      %get3A_152 = arith.index_cast %multiple_of3A : i32 to index
      %get3A_153 = tpu.vector_load %arg7[%get3A, %get3A_152] {strides = array<i32>} : memref<32x1024xf32, #tpu.memory_space<vmem>>, vector<1x16xf32>,
      %get3A_154 = vector.shape_cast %get3A_153 : vector<1x16xf32> to vector<16xf32>
      %mul3A_155 = arith.constant 2 : i32
      %mul3A_156 = arith.muli %shift_right_logical3A_147, %mul3A_155 : i32
      %add3A_157 = arith.constant 1 : i32
      %add3A_158 = arith.addi %mul3A_156, %add3A_157 : i32
      %get3A_159 = arith.index_cast %add3A_158 : i32 to index
      %get3A_160 = arith.index_cast %multiple_of3A : i32 to index
      %get3A_161 = tpu.vector_load %arg7[%get3A_159, %get3A_160] {strides = array<i32>} : memref<32x1024xf32, #tpu.memory_space<vmem>>, vector<1x16xf32>,
      %get3A_162 = vector.shape_cast %get3A_161 : vector<1x16xf32> to vector<16xf32>
      %add3A_163 = arith.addf %get3A_154, %get3A_162 : vector<16xf32>
      %swap3A = arith.index_cast %shift_right_logical3A_147 : i32 to index
      %swap3A_164 = arith.index_cast %multiple_of3A : i32 to index
      %swap3A_165 = tpu.vector_load %arg8[%swap3A, %swap3A_164] {strides = array<i32>} : memref<16x1024xf32, #tpu.memory_space<vmem>>, vector<1x16xf32>,
      %swap3A_166 = vector.shape_cast %swap3A_165 : vector<1x16xf32> to vector<16xf32>
      %swap3A_167 = vector.shape_cast %add3A_163 : vector<16xf32> to vector<1x16xf32>
      tpu.vector_store %arg8[%swap3A, %swap3A_164], %swap3A_167 {strides = array<i32>} : memref<16x1024xf32, #tpu.memory_space<vmem>>, vector<1x16xf32>,
    }
    %scan3A_143 = arith.constant 1024 : i32
    %add3A_144 = arith.constant 112 : i32
    %add3A_145 = arith.addi %mul3A_2, %add3A_144 : i32
    "tpu.region"() ({
      %run_scoped3A = tpu.sem_alloc : memref<!tpu.dma_semaphore, #tpu.memory_space<semaphore_mem>>
      %dma_start3A_146 = arith.constant 0 : i32
      %dma_start3A_147 = tpu.memref_slice %arg4[%add3A_145, %dma_start3A_146] : memref<4096x1024xf32, #tpu.memory_space<hbm>> -> memref<16x1024xf32, #tpu.memory_space<hbm>>
      %dma_start3A_148 = arith.constant 0 : i32
      %dma_start3A_149 = tpu.memref_slice %arg4[%add3A_145, %dma_start3A_148] : memref<4096x1024xf32, #tpu.memory_space<hbm>> -> memref<16x1024xf32, #tpu.memory_space<hbm>>
      tpu.enqueue_dma source(%arg8 : memref<16x1024xf32, #tpu.memory_space<vmem>>) target(%dma_start3A_149 : memref<16x1024xf32, #tpu.memory_space<hbm>>) target_semaphore(%run_scoped3A : memref<!tpu.dma_semaphore, #tpu.memory_space<semaphore_mem>>)
      %dma_wait3A_150 = arith.constant 0 : i32
      %dma_wait3A_151 = tpu.memref_slice %arg4[%add3A_145, %dma_wait3A_150] : memref<4096x1024xf32, #tpu.memory_space<hbm>> -> memref<16x1024xf32, #tpu.memory_space<hbm>>
      %dma_wait3A_152 = arith.constant 0 : i32
      %dma_wait3A_153 = tpu.memref_slice %arg4[%add3A_145, %dma_wait3A_152] : memref<4096x1024xf32, #tpu.memory_space<hbm>> -> memref<16x1024xf32, #tpu.memory_space<hbm>>
      tpu.wait_dma2 semaphore(%run_scoped3A : memref<!tpu.dma_semaphore, #tpu.memory_space<semaphore_mem>>) src(%arg8 : memref<16x1024xf32, #tpu.memory_space<vmem>>) dst(%dma_wait3A_153 : memref<16x1024xf32, #tpu.memory_space<hbm>>)
      tpu.yield
    }) : () -> ()
    return
  }
}

module attributes {stable_mosaic.version = 14 : i64} {
  func.func @_ffn_body(%arg0: i32, %arg1: memref<72xi32, #tpu.memory_space<smem>>, %arg2: memref<128x1024xbf16, #tpu.memory_space<vmem>>, %arg3: memref<1x1024x2048xbf16, #tpu.memory_space<vmem>>, %arg4: memref<1x1024x2048xbf16, #tpu.memory_space<vmem>>, %arg5: memref<1x2048x1024xbf16, #tpu.memory_space<vmem>>, %arg6: memref<128x1xf32, #tpu.memory_space<vmem>>, %arg7: memref<128x1024xf32, #tpu.memory_space<vmem>>) attributes {dimension_semantics = [#tpu.dimension_semantics<arbitrary>], iteration_bounds = array<i64: 72>, scalar_prefetch = 1 : i64, scratch_operands = 0 : i64, tpu.core_type = #tpu.core_type<tc>, window_params = [{transform_indices = @transform_0, window_bounds = array<i64: 128, 1024>}, {transform_indices = @transform_1, window_bounds = array<i64: 1, 1024, 2048>}, {transform_indices = @transform_2, window_bounds = array<i64: 1, 1024, 2048>}, {transform_indices = @transform_3, window_bounds = array<i64: 1, 2048, 1024>}, {transform_indices = @transform_4, window_bounds = array<i64: 128, 1>}, {transform_indices = @transform_5, window_bounds = array<i64: 128, 1024>}]} {
    %get3A = arith.constant 0 : index
    %get3A_0 = arith.constant 0 : index
    %get3A_1 = vector.load %arg2[%get3A, %get3A_0] : memref<128x1024xbf16, #tpu.memory_space<vmem>>, vector<128x1024xbf16>
    %get3A_2 = arith.constant 0 : index
    %get3A_3 = arith.constant 0 : index
    %get3A_4 = arith.constant 0 : index
    %get3A_5 = vector.load %arg3[%get3A_2, %get3A_3, %get3A_4] : memref<1x1024x2048xbf16, #tpu.memory_space<vmem>>, vector<1x1024x2048xbf16>
    %get3A_6 = vector.shape_cast %get3A_5 : vector<1x1024x2048xbf16> to vector<1024x2048xbf16>
    %dot_general3A = arith.constant dense<0.000000e+00> : vector<128x2048xf32>
    %dot_general3A_7 = tpu.matmul %get3A_1, %get3A_6, %dot_general3A {dimension_numbers = #tpu.dot_dimension_numbers<[1], [0], [0], [1], [0, 0, 1, 1], [], []>, transpose_lhs_hint = false} : vector<128x1024xbf16>, vector<1024x2048xbf16>, vector<128x2048xf32> -> vector<128x2048xf32>
    %get3A_8 = arith.constant 0 : index
    %get3A_9 = arith.constant 0 : index
    %get3A_10 = arith.constant 0 : index
    %get3A_11 = vector.load %arg4[%get3A_8, %get3A_9, %get3A_10] : memref<1x1024x2048xbf16, #tpu.memory_space<vmem>>, vector<1x1024x2048xbf16>
    %get3A_12 = vector.shape_cast %get3A_11 : vector<1x1024x2048xbf16> to vector<1024x2048xbf16>
    %dot_general3A_13 = arith.constant dense<0.000000e+00> : vector<128x2048xf32>
    %dot_general3A_14 = tpu.matmul %get3A_1, %get3A_12, %dot_general3A_13 {dimension_numbers = #tpu.dot_dimension_numbers<[1], [0], [0], [1], [0, 0, 1, 1], [], []>, transpose_lhs_hint = false} : vector<128x1024xbf16>, vector<1024x2048xbf16>, vector<128x2048xf32> -> vector<128x2048xf32>
    %logistic3A = arith.negf %dot_general3A_7 : vector<128x2048xf32>
    %logistic3A_15 = math.exp %logistic3A : vector<128x2048xf32>
    %logistic3A_16 = arith.constant 1.000000e+00 : f32
    %logistic3A_17 = vector.broadcast %logistic3A_16 : f32 to vector<128x2048xf32>
    %logistic3A_18 = arith.addf %logistic3A_17, %logistic3A_15 : vector<128x2048xf32>
    %logistic3A_19 = arith.divf %logistic3A_17, %logistic3A_18 : vector<128x2048xf32>
    %mul3A = arith.mulf %dot_general3A_7, %logistic3A_19 : vector<128x2048xf32>
    %mul3A_20 = arith.mulf %mul3A, %dot_general3A_14 : vector<128x2048xf32>
    %convert_element_type3A = arith.truncf %mul3A_20 : vector<128x2048xf32> to vector<128x2048xbf16>
    %get3A_21 = arith.constant 0 : index
    %get3A_22 = arith.constant 0 : index
    %get3A_23 = arith.constant 0 : index
    %get3A_24 = vector.load %arg5[%get3A_21, %get3A_22, %get3A_23] : memref<1x2048x1024xbf16, #tpu.memory_space<vmem>>, vector<1x2048x1024xbf16>
    %get3A_25 = vector.shape_cast %get3A_24 : vector<1x2048x1024xbf16> to vector<2048x1024xbf16>
    %dot_general3A_26 = arith.constant dense<0.000000e+00> : vector<128x1024xf32>
    %dot_general3A_27 = tpu.matmul %convert_element_type3A, %get3A_25, %dot_general3A_26 {dimension_numbers = #tpu.dot_dimension_numbers<[1], [0], [0], [1], [0, 0, 1, 1], [], []>, transpose_lhs_hint = false} : vector<128x2048xbf16>, vector<2048x1024xbf16>, vector<128x1024xf32> -> vector<128x1024xf32>
    %get3A_28 = arith.constant 0 : index
    %get3A_29 = arith.constant 0 : index
    %get3A_30 = vector.load %arg6[%get3A_28, %get3A_29] : memref<128x1xf32, #tpu.memory_space<vmem>>, vector<128x1xf32>
    %mul3A_31 = vector.broadcast %get3A_30 : vector<128x1xf32> to vector<128x1024xf32>
    %mul3A_32 = arith.mulf %dot_general3A_27, %mul3A_31 : vector<128x1024xf32>
    %swap3A = arith.constant 0 : index
    %swap3A_33 = arith.constant 0 : index
    %swap3A_34 = vector.load %arg7[%swap3A, %swap3A_33] : memref<128x1024xf32, #tpu.memory_space<vmem>>, vector<128x1024xf32>
    tpu.vector_store %arg7[%swap3A, %swap3A_33], %mul3A_32 {strides = array<i32>} : memref<128x1024xf32, #tpu.memory_space<vmem>>, vector<128x1024xf32>,
    return
  }
  func.func @transform_0(%arg0: i32, %arg1: memref<72xi32, #tpu.memory_space<smem>>) -> (i32, i32) {
    %c0_i32 = arith.constant 0 : i32
    %c0_i32_0 = arith.constant 0 : i32
    return %arg0, %c0_i32 : i32, i32
  }
  func.func @transform_1(%arg0: i32, %arg1: memref<72xi32, #tpu.memory_space<smem>>) -> (i32, i32, i32) {
    %get3A = arith.index_cast %arg0 : i32 to index
    %get3A_0 = memref.load %arg1[%get3A] : memref<72xi32, #tpu.memory_space<smem>>
    %c0_i32 = arith.constant 0 : i32
    %c0_i32_1 = arith.constant 0 : i32
    %c0_i32_2 = arith.constant 0 : i32
    return %get3A_0, %c0_i32, %c0_i32_1 : i32, i32, i32
  }
  func.func @transform_2(%arg0: i32, %arg1: memref<72xi32, #tpu.memory_space<smem>>) -> (i32, i32, i32) {
    %get3A = arith.index_cast %arg0 : i32 to index
    %get3A_0 = memref.load %arg1[%get3A] : memref<72xi32, #tpu.memory_space<smem>>
    %c0_i32 = arith.constant 0 : i32
    %c0_i32_1 = arith.constant 0 : i32
    %c0_i32_2 = arith.constant 0 : i32
    return %get3A_0, %c0_i32, %c0_i32_1 : i32, i32, i32
  }
  func.func @transform_3(%arg0: i32, %arg1: memref<72xi32, #tpu.memory_space<smem>>) -> (i32, i32, i32) {
    %get3A = arith.index_cast %arg0 : i32 to index
    %get3A_0 = memref.load %arg1[%get3A] : memref<72xi32, #tpu.memory_space<smem>>
    %c0_i32 = arith.constant 0 : i32
    %c0_i32_1 = arith.constant 0 : i32
    %c0_i32_2 = arith.constant 0 : i32
    return %get3A_0, %c0_i32, %c0_i32_1 : i32, i32, i32
  }
  func.func @transform_4(%arg0: i32, %arg1: memref<72xi32, #tpu.memory_space<smem>>) -> (i32, i32) {
    %c0_i32 = arith.constant 0 : i32
    %c0_i32_0 = arith.constant 0 : i32
    return %arg0, %c0_i32 : i32, i32
  }
  func.func @transform_5(%arg0: i32, %arg1: memref<72xi32, #tpu.memory_space<smem>>) -> (i32, i32) {
    %c0_i32 = arith.constant 0 : i32
    %c0_i32_0 = arith.constant 0 : i32
    return %arg0, %c0_i32 : i32, i32
  }
}

</mosaic_0001>

<sc_bundles>
// kernel: kernel.5.cloned.1.call-start
scs
__scs_entry_jumppad:
0x0: {  	(pc) =	sbr.rel $0x88, $3  }
0x1: {  	(tag) =	ssettag $0x0;
	lr =	simm.s32 $0x1  }
0x2: {  	[smem:$0x3F9B] =	sst lr;
	_ =	strace $0xD0000000  }
0x3: {  	_ = 	snop  }
0x4: {  	_ = 	snop  }
0x5: {  	_ = 	snop  }
0x6: {  	_ = 	snop  }
0x7: {  	_ = 	snop  }
__scs_overlays_trampoline_lowered:
0x8: {  	[smem:$0x3FAA] =	sst s0  }
0x9: {  	[smem:$0x3FAB] =	sst s1  }
0xa: {  	[smem:$0x3FAC] =	sst s2  }
0xb: {  	[smem:$0x3FAD] =	sst s3  }
0xc: {  	[smem:$0x3FAE] =	sst s4  }
0xd: {  	[smem:$0x3FAF] =	sst s5  }
0xe: {  	[smem:$0x3FB0] =	sst s6  }
0xf: {  	[smem:$0x3FB1] =	sst s7  }
0x10: {  	[smem:$0x3FB2] =	sst s8  }
0x11: {  	[smem:$0x3FB3] =	sst s9;
	s0 =	simm.s32 @!p0 $0x0  }
0x12: {  	s1 =	sld [smem:$0x3F99];
	s0 =	simm.s32 @p0 $0x1  }
0x13: {  	[smem:$0x3FB4] =	sst s0;
	s0 =	simm.s32 @!p1 $0x0  }
0x14: {  	s2 =	sld [smem:$0x3F98];
	s0 =	simm.s32 @p1 $0x1  }
0x15: {  	[smem:$0x3FB5] =	sst s0;
	s0 =	simm.s32 @!p2 $0x0  }
0x16: {  	s3 =	sld [smem:$0x3FDB];
	s0 =	simm.s32 @p2 $0x1  }
0x17: {  	s4 =	simm.s32 $0x1BF5;
	[smem:$0x3FB7] =	sst s0  }
0x18: {  	s0 =	sld [smem:$0x3F9A];
	_ =	swait.ge [sflag:s4], $0x0  }
0x19: {  	s7 =	sld [smem:$0x3F9B]  }
0x1a: {  	s8 =	sadd.s32 $0xFFFFE003, lr  }
0x1b: {  	s9 =	sadd.s32 $0xFFFFFEF7, lr;
	s5 =	simm.s32 $0xFFFFFFFF;
	p2 =	slt.u32 s8, $0xFFFFF086  }
0x1c: {  	p1 =	slt.u32 s9, $0xF7A;
	s5 =	simm.s32 @!p2 $0x0  }
0x1d: {  	s5 =	simm.s32 @p1 $0x1;
	p0 =	seq.s32 s7, s2  }
0x1e: {  	s7 =	smul.u32 @!p0 $0xF7A, s2;
	p2 =	seq.s32 @!p0 s5, $0x0  }
0x1f: {  	s9 =	smul.u32 $0xF7A, s1;
	s8 =	simm.s32 @!p0 $0x1BF5;
	p2 =	por !p2, p0  }
0x20: {  	[sflag:s8] =	ssyncset.s32 @!p0 $0xFFFFF086;
	s6 =	sadd.s32 @!p0 s3, s7;
	s7 =	simm.s32 @!p0 $0x108  }
0x21: {  	s3 =	sadd.s32 s3, s9;
	s6 =	sadd.s32 @!p0 $0x88, s6;
	s7 =	simm.s32 @p2 $0x1082  }
0x22: {  	[simem:s7], [sflag:s8] =	dma.local @!p0 [hbm:s6], $0xF7A  }
0x23: {  	s9 =	sor.u32 $0xD0000000, s2;
	s6 =	simm.s32 $0x108;
	_ =	swait.ge @!p0 [sflag:s8], $0x0  }
0x24: {  	s3 =	sadd.s32 $0x88, s3;
	s6 =	simm.s32 @!p1 $0x1082;
	[sflag:s4] =	ssyncset.s32 $0xFFFFF086  }
0x25: {  	[simem:s6], [sflag:s4] =	dma.local [hbm:s3], $0xF7A  }
0x26: {  	[smem:$0x3F9B] =	sst s1;
	(tag) =	ssettag s2;
	_ =	strace s9  }
0x27: {  	s1 =	sld [smem:$0x3FAB]  }
0x28: {  	s2 =	sld [smem:$0x3FAC]  }
0x29: {  	s4 =	sld [smem:$0x3FAE]  }
0x2a: {  	p0 =	seq.s32 s5, $0x0;
	s5 =	sld [smem:$0x3FAF]  }
0x2b: {  	s6 =	sld [smem:$0x3FB0]  }
0x2c: {  	s7 =	sld [smem:$0x3FB1]  }
0x2d: {  	s3 =	simm.s32 $0x108;
	s8 =	sld [smem:$0x3FB2]  }
0x2e: {  	s3 =	simm.s32 @!p0 $0x1082;
	s9 =	sld [smem:$0x3FB3]  }
0x2f: {  	lr =	sadd.s32 s0, s3;
	s0 =	sld [smem:$0x3FAA]  }
0x30: {  	s3 =	sld [smem:$0x3FAD]  }
0x31: {  	[smem:$0x3FB6] =	sst s10  }
0x32: {  	s10 =	sld [smem:$0x3FB4];
	_ =	sdelay $0x3  }
0x33: {  	p0 =	seq.s32 s10, $0x1;
	s10 =	sld [smem:$0x3FB6];
	_ =	sdelay $0x3  }
0x34: {  	[smem:$0x3FB6] =	sst s10  }
0x35: {  	s10 =	sld [smem:$0x3FB5];
	_ =	sdelay $0x3  }
0x36: {  	p1 =	seq.s32 s10, $0x1;
	s10 =	sld [smem:$0x3FB6];
	_ =	sdelay $0x3  }
0x37: {  	[smem:$0x3FB6] =	sst s10  }
0x38: {  	s10 =	sld [smem:$0x3FB7]  }
0x39: {  	_ = 	snop;
	(pc) =	sbr.ind lr, $3  }
0x3a: {  	_ = 	snop  }
0x3b: {  	_ = 	snop  }
0x3c: {  	p2 =	seq.s32 s10, $0x1;
	s10 =	sld [smem:$0x3FB6]  }
0x3d: {  	_ =	shalt  }
0x3e: {  	_ =	shalt  }
0x3f: {  	_ =	shalt  }
0x40: {  	_ =	shalt  }
0x41: {  	_ =	shalt  }
0x42: {  	_ =	shalt  }
0x43: {  	_ =	shalt  }
0x44: {  	_ =	shalt  }
0x45: {  	_ =	shalt  }
0x46: {  	_ =	shalt  }
0x47: {  	_ =	shalt  }
0x48: {  	_ =	shalt  }
0x49: {  	_ =	shalt  }
0x4a: {  	_ =	shalt  }
0x4b: {  	_ =	shalt  }
0x4c: {  	_ =	shalt  }
0x4d: {  	_ =	shalt  }
0x4e: {  	_ =	shalt  }
0x4f: {  	_ =	shalt  }
0x50: {  	_ =	shalt  }
0x51: {  	_ =	shalt  }
0x52: {  	_ =	shalt  }
0x53: {  	_ =	shalt  }
0x54: {  	_ =	shalt  }
0x55: {  	_ =	shalt  }
0x56: {  	_ =	shalt  }
0x57: {  	_ =	shalt  }
0x58: {  	_ =	shalt  }
0x59: {  	_ =	shalt  }
0x5a: {  	_ =	shalt  }
0x5b: {  	_ =	shalt  }
0x5c: {  	_ =	shalt  }
0x5d: {  	_ =	shalt  }
0x5e: {  	_ =	shalt  }
0x5f: {  	_ =	shalt  }
0x60: {  	_ =	shalt  }
0x61: {  	_ =	shalt  }
0x62: {  	_ =	shalt  }
0x63: {  	_ =	shalt  }
0x64: {  	_ =	shalt  }
0x65: {  	_ =	shalt  }
0x66: {  	_ =	shalt  }
0x67: {  	_ =	shalt  }
0x68: {  	_ =	shalt  }
0x69: {  	_ =	shalt  }
0x6a: {  	_ =	shalt  }
0x6b: {  	_ =	shalt  }
0x6c: {  	_ =	shalt  }
0x6d: {  	_ =	shalt  }
0x6e: {  	_ =	shalt  }
0x6f: {  	_ =	shalt  }
0x70: {  	_ =	shalt  }
0x71: {  	_ =	shalt  }
0x72: {  	_ =	shalt  }
0x73: {  	_ =	shalt  }
0x74: {  	_ =	shalt  }
0x75: {  	_ =	shalt  }
0x76: {  	_ =	shalt  }
0x77: {  	_ =	shalt  }
0x78: {  	_ =	shalt  }
0x79: {  	_ =	shalt  }
0x7a: {  	_ =	shalt  }
0x7b: {  	_ =	shalt  }
0x7c: {  	_ =	shalt  }
0x7d: {  	_ =	shalt  }
0x7e: {  	_ =	shalt  }
0x7f: {  	_ =	shalt  }
0x80: {  	_ =	shalt  }
0x81: {  	_ =	shalt  }
0x82: {  	_ =	shalt  }
0x83: {  	_ =	shalt  }
0x84: {  	_ =	shalt  }
0x85: {  	_ =	shalt  }
0x86: {  	_ =	shalt  }
0x87: {  	_ =	shalt  }
.Lfunc_end0:
.L_simem_size_0:
called_computation_lowered:
.L_overlay_start_0:
0x88: {  	s2 =	sld [smem:$0x3FD9]  }
0x89: {  	s3 =	sld [smem:$0x3FFE];
	_ =	sdelay $0x1  }
0x8a: {  	s1 =	srdreg.scid  }
0x8b: {  	s0 =	sand.u32 $0x1, s1  }
0x8c: {  	s17 =	sshll.u32 s0, $0xA;
	s2 =	sadd.s32 s3, s2  }
0x8d: {  	s2 =	sadd.s32 s2, s17  }
0x8e: {  	[smem:$0x3FC2] =	sst s2  }
0x8f: {  	_ = 	snop  }
0x90: {  	s2 =	sld [smem:$0x3FD0];
	(tm) =	ssettm $0x1  }
0x91: {  	s18 =	sld [smem:$0x3FFB];
	_ =	sdelay $0x3  }
0x92: {  	_ =	strace s18  }
0x93: {  	s3 =	sld [smem:$0x3FFC];
	_ =	sdelay $0x3  }
0x94: {  	_ =	strace s3  }
0x95: {  	s3 =	sld [smem:$0x3FFD];
	_ =	sdelay $0x3  }
0x96: {  	_ =	strace s3  }
0x97: {  	_ =	strace $0x8FFFFFFF  }
0x98: {  	s19 =	sld [smem:$0x3FDB];
	_ =	sdelay $0x1  }
0x99: {  	s4 =	simm.s32 $_scs_section_size  }
0x9a: {  	s5 =	simm.s32 $_size__tile_overlayer_lowered;
	s6 =	simm.s32 $_tile_overlayer_lowered  }
0x9b: {  	s22 =	simm.s32 $0x1BFF;
	s21 =	sshll.u32 s6, $0x1;
	s3 =	sadd.s32 s4, s19  }
0x9c: {  	s7 =	simm.s32 $0x0;
	s20 =	sshll.u32 s5, $0x1;
	s5 =	sadd.s32 s21, s3  }
0x9d: {  	[timem:s7], [sflag:s22] =	dma.local [hbm:s5], s20  }
0x9e: {  	_ =	swait.ge [sflag:s22], s20  }
0x9f: {  	s4 =	ssub.s32 $0x0, s20;
	[sflag:s22] =	ssyncset.done $0x0  }
0xa0: {  	[sflag:s22] =	ssyncadd.s32 s4;
	_ =	sdelay $0x1  }
0xa1: {  	s23 =	simm.s32 $0x1B8B  }
0xa2: {  	_ =	swait.ge [sflag:s23], $0x1  }
0xa3: {  	[sflag:s23] =	ssyncset.done $0x0  }
0xa4: {  	s25 =	simm.s32 $0x1B8E;
	s24 =	sld [smem:$0x3FFE];
	[sflag:s23] =	ssyncadd.s32 $0xFFFFFFFF  }
0xa5: {  	s26 =	simm.s32 $execute0_lowered;
	[smem:$0x3FD2] =	sst s25  }
0xa6: {  	s5 =	sshll.u32 s26, $0x1;
	_ =	strace $0x80000046;
	[dreg:$0x1] =	wrdreg $0xFFFFFFFF  }
0xa7: {  	s28 =	simm.s32 $_size_execute0_lowered;
	s3 =	sadd.s32 s3, s5;
	[dreg:$0x0] =	wrdreg $0x0  }
0xa8: {  	s5 =	sshll.u32 s28, $0x1;
	[dreg:$0x2] =	wrdreg s3  }
0xa9: {  	[dreg:$0x3] =	wrdreg s5  }
0xaa: {  	[dreg:$0x4] =	wrdreg $0xC0  }
0xab: {  	_ =	task [dreg:s7], $0x5FFFF  }
0xac: {  	[dreg:$0x1] =	wrdreg $0xFFFFFFFF  }
0xad: {  	[dreg:$0x0] =	wrdreg $0x60  }
0xae: {  	[dreg:$0x2] =	wrdreg s24  }
0xaf: {  	[dreg:$0x3] =	wrdreg s2  }
0xb0: {  	[dreg:$0x4] =	wrdreg $0x9  }
0xb1: {  	_ =	task.clear_ibuf [dreg:s7], $0x5FFFF;
	_ =	strace $0x90000046  }
0xb2: {  	s29 =	simm.s32 $0x9;
	_ =	strace $0x80000048  }
0xb3: {  	_ =	swait.ge [sflag:s29], $0x1  }
0xb4: {  	[sflag:s29] =	ssyncadd.s32 $0xFFFFFFFF  }
0xb5: {  	_ =	strace $0x90000048  }
0xb6: {  	_ =	sfence  }
0xb7: {  	s30 =	sld [smem:$0x0];
	_ =	sdelay $0x2  }
0xb8: {  	s31 =	sshll.u32 s1, $0xD;
	s1 =	sshrl.u32 s1, $0x2  }
0xb9: {  	s3 =	sand.u32 $0x4000, s31;
	s1 =	sadd.s32 s1, s30  }
0xba: {  	s0 =	sor.u32 s3, s0;
	s1 =	sshll.u32 s1, $0x11  }
0xbb: {  	s0 =	sor.u32 s1, s0  }
0xbc: {  	s0 =	sadd.s32 $0x8F2B, s0  }
0xbd: {  	[sflag:s0] =	ssyncadd.remote.s32 $0x1  }
0xbe: {  	_ =	sfence.sel $0xFFFF  }
0xbf: {  	[dreg:$0x0] =	wrdreg $0xFFFFFFFF;
	(pc) =	sbr.abs _section_cstart, $3  }
0xc0: {  	[dreg:$0x1] =	wrdreg $0xFFFFFFFF  }
0xc1: {  	_ =	task.clear_ibuf [dreg:s7], $0x2FFFF;
	_ =	strace $0x9FFFFFFF  }
0xc2: {  	(tm) =	ssettm $0x7FFFFFFF  }
0xc3: {  	_ =	shalt  }
tec
execute0_lowered:
.L_overlay_start_1:
0x0: {  	(tag) =	ssettag $0x1  }
0x1: {  	v0 =	vimm.s32 $0xEFCDAB89;
	v1 =	vimm.s32 $0x67452301  }
0x2: {  	v2 =	vimm.s32 $0xDCFE98BA;
	v3 =	vimm.s32 $0x54761032;
	v4 =	vimm.s32 $0xBA98FEDC  }
0x3: {  	v5 =	vimm.s32 $0x32107654;
	v6 =	vimm.s32 $0xFEDCBA98;
	v7 =	vimm.s32 $0x76543210  }
0x4: {  	vm9 =	vmmov $0x1;
	vm0 =	vmmov $0x3;
	vm11 =	vmmov $0x7  }
0x5: {  	vm12 =	vmmov $0xf;
	vm13 =	vmmov $0x1f;
	vm15 =	vmmov $0x3f  }
0x6: {  	vm8 =	vcmask $0x1B20;
	vm10 =	vmmov $0x7f;
	vm1 =	vmmov $0xff  }
0x7: {  	v8 =	vimm.s32 $0xBA987654;
	v9 =	vimm.s32 $0xE40000;
	v12 =	vimm.s32 $0x43210000  }
0x8: {  	v13 =	vimm.s32 $0x39000;
	vm5 =	vcmask $0x3F30;
	v2 =	vunpack.c.l.s4.s8 v2  }
0x9: {  	v3 =	vunpack.c.l.s4.s8 v3;
	v4 =	vunpack.c.l.s4.s8 v4;
	v5 =	vunpack.c.l.s4.s8 v5  }
0xa: {  	v6 =	vunpack.c.l.s4.s8 v6;
	v7 =	vunpack.c.l.s4.s8 v7;
	v2 =	vunpack.c.0.s8.s32 v2  }
0xb: {  	v3 =	vunpack.c.0.s8.s32 v3;
	v4 =	vunpack.c.0.s8.s32 v4;
	v5 =	vunpack.c.0.s8.s32 v5  }
0xc: {  	v14 =	vimm.s32 $0xA9876540;
	v15 =	vimm.s32 $0x390000;
	v6 =	vunpack.c.0.s8.s32 v6  }
0xd: {  	v2 =	vcombine.low v3, v2;
	v3 =	vcombine.low v5, v4;
	v4 =	vunpack.c.0.s8.s32 v7  }
0xe: {  	v16 =	vimm.s32 $0x98765400;
	vm4 =	vcmask $0x3F24;
	v5 =	vand.u32 $0xF, v6  }
0xf: {  	v19 =	vimm.s32 $0x39000000;
	v4 =	vcombine.low v5, v4;
	v5 =	vimm.s32 $0x0  }
0x10: {  	vm2 =	vmmov $0x1ff;
	v22 =	vimm.s32 $0x3;
	v5 =	vsel vm0, $0xFFFFFFFF, v5  }
0x11: {  	v23 =	vimm.s32 $0x4;
	v24 =	vimm.s32 $0x5;
	[tilespmem:$0x1FFC0] =	vst v5;
	v5 =	vimm.s32 $0xEDCBA987  }
0x12: {  	v25 =	vimm.s32 $0x6;
	v6 =	vimm.s32 $0x65432100;
	v5 =	vunpack.c.l.s4.s8 v5  }
0x13: {  	v26 =	vimm.s32 $0x7;
	v27 =	vimm.s32 $0x0;
	v6 =	vunpack.c.l.s4.s8 v6  }
0x14: {  	v0 =	vunpack.c.l.s4.s8 v0;
	v1 =	vunpack.c.l.s4.s8 v1;
	v5 =	vunpack.c.0.s8.s32 v5  }
0x15: {  	v8 =	vunpack.c.l.s4.s8 v8;
	v9 =	vunpack.c.l.s2.s4 v9;
	v6 =	vunpack.c.0.s8.s32 v6  }
0x16: {  	v12 =	vunpack.c.l.s4.s8 v12;
	v13 =	vunpack.c.l.s2.s4 v13;
	v5 =	vand.u32 $0xF, v5  }
0x17: {  	v14 =	vunpack.c.l.s4.s8 v14;
	v5 =	vcombine.low v6, v5;
	v6 =	vimm.s32 $0xDCBA9876  }
0x18: {  	v15 =	vunpack.c.l.s2.s4 v15;
	v7 =	vimm.s32 $0x54321000;
	v6 =	vunpack.c.l.s4.s8 v6  }
0x19: {  	v16 =	vunpack.c.l.s4.s8 v16;
	v27 =	vsel vm9, $0xFFFFFFFF, v27;
	v7 =	vunpack.c.l.s4.s8 v7  }
0x1a: {  	v9 =	vunpack.c.l.s4.s8 v9;
	v10 =	vunpack.c.0.s8.s32 v6;
	v6 =	vimm.s32 $0x32100000  }
0x1b: {  	v0 =	vunpack.c.0.s8.s32 v0;
	v7 =	vunpack.c.0.s8.s32 v7;
	v11 =	vunpack.c.l.s4.s8 v6  }
0x1c: {  	v1 =	vunpack.c.0.s8.s32 v1;
	v9 =	vunpack.c.0.s8.s32 v9;
	v10 =	vand.u32 $0xF, v10  }
0x1d: {  	v7 =	vcombine.low v7, v10;
	v10 =	vunpack.c.0.s8.s32 v11;
	v11 =	vimm.s32 $0x7060504  }
0x1e: {  	v8 =	vunpack.c.0.s8.s32 v8;
	v12 =	vunpack.c.0.s8.s32 v12;
	v11 =	vunpack.c.0.s8.s32 v11  }
0x1f: {  	v14 =	vunpack.c.0.s8.s32 v14;
	v1 =	vcombine.low v1, v0;
	v9 =	vand.u32 $0x3, v9  }
0x20: {  	v9 =	vsel vm5, v11, v9;
	v11 =	vunpack.c.l.s4.s8 v13;
	v13 =	vimm.s32 $0xE4000  }
0x21: {  	v15 =	vunpack.c.l.s4.s8 v15;
	v8 =	vand.u32 $0xF, v8;
	v13 =	vunpack.c.l.s2.s4 v13  }
0x22: {  	v0 =	vimm.s32 $0x0;
	v1 =	vand.u32 $0xF, v1;
	v8 =	vcombine.low v10, v8  }
0x23: {  	s0 =	rddreg [dreg:$0x0];
	s3 =	simm.s32 $0x0;
	v10 =	vimm.s32 $0xCBA98765;
	v11 =	vunpack.c.0.s8.s32 v11;
	v13 =	vunpack.c.l.s4.s8 v13  }
0x24: {  	[smem:$0x7FF] =	sst s3;
	v2 =	vand.u32 $0xF, v2;
	v3 =	vand.u32 $0xF, v3;
	v10 =	vunpack.c.l.s4.s8 v10  }
0x25: {  	s1 =	rddreg [dreg:$0x1];
	_ =	strace $0x80000047;
	[tilespmem:$0x1FFD0] =	vst v27;
	v27 =	vimm.s32 $0x0;
	v11 =	vand.u32 $0x3, v11;
	v13 =	vunpack.c.0.s8.s32 v13  }
0x26: {  	v17 =	vunpack.c.0.s8.s32 v10;
	v10 =	vsel vm4, v14, v11;
	v11 =	vunpack.c.0.s8.s32 v16  }
0x27: {  	v27 =	vsel vm1, $0xFFFFFFFF, v27;
	vm5 =	vcmask $0x3F28;
	v13 =	vand.u32 $0x3, v13  }
0x28: {  	v14 =	vunpack.c.0.s8.s32 v15;
	v11 =	vsel vm5, v11, v13;
	v13 =	vimm.s32 $0x3900000  }
0x29: {  	v15 =	vand.u32 $0xF, v17;
	vm4 =	vcmask $0x2B00;
	v13 =	vunpack.c.l.s2.s4 v13  }
0x2a: {  	v16 =	vimm.s32 $0x4070605;
	v12 =	vcombine.low v12, v15;
	v15 =	vimm.s32 $0xE400000  }
0x2b: {  	v14 =	vand.u32 $0x3, v14;
	v15 =	vunpack.c.l.s2.s4 v15;
	v13 =	vunpack.c.l.s4.s8 v13  }
0x2c: {  	v17 =	vimm.s32 $0x6050400;
	v16 =	vunpack.c.0.s8.s32 v16;
	v14 =	vnsel vm4, $0x8, v14  }
0x2d: {  	vm5 =	vcmask $0x3B2C;
	v15 =	vunpack.c.l.s4.s8 v15;
	v18 =	vunpack.c.0.s8.s32 v13  }
0x2e: {  	s2 =	srdreg.scid;
	s11 =	stileid.u32;
	s13 =	simm.s32 $0x2;
	[tilespmem:$0x1FFE0] =	vst v27;
	v27 =	vimm.s32 $0x0;
	v13 =	vsel vm5, v16, v14;
	v14 =	vunpack.c.0.s8.s32 v17  }
0x2f: {  	s14 =	simm.s32 $0x2000;
	s15 =	simm.s32 $0x1;
	s16 =	simm.s32 $0x80;
	vm4 =	vcmask $0x3F34;
	v15 =	vunpack.c.0.s8.s32 v15;
	v17 =	vand.u32 $0x3, v18  }
0x30: {  	s17 =	simm.s32 $0x2300;
	s19 =	simm.s32 $0x2380;
	s23 =	simm.s32 $0x2400;
	v16 =	vunpack.c.l.s2.s4 v19;
	v14 =	vsel vm4, v14, v17;
	v17 =	vimm.s32 $0xE4000000  }
0x31: {  	s24 =	simm.s32 $0x2410;
	s25 =	simm.s32 $0x0;
	s2 =	sand.u32 $0x1, s2;
	v27 =	vsel vm2, $0xFFFFFFFF, v27;
	v6 =	vlaneseq.u32;
	v17 =	vunpack.c.l.s2.s4 v17  }
0x32: {  	s4 =	sshll.u32 s11, $0x1;
	s6 =	sadd.s32 $0x2200, s0;
	s7 =	sadd.s32 $0x1A00, s0;
	v15 =	vand.u32 $0x3, v15;
	vm5 =	vcmask $0x3700;
	v16 =	vunpack.c.l.s4.s8 v16  }
0x33: {  	s12 =	sshll.u32 s11, $0x9;
	s9 =	sor.u32 s2, s4;
	s4 =	sadd.s32 $0x1200, s0;
	v18 =	vnsel vm5, $0x5, v15;
	v15 =	vimm.s32 $0x2;
	v21 =	vunpack.c.l.s4.s8 v17  }
0x34: {  	s8 =	ssub.s32 $0x2, s2;
	s2 =	sshll.u32 s2, $0x8;
	s5 =	sshll.u32 s9, $0x5;
	v20 =	vsel vm5, $0x0, v15;
	vm4 =	vcmask $0x3B38;
	v19 =	vunpack.c.0.s8.s32 v16  }
0x35: {  	s31 =	sshrl.u32 s8, $0x1;
	s9 =	sshll.u32 s9, $0x4;
	s12 =	sor.u32 s2, s12;
	vm5 =	vcmask $0x3B00;
	v16 =	vsel vm4, $0x4, v18;
	v21 =	vunpack.c.0.s8.s32 v21  }
0x36: {  	s10 =	sadd.s32 s5, s0;
	s5 =	sadd.s32 $0x1C00, s0;
	s0 =	ssub.s32 s8, s31;
	v18 =	vimm.s32 $0x1;
	v19 =	vand.u32 $0x3, v19;
	v17 =	vsel vm4, $0x1, v20  }
0x37: {  	s8 =	sadd.s32 $0x1600, s10;
	s10 =	sadd.s32 $0x2400, s10;
	s11 =	smax.u32 s0, $0x1;
	[tilespmem:$0x1FFF0] =	vst v27;
	v20 =	vsel vm5, $0x0, v18;
	v19 =	vnsel vm5, $0x4, v19;
	v21 =	vand.u32 $0x3, v21  }
.LBB2_1:
0x38: {  	[tilespmem:s3], [sflag:$0x2] =	stream.linear.gather [hbm4b:s4+s3], $0x2000, $0x38;
	[tilespmem:$0x2480] =	vst v63  }
0x39: {  	_ =	swait.ge [sflag:s13], $0x2000  }
0x3a: {  	[sflag:s13] =	ssyncset.done $0x0  }
0x3b: {  	[sflag:s13] =	ssyncadd.s32 $0xFFFFE000  }
0x3c: {  	[tilespmem:s14], [sflag:$0x2] =	stream.linear.gather [hbm4b:s8+s3], $0x100, $0x38;
	[tilespmem:$0x2480] =	vst v63  }
0x3d: {  	_ =	swait.ge [sflag:s13], $0x100  }
0x3e: {  	[sflag:s13] =	ssyncset.done $0x0  }
0x3f: {  	[sflag:s13] =	ssyncadd.s32 $0xFFFFFF00  }
0x40: {  	v27 =	vld [tilespmem:s3+$0x0];
	_ =	sdelay $0x1  }
0x41: {  	p0 =	sgt.u32 s9, $0x0;
	s0 =	simm.s32 $0x1;
	v40 =	vimm.s32 $0x0;
	v41 =	vimm.s32 $0x0  }
0x42: {  	v42 =	vimm.s32 $0x0;
	v43 =	vimm.s32 $0x0;
	v47 =	vimm.s32 $0x0;
	s0 =	simm.s32 @!p0 $0x0  }
0x43: {  	v48 =	vimm.s32 $0x0;
	v44 =	vimm.s32 $0x0;
	v28 =	vmov s0  }
0x44: {  	vm0 =	veq.s32 v27, $0x0;
	vm1 =	veq.s32 v27, $0x1;
	vm2 =	veq.s32 v27, $0x7  }
0x45: {  	vm3 =	veq.s32 v27, $0x2;
	vm4 =	veq.s32 v27, $0x3;
	vm5 =	veq.s32 v27, $0x4  }
0x46: {  	vm6 =	veq.s32 v27, $0x5;
	vm7 =	veq.s32 v27, $0x6;
	v29 =	vsel vm2, $0x1, v0  }
0x47: {  	v45 =	vsel vm0, $0x1, v0;
	v46 =	vsel vm1, $0x1, v0;
	v49 =	vsel vm3, $0x1, v0  }
0x48: {  	v35 =	vsel vm4, $0x1, v0;
	v36 =	vsel vm5, $0x1, v0;
	v38 =	vsel vm6, $0x1, v0  }
0x49: {  	v33 =	vsel vm7, $0x1, v0;
	v27 =	vnsel vm0, $0x0, v28;
	v34 =	vnsel vm3, $0x0, v28  }
0x4a: {  	v37 =	vnsel vm4, $0x0, v28;
	v39 =	vnsel vm5, $0x0, v28;
	v51 =	vnsel vm6, $0x0, v28  }
0x4b: {  	v52 =	vnsel vm7, $0x0, v28;
	v53 =	vnsel vm2, $0x0, v28;
	v30 =	vadd.s32 v29, v0  }
0x4c: {  	v29 =	vnsel vm1, $0x0, v28;
	v31 =	vadd.s32 v0, v27;
	v27 =	vadd.s32 v0, v34  }
0x4d: {  	s0 =	simm.s32 $0x10;
	v28 =	vadd.s32 v0, v37;
	v37 =	vimm.s32 $0x0;
	v34 =	vimm.s32 $0x0  }
0x4e: {  	s26 =	simm.s32 $0x1;
	s28 =	simm.s32 $0x2;
	v50 =	vld [tilespmem:s0+$0x0];
	v32 =	vadd.s32 v0, v29;
	v29 =	vadd.s32 v0, v39;
	v39 =	vimm.s32 $0x0  }
.LBB2_2:
0x4f: {  	p0 =	sne.s32 s28, $0x1FF;
	v39 =	vadd.s32 v39, v51;
	v40 =	vadd.s32 v40, v52;
	v41 =	vadd.s32 v41, v53  }
0x50: {  	p1 =	slt.u32 s26, s9;
	v37 =	vadd.s32 v45, v37;
	v42 =	vadd.s32 v46, v42;
	v43 =	vadd.s32 v49, v43;
	s26 =	smov.u32 s28;
	s2 =	simm.s32 $0x1  }
0x51: {  	v34 =	vadd.s32 v35, v34;
	v47 =	vadd.s32 v36, v47;
	v48 =	vadd.s32 v38, v48;
	s2 =	simm.s32 @!p1 $0x0  }
0x52: {  	v44 =	vadd.s32 v33, v44;
	v53 =	vmov s2  }
0x53: {  	vm0 =	veq.s32 v50, $0x0;
	vm1 =	veq.s32 v50, $0x1;
	vm2 =	veq.s32 v50, $0x7  }
0x54: {  	vm3 =	veq.s32 v50, $0x2;
	vm4 =	veq.s32 v50, $0x3;
	v33 =	vsel vm2, $0x1, v0  }
0x55: {  	vm5 =	veq.s32 v50, $0x4;
	vm6 =	veq.s32 v50, $0x5;
	v30 =	vadd.s32 v33, v30  }
0x56: {  	vm7 =	veq.s32 v50, $0x6;
	v45 =	vsel vm0, $0x1, v0;
	v46 =	vsel vm1, $0x1, v0  }
0x57: {  	v49 =	vsel vm3, $0x1, v0;
	v35 =	vsel vm4, $0x1, v0;
	v36 =	vsel vm5, $0x1, v0  }
.Ltmp0:
0x58: {  	v38 =	vsel vm6, $0x1, v0;
	v50 =	vnsel vm0, $0x0, v53;
	v33 =	vsel vm7, $0x1, v0;
	(pc) =	sbr.rel @p0 .LBB2_2-.Ltmp0, $4  }
0x59: {  	v54 =	vnsel vm1, $0x0, v53;
	v55 =	vnsel vm3, $0x0, v53;
	v56 =	vnsel vm4, $0x0, v53  }
0x5a: {  	v57 =	vnsel vm5, $0x0, v53;
	v51 =	vnsel vm6, $0x0, v53;
	v52 =	vnsel vm7, $0x0, v53  }
0x5b: {  	s0 =	sadd.s32 $0x10, s0;
	v53 =	vnsel vm2, $0x0, v53;
	v31 =	vadd.s32 v31, v50;
	v32 =	vadd.s32 v32, v54  }
0x5c: {  	s28 =	sadd.s32 $0x1, s28;
	v27 =	vadd.s32 v27, v55;
	v28 =	vadd.s32 v28, v56;
	v29 =	vadd.s32 v29, v57;
	v50 =	vld [tilespmem:s0+$0x0]  }
0x5d: {  	v39 =	vadd.s32 v39, v51  }
0x5e: {  	v40 =	vadd.s32 v40, v52;
	v41 =	vadd.s32 v41, v53;
	v37 =	vadd.s32 v45, v37  }
0x5f: {  	p0 =	slt.u32 s26, s9;
	v42 =	vadd.s32 v46, v42;
	v43 =	vadd.s32 v49, v43;
	s0 =	simm.s32 $0x1;
	v34 =	vadd.s32 v35, v34  }
0x60: {  	v35 =	vadd.s32 v36, v47;
	v36 =	vadd.s32 v38, v48;
	v33 =	vadd.s32 v33, v44;
	s0 =	simm.s32 @!p0 $0x0  }
0x61: {  	vm7 =	vmmov $0x3ff;
	v38 =	vmov s0;
	vm0 =	veq.s32 v50, $0x0  }
0x62: {  	vm1 =	veq.s32 v50, $0x1;
	vm2 =	veq.s32 v50, $0x7;
	vm3 =	veq.s32 v50, $0x2  }
0x63: {  	vm4 =	veq.s32 v50, $0x3;
	vm5 =	veq.s32 v50, $0x4;
	vm6 =	veq.s32 v50, $0x5  }
0x64: {  	v59 =	vsel vm2, $0x1, v0;
	v44 =	vsel vm0, $0x1, v0;
	v45 =	vsel vm1, $0x1, v0  }
0x65: {  	v46 =	vnsel vm0, $0x0, v38;
	vm0 =	veq.s32 v50, $0x6;
	v47 =	vsel vm3, $0x1, v0  }
0x66: {  	v60 =	vsel vm4, $0x1, v0;
	v49 =	vsel vm5, $0x1, v0;
	v61 =	vsel vm6, $0x1, v0  }
0x67: {  	v62 =	vnsel vm1, $0x0, v38;
	v63 =	vnsel vm3, $0x0, v38;
	v54 =	vnsel vm4, $0x0, v38  }
0x68: {  	v55 =	vnsel vm5, $0x0, v38;
	v56 =	vnsel vm6, $0x0, v38;
	vm5 =	vcmask $0x320  }
0x69: {  	vm4 =	vcmask $0x720;
	v30 =	vadd.s32 v59, v30;
	v51 =	vsel vm0, $0x1, v0  }
0x6a: {  	v57 =	vnsel vm0, $0x0, v38;
	v31 =	vadd.s32 v31, v46;
	v32 =	vadd.s32 v32, v62  }
0x6b: {  	v38 =	vnsel vm2, $0x0, v38;
	v52 =	vadd.s32 v27, v63;
	v53 =	vadd.s32 v28, v54  }
0x6c: {  	v54 =	vadd.s32 v29, v55;
	v29 =	vadd.s32 v39, v56;
	v37 =	vadd.s32 v44, v37  }
0x6d: {  	v58 =	vadd.s32 v47, v43;
	v34 =	vadd.s32 v60, v34;
	v35 =	vadd.s32 v49, v35  }
0x6e: {  	v36 =	vadd.s32 v61, v36;
	v46 =	vperm.xlane v31, v1;
	v28 =	vadd.s32 v40, v57  }
0x6f: {  	v27 =	vadd.s32 v41, v38;
	v57 =	vadd.s32 v45, v42;
	v59 =	vperm.xlane v37, v1  }
0x70: {  	v44 =	vld [tilespmem:$0x1FFC0];
	v60 =	vperm.xlane v32, v1;
	v33 =	vadd.s32 v51, v33;
	v47 =	vperm.xlane v58, v1  }
0x71: {  	v51 =	vperm.xlane v52, v1;
	v62 =	vperm.xlane v57, v1;
	v31 =	vadd.s32 v31, v46  }
0x72: {  	v37 =	vadd.s32 v37, v59;
	v32 =	vadd.s32 v32, v60;
	v60 =	vperm.xlane v53, v1  }
0x73: {  	v40 =	vadd.s32 v52, v51;
	v51 =	vperm.xlane v30, v1;
	v56 =	vperm.xlane v31, v2  }
0x74: {  	v63 =	vperm.xlane v37, v2;
	v45 =	vperm.xlane v32, v2;
	v38 =	vadd.s32 v57, v62  }
0x75: {  	v57 =	vperm.xlane v34, v1;
	v39 =	vperm.xlane v38, v2;
	vm6 =	vnez.u8 v44  }
0x76: {  	v30 =	vadd.s32 v30, v51;
	v51 =	vperm.xlane v27, v1;
	v31 =	vadd.s32 v56, v31  }
0x77: {  	v37 =	vadd.s32 v63, v37;
	v32 =	vadd.s32 v45, v32;
	v45 =	vperm.xlane v35, v1  }
0x78: {  	v34 =	vadd.s32 v34, v57;
	v61 =	vperm.xlane v31, v3;
	v41 =	vperm.xlane v37, v3  }
0x79: {  	v42 =	vperm.xlane v32, v3;
	v38 =	vadd.s32 v39, v38;
	v39 =	vadd.s32 v58, v47  }
0x7a: {  	v58 =	vperm.xlane v40, v2;
	v47 =	vperm.xlane v36, v1;
	v27 =	vadd.s32 v27, v51  }
0x7b: {  	v48 =	vperm.xlane v38, v3;
	v55 =	vperm.xlane v39, v2;
	v35 =	vadd.s32 v35, v45  }
0x7c: {  	v31 =	vadd.s32 v61, v31;
	v37 =	vadd.s32 v41, v37;
	v32 =	vadd.s32 v42, v32  }
0x7d: {  	v61 =	vperm.xlane v34, v2;
	v36 =	vadd.s32 v36, v47;
	v47 =	vperm.xlane v29, v1  }
0x7e: {  	v42 =	vadd.s32 v53, v60;
	v46 =	vperm.xlane v31, v4;
	v49 =	vperm.xlane v37, v4  }
0x7f: {  	v50 =	vperm.xlane v32, v4;
	v38 =	vadd.s32 v48, v38;
	v63 =	vperm.xlane v42, v2  }
0x80: {  	v39 =	vadd.s32 v55, v39;
	v52 =	vperm.xlane v36, v2;
	v55 =	vperm.xlane v30, v2  }
0x81: {  	v45 =	vld [tilespmem:$0x1FFE0];
	v56 =	vperm.xlane v38, v4;
	v59 =	vperm.xlane v39, v3;
	v34 =	vadd.s32 v61, v34  }
0x82: {  	v29 =	vadd.s32 v29, v47;
	v31 =	vadd.s32 v46, v31;
	v37 =	vadd.s32 v49, v37  }
0x83: {  	v32 =	vadd.s32 v50, v32;
	v49 =	vperm.xlane v33, v1;
	v50 =	vperm.xlane v35, v2  }
0x84: {  	v36 =	vadd.s32 v52, v36;
	v30 =	vadd.s32 v55, v30;
	v52 =	vperm.xlane v29, v2  }
0x85: {  	v31 =	vnsel vm9, $0x0, v31;
	v38 =	vadd.s32 v56, v38;
	v39 =	vadd.s32 v59, v39  }
0x86: {  	v56 =	vperm.xlane v36, v3;
	v57 =	vperm.xlane v30, v3;
	vm2 =	vnez.u8 v45  }
0x87: {  	v31 =	vsel vm5, v31, v32;
	v32 =	vadd.s32 v58, v40;
	v43 =	vperm.xlane v39, v4  }
0x88: {  	v37 =	vsel vm9, v37, v38;
	v40 =	vperm.xlane v34, v3;
	v38 =	vadd.s32 v63, v42  }
0x89: {  	v33 =	vadd.s32 v33, v49;
	v35 =	vadd.s32 v50, v35;
	v58 =	vperm.xlane v54, v1  }
0x8a: {  	vm5 =	vcmask $0xB20;
	v50 =	vperm.xlane v28, v1;
	v29 =	vadd.s32 v52, v29  }
0x8b: {  	v62 =	vperm.xlane v32, v3;
	v46 =	vperm.xlane v38, v3;
	v39 =	vadd.s32 v43, v39  }
0x8c: {  	v53 =	vperm.xlane v35, v3;
	v37 =	vsel vm6, v37, v39;
	v39 =	vperm.xlane v33, v2  }
0x8d: {  	v36 =	vadd.s32 v56, v36;
	v30 =	vadd.s32 v57, v30;
	v34 =	vadd.s32 v40, v34  }
0x8e: {  	v59 =	vperm.xlane v36, v4;
	v61 =	vperm.xlane v30, v4;
	v33 =	vadd.s32 v39, v33  }
0x8f: {  	v48 =	vperm.xlane v34, v4;
	v35 =	vadd.s32 v53, v35;
	v39 =	vperm.xlane v33, v3  }
0x90: {  	v28 =	vadd.s32 v28, v50;
	v32 =	vadd.s32 v62, v32;
	v40 =	vperm.xlane v35, v4  }
0x91: {  	v62 =	vadd.s32 v54, v58;
	v34 =	vadd.s32 v48, v34;
	v33 =	vadd.s32 v39, v33  }
0x92: {  	v34 =	vsel vm11, v37, v34;
	v35 =	vadd.s32 v40, v35;
	v39 =	vperm.xlane v33, v4  }
0x93: {  	v41 =	vadd.s32 v46, v38;
	v60 =	vadd.s32 v59, v36;
	v34 =	vsel vm12, v34, v35  }
0x94: {  	v54 =	vperm.xlane v27, v2;
	v34 =	vsel vm13, v34, v60;
	v33 =	vadd.s32 v39, v33  }
0x95: {  	v63 =	vperm.xlane v62, v2;
	v30 =	vadd.s32 v61, v30;
	v33 =	vsel vm15, v34, v33  }
0x96: {  	v42 =	vperm.xlane v41, v4;
	v36 =	vperm.xlane v28, v2;
	v30 =	vsel vm10, v33, v30  }
0x97: {  	v27 =	vadd.s32 v54, v27;
	v40 =	vperm.xlane v32, v4;
	v30 =	vadd.s32 $0x7F, v30  }
0x98: {  	v44 =	vadd.s32 v42, v41;
	v37 =	vperm.xlane v29, v3;
	v30 =	vand.u32 $0xFFFFFF80, v30  }
0x99: {  	v28 =	vadd.s32 v36, v28;
	v35 =	vadd.s32 v63, v62;
	v30 =	vnsel vm2, $0x0, v30  }
0x9a: {  	v32 =	vadd.s32 v40, v32;
	v43 =	vperm.xlane v35, v3;
	v48 =	vperm.xlane v30, v5  }
0x9b: {  	v56 =	vperm.xlane v27, v3;
	v31 =	vsel vm4, v31, v32;
	vm4 =	veq.s32 v6, $0x0  }
0x9c: {  	v36 =	vperm.xlane v28, v3;
	v46 =	vadd.s32 v43, v35;
	v35 =	vsel vm4, $0x0, v48  }
0x9d: {  	v29 =	vadd.s32 v37, v29;
	v27 =	vadd.s32 v56, v27;
	v35 =	vadd.s32 v35, v30  }
0x9e: {  	s26 =	simm.s32 $0x0;
	s22 =	sadd.s32 $0x0, s12;
	v57 =	vperm.xlane v29, v4;
	v28 =	vadd.s32 v36, v28;
	v53 =	vperm.xlane v35, v7  }
0x9f: {  	s2 =	sand.u32 $0x1F80, s22;
	s28 =	sand.u32 $0x70, s26;
	v59 =	vperm.xlane v27, v4;
	v31 =	vsel vm5, v31, v44;
	v49 =	vperm.xlane v46, v4  }
0xa0: {  	s2 =	sor.u32 s28, s2;
	vm5 =	vcmask $0xF20;
	v36 =	vperm.xlane v28, v4;
	v34 =	vsel vm6, $0x0, v53  }
0xa1: {  	v29 =	vadd.s32 v57, v29;
	v32 =	vadd.s32 v49, v46;
	v55 =	vadd.s32 v34, v35;
	v34 =	vld [tilespmem:s2+$0x0]  }
0xa2: {  	v31 =	vsel vm5, v31, v32;
	vm4 =	vcmask $0x1320;
	v35 =	vperm.xlane v55, v8  }
0xa3: {  	v28 =	vadd.s32 v36, v28;
	vm5 =	vcmask $0x1720;
	v29 =	vsel vm4, v31, v29  }
0xa4: {  	v27 =	vadd.s32 v59, v27;
	v28 =	vsel vm5, v29, v28;
	v58 =	vsel vm12, $0x0, v35  }
0xa5: {  	vm14 =	vmmov $0x1fff;
	v28 =	vsel vm8, v28, v27;
	v33 =	vadd.s32 v58, v55  }
0xa6: {  	v28 =	vsub.s32 v28, v30;
	v31 =	vperm.xlane v33, v9;
	v30 =	vperm.xlane v34, v8  }
0xa7: {  	vm1 =	vmmov $0x7ff;
	v60 =	vperm.xlane v34, v5;
	v61 =	vperm.xlane v34, v7  }
0xa8: {  	vm4 =	vmmov $0xfff;
	v63 =	vperm.xlane v34, v0;
	v53 =	vperm.xlane v34, v21  }
0xa9: {  	vm5 =	vmmov $0x3fff;
	v54 =	vperm.xlane v34, v12;
	v55 =	vperm.xlane v34, v17  }
0xaa: {  	vm0 =	veq.s32 v34, $0x6;
	v56 =	vperm.xlane v34, v13;
	v57 =	vperm.xlane v34, v20  }
0xab: {  	v58 =	vperm.xlane v34, v9;
	v59 =	vperm.xlane v34, v10;
	v35 =	vsel vm0, $0x1, v0  }
0xac: {  	v27 =	vsel vm2, $0x0, v31;
	v31 =	vperm.xlane v34, v16;
	vm3 =	veq.s32 v30, v34  }
0xad: {  	v30 =	vperm.xlane v34, v11;
	vm0 =	veq.s32 v60, v34;
	v60 =	vperm.xlane v34, v19  }
0xae: {  	v27 =	vadd.s32 v27, v33;
	v36 =	vsel vm3, $0x1, v0;
	vm3 =	veq.s32 v61, v34  }
0xaf: {  	v33 =	vsel vm0, $0x1, v0;
	v61 =	vimm.s32 $0x0;
	v29 =	vadd.s32 v27, v28  }
0xb0: {  	v28 =	vor.u32 s22, v6;
	vm0 =	veq.s32 v30, v34;
	v30 =	vsel vm3, $0x1, v0  }
0xb1: {  	vm3 =	veq.s32 v34, $0x0;
	v36 =	vsel vm12, $0x0, v36;
	v28 =	vshrl.u32 v28, $0x1  }
0xb2: {  	v62 =	vsel vm0, $0x1, v0;
	vm0 =	veq.s32 v31, v34;
	v38 =	vsel vm3, $0x1, v0  }
0xb3: {  	v31 =	vperm.xlane v34, v14;
	vm3 =	veq.s32 v34, $0x1;
	v30 =	vsel vm6, $0x0, v30  }
0xb4: {  	v39 =	vsel vm0, $0x1, v0;
	vm0 =	veq.s32 v34, $0x3;
	v42 =	vsel vm3, $0x1, v0  }
0xb5: {  	vm3 =	veq.s32 v34, $0x2;
	v37 =	vsel vm15, $0x0, v62;
	v40 =	vsel vm0, $0x1, v0  }
0xb6: {  	vm0 =	veq.s32 v31, v34;
	v45 =	vsel vm3, $0x1, v0;
	vm3 =	veq.s32 v53, v34  }
0xb7: {  	v62 =	vperm.xlane v42, v1;
	v39 =	vsel vm7, $0x0, v39;
	v31 =	vsel vm0, $0x1, v0  }
0xb8: {  	vm0 =	veq.s32 v34, $0x4;
	v46 =	vsel vm3, $0x1, v0;
	vm3 =	veq.s32 v54, v34  }
0xb9: {  	v43 =	vsel vm3, $0x1, v0;
	vm3 =	veq.s32 v55, v34;
	v47 =	vsel vm0, $0x1, v0  }
0xba: {  	vm0 =	veq.s32 v59, v34;
	v55 =	vperm.xlane v40, v1;
	v42 =	vadd.s32 v42, v62  }
0xbb: {  	v46 =	vsel vm4, $0x0, v46;
	v59 =	vimm.s32 $0x0;
	v62 =	vperm.xlane v45, v1  }
0xbc: {  	v48 =	vsel vm3, $0x1, v0;
	vm3 =	veq.s32 v56, v34;
	v51 =	vsel vm0, $0x1, v0  }
0xbd: {  	vm0 =	veq.s32 v34, $0x7;
	v43 =	vsel vm11, $0x0, v43;
	v49 =	vsel vm3, $0x1, v0  }
0xbe: {  	vm3 =	veq.s32 v57, v34;
	v44 =	vsel vm0, $0x1, v0;
	vm0 =	veq.s32 v63, v34  }
0xbf: {  	v63 =	vimm.s32 $0x0;
	v48 =	vsel vm14, $0x0, v48;
	v57 =	vadd.s32 v45, v62  }
0xc0: {  	v45 =	vadd.s32 v40, v55;
	v62 =	vsel vm13, $0x0, v51;
	v50 =	vsel vm3, $0x1, v0  }
0xc1: {  	vm3 =	veq.s32 v58, v34;
	v32 =	vsel vm0, $0x1, v0;
	vm0 =	vmmov $0x7fff  }
0xc2: {  	v56 =	vsel vm7, $0xFFFFFFFF, v63;
	v58 =	vimm.s32 $0x0;
	v63 =	vperm.xlane v47, v1  }
0xc3: {  	v49 =	vsel vm10, $0x0, v49;
	v41 =	vsel vm3, $0x1, v0;
	vm3 =	veq.s32 v34, $0x5  }
0xc4: {  	v54 =	vsel vm0, $0xFFFFFFFF, v61;
	vm0 =	veq.s32 v6, $0x0;
	[tilespmem:$0x1FF70] =	vst v56;
	v56 =	vperm.xlane v35, v1  }
0xc5: {  	v61 =	vperm.xlane v42, v2;
	v52 =	vsel vm3, $0x1, v0;
	vm3 =	veq.s32 v60, v34  }
0xc6: {  	[tilespmem:$0x1FF60] =	vst v54;
	v33 =	vsel vm0, $0x0, v33;
	v54 =	vsel vm4, $0xFFFFFFFF, v58;
	v41 =	vsel vm2, $0x0, v41  }
0xc7: {  	v60 =	vld [tilespmem:$0x1FFF0];
	v33 =	vadd.s32 v33, v30;
	v30 =	vperm.xlane v29, v34;
	v34 =	vperm.xlane v38, v1  }
0xc8: {  	v53 =	vsel vm3, $0x1, v0;
	[tilespmem:$0x1FF80] =	vst v54;
	v54 =	vsel vm14, $0xFFFFFFFF, v59;
	v42 =	vadd.s32 v61, v42  }
0xc9: {  	v33 =	vadd.s32 v43, v33;
	v58 =	vperm.xlane v42, v3;
	v34 =	vadd.s32 v38, v34  }
0xca: {  	v33 =	vadd.s32 v36, v33;
	v36 =	vadd.s32 v47, v63;
	v59 =	vperm.xlane v34, v2  }
0xcb: {  	v38 =	vadd.s32 v58, v42;
	v42 =	vperm.xlane v45, v2;
	v63 =	vperm.xlane v36, v2  }
0xcc: {  	v33 =	vadd.s32 v62, v33;
	vm4 =	vnez.u8 v60;
	v60 =	vperm.xlane v57, v2  }
0xcd: {  	[tilespmem:$0x1FF90] =	vst v54;
	v61 =	vperm.xlane v38, v4;
	v33 =	vadd.s32 v37, v33;
	v54 =	vsel vm4, $0x0, v31  }
0xce: {  	v31 =	vimm.s32 $0x0;
	v34 =	vadd.s32 v59, v34;
	v36 =	vadd.s32 v63, v36  }
0xcf: {  	v33 =	vadd.s32 v49, v33;
	v63 =	vadd.s32 v35, v56;
	vm4 =	vcmask $0x308  }
0xd0: {  	v31 =	vsel vm5, $0xFFFFFFFF, v31;
	v43 =	vadd.s32 v60, v57;
	v57 =	vperm.xlane v34, v3  }
0xd1: {  	v38 =	vadd.s32 v61, v38;
	v60 =	vperm.xlane v36, v3;
	v33 =	vadd.s32 v41, v33  }
0xd2: {  	[tilespmem:$0x1FFA0] =	vst v31;
	v31 =	vsel vm5, $0x0, v50;
	v50 =	vperm.xlane v52, v1;
	v58 =	vperm.xlane v43, v3  }
0xd3: {  	vm5 =	vcmask $0x70C;
	v33 =	vadd.s32 v54, v33;
	v49 =	vadd.s32 v57, v34  }
0xd4: {  	v59 =	vadd.s32 v58, v43;
	v61 =	vadd.s32 v52, v50;
	v52 =	vadd.s32 v60, v36  }
0xd5: {  	v58 =	vperm.xlane v63, v2;
	v36 =	vsel vm4, $0x0, v38;
	v60 =	vperm.xlane v49, v4  }
0xd6: {  	v38 =	vadd.s32 v42, v45;
	v62 =	vperm.xlane v59, v4;
	v56 =	vperm.xlane v52, v4  }
0xd7: {  	v39 =	vadd.s32 v39, v33;
	v57 =	vperm.xlane v61, v2;
	v41 =	vperm.xlane v38, v3  }
0xd8: {  	v40 =	vadd.s32 v58, v63;
	v55 =	vadd.s32 v62, v59;
	v59 =	vperm.xlane v44, v1  }
0xd9: {  	v63 =	vsel vm1, $0x0, v53;
	v35 =	vadd.s32 v56, v52;
	v33 =	vadd.s32 v57, v61  }
0xda: {  	v62 =	vimm.s32 $0x0;
	v39 =	vadd.s32 v63, v39;
	v44 =	vadd.s32 v44, v59  }
0xdb: {  	v43 =	vperm.xlane v40, v3;
	v34 =	vsel vm5, $0x0, v55;
	v61 =	vperm.xlane v44, v2  }
0xdc: {  	vm5 =	vcmask $0xF14;
	v37 =	vsel vm1, $0xFFFFFFFF, v62;
	v39 =	vadd.s32 v46, v39  }
0xdd: {  	s30 =	simm.s32 $0x2100;
	s31 =	simm.s32 $0x2210;
	v35 =	vsel vm5, $0x0, v35;
	[tilespmem:$0x1FFB0] =	vst v37;
	v37 =	vperm.xlane v33, v3;
	v42 =	vadd.s32 v61, v44  }
0xde: {  	s29 =	simm.s32 $0x2100;
	s28 =	simm.s32 $0x2200;
	s0 =	simm.s32 $0x10;
	v45 =	vadd.s32 v48, v39;
	v39 =	vadd.s32 v60, v49;
	v44 =	vperm.xlane v42, v3  }
.LBB2_4:
0xdf: {  	v46 =	vld [tilespmem:$0x1FF60];
	_ =	sdelay $0x2  }
0xe0: {  	v30 =	vadd.s32 v30, v45;
	vm4 =	vcmask $0x171C  }
0xe1: {  	vm5 =	vcmask $0xB10;
	vm1 =	vmmov vm8;
	v62 =	vimm.s32 $0x0  }
0xe2: {  	v40 =	vadd.s32 v43, v40;
	v30 =	vadd.s32 v31, v30;
	vm0 =	vnez.u8 v46  }
0xe3: {  	s18 =	sadd.s32 s0, s12;
	s20 =	smov.u32 s0;
	v42 =	vadd.s32 v44, v42;
	v33 =	vadd.s32 v37, v33;
	v32 =	vsel vm0, $0x0, v32  }
0xe4: {  	s21 =	sand.u32 $0x1F80, s18;
	s22 =	sand.u32 $0x70, s20;
	v31 =	vperm.xlane v40, v4;
	v37 =	vperm.xlane v33, v4;
	v30 =	vadd.s32 v32, v30  }
0xe5: {  	vm6 =	vmmov vm12;
	v52 =	vld [tilespmem:$0x1FFF0];
	v38 =	vadd.s32 v41, v38;
	s21 =	sor.u32 s22, s21;
	v56 =	vperm.xlane v42, v4;
	s22 =	sand.u32 $0xF0, s26;
	[tilespmem:s29+$0x0] =	vst v30  }
0xe6: {  	v57 =	vor.u32 s18, v6;
	v31 =	vadd.s32 v31, v40;
	v33 =	vadd.s32 v37, v33;
	[tilespmem:s22+$0x2300] =	vst v30  }
0xe7: {  	v32 =	vadd.s32 v56, v42;
	v30 =	vperm.xlane v38, v4;
	[tilespmem:s28+$0x0] =	vst v28;
	v28 =	vnsel vm9, $0x0, v39  }
0xe8: {  	v31 =	vsel vm4, $0x0, v31;
	v58 =	vsel vm8, $0x0, v32;
	v32 =	vld [tilespmem:s21+$0x0];
	v28 =	vadd.s32 v29, v28  }
0xe9: {  	vm4 =	vcmask $0x1318;
	v30 =	vadd.s32 v30, v38;
	v28 =	vadd.s32 v36, v28  }
0xea: {  	vm2 =	vnez.u8 v52;
	v30 =	vsel vm5, $0x0, v30;
	v29 =	vadd.s32 v34, v28  }
0xeb: {  	v33 =	vsel vm4, $0x0, v33;
	vm4 =	vmmov vm11;
	v29 =	vadd.s32 v30, v29  }
0xec: {  	vm8 =	vmmov vm13;
	v28 =	vshrl.u32 v57, $0x1;
	v29 =	vadd.s32 v35, v29  }
0xed: {  	vm9 =	veq.s32 v32, $0x1;
	v30 =	vperm.xlane v32, v16;
	v59 =	vperm.xlane v32, v5  }
0xee: {  	v29 =	vadd.s32 v33, v29;
	v33 =	vperm.xlane v32, v0;
	v60 =	vperm.xlane v32, v8  }
0xef: {  	vm5 =	veq.s32 v32, $0x6;
	v61 =	vperm.xlane v32, v11;
	v37 =	vperm.xlane v32, v9  }
0xf0: {  	vm7 =	veq.s32 v32, $0x4;
	v63 =	vperm.xlane v32, v17;
	v54 =	vperm.xlane v32, v14  }
0xf1: {  	vm3 =	veq.s32 v32, $0x3;
	v55 =	vperm.xlane v32, v12;
	v57 =	vperm.xlane v32, v13  }
0xf2: {  	v34 =	vsel vm5, $0x1, v0;
	v29 =	vadd.s32 v31, v29;
	v31 =	vperm.xlane v32, v7  }
0xf3: {  	vm5 =	veq.s32 v32, $0x5;
	v43 =	vsel vm3, $0x1, v0;
	vm11 =	veq.s32 v59, v32  }
0xf4: {  	vm0 =	veq.s32 v60, v32;
	vm13 =	veq.s32 v30, v32;
	v29 =	vadd.s32 v58, v29  }
0xf5: {  	vm3 =	veq.s32 v54, v32;
	v58 =	vperm.xlane v32, v19;
	v59 =	vperm.xlane v32, v21  }
0xf6: {  	v60 =	vsel vm9, $0x1, v0;
	v47 =	vperm.xlane v43, v1;
	v38 =	vperm.xlane v34, v1  }
0xf7: {  	v51 =	vld [tilespmem:$0x1FFC0];
	v30 =	vsel vm0, $0x1, v0;
	vm0 =	veq.s32 v32, $0x7;
	vm14 =	veq.s32 v31, v32  }
0xf8: {  	v56 =	vsel vm13, $0x1, v0;
	v36 =	vsel vm0, $0xFFFFFFFF, v62;
	vm0 =	vmmov vm10  }
0xf9: {  	vm10 =	vmmov vm15;
	vm15 =	veq.s32 v61, v32;
	v31 =	vsel vm14, $0x1, v0  }
0xfa: {  	v61 =	vperm.xlane v60, v1;
	vm13 =	veq.s32 v59, v32;
	v62 =	vperm.xlane v32, v20  }
0xfb: {  	v43 =	vadd.s32 v43, v47;
	v38 =	vadd.s32 v34, v38;
	[tilespmem:$0x1FF50] =	vst v36;
	v36 =	vsel vm12, $0x0, v30  }
0xfc: {  	v50 =	vld [tilespmem:$0x1FF70];
	vm12 =	veq.s32 v32, $0x0;
	v30 =	vsel vm11, $0x1, v0;
	vm11 =	vnez.u8 v51  }
0xfd: {  	v53 =	vsel vm15, $0x1, v0;
	vm15 =	vmmov vm10;
	vm10 =	vmmov vm0  }
0xfe: {  	vm0 =	veq.s32 v6, $0x0;
	v48 =	vsel vm13, $0x1, v0;
	vm13 =	veq.s32 v55, v32  }
0xff: {  	v31 =	vsel vm11, $0x0, v31;
	v35 =	vsel vm15, $0x0, v53;
	v39 =	vsel vm12, $0x1, v0  }
0x100: {  	v54 =	vld [tilespmem:$0x1FFE0];
	v30 =	vsel vm0, $0x0, v30;
	vm11 =	veq.s32 v32, $0x2;
	vm12 =	veq.s32 v57, v32  }
0x101: {  	vm0 =	vnez.u8 v50;
	v44 =	vadd.s32 v60, v61;
	v61 =	vsel vm7, $0x1, v0  }
0x102: {  	v45 =	vadd.s32 v30, v31;
	v30 =	vperm.xlane v32, v10;
	v31 =	vsel vm3, $0x1, v0  }
0x103: {  	vm3 =	veq.s32 v58, v32;
	v40 =	vsel vm11, $0x1, v0;
	v49 =	vperm.xlane v39, v1  }
0x104: {  	v42 =	vsel vm0, $0x0, v56;
	vm11 =	veq.s32 v63, v32;
	v63 =	vsel vm13, $0x1, v0  }
0x105: {  	vm13 =	vmmov vm8;
	vm8 =	vmmov vm1;
	vm1 =	vnez.u8 v54  }
0x106: {  	v51 =	vsel vm12, $0x1, v0;
	vm12 =	veq.s32 v37, v32;
	v60 =	vperm.xlane v44, v2  }
0x107: {  	v55 =	vld [tilespmem:$0x1FF80];
	v53 =	vperm.xlane v61, v1;
	v56 =	vsel vm11, $0x1, v0;
	vm11 =	veq.s32 v62, v32  }
0x108: {  	v37 =	vsel vm2, $0x0, v31;
	v59 =	vperm.xlane v40, v1;
	v62 =	vsel vm12, $0x1, v0  }
0x109: {  	v52 =	vld [tilespmem:$0x1FF90];
	vm12 =	vmmov vm6;
	v51 =	vsel vm10, $0x0, v51;
	vm2 =	vcmask $0xF14  }
0x10a: {  	vm9 =	veq.s32 v30, v32;
	v30 =	vperm.xlane v29, v32;
	v31 =	vsel vm11, $0x1, v0  }
0x10b: {  	vm11 =	vmmov vm4;
	vm4 =	vcmask $0x70C;
	v44 =	vadd.s32 v60, v44  }
0x10c: {  	v58 =	vld [tilespmem:$0x1FFA0];
	v39 =	vadd.s32 v39, v49;
	v46 =	vadd.s32 v61, v53;
	vm0 =	vnez.u8 v55  }
0x10d: {  	v57 =	vsel vm11, $0x0, v63;
	v54 =	vsel vm9, $0x1, v0;
	v40 =	vadd.s32 v40, v59  }
0x10e: {  	v63 =	vperm.xlane v39, v2;
	v48 =	vsel vm0, $0x0, v48;
	vm0 =	vnez.u8 v52  }
0x10f: {  	v41 =	vadd.s32 v57, v45;
	v45 =	vperm.xlane v44, v3;
	v57 =	vsel vm5, $0x1, v0  }
0x110: {  	v60 =	vsel vm13, $0x0, v54;
	v50 =	vsel vm0, $0x0, v56;
	vm0 =	vcmask $0x308  }
0x111: {  	vm14 =	vnez.u8 v58;
	v36 =	vadd.s32 v36, v41;
	v41 =	vsel vm1, $0x0, v62  }
0x112: {  	v55 =	vld [tilespmem:$0x1FFD0];
	v56 =	vperm.xlane v40, v2;
	v58 =	vperm.xlane v57, v1;
	v39 =	vadd.s32 v63, v39  }
0x113: {  	v62 =	vperm.xlane v46, v2;
	v31 =	vsel vm14, $0x0, v31;
	v44 =	vadd.s32 v45, v44  }
0x114: {  	v45 =	vperm.xlane v43, v2;
	v61 =	vperm.xlane v39, v3;
	v36 =	vadd.s32 v60, v36  }
0x115: {  	v59 =	vperm.xlane v44, v4;
	v40 =	vadd.s32 v56, v40;
	v35 =	vadd.s32 v35, v36  }
0x116: {  	v49 =	vadd.s32 v62, v46;
	v46 =	vadd.s32 v57, v58;
	v62 =	vperm.xlane v38, v2  }
0x117: {  	v57 =	vld [tilespmem:$0x1FF50];
	vm9 =	vnez.u8 v55;
	v63 =	vperm.xlane v40, v3;
	v35 =	vadd.s32 v51, v35  }
0x118: {  	v55 =	vperm.xlane v49, v3;
	v39 =	vadd.s32 v61, v39;
	v61 =	vperm.xlane v46, v2  }
0x119: {  	v44 =	vadd.s32 v59, v44;
	v35 =	vadd.s32 v41, v35;
	v40 =	vadd.s32 v63, v40  }
0x11a: {  	v47 =	vadd.s32 v55, v49;
	v35 =	vadd.s32 v37, v35;
	v36 =	vsel vm0, $0x0, v44  }
0x11b: {  	vm0 =	veq.s32 v33, v32;
	v33 =	vadd.s32 v61, v46;
	v61 =	vld [tilespmem:$0x1FFB0];
	v56 =	vperm.xlane v40, v4  }
0x11c: {  	v60 =	vperm.xlane v47, v4;
	v42 =	vadd.s32 v42, v35;
	vm1 =	vnez.u8 v57  }
0x11d: {  	v37 =	vperm.xlane v33, v3;
	v58 =	vsel vm1, $0x1, v0;
	v59 =	vadd.s32 v56, v40  }
0x11e: {  	v56 =	vadd.s32 v60, v47;
	v40 =	vadd.s32 v62, v38;
	v63 =	vperm.xlane v58, v1  }
0x11f: {  	p0 =	sne.s32 s0, $0xF0;
	v38 =	vadd.s32 v45, v43;
	v34 =	vsel vm4, $0x0, v59;
	v35 =	vsel vm2, $0x0, v56  }
.Ltmp1:
0x120: {  	v59 =	vsel vm3, $0x1, v0;
	vm3 =	vnez.u8 v61;
	v57 =	vadd.s32 v58, v63;
	(pc) =	sbr.rel @p0 .LBB2_4-.Ltmp1, $4  }
0x121: {  	v43 =	vperm.xlane v40, v3;
	v32 =	vsel vm3, $0x0, v59;
	v60 =	vperm.xlane v57, v2  }
0x122: {  	s2 =	sadd.s32 $0x10, s0;
	v41 =	vperm.xlane v38, v3;
	v58 =	vperm.xlane v39, v4;
	v62 =	vadd.s32 v32, v42  }
0x123: {  	s30 =	sadd.s32 $0x10, s30;
	s0 =	smov.u32 s2;
	s26 =	smov.u32 s20;
	v32 =	vsel vm0, $0x1, v0;
	v63 =	vadd.s32 v48, v62;
	v42 =	vadd.s32 v60, v57  }
0x124: {  	s29 =	smov.u32 s30;
	s28 =	smov.u32 s31;
	s31 =	sadd.s32 $0x10, s31;
	v39 =	vadd.s32 v58, v39;
	v45 =	vadd.s32 v50, v63;
	v44 =	vperm.xlane v42, v3  }
0x125: {  	v29 =	vld [tilespmem:$0x1FF60];
	_ =	sdelay $0x1  }
0x126: {  	v33 =	vmul.u32 $0x80, v6  }
0x127: {  	v30 =	vadd.s32 v30, v45;
	v35 =	vperm.xlane v27, v18;
	v36 =	vperm.xlane v27, v15  }
0x128: {  	v38 =	vperm.xlane v27, v22;
	v39 =	vperm.xlane v27, v23;
	v30 =	vadd.s32 v31, v30  }
0x129: {  	v31 =	vperm.xlane v27, v24;
	v34 =	vor.u32 $0x1, v33;
	vm0 =	vnez.u8 v29  }
0x12a: {  	vm5 =	vlt.s32 v35, v34;
	v29 =	vsel vm0, $0x0, v32;
	v32 =	vperm.xlane v27, v0  }
0x12b: {  	v49 =	vor.u32 $0x801, v33;
	v46 =	vsel vm5, $0x1, v0;
	vm5 =	vlt.s32 v38, v34  }
0x12c: {  	v60 =	vor.u32 $0x1001, v33;
	v41 =	vsel vm5, $0x1, v0;
	vm4 =	vlt.s32 v32, v34  }
0x12d: {  	v37 =	vadd.s32 v29, v30;
	v45 =	vsel vm4, $0x1, v0;
	vm4 =	vlt.s32 v36, v34  }
0x12e: {  	v30 =	vperm.xlane v27, v25;
	v29 =	vadd.s32 v45, v46;
	v47 =	vsel vm4, $0x1, v0  }
0x12f: {  	vm5 =	vlt.s32 v31, v34;
	vm4 =	vlt.s32 v39, v34;
	v40 =	vadd.s32 v47, v29  }
0x130: {  	v42 =	vsel vm4, $0x1, v0;
	v29 =	vperm.xlane v27, v26;
	vm4 =	vlt.s32 v30, v34  }
0x131: {  	v48 =	vsel vm5, $0x1, v0;
	v40 =	vadd.s32 v41, v40;
	v43 =	vsel vm4, $0x1, v0  }
0x132: {  	vm4 =	vlt.s32 v32, v49;
	vm5 =	vlt.s32 v29, v34;
	v40 =	vadd.s32 v42, v40  }
0x133: {  	v51 =	vsel vm4, $0x1, v0;
	vm4 =	vlt.s32 v36, v49;
	v50 =	vsel vm5, $0x1, v0  }
0x134: {  	v40 =	vadd.s32 v48, v40;
	vm5 =	vlt.s32 v35, v49;
	v53 =	vsel vm4, $0x1, v0  }
0x135: {  	vm4 =	vlt.s32 v39, v49;
	v40 =	vadd.s32 v43, v40;
	v52 =	vsel vm5, $0x1, v0  }
0x136: {  	s0 =	sand.u32 $0xF0, s26;
	[tilespmem:s29+$0x0] =	vst v37;
	vm5 =	vlt.s32 v38, v49;
	v56 =	vsel vm4, $0x1, v0;
	vm4 =	vlt.s32 v30, v49  }
0x137: {  	[tilespmem:s0+$0x2300] =	vst v37;
	v40 =	vadd.s32 v50, v40;
	v41 =	vadd.s32 v51, v52;
	v54 =	vsel vm5, $0x1, v0  }
0x138: {  	[tilespmem:s28+$0x0] =	vst v28;
	s28 =	simm.s32 $0x2200;
	vm5 =	vlt.s32 v31, v49;
	v59 =	vsel vm4, $0x1, v0;
	vm4 =	vlt.s32 v32, v60  }
0x139: {  	[hbm4b:s1+s16] =	stream.indirect.scatter [tilespmem:s28], [sflag:$0x1], $0x1, s17, s16, $0xb8;
	v50 =	vor.u32 $0x1801, v33;
	v33 =	vor.u32 $0x2001, v33;
	v55 =	vadd.s32 v53, v41;
	[tilespmem:$0x2480] =	vst v63  }
0x13a: {  	v58 =	vsel vm5, $0x1, v0;
	vm5 =	vlt.s32 v29, v49;
	v62 =	vsel vm4, $0x1, v0  }
0x13b: {  	[hbm4b:s5+s16] =	stream.indirect.scatter [tilespmem:s14], [sflag:$0x1], $0x1, s17, s16, $0xb8;
	vm4 =	vlt.s32 v36, v60;
	v57 =	vadd.s32 v54, v55;
	v61 =	vsel vm5, $0x1, v0;
	[tilespmem:$0x2480] =	vst v63  }
0x13c: {  	s29 =	simm.s32 $0x2280;
	vm5 =	vlt.s32 v35, v60;
	v45 =	vsel vm4, $0x1, v0;
	vm4 =	vlt.s32 v39, v60  }
0x13d: {  	[hbm4b:s1+s16] =	stream.indirect.scatter [tilespmem:s29], [sflag:$0x1], $0x1, s19, s16, $0xb8;
	v28 =	vadd.s32 v56, v57;
	v63 =	vsel vm5, $0x1, v0;
	vm5 =	vlt.s32 v38, v60;
	[tilespmem:$0x2480] =	vst v63  }
0x13e: {  	s30 =	simm.s32 $0x2080;
	v47 =	vsel vm4, $0x1, v0;
	vm4 =	vlt.s32 v30, v60;
	v28 =	vadd.s32 v58, v28  }
0x13f: {  	[hbm4b:s5+s16] =	stream.indirect.scatter [tilespmem:s30], [sflag:$0x1], $0x1, s19, s16, $0xb8;
	v37 =	vadd.s32 v62, v63;
	v46 =	vsel vm5, $0x1, v0;
	vm5 =	vlt.s32 v31, v60;
	[tilespmem:$0x2480] =	vst v63  }
0x140: {  	s31 =	simm.s32 $0x2100;
	v49 =	vsel vm4, $0x1, v0;
	vm4 =	vlt.s32 v32, v50;
	v28 =	vadd.s32 v59, v28  }
0x141: {  	[hbm4b:s10+s3] =	stream.linear.scatter [tilespmem:s31], [sflag:$0x2], $0x100, $0x38;
	v37 =	vadd.s32 v45, v37;
	v48 =	vsel vm5, $0x1, v0;
	vm5 =	vlt.s32 v29, v60;
	[tilespmem:$0x2480] =	vst v63  }
0x142: {  	_ =	swait.ge [sflag:s13], $0x100;
	v52 =	vsel vm4, $0x1, v0;
	vm4 =	vlt.s32 v36, v50;
	v28 =	vadd.s32 v61, v28  }
0x143: {  	[sflag:s13] =	ssyncset.done $0x0;
	v37 =	vadd.s32 v46, v37;
	v51 =	vsel vm5, $0x1, v0;
	vm5 =	vlt.s32 v35, v50  }
0x144: {  	[sflag:s13] =	ssyncadd.s32 $0xFFFFFF00;
	v54 =	vsel vm4, $0x1, v0;
	vm4 =	vlt.s32 v39, v50;
	v61 =	vmin.u32 v40, $0x7  }
0x145: {  	v37 =	vadd.s32 v47, v37;
	v53 =	vsel vm5, $0x1, v0;
	_ =	swait.ge [sflag:s15], $0x80;
	vm5 =	vlt.s32 v38, v50  }
0x146: {  	v56 =	vsel vm4, $0x1, v0;
	vm4 =	vlt.s32 v30, v50;
	v28 =	vmin.u32 v28, $0x7;
	[sflag:s15] =	ssyncset.done $0x0  }
0x147: {  	v37 =	vadd.s32 v48, v37;
	v42 =	vadd.s32 v52, v53;
	v55 =	vsel vm5, $0x1, v0;
	[sflag:s15] =	ssyncadd.s32 $0xFFFFFF80  }
0x148: {  	vm5 =	vlt.s32 v31, v50;
	v57 =	vsel vm4, $0x1, v0;
	vm4 =	vlt.s32 v35, v33;
	_ =	swait.ge [sflag:s15], $0x80  }
0x149: {  	v37 =	vadd.s32 v49, v37;
	v41 =	vadd.s32 v54, v42;
	v44 =	vsel vm5, $0x1, v0;
	[sflag:s15] =	ssyncset.done $0x0  }
0x14a: {  	vm5 =	vlt.s32 v32, v33;
	v35 =	vsel vm4, $0x1, v0;
	vm4 =	vlt.s32 v38, v33;
	[sflag:s15] =	ssyncadd.s32 $0xFFFFFF80  }
0x14b: {  	v37 =	vadd.s32 v51, v37;
	v41 =	vadd.s32 v55, v41;
	v59 =	vsel vm5, $0x1, v0;
	_ =	swait.ge [sflag:s15], $0x80  }
0x14c: {  	vm5 =	vlt.s32 v36, v33;
	v60 =	vsel vm4, $0x1, v0;
	vm4 =	vlt.s32 v39, v33;
	[sflag:s15] =	ssyncset.done $0x0  }
0x14d: {  	v58 =	vadd.s32 v56, v41;
	v35 =	vadd.s32 v59, v35;
	v36 =	vsel vm5, $0x1, v0;
	[sflag:s15] =	ssyncadd.s32 $0xFFFFFF80  }
0x14e: {  	vm5 =	vlt.s32 v29, v50;
	v37 =	vmin.u32 v37, $0x7;
	v62 =	vsel vm4, $0x1, v0;
	_ =	swait.ge [sflag:s15], $0x80  }
0x14f: {  	vm4 =	vlt.s32 v30, v33;
	v32 =	vadd.s32 v44, v58;
	v35 =	vadd.s32 v36, v35;
	[sflag:s15] =	ssyncset.done $0x0  }
0x150: {  	v34 =	vsel vm5, $0x1, v0;
	vm5 =	vlt.s32 v31, v33;
	v35 =	vadd.s32 v60, v35;
	[sflag:s15] =	ssyncadd.s32 $0xFFFFFF80  }
0x151: {  	v30 =	vsel vm4, $0x1, v0;
	v31 =	vsel vm5, $0x1, v0;
	[tilespmem:$0x2400] =	vst v27;
	v27 =	vadd.s32 v62, v35  }
0x152: {  	v32 =	vadd.s32 v57, v32;
	vm5 =	vlt.s32 v29, v33;
	[tilespmem:$0x2410] =	vst v61;
	v27 =	vadd.s32 v31, v27  }
0x153: {  	v63 =	vadd.s32 v34, v32;
	v29 =	vsel vm5, $0x1, v0;
	[tilespmem:$0x2420] =	vst v28;
	v27 =	vadd.s32 v30, v27  }
0x154: {  	[tilespmem:$0x2430] =	vst v37;
	v28 =	vmin.u32 v63, $0x7;
	v27 =	vadd.s32 v29, v27  }
0x155: {  	[tilespmem:$0x2440] =	vst v28;
	v27 =	vmin.u32 v27, $0x7  }
0x156: {  	[tilespmem:$0x2450] =	vst v27  }
0x157: {  	[hbm4b:s7+s3] =	stream.linear.scatter [tilespmem:s23], [sflag:$0x2], $0x10, $0x38;
	[tilespmem:$0x2480] =	vst v63  }
0x158: {  	s25 =	sadd.s32 $0x1, s25;
	_ =	swait.ge [sflag:s13], $0x10  }
0x159: {  	p0 =	sne.s32 s25, s11;
	[sflag:s13] =	ssyncset.done $0x0  }
.Ltmp2:
0x15a: {  	[sflag:s13] =	ssyncadd.s32 $0xFFFFFFF0;
	(pc) =	sbr.rel @p0 .LBB2_1-.Ltmp2, $4  }
0x15b: {  	[hbm4b:s6+s3] =	stream.linear.scatter [tilespmem:s24], [sflag:$0x2], $0x50, $0x38;
	[tilespmem:$0x2480] =	vst v63  }
0x15c: {  	_ =	swait.ge [sflag:s13], $0x50  }
0x15d: {  	[sflag:s13] =	ssyncset.done $0x0  }
0x15e: {  	[sflag:s13] =	ssyncadd.s32 $0xFFFFFFB0  }
0x15f: {  	_ =	sfence.sel $0x180000  }
0x160: {  	[bflag:$0x0] =	sbarrier.arrive $0xFFFF  }
0x161: {  	_ =	strace $0x90000047  }
0x162: {  	s0 =	stileid.u32;
	[bflag:$0x2] =	sbarrier.arrive $0xFFFF  }
0x163: {  	p0 =	sne.s32 s0, $0x0;
	s0 =	rddreg [dreg:$0x2]  }
0x164: {  	s0 =	sadd.s32 @!p0 $0x100000, s0  }
0x165: {  	[sflag:s0] =	ssyncadd.tile.s32 @!p0 $0x1;
	_ =	shalt  }
.Lfunc_end2:
_tile_overlayer_lowered:
.L_overlay_start_2:
0x166: {  	(tag) =	ssettag $0x2  }
0x167: {  	s0 =	rddreg [dreg:$0x0];
	s2 =	stileid.u32  }
0x168: {  	s1 =	rddreg [dreg:$0x1];
	p0 =	sne.s32 s2, $0x0  }
0x169: {  	s3 =	rddreg [dreg:$0x2];
	[bflag:$0x3] =	sbarrier.arrive $0xFFFF;
	s2 =	simm.s32 @!p0 $0x1C02  }
0x16a: {  	[timem:s3], [sflag:s2] =	dma.local @!p0 [hbm:s0], s1  }
0x16b: {  	s0 =	simm.s32 @!p0 $0x2  }
0x16c: {  	_ =	swait.ge @!p0 [sflag:s0], s1  }
0x16d: {  	s1 =	ssub.s32 @!p0 $0x0, s1;
	[sflag:s0] =	ssyncset.done @!p0 $0x0  }
0x16e: {  	[sflag:s0] =	ssyncadd.s32 @!p0 s1  }
0x16f: {  	[bflag:$0x3] =	sbarrier.arrive $0xFFFF  }
0x170: {  	_ =	shalt  }

// kernel: kernel.8.cloned.1.call-start
scs
__scs_entry_jumppad:
0x0: {  	(pc) =	sbr.rel $0x88, $3  }
0x1: {  	(tag) =	ssettag $0x0;
	lr =	simm.s32 $0x1  }
0x2: {  	[smem:$0x3F9B] =	sst lr;
	_ =	strace $0xD0000000  }
0x3: {  	_ = 	snop  }
0x4: {  	_ = 	snop  }
0x5: {  	_ = 	snop  }
0x6: {  	_ = 	snop  }
0x7: {  	_ = 	snop  }
__scs_overlays_trampoline_lowered:
0x8: {  	[smem:$0x3FAA] =	sst s0  }
0x9: {  	[smem:$0x3FAB] =	sst s1  }
0xa: {  	[smem:$0x3FAC] =	sst s2  }
0xb: {  	[smem:$0x3FAD] =	sst s3  }
0xc: {  	[smem:$0x3FAE] =	sst s4  }
0xd: {  	[smem:$0x3FAF] =	sst s5  }
0xe: {  	[smem:$0x3FB0] =	sst s6  }
0xf: {  	[smem:$0x3FB1] =	sst s7  }
0x10: {  	[smem:$0x3FB2] =	sst s8  }
0x11: {  	[smem:$0x3FB3] =	sst s9;
	s0 =	simm.s32 @!p0 $0x0  }
0x12: {  	s1 =	sld [smem:$0x3F99];
	s0 =	simm.s32 @p0 $0x1  }
0x13: {  	[smem:$0x3FB4] =	sst s0;
	s0 =	simm.s32 @!p1 $0x0  }
0x14: {  	s2 =	sld [smem:$0x3F98];
	s0 =	simm.s32 @p1 $0x1  }
0x15: {  	[smem:$0x3FB5] =	sst s0;
	s0 =	simm.s32 @!p2 $0x0  }
0x16: {  	s3 =	sld [smem:$0x3FDB];
	s0 =	simm.s32 @p2 $0x1  }
0x17: {  	s4 =	simm.s32 $0x1BF5;
	[smem:$0x3FB7] =	sst s0  }
0x18: {  	s0 =	sld [smem:$0x3F9A];
	_ =	swait.ge [sflag:s4], $0x0  }
0x19: {  	s7 =	sld [smem:$0x3F9B]  }
0x1a: {  	s8 =	sadd.s32 $0xFFFFE003, lr  }
0x1b: {  	s9 =	sadd.s32 $0xFFFFFEF7, lr;
	s5 =	simm.s32 $0xFFFFFFFF;
	p2 =	slt.u32 s8, $0xFFFFF086  }
0x1c: {  	p1 =	slt.u32 s9, $0xF7A;
	s5 =	simm.s32 @!p2 $0x0  }
0x1d: {  	s5 =	simm.s32 @p1 $0x1;
	p0 =	seq.s32 s7, s2  }
0x1e: {  	s7 =	smul.u32 @!p0 $0xF7A, s2;
	p2 =	seq.s32 @!p0 s5, $0x0  }
0x1f: {  	s9 =	smul.u32 $0xF7A, s1;
	s8 =	simm.s32 @!p0 $0x1BF5;
	p2 =	por !p2, p0  }
0x20: {  	[sflag:s8] =	ssyncset.s32 @!p0 $0xFFFFF086;
	s6 =	sadd.s32 @!p0 s3, s7;
	s7 =	simm.s32 @!p0 $0x108  }
0x21: {  	s3 =	sadd.s32 s3, s9;
	s6 =	sadd.s32 @!p0 $0x88, s6;
	s7 =	simm.s32 @p2 $0x1082  }
0x22: {  	[simem:s7], [sflag:s8] =	dma.local @!p0 [hbm:s6], $0xF7A  }
0x23: {  	s9 =	sor.u32 $0xD0000000, s2;
	s6 =	simm.s32 $0x108;
	_ =	swait.ge @!p0 [sflag:s8], $0x0  }
0x24: {  	s3 =	sadd.s32 $0x88, s3;
	s6 =	simm.s32 @!p1 $0x1082;
	[sflag:s4] =	ssyncset.s32 $0xFFFFF086  }
0x25: {  	[simem:s6], [sflag:s4] =	dma.local [hbm:s3], $0xF7A  }
0x26: {  	[smem:$0x3F9B] =	sst s1;
	(tag) =	ssettag s2;
	_ =	strace s9  }
0x27: {  	s1 =	sld [smem:$0x3FAB]  }
0x28: {  	s2 =	sld [smem:$0x3FAC]  }
0x29: {  	s4 =	sld [smem:$0x3FAE]  }
0x2a: {  	p0 =	seq.s32 s5, $0x0;
	s5 =	sld [smem:$0x3FAF]  }
0x2b: {  	s6 =	sld [smem:$0x3FB0]  }
0x2c: {  	s7 =	sld [smem:$0x3FB1]  }
0x2d: {  	s3 =	simm.s32 $0x108;
	s8 =	sld [smem:$0x3FB2]  }
0x2e: {  	s3 =	simm.s32 @!p0 $0x1082;
	s9 =	sld [smem:$0x3FB3]  }
0x2f: {  	lr =	sadd.s32 s0, s3;
	s0 =	sld [smem:$0x3FAA]  }
0x30: {  	s3 =	sld [smem:$0x3FAD]  }
0x31: {  	[smem:$0x3FB6] =	sst s10  }
0x32: {  	s10 =	sld [smem:$0x3FB4];
	_ =	sdelay $0x3  }
0x33: {  	p0 =	seq.s32 s10, $0x1;
	s10 =	sld [smem:$0x3FB6];
	_ =	sdelay $0x3  }
0x34: {  	[smem:$0x3FB6] =	sst s10  }
0x35: {  	s10 =	sld [smem:$0x3FB5];
	_ =	sdelay $0x3  }
0x36: {  	p1 =	seq.s32 s10, $0x1;
	s10 =	sld [smem:$0x3FB6];
	_ =	sdelay $0x3  }
0x37: {  	[smem:$0x3FB6] =	sst s10  }
0x38: {  	s10 =	sld [smem:$0x3FB7]  }
0x39: {  	_ = 	snop;
	(pc) =	sbr.ind lr, $3  }
0x3a: {  	_ = 	snop  }
0x3b: {  	_ = 	snop  }
0x3c: {  	p2 =	seq.s32 s10, $0x1;
	s10 =	sld [smem:$0x3FB6]  }
0x3d: {  	_ =	shalt  }
0x3e: {  	_ =	shalt  }
0x3f: {  	_ =	shalt  }
0x40: {  	_ =	shalt  }
0x41: {  	_ =	shalt  }
0x42: {  	_ =	shalt  }
0x43: {  	_ =	shalt  }
0x44: {  	_ =	shalt  }
0x45: {  	_ =	shalt  }
0x46: {  	_ =	shalt  }
0x47: {  	_ =	shalt  }
0x48: {  	_ =	shalt  }
0x49: {  	_ =	shalt  }
0x4a: {  	_ =	shalt  }
0x4b: {  	_ =	shalt  }
0x4c: {  	_ =	shalt  }
0x4d: {  	_ =	shalt  }
0x4e: {  	_ =	shalt  }
0x4f: {  	_ =	shalt  }
0x50: {  	_ =	shalt  }
0x51: {  	_ =	shalt  }
0x52: {  	_ =	shalt  }
0x53: {  	_ =	shalt  }
0x54: {  	_ =	shalt  }
0x55: {  	_ =	shalt  }
0x56: {  	_ =	shalt  }
0x57: {  	_ =	shalt  }
0x58: {  	_ =	shalt  }
0x59: {  	_ =	shalt  }
0x5a: {  	_ =	shalt  }
0x5b: {  	_ =	shalt  }
0x5c: {  	_ =	shalt  }
0x5d: {  	_ =	shalt  }
0x5e: {  	_ =	shalt  }
0x5f: {  	_ =	shalt  }
0x60: {  	_ =	shalt  }
0x61: {  	_ =	shalt  }
0x62: {  	_ =	shalt  }
0x63: {  	_ =	shalt  }
0x64: {  	_ =	shalt  }
0x65: {  	_ =	shalt  }
0x66: {  	_ =	shalt  }
0x67: {  	_ =	shalt  }
0x68: {  	_ =	shalt  }
0x69: {  	_ =	shalt  }
0x6a: {  	_ =	shalt  }
0x6b: {  	_ =	shalt  }
0x6c: {  	_ =	shalt  }
0x6d: {  	_ =	shalt  }
0x6e: {  	_ =	shalt  }
0x6f: {  	_ =	shalt  }
0x70: {  	_ =	shalt  }
0x71: {  	_ =	shalt  }
0x72: {  	_ =	shalt  }
0x73: {  	_ =	shalt  }
0x74: {  	_ =	shalt  }
0x75: {  	_ =	shalt  }
0x76: {  	_ =	shalt  }
0x77: {  	_ =	shalt  }
0x78: {  	_ =	shalt  }
0x79: {  	_ =	shalt  }
0x7a: {  	_ =	shalt  }
0x7b: {  	_ =	shalt  }
0x7c: {  	_ =	shalt  }
0x7d: {  	_ =	shalt  }
0x7e: {  	_ =	shalt  }
0x7f: {  	_ =	shalt  }
0x80: {  	_ =	shalt  }
0x81: {  	_ =	shalt  }
0x82: {  	_ =	shalt  }
0x83: {  	_ =	shalt  }
0x84: {  	_ =	shalt  }
0x85: {  	_ =	shalt  }
0x86: {  	_ =	shalt  }
0x87: {  	_ =	shalt  }
.Lfunc_end0:
.L_simem_size_0:
called_computation.1_lowered:
.L_overlay_start_0:
0x88: {  	s2 =	sld [smem:$0x3FD9]  }
0x89: {  	s3 =	sld [smem:$0x3FFE];
	_ =	sdelay $0x1  }
0x8a: {  	s1 =	srdreg.scid  }
0x8b: {  	s0 =	sand.u32 $0x1, s1  }
0x8c: {  	s17 =	sshll.u32 s0, $0xA;
	s2 =	sadd.s32 s3, s2  }
0x8d: {  	s2 =	sadd.s32 s2, s17  }
0x8e: {  	[smem:$0x3FC2] =	sst s2  }
0x8f: {  	_ = 	snop  }
0x90: {  	s2 =	sld [smem:$0x3FD0];
	(tm) =	ssettm $0x1  }
0x91: {  	s18 =	sld [smem:$0x3FFB];
	_ =	sdelay $0x3  }
0x92: {  	_ =	strace s18  }
0x93: {  	s3 =	sld [smem:$0x3FFC];
	_ =	sdelay $0x3  }
0x94: {  	_ =	strace s3  }
0x95: {  	s3 =	sld [smem:$0x3FFD];
	_ =	sdelay $0x3  }
0x96: {  	_ =	strace s3  }
0x97: {  	_ =	strace $0x8FFFFFFF  }
0x98: {  	s19 =	sld [smem:$0x3FDB];
	_ =	sdelay $0x1  }
0x99: {  	s4 =	simm.s32 $_scs_section_size  }
0x9a: {  	s5 =	simm.s32 $_size__tile_overlayer_lowered;
	s6 =	simm.s32 $_tile_overlayer_lowered  }
0x9b: {  	s22 =	simm.s32 $0x1BFF;
	s21 =	sshll.u32 s6, $0x1;
	s3 =	sadd.s32 s4, s19  }
0x9c: {  	s7 =	simm.s32 $0x0;
	s20 =	sshll.u32 s5, $0x1;
	s5 =	sadd.s32 s21, s3  }
0x9d: {  	[timem:s7], [sflag:s22] =	dma.local [hbm:s5], s20  }
0x9e: {  	_ =	swait.ge [sflag:s22], s20  }
0x9f: {  	s4 =	ssub.s32 $0x0, s20;
	[sflag:s22] =	ssyncset.done $0x0  }
0xa0: {  	[sflag:s22] =	ssyncadd.s32 s4;
	_ =	sdelay $0x1  }
0xa1: {  	s23 =	simm.s32 $0x1B8B  }
0xa2: {  	_ =	swait.ge [sflag:s23], $0x1  }
0xa3: {  	[sflag:s23] =	ssyncset.done $0x0  }
0xa4: {  	s25 =	simm.s32 $0x1B8E;
	s24 =	sld [smem:$0x3FFE];
	[sflag:s23] =	ssyncadd.s32 $0xFFFFFFFF  }
0xa5: {  	s26 =	simm.s32 $execute0_lowered;
	[smem:$0x3FD2] =	sst s25  }
0xa6: {  	s5 =	sshll.u32 s26, $0x1;
	_ =	strace $0x80000049;
	[dreg:$0x1] =	wrdreg $0xFFFFFFFF  }
0xa7: {  	s28 =	simm.s32 $_size_execute0_lowered;
	s3 =	sadd.s32 s3, s5;
	[dreg:$0x0] =	wrdreg $0x0  }
0xa8: {  	s5 =	sshll.u32 s28, $0x1;
	[dreg:$0x2] =	wrdreg s3  }
0xa9: {  	[dreg:$0x3] =	wrdreg s5  }
0xaa: {  	[dreg:$0x4] =	wrdreg $0xC0  }
0xab: {  	_ =	task [dreg:s7], $0x5FFFF  }
0xac: {  	[dreg:$0x1] =	wrdreg $0xFFFFFFFF  }
0xad: {  	[dreg:$0x0] =	wrdreg $0x60  }
0xae: {  	[dreg:$0x2] =	wrdreg s24  }
0xaf: {  	[dreg:$0x3] =	wrdreg s2  }
0xb0: {  	[dreg:$0x4] =	wrdreg $0x9  }
0xb1: {  	_ =	task.clear_ibuf [dreg:s7], $0x5FFFF;
	_ =	strace $0x90000049  }
0xb2: {  	s29 =	simm.s32 $0x9;
	_ =	strace $0x8000004B  }
0xb3: {  	_ =	swait.ge [sflag:s29], $0x1  }
0xb4: {  	[sflag:s29] =	ssyncadd.s32 $0xFFFFFFFF  }
0xb5: {  	_ =	strace $0x9000004B  }
0xb6: {  	_ =	sfence  }
0xb7: {  	s30 =	sld [smem:$0x0];
	_ =	sdelay $0x2  }
0xb8: {  	s31 =	sshll.u32 s1, $0xD;
	s1 =	sshrl.u32 s1, $0x2  }
0xb9: {  	s3 =	sand.u32 $0x4000, s31;
	s1 =	sadd.s32 s1, s30  }
0xba: {  	s0 =	sor.u32 s3, s0;
	s1 =	sshll.u32 s1, $0x11  }
0xbb: {  	s0 =	sor.u32 s1, s0  }
0xbc: {  	s0 =	sadd.s32 $0x8F2B, s0  }
0xbd: {  	[sflag:s0] =	ssyncadd.remote.s32 $0x1  }
0xbe: {  	_ =	sfence.sel $0xFFFF  }
0xbf: {  	[dreg:$0x0] =	wrdreg $0xFFFFFFFF;
	(pc) =	sbr.abs _section_cstart, $3  }
0xc0: {  	[dreg:$0x1] =	wrdreg $0xFFFFFFFF  }
0xc1: {  	_ =	task.clear_ibuf [dreg:s7], $0x2FFFF;
	_ =	strace $0x9FFFFFFF  }
0xc2: {  	(tm) =	ssettm $0x7FFFFFFF  }
0xc3: {  	_ =	shalt  }
tec
execute0_lowered:
.L_overlay_start_1:
0x0: {  	(tag) =	ssettag $0x1  }
0x1: {  	s0 =	rddreg [dreg:$0x0]  }
0x2: {  	s1 =	rddreg [dreg:$0x1]  }
0x3: {  	s3 =	srdreg.scid;
	s4 =	stileid.u32;
	s2 =	simm.s32 $0x0  }
0x4: {  	s17 =	simm.s32 $0x2;
	s9 =	simm.s32 $0x1;
	s18 =	simm.s32 $0xC100  }
0x5: {  	s19 =	simm.s32 $0xC900;
	s3 =	sand.u32 $0x1, s3;
	s4 =	sshll.u32 s4, $0x1  }
0x6: {  	s20 =	simm.s32 $0xD100;
	s21 =	simm.s32 $0xD900;
	s4 =	sor.u32 s3, s4  }
0x7: {  	s28 =	simm.s32 $0x0;
	s5 =	sshll.u32 s4, $0x5;
	s4 =	sshll.u32 s4, $0xE  }
0x8: {  	[smem:$0x7FF] =	sst s2;
	s5 =	sadd.s32 s5, s0;
	s1 =	sadd.s32 s1, s4  }
0x9: {  	_ =	strace $0x8000004A;
	s5 =	sadd.s32 $0x2400, s5;
	[dreg:$0x4] =	wrdreg s1  }
0xa: {  	s8 =	sadd.s32 $0x392B00, s0;
	s22 =	sadd.s32 $0x800, s1;
	[dreg:$0x3] =	wrdreg s5  }
0xb: {  	s6 =	ssub.s32 $0x2, s3;
	s23 =	sadd.s32 $0x1000, s1;
	[dreg:$0x5] =	wrdreg s22  }
0xc: {  	s3 =	sadd.s32 $0x392800, s0;
	s24 =	sadd.s32 $0x1800, s1;
	[dreg:$0x6] =	wrdreg s23  }
0xd: {  	s7 =	sshrl.u32 s6, $0x1;
	s25 =	sadd.s32 $0x2000, s1;
	[dreg:$0x7] =	wrdreg s24  }
0xe: {  	s7 =	ssub.s32 s6, s7;
	s26 =	sadd.s32 $0x2800, s1;
	[dreg:$0x8] =	wrdreg s25  }
0xf: {  	s6 =	sadd.s32 $0x392A00, s0;
	s29 =	sadd.s32 $0x3000, s1;
	[dreg:$0x9] =	wrdreg s26  }
0x10: {  	s30 =	sadd.s32 $0x3800, s1;
	s31 =	smax.u32 s7, $0x1;
	[dreg:$0xa] =	wrdreg s29  }
0x11: {  	v2 =	vlaneseq.u32;
	s7 =	simm.s32 $0xB900;
	s5 =	sadd.s32 $0x392900, s0;
	[dreg:$0xb] =	wrdreg s30  }
0x12: {  	vm0 =	vmmov $0xffff;
	v1 =	vshrl.u32 v2, $0x3;
	[dreg:$0xc] =	wrdreg s31;
	s22 =	simm.s32 $0xE100;
	s23 =	simm.s32 $0xE900  }
0x13: {  	v0 =	vand.u32 $0x7, v2;
	v2 =	vor.u32 $0x8, v2;
	v1 =	vmul.u32 $0x8, v1;
	s24 =	simm.s32 $0xF100;
	s25 =	simm.s32 $0xF900;
	s26 =	simm.s32 $0x10100  }
.LBB2_1:
0x14: {  	s0 =	rddreg [dreg:$0x3]  }
0x15: {  	[tilespmem:s2], [sflag:$0x2] =	stream.linear.gather [hbm4b:s0+s2], $0x100, $0x38;
	[tilespmem:$0x14100] =	vst v63  }
0x16: {  	_ =	swait.ge [sflag:s17], $0x100  }
0x17: {  	[sflag:s17] =	ssyncset.done $0x0  }
0x18: {  	[sflag:s17] =	ssyncadd.s32 $0xFFFFFF00  }
0x19: {  	v3 =	vld [tilespmem:$0x0];
	_ =	sdelay $0x4  }
0x1a: {  	v4 =	vshll.u32 v3, $0x3  }
0x1b: {  	v3 =	vand.u32 $0x7, v3;
	v4 =	vand.u32 $0xFFFFFFC0, v4  }
0x1c: {  	v3 =	vor.u32 v3, v4  }
0x1d: {  	v4 =	vperm.xlane v3, v0;
	_ =	sdelay $0x1  }
0x1e: {  	v4 =	vadd.s32 v1, v4;
	_ =	sdelay $0x3  }
0x1f: {  	s11 =	simm.s32 $0x100  }
0x20: {  	[tilespmem:s11], [sflag:$0x1] =	stream.indirect_vreg.gather [hbm4b:s3+s2], $0x80, v4, vm0, $0xb8;
	[tilespmem:$0x14100] =	vst v63  }
0x21: {  	s12 =	simm.s32 $0x900;
	v3 =	vperm.xlane v3, v2  }
0x22: {  	[tilespmem:s12], [sflag:$0x1] =	stream.indirect_vreg.gather [hbm4b:s5+s2], $0x80, v4, vm0, $0xb8;
	[tilespmem:$0x14100] =	vst v63  }
0x23: {  	s13 =	simm.s32 $0x1100;
	v3 =	vadd.s32 v1, v3  }
0x24: {  	[tilespmem:s13], [sflag:$0x1] =	stream.indirect_vreg.gather [hbm4b:s6+s2], $0x80, v4, vm0, $0xb8;
	[tilespmem:$0x14100] =	vst v63  }
0x25: {  	s14 =	simm.s32 $0x1900  }
0x26: {  	[tilespmem:s14], [sflag:$0x1] =	stream.indirect_vreg.gather [hbm4b:s8+s2], $0x80, v4, vm0, $0xb8;
	[tilespmem:$0x14100] =	vst v63  }
0x27: {  	s15 =	simm.s32 $0x2100  }
0x28: {  	[tilespmem:s15], [sflag:$0x1] =	stream.indirect_vreg.gather [hbm4b:s3+s2], $0x80, v3, vm0, $0xb8;
	[tilespmem:$0x14100] =	vst v63  }
0x29: {  	s16 =	simm.s32 $0x2900  }
0x2a: {  	[tilespmem:s16], [sflag:$0x1] =	stream.indirect_vreg.gather [hbm4b:s5+s2], $0x80, v3, vm0, $0xb8;
	[tilespmem:$0x14100] =	vst v63  }
0x2b: {  	s1 =	simm.s32 $0x3100  }
0x2c: {  	[tilespmem:s1], [sflag:$0x1] =	stream.indirect_vreg.gather [hbm4b:s6+s2], $0x80, v3, vm0, $0xb8;
	[tilespmem:$0x14100] =	vst v63  }
0x2d: {  	s4 =	simm.s32 $0x3900  }
0x2e: {  	[tilespmem:s4], [sflag:$0x1] =	stream.indirect_vreg.gather [hbm4b:s8+s2], $0x80, v3, vm0, $0xb8;
	[tilespmem:$0x14100] =	vst v63  }
0x2f: {  	v3 =	vld [tilespmem:$0x10];
	_ =	sdelay $0x4  }
0x30: {  	v4 =	vshll.u32 v3, $0x3  }
0x31: {  	v3 =	vand.u32 $0x7, v3;
	v4 =	vand.u32 $0xFFFFFFC0, v4  }
0x32: {  	v3 =	vor.u32 v3, v4  }
0x33: {  	v4 =	vperm.xlane v3, v0;
	_ =	sdelay $0x1  }
0x34: {  	v4 =	vadd.s32 v1, v4;
	_ =	sdelay $0x3  }
0x35: {  	s10 =	simm.s32 $0x4100  }
0x36: {  	[tilespmem:s10], [sflag:$0x1] =	stream.indirect_vreg.gather [hbm4b:s3+s2], $0x80, v4, vm0, $0xb8;
	[tilespmem:$0x14100] =	vst v63  }
0x37: {  	s11 =	simm.s32 $0x4900;
	v3 =	vperm.xlane v3, v2  }
0x38: {  	[tilespmem:s11], [sflag:$0x1] =	stream.indirect_vreg.gather [hbm4b:s5+s2], $0x80, v4, vm0, $0xb8;
	[tilespmem:$0x14100] =	vst v63  }
0x39: {  	s12 =	simm.s32 $0x5100;
	v3 =	vadd.s32 v1, v3  }
0x3a: {  	[tilespmem:s12], [sflag:$0x1] =	stream.indirect_vreg.gather [hbm4b:s6+s2], $0x80, v4, vm0, $0xb8;
	[tilespmem:$0x14100] =	vst v63  }
0x3b: {  	s13 =	simm.s32 $0x5900  }
0x3c: {  	[tilespmem:s13], [sflag:$0x1] =	stream.indirect_vreg.gather [hbm4b:s8+s2], $0x80, v4, vm0, $0xb8;
	[tilespmem:$0x14100] =	vst v63  }
0x3d: {  	s14 =	simm.s32 $0x6100  }
0x3e: {  	[tilespmem:s14], [sflag:$0x1] =	stream.indirect_vreg.gather [hbm4b:s3+s2], $0x80, v3, vm0, $0xb8;
	[tilespmem:$0x14100] =	vst v63  }
0x3f: {  	s15 =	simm.s32 $0x6900  }
0x40: {  	[tilespmem:s15], [sflag:$0x1] =	stream.indirect_vreg.gather [hbm4b:s5+s2], $0x80, v3, vm0, $0xb8;
	[tilespmem:$0x14100] =	vst v63  }
0x41: {  	s16 =	simm.s32 $0x7100  }
0x42: {  	[tilespmem:s16], [sflag:$0x1] =	stream.indirect_vreg.gather [hbm4b:s6+s2], $0x80, v3, vm0, $0xb8;
	[tilespmem:$0x14100] =	vst v63  }
0x43: {  	s1 =	simm.s32 $0x7900  }
0x44: {  	[tilespmem:s1], [sflag:$0x1] =	stream.indirect_vreg.gather [hbm4b:s8+s2], $0x80, v3, vm0, $0xb8;
	[tilespmem:$0x14100] =	vst v63  }
0x45: {  	_ =	swait.ge [sflag:s9], $0x8000  }
0x46: {  	[sflag:s9] =	ssyncset.done $0x0  }
0x47: {  	[sflag:s9] =	ssyncadd.s32 $0xFFFF8000  }
0x48: {  	v3 =	vld [tilespmem:$0x20];
	_ =	sdelay $0x4  }
0x49: {  	v4 =	vshll.u32 v3, $0x3  }
0x4a: {  	v3 =	vand.u32 $0x7, v3;
	v4 =	vand.u32 $0xFFFFFFC0, v4  }
0x4b: {  	v3 =	vor.u32 v3, v4  }
0x4c: {  	v4 =	vperm.xlane v3, v0;
	_ =	sdelay $0x1  }
0x4d: {  	v4 =	vadd.s32 v1, v4;
	_ =	sdelay $0x3  }
0x4e: {  	s4 =	simm.s32 $0x8100  }
0x4f: {  	[tilespmem:s4], [sflag:$0x1] =	stream.indirect_vreg.gather [hbm4b:s3+s2], $0x80, v4, vm0, $0xb8;
	[tilespmem:$0x14100] =	vst v63  }
0x50: {  	s10 =	simm.s32 $0x8900;
	v3 =	vperm.xlane v3, v2  }
0x51: {  	[tilespmem:s10], [sflag:$0x1] =	stream.indirect_vreg.gather [hbm4b:s5+s2], $0x80, v4, vm0, $0xb8;
	[tilespmem:$0x14100] =	vst v63  }
0x52: {  	s11 =	simm.s32 $0x9100;
	v3 =	vadd.s32 v1, v3  }
0x53: {  	[tilespmem:s11], [sflag:$0x1] =	stream.indirect_vreg.gather [hbm4b:s6+s2], $0x80, v4, vm0, $0xb8;
	[tilespmem:$0x14100] =	vst v63  }
0x54: {  	s12 =	simm.s32 $0x9900  }
0x55: {  	[tilespmem:s12], [sflag:$0x1] =	stream.indirect_vreg.gather [hbm4b:s8+s2], $0x80, v4, vm0, $0xb8;
	[tilespmem:$0x14100] =	vst v63  }
0x56: {  	s13 =	simm.s32 $0xA100  }
0x57: {  	[tilespmem:s13], [sflag:$0x1] =	stream.indirect_vreg.gather [hbm4b:s3+s2], $0x80, v3, vm0, $0xb8;
	[tilespmem:$0x14100] =	vst v63  }
0x58: {  	s14 =	simm.s32 $0xA900  }
0x59: {  	[tilespmem:s14], [sflag:$0x1] =	stream.indirect_vreg.gather [hbm4b:s5+s2], $0x80, v3, vm0, $0xb8;
	[tilespmem:$0x14100] =	vst v63  }
0x5a: {  	s15 =	simm.s32 $0xB100  }
0x5b: {  	[tilespmem:s15], [sflag:$0x1] =	stream.indirect_vreg.gather [hbm4b:s6+s2], $0x80, v3, vm0, $0xb8;
	[tilespmem:$0x14100] =	vst v63  }
0x5c: {  	_ = 	snop  }
0x5d: {  	[tilespmem:s7], [sflag:$0x1] =	stream.indirect_vreg.gather [hbm4b:s8+s2], $0x80, v3, vm0, $0xb8;
	[tilespmem:$0x14100] =	vst v63  }
0x5e: {  	v3 =	vld [tilespmem:$0x30];
	_ =	sdelay $0x4  }
0x5f: {  	v4 =	vshll.u32 v3, $0x3  }
0x60: {  	v3 =	vand.u32 $0x7, v3;
	v4 =	vand.u32 $0xFFFFFFC0, v4  }
0x61: {  	v3 =	vor.u32 v3, v4  }
0x62: {  	v4 =	vperm.xlane v3, v0;
	_ =	sdelay $0x1  }
0x63: {  	v4 =	vadd.s32 v1, v4;
	_ =	sdelay $0x4  }
0x64: {  	[tilespmem:s18], [sflag:$0x1] =	stream.indirect_vreg.gather [hbm4b:s3+s2], $0x80, v4, vm0, $0xb8;
	[tilespmem:$0x14100] =	vst v63  }
0x65: {  	v3 =	vperm.xlane v3, v2  }
0x66: {  	[tilespmem:s19], [sflag:$0x1] =	stream.indirect_vreg.gather [hbm4b:s5+s2], $0x80, v4, vm0, $0xb8;
	[tilespmem:$0x14100] =	vst v63  }
0x67: {  	v3 =	vadd.s32 v1, v3  }
0x68: {  	[tilespmem:s20], [sflag:$0x1] =	stream.indirect_vreg.gather [hbm4b:s6+s2], $0x80, v4, vm0, $0xb8;
	[tilespmem:$0x14100] =	vst v63  }
0x69: {  	s16 =	simm.s32 $0x0  }
0x6a: {  	[tilespmem:s21], [sflag:$0x1] =	stream.indirect_vreg.gather [hbm4b:s8+s2], $0x80, v4, vm0, $0xb8;
	[tilespmem:$0x14100] =	vst v63  }
0x6b: {  	s1 =	sand.u32 $0x6000, s2;
	s4 =	sand.u32 $0x300, s16  }
0x6c: {  	[tilespmem:s22], [sflag:$0x1] =	stream.indirect_vreg.gather [hbm4b:s3+s2], $0x80, v3, vm0, $0xb8;
	[tilespmem:$0x14100] =	vst v63  }
0x6d: {  	s0 =	sand.u32 $0x1C00, s2;
	s1 =	sor.u32 s4, s1  }
0x6e: {  	[tilespmem:s23], [sflag:$0x1] =	stream.indirect_vreg.gather [hbm4b:s5+s2], $0x80, v3, vm0, $0xb8;
	[tilespmem:$0x14100] =	vst v63  }
0x6f: {  	s31 =	sand.u32 $0x70, s2;
	s1 =	sor.u32 s0, s1  }
0x70: {  	[tilespmem:s24], [sflag:$0x1] =	stream.indirect_vreg.gather [hbm4b:s6+s2], $0x80, v3, vm0, $0xb8;
	[tilespmem:$0x14100] =	vst v63  }
0x71: {  	s11 =	sor.u32 s31, s1  }
0x72: {  	[tilespmem:s25], [sflag:$0x1] =	stream.indirect_vreg.gather [hbm4b:s8+s2], $0x80, v3, vm0, $0xb8;
	[tilespmem:$0x14100] =	vst v63  }
0x73: {  	v3 =	vld [tilespmem:s11+$0x180]  }
0x74: {  	s29 =	simm.s32 $0x1;
	v4 =	vld [tilespmem:s11+$0x100]  }
0x75: {  	s30 =	simm.s32 $0x10;
	s4 =	simm.s32 $0x20;
	s1 =	simm.s32 $0x80  }
0x76: {  	s10 =	sand.u32 $0x1C00, s1;
	s12 =	sand.u32 $0x6000, s4;
	s14 =	simm.s32 $0x0  }
0x77: {  	s13 =	simm.s32 $0x4;
	s16 =	sand.u32 $0x380, s14;
	s15 =	sand.u32 $0x2000, s2  }
0x78: {  	s14 =	sand.u32 $0x300, s13;
	s13 =	sor.u32 s16, s15;
	s11 =	simm.s32 $0x2  }
.LBB2_2:
0x79: {  	p0 =	sne.s32 s11, $0x3FF;
	s12 =	sor.u32 s14, s12;
	v3 =	vadd.f32 v3, v4;
	s0 =	sor.u32 s0, s13  }
0x7a: {  	s12 =	sor.u32 s10, s12;
	s0 =	sor.u32 s31, s0;
	s31 =	sand.u32 $0x70, s30  }
0x7b: {  	s13 =	smov.u32 s30;
	s12 =	sor.u32 s31, s12;
	[tilespmem:s0+$0x10100] =	vst v3;
	s0 =	smov.u32 s10  }
0x7c: {  	s10 =	smov.u32 s29;
	s29 =	smov.u32 s11;
	v3 =	vld [tilespmem:s12+$0x180]  }
.Ltmp0:
0x7d: {  	v4 =	vld [tilespmem:s12+$0x100];
	(pc) =	sbr.rel @p0 .LBB2_2-.Ltmp0, $4  }
0x7e: {  	s1 =	sadd.s32 $0x80, s1;
	s4 =	sadd.s32 $0x20, s4;
	s30 =	sadd.s32 $0x10, s30  }
0x7f: {  	s14 =	sshll.u32 s11, $0x2;
	s13 =	sand.u32 $0x2000, s13;
	s15 =	sshll.u32 s10, $0x1  }
0x80: {  	s10 =	sand.u32 $0x1C00, s1;
	s12 =	sand.u32 $0x6000, s4;
	s15 =	sand.u32 $0x380, s15  }
0x81: {  	s14 =	sand.u32 $0x300, s14;
	s11 =	sadd.s32 $0x1, s11;
	s13 =	sor.u32 s15, s13  }
0x82: {  	s1 =	sor.u32 s14, s12;
	v3 =	vadd.f32 v3, v4;
	s0 =	sor.u32 s0, s13  }
0x83: {  	s4 =	sand.u32 $0x70, s30;
	s1 =	sor.u32 s10, s1;
	s0 =	sor.u32 s31, s0  }
0x84: {  	s1 =	sor.u32 s4, s1;
	[tilespmem:s0+$0x10100] =	vst v3  }
0x85: {  	v3 =	vld [tilespmem:s1+$0x180]  }
0x86: {  	v4 =	vld [tilespmem:s1+$0x100];
	_ =	sdelay $0x1  }
0x87: {  	s1 =	sshll.u32 s29, $0x1  }
0x88: {  	s11 =	sand.u32 $0x2000, s30;
	s0 =	sand.u32 $0x380, s1  }
0x89: {  	s0 =	sor.u32 s0, s11  }
0x8a: {  	s0 =	sor.u32 s10, s0;
	v3 =	vadd.f32 v3, v4  }
0x8b: {  	s0 =	sor.u32 s4, s0  }
0x8c: {  	s12 =	rddreg [dreg:$0x4];
	s10 =	simm.s32 $0x0;
	[tilespmem:s0+$0x10100] =	vst v3  }
0x8d: {  	[hbm4b:s12+s10] =	stream.linear.scatter [tilespmem:s26], [sflag:$0x2], $0x4000, $0x38;
	[tilespmem:$0x14100] =	vst v63  }
0x8e: {  	_ =	swait.ge [sflag:s17], $0x4000  }
0x8f: {  	[sflag:s17] =	ssyncset.done $0x0  }
0x90: {  	[sflag:s17] =	ssyncadd.s32 $0xFFFFC000  }
0x91: {  	_ =	swait.ge [sflag:s9], $0x8000  }
0x92: {  	[sflag:s9] =	ssyncset.done $0x0  }
0x93: {  	[sflag:s9] =	ssyncadd.s32 $0xFFFF8000  }
0x94: {  	v3 =	vld [tilespmem:$0x40];
	_ =	sdelay $0x4  }
0x95: {  	v4 =	vshll.u32 v3, $0x3  }
0x96: {  	v3 =	vand.u32 $0x7, v3;
	v4 =	vand.u32 $0xFFFFFFC0, v4  }
0x97: {  	v3 =	vor.u32 v3, v4  }
0x98: {  	v4 =	vperm.xlane v3, v0;
	_ =	sdelay $0x1  }
0x99: {  	v4 =	vadd.s32 v1, v4;
	_ =	sdelay $0x3  }
0x9a: {  	s13 =	simm.s32 $0x100  }
0x9b: {  	[tilespmem:s13], [sflag:$0x1] =	stream.indirect_vreg.gather [hbm4b:s3+s10], $0x80, v4, vm0, $0xb8;
	[tilespmem:$0x14100] =	vst v63  }
0x9c: {  	s14 =	simm.s32 $0x900;
	v3 =	vperm.xlane v3, v2  }
0x9d: {  	[tilespmem:s14], [sflag:$0x1] =	stream.indirect_vreg.gather [hbm4b:s5+s10], $0x80, v4, vm0, $0xb8;
	[tilespmem:$0x14100] =	vst v63  }
0x9e: {  	s15 =	simm.s32 $0x1100;
	v3 =	vadd.s32 v1, v3  }
0x9f: {  	[tilespmem:s15], [sflag:$0x1] =	stream.indirect_vreg.gather [hbm4b:s6+s10], $0x80, v4, vm0, $0xb8;
	[tilespmem:$0x14100] =	vst v63  }
0xa0: {  	s16 =	simm.s32 $0x1900  }
0xa1: {  	[tilespmem:s16], [sflag:$0x1] =	stream.indirect_vreg.gather [hbm4b:s8+s10], $0x80, v4, vm0, $0xb8;
	[tilespmem:$0x14100] =	vst v63  }
0xa2: {  	s1 =	simm.s32 $0x2100  }
0xa3: {  	[tilespmem:s1], [sflag:$0x1] =	stream.indirect_vreg.gather [hbm4b:s3+s10], $0x80, v3, vm0, $0xb8;
	[tilespmem:$0x14100] =	vst v63  }
0xa4: {  	s4 =	simm.s32 $0x2900  }
0xa5: {  	[tilespmem:s4], [sflag:$0x1] =	stream.indirect_vreg.gather [hbm4b:s5+s10], $0x80, v3, vm0, $0xb8;
	[tilespmem:$0x14100] =	vst v63  }
0xa6: {  	s11 =	simm.s32 $0x3100  }
0xa7: {  	[tilespmem:s11], [sflag:$0x1] =	stream.indirect_vreg.gather [hbm4b:s6+s10], $0x80, v3, vm0, $0xb8;
	[tilespmem:$0x14100] =	vst v63  }
0xa8: {  	s12 =	simm.s32 $0x3900  }
0xa9: {  	[tilespmem:s12], [sflag:$0x1] =	stream.indirect_vreg.gather [hbm4b:s8+s10], $0x80, v3, vm0, $0xb8;
	[tilespmem:$0x14100] =	vst v63  }
0xaa: {  	v3 =	vld [tilespmem:$0x50];
	_ =	sdelay $0x4  }
0xab: {  	v4 =	vshll.u32 v3, $0x3  }
0xac: {  	v3 =	vand.u32 $0x7, v3;
	v4 =	vand.u32 $0xFFFFFFC0, v4  }
0xad: {  	v3 =	vor.u32 v3, v4  }
0xae: {  	v4 =	vperm.xlane v3, v0;
	_ =	sdelay $0x1  }
0xaf: {  	v4 =	vadd.s32 v1, v4;
	_ =	sdelay $0x3  }
0xb0: {  	s13 =	simm.s32 $0x4100  }
0xb1: {  	[tilespmem:s13], [sflag:$0x1] =	stream.indirect_vreg.gather [hbm4b:s3+s10], $0x80, v4, vm0, $0xb8;
	[tilespmem:$0x14100] =	vst v63  }
0xb2: {  	s14 =	simm.s32 $0x4900;
	v3 =	vperm.xlane v3, v2  }
0xb3: {  	[tilespmem:s14], [sflag:$0x1] =	stream.indirect_vreg.gather [hbm4b:s5+s10], $0x80, v4, vm0, $0xb8;
	[tilespmem:$0x14100] =	vst v63  }
0xb4: {  	s15 =	simm.s32 $0x5100;
	v3 =	vadd.s32 v1, v3  }
0xb5: {  	[tilespmem:s15], [sflag:$0x1] =	stream.indirect_vreg.gather [hbm4b:s6+s10], $0x80, v4, vm0, $0xb8;
	[tilespmem:$0x14100] =	vst v63  }
0xb6: {  	s16 =	simm.s32 $0x5900;
	s13 =	simm.s32 $0x0  }
0xb7: {  	[tilespmem:s16], [sflag:$0x1] =	stream.indirect_vreg.gather [hbm4b:s8+s10], $0x80, v4, vm0, $0xb8;
	[tilespmem:$0x14100] =	vst v63  }
0xb8: {  	s1 =	simm.s32 $0x6100;
	s14 =	sand.u32 $0x6000, s10;
	s15 =	sand.u32 $0x300, s13  }
0xb9: {  	[tilespmem:s1], [sflag:$0x1] =	stream.indirect_vreg.gather [hbm4b:s3+s10], $0x80, v3, vm0, $0xb8;
	[tilespmem:$0x14100] =	vst v63  }
0xba: {  	s0 =	sand.u32 $0x1C00, s10;
	s4 =	simm.s32 $0x6900;
	s1 =	sor.u32 s15, s14  }
0xbb: {  	[tilespmem:s4], [sflag:$0x1] =	stream.indirect_vreg.gather [hbm4b:s5+s10], $0x80, v3, vm0, $0xb8;
	[tilespmem:$0x14100] =	vst v63  }
0xbc: {  	s31 =	sand.u32 $0x70, s10;
	s11 =	simm.s32 $0x7100;
	s1 =	sor.u32 s0, s1  }
0xbd: {  	[tilespmem:s11], [sflag:$0x1] =	stream.indirect_vreg.gather [hbm4b:s6+s10], $0x80, v3, vm0, $0xb8;
	[tilespmem:$0x14100] =	vst v63  }
0xbe: {  	s12 =	simm.s32 $0x7900;
	s11 =	sor.u32 s31, s1  }
0xbf: {  	[tilespmem:s12], [sflag:$0x1] =	stream.indirect_vreg.gather [hbm4b:s8+s10], $0x80, v3, vm0, $0xb8;
	[tilespmem:$0x14100] =	vst v63  }
0xc0: {  	v3 =	vld [tilespmem:s11+$0x8180]  }
0xc1: {  	s30 =	simm.s32 $0x10;
	v4 =	vld [tilespmem:s11+$0x8100]  }
0xc2: {  	s29 =	simm.s32 $0x1;
	s13 =	simm.s32 $0x4;
	s16 =	simm.s32 $0x0  }
0xc3: {  	s16 =	sand.u32 $0x380, s16;
	s15 =	sand.u32 $0x2000, s10;
	s14 =	sand.u32 $0x300, s13  }
0xc4: {  	s13 =	sor.u32 s16, s15;
	s4 =	simm.s32 $0x20;
	s1 =	simm.s32 $0x80  }
0xc5: {  	s12 =	sand.u32 $0x6000, s4;
	s10 =	sand.u32 $0x1C00, s1;
	s11 =	simm.s32 $0x2  }
.LBB2_4:
0xc6: {  	p0 =	sne.s32 s11, $0x3FF;
	s12 =	sor.u32 s14, s12;
	v3 =	vadd.f32 v3, v4;
	s0 =	sor.u32 s0, s13  }
0xc7: {  	s12 =	sor.u32 s10, s12;
	s0 =	sor.u32 s31, s0;
	s31 =	sand.u32 $0x70, s30  }
0xc8: {  	s13 =	smov.u32 s30;
	s12 =	sor.u32 s31, s12;
	[tilespmem:s0+$0x10100] =	vst v3;
	s0 =	smov.u32 s10  }
0xc9: {  	s10 =	smov.u32 s29;
	s29 =	smov.u32 s11;
	v3 =	vld [tilespmem:s12+$0x8180]  }
.Ltmp1:
0xca: {  	v4 =	vld [tilespmem:s12+$0x8100];
	(pc) =	sbr.rel @p0 .LBB2_4-.Ltmp1, $4  }
0xcb: {  	s1 =	sadd.s32 $0x80, s1;
	s4 =	sadd.s32 $0x20, s4;
	s30 =	sadd.s32 $0x10, s30  }
0xcc: {  	s14 =	sshll.u32 s11, $0x2;
	s13 =	sand.u32 $0x2000, s13;
	s15 =	sshll.u32 s10, $0x1  }
0xcd: {  	s10 =	sand.u32 $0x1C00, s1;
	s12 =	sand.u32 $0x6000, s4;
	s15 =	sand.u32 $0x380, s15  }
0xce: {  	s14 =	sand.u32 $0x300, s14;
	s11 =	sadd.s32 $0x1, s11;
	s13 =	sor.u32 s15, s13  }
0xcf: {  	s1 =	sor.u32 s14, s12;
	v3 =	vadd.f32 v3, v4;
	s0 =	sor.u32 s0, s13  }
0xd0: {  	s4 =	sand.u32 $0x70, s30;
	s1 =	sor.u32 s10, s1;
	s0 =	sor.u32 s31, s0  }
0xd1: {  	s1 =	sor.u32 s4, s1;
	[tilespmem:s0+$0x10100] =	vst v3  }
0xd2: {  	v3 =	vld [tilespmem:s1+$0x8180]  }
0xd3: {  	v4 =	vld [tilespmem:s1+$0x8100];
	_ =	sdelay $0x1  }
0xd4: {  	s11 =	sshll.u32 s29, $0x1  }
0xd5: {  	s12 =	sand.u32 $0x2000, s30;
	s0 =	sand.u32 $0x380, s11  }
0xd6: {  	s0 =	sor.u32 s0, s12  }
0xd7: {  	s0 =	sor.u32 s10, s0;
	v3 =	vadd.f32 v3, v4  }
0xd8: {  	s0 =	sor.u32 s4, s0  }
0xd9: {  	s13 =	rddreg [dreg:$0x5];
	s10 =	simm.s32 $0x0;
	[tilespmem:s0+$0x10100] =	vst v3  }
0xda: {  	[hbm4b:s13+s10] =	stream.linear.scatter [tilespmem:s26], [sflag:$0x2], $0x4000, $0x38;
	[tilespmem:$0x14100] =	vst v63  }
0xdb: {  	_ =	swait.ge [sflag:s17], $0x4000  }
0xdc: {  	[sflag:s17] =	ssyncset.done $0x0  }
0xdd: {  	[sflag:s17] =	ssyncadd.s32 $0xFFFFC000  }
0xde: {  	_ =	swait.ge [sflag:s9], $0x8000  }
0xdf: {  	[sflag:s9] =	ssyncset.done $0x0  }
0xe0: {  	[sflag:s9] =	ssyncadd.s32 $0xFFFF8000  }
0xe1: {  	v3 =	vld [tilespmem:$0x60];
	_ =	sdelay $0x4  }
0xe2: {  	v4 =	vshll.u32 v3, $0x3  }
0xe3: {  	v3 =	vand.u32 $0x7, v3;
	v4 =	vand.u32 $0xFFFFFFC0, v4  }
0xe4: {  	v3 =	vor.u32 v3, v4  }
0xe5: {  	v4 =	vperm.xlane v3, v0;
	_ =	sdelay $0x1  }
0xe6: {  	v4 =	vadd.s32 v1, v4;
	_ =	sdelay $0x3  }
0xe7: {  	s14 =	simm.s32 $0x8100  }
0xe8: {  	[tilespmem:s14], [sflag:$0x1] =	stream.indirect_vreg.gather [hbm4b:s3+s10], $0x80, v4, vm0, $0xb8;
	[tilespmem:$0x14100] =	vst v63  }
0xe9: {  	s15 =	simm.s32 $0x8900;
	v3 =	vperm.xlane v3, v2  }
0xea: {  	[tilespmem:s15], [sflag:$0x1] =	stream.indirect_vreg.gather [hbm4b:s5+s10], $0x80, v4, vm0, $0xb8;
	[tilespmem:$0x14100] =	vst v63  }
0xeb: {  	s16 =	simm.s32 $0x9100;
	v3 =	vadd.s32 v1, v3  }
0xec: {  	[tilespmem:s16], [sflag:$0x1] =	stream.indirect_vreg.gather [hbm4b:s6+s10], $0x80, v4, vm0, $0xb8;
	[tilespmem:$0x14100] =	vst v63  }
0xed: {  	s1 =	simm.s32 $0x9900  }
0xee: {  	[tilespmem:s1], [sflag:$0x1] =	stream.indirect_vreg.gather [hbm4b:s8+s10], $0x80, v4, vm0, $0xb8;
	[tilespmem:$0x14100] =	vst v63  }
0xef: {  	s4 =	simm.s32 $0xA100  }
0xf0: {  	[tilespmem:s4], [sflag:$0x1] =	stream.indirect_vreg.gather [hbm4b:s3+s10], $0x80, v3, vm0, $0xb8;
	[tilespmem:$0x14100] =	vst v63  }
0xf1: {  	s11 =	simm.s32 $0xA900  }
0xf2: {  	[tilespmem:s11], [sflag:$0x1] =	stream.indirect_vreg.gather [hbm4b:s5+s10], $0x80, v3, vm0, $0xb8;
	[tilespmem:$0x14100] =	vst v63  }
0xf3: {  	s12 =	simm.s32 $0xB100  }
0xf4: {  	[tilespmem:s12], [sflag:$0x1] =	stream.indirect_vreg.gather [hbm4b:s6+s10], $0x80, v3, vm0, $0xb8;
	[tilespmem:$0x14100] =	vst v63  }
0xf5: {  	_ = 	snop  }
0xf6: {  	[tilespmem:s7], [sflag:$0x1] =	stream.indirect_vreg.gather [hbm4b:s8+s10], $0x80, v3, vm0, $0xb8;
	[tilespmem:$0x14100] =	vst v63  }
0xf7: {  	v3 =	vld [tilespmem:$0x70];
	_ =	sdelay $0x4  }
0xf8: {  	v4 =	vshll.u32 v3, $0x3  }
0xf9: {  	v3 =	vand.u32 $0x7, v3;
	v4 =	vand.u32 $0xFFFFFFC0, v4  }
0xfa: {  	v3 =	vor.u32 v3, v4  }
0xfb: {  	v4 =	vperm.xlane v3, v0;
	_ =	sdelay $0x1  }
0xfc: {  	v4 =	vadd.s32 v1, v4;
	_ =	sdelay $0x4  }
0xfd: {  	[tilespmem:s18], [sflag:$0x1] =	stream.indirect_vreg.gather [hbm4b:s3+s10], $0x80, v4, vm0, $0xb8;
	[tilespmem:$0x14100] =	vst v63  }
0xfe: {  	v3 =	vperm.xlane v3, v2  }
0xff: {  	[tilespmem:s19], [sflag:$0x1] =	stream.indirect_vreg.gather [hbm4b:s5+s10], $0x80, v4, vm0, $0xb8;
	[tilespmem:$0x14100] =	vst v63  }
0x100: {  	v3 =	vadd.s32 v1, v3  }
0x101: {  	[tilespmem:s20], [sflag:$0x1] =	stream.indirect_vreg.gather [hbm4b:s6+s10], $0x80, v4, vm0, $0xb8;
	[tilespmem:$0x14100] =	vst v63  }
0x102: {  	s13 =	simm.s32 $0x0  }
0x103: {  	[tilespmem:s21], [sflag:$0x1] =	stream.indirect_vreg.gather [hbm4b:s8+s10], $0x80, v4, vm0, $0xb8;
	[tilespmem:$0x14100] =	vst v63  }
0x104: {  	s14 =	sand.u32 $0x6000, s10;
	s15 =	sand.u32 $0x300, s13  }
0x105: {  	[tilespmem:s22], [sflag:$0x1] =	stream.indirect_vreg.gather [hbm4b:s3+s10], $0x80, v3, vm0, $0xb8;
	[tilespmem:$0x14100] =	vst v63  }
0x106: {  	s0 =	sand.u32 $0x1C00, s10;
	s1 =	sor.u32 s15, s14  }
0x107: {  	[tilespmem:s23], [sflag:$0x1] =	stream.indirect_vreg.gather [hbm4b:s5+s10], $0x80, v3, vm0, $0xb8;
	[tilespmem:$0x14100] =	vst v63  }
0x108: {  	s31 =	sand.u32 $0x70, s10;
	s1 =	sor.u32 s0, s1  }
0x109: {  	[tilespmem:s24], [sflag:$0x1] =	stream.indirect_vreg.gather [hbm4b:s6+s10], $0x80, v3, vm0, $0xb8;
	[tilespmem:$0x14100] =	vst v63  }
0x10a: {  	s11 =	sor.u32 s31, s1  }
0x10b: {  	[tilespmem:s25], [sflag:$0x1] =	stream.indirect_vreg.gather [hbm4b:s8+s10], $0x80, v3, vm0, $0xb8;
	[tilespmem:$0x14100] =	vst v63  }
0x10c: {  	v3 =	vld [tilespmem:s11+$0x180]  }
0x10d: {  	s29 =	simm.s32 $0x1;
	v4 =	vld [tilespmem:s11+$0x100]  }
0x10e: {  	s30 =	simm.s32 $0x10;
	s13 =	simm.s32 $0x4;
	s16 =	simm.s32 $0x0  }
0x10f: {  	s16 =	sand.u32 $0x380, s16;
	s15 =	sand.u32 $0x2000, s10;
	s14 =	sand.u32 $0x300, s13  }
0x110: {  	s13 =	sor.u32 s16, s15;
	s4 =	simm.s32 $0x20;
	s1 =	simm.s32 $0x80  }
0x111: {  	s12 =	sand.u32 $0x6000, s4;
	s10 =	sand.u32 $0x1C00, s1;
	s11 =	simm.s32 $0x2  }
.LBB2_6:
0x112: {  	p0 =	sne.s32 s11, $0x3FF;
	s12 =	sor.u32 s14, s12;
	v3 =	vadd.f32 v3, v4;
	s0 =	sor.u32 s0, s13  }
0x113: {  	s12 =	sor.u32 s10, s12;
	s0 =	sor.u32 s31, s0;
	s31 =	sand.u32 $0x70, s30  }
0x114: {  	s13 =	smov.u32 s30;
	s12 =	sor.u32 s31, s12;
	[tilespmem:s0+$0x10100] =	vst v3;
	s0 =	smov.u32 s10  }
0x115: {  	s10 =	smov.u32 s29;
	s29 =	smov.u32 s11;
	v3 =	vld [tilespmem:s12+$0x180]  }
.Ltmp2:
0x116: {  	v4 =	vld [tilespmem:s12+$0x100];
	(pc) =	sbr.rel @p0 .LBB2_6-.Ltmp2, $4  }
0x117: {  	s1 =	sadd.s32 $0x80, s1;
	s4 =	sadd.s32 $0x20, s4;
	s30 =	sadd.s32 $0x10, s30  }
0x118: {  	s14 =	sshll.u32 s11, $0x2;
	s13 =	sand.u32 $0x2000, s13;
	s15 =	sshll.u32 s10, $0x1  }
0x119: {  	s10 =	sand.u32 $0x1C00, s1;
	s12 =	sand.u32 $0x6000, s4;
	s15 =	sand.u32 $0x380, s15  }
0x11a: {  	s14 =	sand.u32 $0x300, s14;
	s11 =	sadd.s32 $0x1, s11;
	s13 =	sor.u32 s15, s13  }
0x11b: {  	s1 =	sor.u32 s14, s12;
	v3 =	vadd.f32 v3, v4;
	s0 =	sor.u32 s0, s13  }
0x11c: {  	s4 =	sand.u32 $0x70, s30;
	s1 =	sor.u32 s10, s1;
	s0 =	sor.u32 s31, s0  }
0x11d: {  	s1 =	sor.u32 s4, s1;
	[tilespmem:s0+$0x10100] =	vst v3  }
0x11e: {  	v3 =	vld [tilespmem:s1+$0x180]  }
0x11f: {  	v4 =	vld [tilespmem:s1+$0x100];
	_ =	sdelay $0x1  }
0x120: {  	s1 =	sshll.u32 s29, $0x1  }
0x121: {  	s11 =	sand.u32 $0x2000, s30;
	s0 =	sand.u32 $0x380, s1  }
0x122: {  	s0 =	sor.u32 s0, s11  }
0x123: {  	s0 =	sor.u32 s10, s0;
	v3 =	vadd.f32 v3, v4  }
0x124: {  	s0 =	sor.u32 s4, s0  }
0x125: {  	s12 =	rddreg [dreg:$0x6];
	s10 =	simm.s32 $0x0;
	[tilespmem:s0+$0x10100] =	vst v3  }
0x126: {  	[hbm4b:s12+s10] =	stream.linear.scatter [tilespmem:s26], [sflag:$0x2], $0x4000, $0x38;
	[tilespmem:$0x14100] =	vst v63  }
0x127: {  	_ =	swait.ge [sflag:s17], $0x4000  }
0x128: {  	[sflag:s17] =	ssyncset.done $0x0  }
0x129: {  	[sflag:s17] =	ssyncadd.s32 $0xFFFFC000  }
0x12a: {  	_ =	swait.ge [sflag:s9], $0x8000  }
0x12b: {  	[sflag:s9] =	ssyncset.done $0x0  }
0x12c: {  	[sflag:s9] =	ssyncadd.s32 $0xFFFF8000  }
0x12d: {  	v3 =	vld [tilespmem:$0x80];
	_ =	sdelay $0x4  }
0x12e: {  	v4 =	vshll.u32 v3, $0x3  }
0x12f: {  	v3 =	vand.u32 $0x7, v3;
	v4 =	vand.u32 $0xFFFFFFC0, v4  }
0x130: {  	v3 =	vor.u32 v3, v4  }
0x131: {  	v4 =	vperm.xlane v3, v0;
	_ =	sdelay $0x1  }
0x132: {  	v4 =	vadd.s32 v1, v4;
	_ =	sdelay $0x3  }
0x133: {  	s13 =	simm.s32 $0x100  }
0x134: {  	[tilespmem:s13], [sflag:$0x1] =	stream.indirect_vreg.gather [hbm4b:s3+s10], $0x80, v4, vm0, $0xb8;
	[tilespmem:$0x14100] =	vst v63  }
0x135: {  	s14 =	simm.s32 $0x900;
	v3 =	vperm.xlane v3, v2  }
0x136: {  	[tilespmem:s14], [sflag:$0x1] =	stream.indirect_vreg.gather [hbm4b:s5+s10], $0x80, v4, vm0, $0xb8;
	[tilespmem:$0x14100] =	vst v63  }
0x137: {  	s15 =	simm.s32 $0x1100;
	v3 =	vadd.s32 v1, v3  }
0x138: {  	[tilespmem:s15], [sflag:$0x1] =	stream.indirect_vreg.gather [hbm4b:s6+s10], $0x80, v4, vm0, $0xb8;
	[tilespmem:$0x14100] =	vst v63  }
0x139: {  	s16 =	simm.s32 $0x1900  }
0x13a: {  	[tilespmem:s16], [sflag:$0x1] =	stream.indirect_vreg.gather [hbm4b:s8+s10], $0x80, v4, vm0, $0xb8;
	[tilespmem:$0x14100] =	vst v63  }
0x13b: {  	s1 =	simm.s32 $0x2100  }
0x13c: {  	[tilespmem:s1], [sflag:$0x1] =	stream.indirect_vreg.gather [hbm4b:s3+s10], $0x80, v3, vm0, $0xb8;
	[tilespmem:$0x14100] =	vst v63  }
0x13d: {  	s4 =	simm.s32 $0x2900  }
0x13e: {  	[tilespmem:s4], [sflag:$0x1] =	stream.indirect_vreg.gather [hbm4b:s5+s10], $0x80, v3, vm0, $0xb8;
	[tilespmem:$0x14100] =	vst v63  }
0x13f: {  	s11 =	simm.s32 $0x3100  }
0x140: {  	[tilespmem:s11], [sflag:$0x1] =	stream.indirect_vreg.gather [hbm4b:s6+s10], $0x80, v3, vm0, $0xb8;
	[tilespmem:$0x14100] =	vst v63  }
0x141: {  	s12 =	simm.s32 $0x3900  }
0x142: {  	[tilespmem:s12], [sflag:$0x1] =	stream.indirect_vreg.gather [hbm4b:s8+s10], $0x80, v3, vm0, $0xb8;
	[tilespmem:$0x14100] =	vst v63  }
0x143: {  	v3 =	vld [tilespmem:$0x90];
	_ =	sdelay $0x4  }
0x144: {  	v4 =	vshll.u32 v3, $0x3  }
0x145: {  	v3 =	vand.u32 $0x7, v3;
	v4 =	vand.u32 $0xFFFFFFC0, v4  }
0x146: {  	v3 =	vor.u32 v3, v4  }
0x147: {  	v4 =	vperm.xlane v3, v0;
	_ =	sdelay $0x1  }
0x148: {  	v4 =	vadd.s32 v1, v4;
	_ =	sdelay $0x3  }
0x149: {  	s13 =	simm.s32 $0x4100  }
0x14a: {  	[tilespmem:s13], [sflag:$0x1] =	stream.indirect_vreg.gather [hbm4b:s3+s10], $0x80, v4, vm0, $0xb8;
	[tilespmem:$0x14100] =	vst v63  }
0x14b: {  	s14 =	simm.s32 $0x4900;
	v3 =	vperm.xlane v3, v2  }
0x14c: {  	[tilespmem:s14], [sflag:$0x1] =	stream.indirect_vreg.gather [hbm4b:s5+s10], $0x80, v4, vm0, $0xb8;
	[tilespmem:$0x14100] =	vst v63  }
0x14d: {  	s15 =	simm.s32 $0x5100;
	v3 =	vadd.s32 v1, v3  }
0x14e: {  	[tilespmem:s15], [sflag:$0x1] =	stream.indirect_vreg.gather [hbm4b:s6+s10], $0x80, v4, vm0, $0xb8;
	[tilespmem:$0x14100] =	vst v63  }
0x14f: {  	s16 =	simm.s32 $0x5900;
	s13 =	simm.s32 $0x0  }
0x150: {  	[tilespmem:s16], [sflag:$0x1] =	stream.indirect_vreg.gather [hbm4b:s8+s10], $0x80, v4, vm0, $0xb8;
	[tilespmem:$0x14100] =	vst v63  }
0x151: {  	s1 =	simm.s32 $0x6100;
	s14 =	sand.u32 $0x6000, s10;
	s15 =	sand.u32 $0x300, s13  }
0x152: {  	[tilespmem:s1], [sflag:$0x1] =	stream.indirect_vreg.gather [hbm4b:s3+s10], $0x80, v3, vm0, $0xb8;
	[tilespmem:$0x14100] =	vst v63  }
0x153: {  	s0 =	sand.u32 $0x1C00, s10;
	s4 =	simm.s32 $0x6900;
	s1 =	sor.u32 s15, s14  }
0x154: {  	[tilespmem:s4], [sflag:$0x1] =	stream.indirect_vreg.gather [hbm4b:s5+s10], $0x80, v3, vm0, $0xb8;
	[tilespmem:$0x14100] =	vst v63  }
0x155: {  	s31 =	sand.u32 $0x70, s10;
	s11 =	simm.s32 $0x7100;
	s1 =	sor.u32 s0, s1  }
0x156: {  	[tilespmem:s11], [sflag:$0x1] =	stream.indirect_vreg.gather [hbm4b:s6+s10], $0x80, v3, vm0, $0xb8;
	[tilespmem:$0x14100] =	vst v63  }
0x157: {  	s12 =	simm.s32 $0x7900;
	s11 =	sor.u32 s31, s1  }
0x158: {  	[tilespmem:s12], [sflag:$0x1] =	stream.indirect_vreg.gather [hbm4b:s8+s10], $0x80, v3, vm0, $0xb8;
	[tilespmem:$0x14100] =	vst v63  }
0x159: {  	v3 =	vld [tilespmem:s11+$0x8180]  }
0x15a: {  	s30 =	simm.s32 $0x10;
	v4 =	vld [tilespmem:s11+$0x8100]  }
0x15b: {  	s29 =	simm.s32 $0x1;
	s13 =	simm.s32 $0x4;
	s16 =	simm.s32 $0x0  }
0x15c: {  	s16 =	sand.u32 $0x380, s16;
	s15 =	sand.u32 $0x2000, s10;
	s14 =	sand.u32 $0x300, s13  }
0x15d: {  	s13 =	sor.u32 s16, s15;
	s4 =	simm.s32 $0x20;
	s1 =	simm.s32 $0x80  }
0x15e: {  	s12 =	sand.u32 $0x6000, s4;
	s10 =	sand.u32 $0x1C00, s1;
	s11 =	simm.s32 $0x2  }
.LBB2_8:
0x15f: {  	p0 =	sne.s32 s11, $0x3FF;
	s12 =	sor.u32 s14, s12;
	v3 =	vadd.f32 v3, v4;
	s0 =	sor.u32 s0, s13  }
0x160: {  	s12 =	sor.u32 s10, s12;
	s0 =	sor.u32 s31, s0;
	s31 =	sand.u32 $0x70, s30  }
0x161: {  	s13 =	smov.u32 s30;
	s12 =	sor.u32 s31, s12;
	[tilespmem:s0+$0x10100] =	vst v3;
	s0 =	smov.u32 s10  }
0x162: {  	s10 =	smov.u32 s29;
	s29 =	smov.u32 s11;
	v3 =	vld [tilespmem:s12+$0x8180]  }
.Ltmp3:
0x163: {  	v4 =	vld [tilespmem:s12+$0x8100];
	(pc) =	sbr.rel @p0 .LBB2_8-.Ltmp3, $4  }
0x164: {  	s1 =	sadd.s32 $0x80, s1;
	s4 =	sadd.s32 $0x20, s4;
	s30 =	sadd.s32 $0x10, s30  }
0x165: {  	s14 =	sshll.u32 s11, $0x2;
	s13 =	sand.u32 $0x2000, s13;
	s15 =	sshll.u32 s10, $0x1  }
0x166: {  	s10 =	sand.u32 $0x1C00, s1;
	s12 =	sand.u32 $0x6000, s4;
	s15 =	sand.u32 $0x380, s15  }
0x167: {  	s14 =	sand.u32 $0x300, s14;
	s11 =	sadd.s32 $0x1, s11;
	s13 =	sor.u32 s15, s13  }
0x168: {  	s1 =	sor.u32 s14, s12;
	v3 =	vadd.f32 v3, v4;
	s0 =	sor.u32 s0, s13  }
0x169: {  	s4 =	sand.u32 $0x70, s30;
	s1 =	sor.u32 s10, s1;
	s0 =	sor.u32 s31, s0  }
0x16a: {  	s1 =	sor.u32 s4, s1;
	[tilespmem:s0+$0x10100] =	vst v3  }
0x16b: {  	v3 =	vld [tilespmem:s1+$0x8180]  }
0x16c: {  	v4 =	vld [tilespmem:s1+$0x8100];
	_ =	sdelay $0x1  }
0x16d: {  	s11 =	sshll.u32 s29, $0x1  }
0x16e: {  	s12 =	sand.u32 $0x2000, s30;
	s0 =	sand.u32 $0x380, s11  }
0x16f: {  	s0 =	sor.u32 s0, s12  }
0x170: {  	s0 =	sor.u32 s10, s0;
	v3 =	vadd.f32 v3, v4  }
0x171: {  	s0 =	sor.u32 s4, s0  }
0x172: {  	s13 =	rddreg [dreg:$0x7];
	s10 =	simm.s32 $0x0;
	[tilespmem:s0+$0x10100] =	vst v3  }
0x173: {  	[hbm4b:s13+s10] =	stream.linear.scatter [tilespmem:s26], [sflag:$0x2], $0x4000, $0x38;
	[tilespmem:$0x14100] =	vst v63  }
0x174: {  	_ =	swait.ge [sflag:s17], $0x4000  }
0x175: {  	[sflag:s17] =	ssyncset.done $0x0  }
0x176: {  	[sflag:s17] =	ssyncadd.s32 $0xFFFFC000  }
0x177: {  	_ =	swait.ge [sflag:s9], $0x8000  }
0x178: {  	[sflag:s9] =	ssyncset.done $0x0  }
0x179: {  	[sflag:s9] =	ssyncadd.s32 $0xFFFF8000  }
0x17a: {  	v3 =	vld [tilespmem:$0xA0];
	_ =	sdelay $0x4  }
0x17b: {  	v4 =	vshll.u32 v3, $0x3  }
0x17c: {  	v3 =	vand.u32 $0x7, v3;
	v4 =	vand.u32 $0xFFFFFFC0, v4  }
0x17d: {  	v3 =	vor.u32 v3, v4  }
0x17e: {  	v4 =	vperm.xlane v3, v0;
	_ =	sdelay $0x1  }
0x17f: {  	v4 =	vadd.s32 v1, v4;
	_ =	sdelay $0x3  }
0x180: {  	s14 =	simm.s32 $0x8100  }
0x181: {  	[tilespmem:s14], [sflag:$0x1] =	stream.indirect_vreg.gather [hbm4b:s3+s10], $0x80, v4, vm0, $0xb8;
	[tilespmem:$0x14100] =	vst v63  }
0x182: {  	s15 =	simm.s32 $0x8900;
	v3 =	vperm.xlane v3, v2  }
0x183: {  	[tilespmem:s15], [sflag:$0x1] =	stream.indirect_vreg.gather [hbm4b:s5+s10], $0x80, v4, vm0, $0xb8;
	[tilespmem:$0x14100] =	vst v63  }
0x184: {  	s16 =	simm.s32 $0x9100;
	v3 =	vadd.s32 v1, v3  }
0x185: {  	[tilespmem:s16], [sflag:$0x1] =	stream.indirect_vreg.gather [hbm4b:s6+s10], $0x80, v4, vm0, $0xb8;
	[tilespmem:$0x14100] =	vst v63  }
0x186: {  	s1 =	simm.s32 $0x9900  }
0x187: {  	[tilespmem:s1], [sflag:$0x1] =	stream.indirect_vreg.gather [hbm4b:s8+s10], $0x80, v4, vm0, $0xb8;
	[tilespmem:$0x14100] =	vst v63  }
0x188: {  	s4 =	simm.s32 $0xA100  }
0x189: {  	[tilespmem:s4], [sflag:$0x1] =	stream.indirect_vreg.gather [hbm4b:s3+s10], $0x80, v3, vm0, $0xb8;
	[tilespmem:$0x14100] =	vst v63  }
0x18a: {  	s11 =	simm.s32 $0xA900  }
0x18b: {  	[tilespmem:s11], [sflag:$0x1] =	stream.indirect_vreg.gather [hbm4b:s5+s10], $0x80, v3, vm0, $0xb8;
	[tilespmem:$0x14100] =	vst v63  }
0x18c: {  	s12 =	simm.s32 $0xB100  }
0x18d: {  	[tilespmem:s12], [sflag:$0x1] =	stream.indirect_vreg.gather [hbm4b:s6+s10], $0x80, v3, vm0, $0xb8;
	[tilespmem:$0x14100] =	vst v63  }
0x18e: {  	_ = 	snop  }
0x18f: {  	[tilespmem:s7], [sflag:$0x1] =	stream.indirect_vreg.gather [hbm4b:s8+s10], $0x80, v3, vm0, $0xb8;
	[tilespmem:$0x14100] =	vst v63  }
0x190: {  	v3 =	vld [tilespmem:$0xB0];
	_ =	sdelay $0x4  }
0x191: {  	v4 =	vshll.u32 v3, $0x3  }
0x192: {  	v3 =	vand.u32 $0x7, v3;
	v4 =	vand.u32 $0xFFFFFFC0, v4  }
0x193: {  	v3 =	vor.u32 v3, v4  }
0x194: {  	v4 =	vperm.xlane v3, v0;
	_ =	sdelay $0x1  }
0x195: {  	v4 =	vadd.s32 v1, v4;
	_ =	sdelay $0x4  }
0x196: {  	[tilespmem:s18], [sflag:$0x1] =	stream.indirect_vreg.gather [hbm4b:s3+s10], $0x80, v4, vm0, $0xb8;
	[tilespmem:$0x14100] =	vst v63  }
0x197: {  	v3 =	vperm.xlane v3, v2  }
0x198: {  	[tilespmem:s19], [sflag:$0x1] =	stream.indirect_vreg.gather [hbm4b:s5+s10], $0x80, v4, vm0, $0xb8;
	[tilespmem:$0x14100] =	vst v63  }
0x199: {  	v3 =	vadd.s32 v1, v3  }
0x19a: {  	[tilespmem:s20], [sflag:$0x1] =	stream.indirect_vreg.gather [hbm4b:s6+s10], $0x80, v4, vm0, $0xb8;
	[tilespmem:$0x14100] =	vst v63  }
0x19b: {  	s13 =	simm.s32 $0x0  }
0x19c: {  	[tilespmem:s21], [sflag:$0x1] =	stream.indirect_vreg.gather [hbm4b:s8+s10], $0x80, v4, vm0, $0xb8;
	[tilespmem:$0x14100] =	vst v63  }
0x19d: {  	s14 =	sand.u32 $0x6000, s10;
	s15 =	sand.u32 $0x300, s13  }
0x19e: {  	[tilespmem:s22], [sflag:$0x1] =	stream.indirect_vreg.gather [hbm4b:s3+s10], $0x80, v3, vm0, $0xb8;
	[tilespmem:$0x14100] =	vst v63  }
0x19f: {  	s0 =	sand.u32 $0x1C00, s10;
	s1 =	sor.u32 s15, s14  }
0x1a0: {  	[tilespmem:s23], [sflag:$0x1] =	stream.indirect_vreg.gather [hbm4b:s5+s10], $0x80, v3, vm0, $0xb8;
	[tilespmem:$0x14100] =	vst v63  }
0x1a1: {  	s31 =	sand.u32 $0x70, s10;
	s1 =	sor.u32 s0, s1  }
0x1a2: {  	[tilespmem:s24], [sflag:$0x1] =	stream.indirect_vreg.gather [hbm4b:s6+s10], $0x80, v3, vm0, $0xb8;
	[tilespmem:$0x14100] =	vst v63  }
0x1a3: {  	s11 =	sor.u32 s31, s1  }
0x1a4: {  	[tilespmem:s25], [sflag:$0x1] =	stream.indirect_vreg.gather [hbm4b:s8+s10], $0x80, v3, vm0, $0xb8;
	[tilespmem:$0x14100] =	vst v63  }
0x1a5: {  	v3 =	vld [tilespmem:s11+$0x180]  }
0x1a6: {  	s29 =	simm.s32 $0x1;
	v4 =	vld [tilespmem:s11+$0x100]  }
0x1a7: {  	s30 =	simm.s32 $0x10;
	s13 =	simm.s32 $0x4;
	s16 =	simm.s32 $0x0  }
0x1a8: {  	s16 =	sand.u32 $0x380, s16;
	s15 =	sand.u32 $0x2000, s10;
	s14 =	sand.u32 $0x300, s13  }
0x1a9: {  	s13 =	sor.u32 s16, s15;
	s4 =	simm.s32 $0x20;
	s1 =	simm.s32 $0x80  }
0x1aa: {  	s12 =	sand.u32 $0x6000, s4;
	s10 =	sand.u32 $0x1C00, s1;
	s11 =	simm.s32 $0x2  }
.LBB2_10:
0x1ab: {  	p0 =	sne.s32 s11, $0x3FF;
	s12 =	sor.u32 s14, s12;
	v3 =	vadd.f32 v3, v4;
	s0 =	sor.u32 s0, s13  }
0x1ac: {  	s12 =	sor.u32 s10, s12;
	s0 =	sor.u32 s31, s0;
	s31 =	sand.u32 $0x70, s30  }
0x1ad: {  	s13 =	smov.u32 s30;
	s12 =	sor.u32 s31, s12;
	[tilespmem:s0+$0x10100] =	vst v3;
	s0 =	smov.u32 s10  }
0x1ae: {  	s10 =	smov.u32 s29;
	s29 =	smov.u32 s11;
	v3 =	vld [tilespmem:s12+$0x180]  }
.Ltmp4:
0x1af: {  	v4 =	vld [tilespmem:s12+$0x100];
	(pc) =	sbr.rel @p0 .LBB2_10-.Ltmp4, $4  }
0x1b0: {  	s1 =	sadd.s32 $0x80, s1;
	s4 =	sadd.s32 $0x20, s4;
	s30 =	sadd.s32 $0x10, s30  }
0x1b1: {  	s14 =	sshll.u32 s11, $0x2;
	s13 =	sand.u32 $0x2000, s13;
	s15 =	sshll.u32 s10, $0x1  }
0x1b2: {  	s10 =	sand.u32 $0x1C00, s1;
	s12 =	sand.u32 $0x6000, s4;
	s15 =	sand.u32 $0x380, s15  }
0x1b3: {  	s14 =	sand.u32 $0x300, s14;
	s11 =	sadd.s32 $0x1, s11;
	s13 =	sor.u32 s15, s13  }
0x1b4: {  	s1 =	sor.u32 s14, s12;
	v3 =	vadd.f32 v3, v4;
	s0 =	sor.u32 s0, s13  }
0x1b5: {  	s4 =	sand.u32 $0x70, s30;
	s1 =	sor.u32 s10, s1;
	s0 =	sor.u32 s31, s0  }
0x1b6: {  	s1 =	sor.u32 s4, s1;
	[tilespmem:s0+$0x10100] =	vst v3  }
0x1b7: {  	v3 =	vld [tilespmem:s1+$0x180]  }
0x1b8: {  	v4 =	vld [tilespmem:s1+$0x100];
	_ =	sdelay $0x1  }
0x1b9: {  	s1 =	sshll.u32 s29, $0x1  }
0x1ba: {  	s11 =	sand.u32 $0x2000, s30;
	s0 =	sand.u32 $0x380, s1  }
0x1bb: {  	s0 =	sor.u32 s0, s11  }
0x1bc: {  	s0 =	sor.u32 s10, s0;
	v3 =	vadd.f32 v3, v4  }
0x1bd: {  	s0 =	sor.u32 s4, s0  }
0x1be: {  	s12 =	rddreg [dreg:$0x8];
	s10 =	simm.s32 $0x0;
	[tilespmem:s0+$0x10100] =	vst v3  }
0x1bf: {  	[hbm4b:s12+s10] =	stream.linear.scatter [tilespmem:s26], [sflag:$0x2], $0x4000, $0x38;
	[tilespmem:$0x14100] =	vst v63  }
0x1c0: {  	_ =	swait.ge [sflag:s17], $0x4000  }
0x1c1: {  	[sflag:s17] =	ssyncset.done $0x0  }
0x1c2: {  	[sflag:s17] =	ssyncadd.s32 $0xFFFFC000  }
0x1c3: {  	_ =	swait.ge [sflag:s9], $0x8000  }
0x1c4: {  	[sflag:s9] =	ssyncset.done $0x0  }
0x1c5: {  	[sflag:s9] =	ssyncadd.s32 $0xFFFF8000  }
0x1c6: {  	v3 =	vld [tilespmem:$0xC0];
	_ =	sdelay $0x4  }
0x1c7: {  	v4 =	vshll.u32 v3, $0x3  }
0x1c8: {  	v3 =	vand.u32 $0x7, v3;
	v4 =	vand.u32 $0xFFFFFFC0, v4  }
0x1c9: {  	v3 =	vor.u32 v3, v4  }
0x1ca: {  	v4 =	vperm.xlane v3, v0;
	_ =	sdelay $0x1  }
0x1cb: {  	v4 =	vadd.s32 v1, v4;
	_ =	sdelay $0x3  }
0x1cc: {  	s13 =	simm.s32 $0x100  }
0x1cd: {  	[tilespmem:s13], [sflag:$0x1] =	stream.indirect_vreg.gather [hbm4b:s3+s10], $0x80, v4, vm0, $0xb8;
	[tilespmem:$0x14100] =	vst v63  }
0x1ce: {  	s14 =	simm.s32 $0x900;
	v3 =	vperm.xlane v3, v2  }
0x1cf: {  	[tilespmem:s14], [sflag:$0x1] =	stream.indirect_vreg.gather [hbm4b:s5+s10], $0x80, v4, vm0, $0xb8;
	[tilespmem:$0x14100] =	vst v63  }
0x1d0: {  	s15 =	simm.s32 $0x1100;
	v3 =	vadd.s32 v1, v3  }
0x1d1: {  	[tilespmem:s15], [sflag:$0x1] =	stream.indirect_vreg.gather [hbm4b:s6+s10], $0x80, v4, vm0, $0xb8;
	[tilespmem:$0x14100] =	vst v63  }
0x1d2: {  	s16 =	simm.s32 $0x1900  }
0x1d3: {  	[tilespmem:s16], [sflag:$0x1] =	stream.indirect_vreg.gather [hbm4b:s8+s10], $0x80, v4, vm0, $0xb8;
	[tilespmem:$0x14100] =	vst v63  }
0x1d4: {  	s1 =	simm.s32 $0x2100  }
0x1d5: {  	[tilespmem:s1], [sflag:$0x1] =	stream.indirect_vreg.gather [hbm4b:s3+s10], $0x80, v3, vm0, $0xb8;
	[tilespmem:$0x14100] =	vst v63  }
0x1d6: {  	s4 =	simm.s32 $0x2900  }
0x1d7: {  	[tilespmem:s4], [sflag:$0x1] =	stream.indirect_vreg.gather [hbm4b:s5+s10], $0x80, v3, vm0, $0xb8;
	[tilespmem:$0x14100] =	vst v63  }
0x1d8: {  	s11 =	simm.s32 $0x3100  }
0x1d9: {  	[tilespmem:s11], [sflag:$0x1] =	stream.indirect_vreg.gather [hbm4b:s6+s10], $0x80, v3, vm0, $0xb8;
	[tilespmem:$0x14100] =	vst v63  }
0x1da: {  	s12 =	simm.s32 $0x3900  }
0x1db: {  	[tilespmem:s12], [sflag:$0x1] =	stream.indirect_vreg.gather [hbm4b:s8+s10], $0x80, v3, vm0, $0xb8;
	[tilespmem:$0x14100] =	vst v63  }
0x1dc: {  	v3 =	vld [tilespmem:$0xD0];
	_ =	sdelay $0x4  }
0x1dd: {  	v4 =	vshll.u32 v3, $0x3  }
0x1de: {  	v3 =	vand.u32 $0x7, v3;
	v4 =	vand.u32 $0xFFFFFFC0, v4  }
0x1df: {  	v3 =	vor.u32 v3, v4  }
0x1e0: {  	v4 =	vperm.xlane v3, v0;
	_ =	sdelay $0x1  }
0x1e1: {  	v4 =	vadd.s32 v1, v4;
	_ =	sdelay $0x3  }
0x1e2: {  	s13 =	simm.s32 $0x4100  }
0x1e3: {  	[tilespmem:s13], [sflag:$0x1] =	stream.indirect_vreg.gather [hbm4b:s3+s10], $0x80, v4, vm0, $0xb8;
	[tilespmem:$0x14100] =	vst v63  }
0x1e4: {  	s14 =	simm.s32 $0x4900;
	v3 =	vperm.xlane v3, v2  }
0x1e5: {  	[tilespmem:s14], [sflag:$0x1] =	stream.indirect_vreg.gather [hbm4b:s5+s10], $0x80, v4, vm0, $0xb8;
	[tilespmem:$0x14100] =	vst v63  }
0x1e6: {  	s15 =	simm.s32 $0x5100;
	v3 =	vadd.s32 v1, v3  }
0x1e7: {  	[tilespmem:s15], [sflag:$0x1] =	stream.indirect_vreg.gather [hbm4b:s6+s10], $0x80, v4, vm0, $0xb8;
	[tilespmem:$0x14100] =	vst v63  }
0x1e8: {  	s16 =	simm.s32 $0x5900;
	s13 =	simm.s32 $0x0  }
0x1e9: {  	[tilespmem:s16], [sflag:$0x1] =	stream.indirect_vreg.gather [hbm4b:s8+s10], $0x80, v4, vm0, $0xb8;
	[tilespmem:$0x14100] =	vst v63  }
0x1ea: {  	s1 =	simm.s32 $0x6100;
	s14 =	sand.u32 $0x6000, s10;
	s15 =	sand.u32 $0x300, s13  }
0x1eb: {  	[tilespmem:s1], [sflag:$0x1] =	stream.indirect_vreg.gather [hbm4b:s3+s10], $0x80, v3, vm0, $0xb8;
	[tilespmem:$0x14100] =	vst v63  }
0x1ec: {  	s0 =	sand.u32 $0x1C00, s10;
	s4 =	simm.s32 $0x6900;
	s1 =	sor.u32 s15, s14  }
0x1ed: {  	[tilespmem:s4], [sflag:$0x1] =	stream.indirect_vreg.gather [hbm4b:s5+s10], $0x80, v3, vm0, $0xb8;
	[tilespmem:$0x14100] =	vst v63  }
0x1ee: {  	s31 =	sand.u32 $0x70, s10;
	s11 =	simm.s32 $0x7100;
	s1 =	sor.u32 s0, s1  }
0x1ef: {  	[tilespmem:s11], [sflag:$0x1] =	stream.indirect_vreg.gather [hbm4b:s6+s10], $0x80, v3, vm0, $0xb8;
	[tilespmem:$0x14100] =	vst v63  }
0x1f0: {  	s12 =	simm.s32 $0x7900;
	s11 =	sor.u32 s31, s1  }
0x1f1: {  	[tilespmem:s12], [sflag:$0x1] =	stream.indirect_vreg.gather [hbm4b:s8+s10], $0x80, v3, vm0, $0xb8;
	[tilespmem:$0x14100] =	vst v63  }
0x1f2: {  	v3 =	vld [tilespmem:s11+$0x8180]  }
0x1f3: {  	s30 =	simm.s32 $0x10;
	v4 =	vld [tilespmem:s11+$0x8100]  }
0x1f4: {  	s29 =	simm.s32 $0x1;
	s13 =	simm.s32 $0x4;
	s16 =	simm.s32 $0x0  }
0x1f5: {  	s16 =	sand.u32 $0x380, s16;
	s15 =	sand.u32 $0x2000, s10;
	s14 =	sand.u32 $0x300, s13  }
0x1f6: {  	s13 =	sor.u32 s16, s15;
	s4 =	simm.s32 $0x20;
	s1 =	simm.s32 $0x80  }
0x1f7: {  	s12 =	sand.u32 $0x6000, s4;
	s10 =	sand.u32 $0x1C00, s1;
	s11 =	simm.s32 $0x2  }
.LBB2_12:
0x1f8: {  	p0 =	sne.s32 s11, $0x3FF;
	s12 =	sor.u32 s14, s12;
	v3 =	vadd.f32 v3, v4;
	s0 =	sor.u32 s0, s13  }
0x1f9: {  	s12 =	sor.u32 s10, s12;
	s0 =	sor.u32 s31, s0;
	s31 =	sand.u32 $0x70, s30  }
0x1fa: {  	s13 =	smov.u32 s30;
	s12 =	sor.u32 s31, s12;
	[tilespmem:s0+$0x10100] =	vst v3;
	s0 =	smov.u32 s10  }
0x1fb: {  	s10 =	smov.u32 s29;
	s29 =	smov.u32 s11;
	v3 =	vld [tilespmem:s12+$0x8180]  }
.Ltmp5:
0x1fc: {  	v4 =	vld [tilespmem:s12+$0x8100];
	(pc) =	sbr.rel @p0 .LBB2_12-.Ltmp5, $4  }
0x1fd: {  	s1 =	sadd.s32 $0x80, s1;
	s4 =	sadd.s32 $0x20, s4;
	s30 =	sadd.s32 $0x10, s30  }
0x1fe: {  	s14 =	sshll.u32 s11, $0x2;
	s13 =	sand.u32 $0x2000, s13;
	s15 =	sshll.u32 s10, $0x1  }
0x1ff: {  	s10 =	sand.u32 $0x1C00, s1;
	s12 =	sand.u32 $0x6000, s4;
	s15 =	sand.u32 $0x380, s15  }
0x200: {  	s14 =	sand.u32 $0x300, s14;
	s11 =	sadd.s32 $0x1, s11;
	s13 =	sor.u32 s15, s13  }
0x201: {  	s1 =	sor.u32 s14, s12;
	v3 =	vadd.f32 v3, v4;
	s0 =	sor.u32 s0, s13  }
0x202: {  	s4 =	sand.u32 $0x70, s30;
	s1 =	sor.u32 s10, s1;
	s0 =	sor.u32 s31, s0  }
0x203: {  	s1 =	sor.u32 s4, s1;
	[tilespmem:s0+$0x10100] =	vst v3  }
0x204: {  	v3 =	vld [tilespmem:s1+$0x8180]  }
0x205: {  	v4 =	vld [tilespmem:s1+$0x8100];
	_ =	sdelay $0x1  }
0x206: {  	s11 =	sshll.u32 s29, $0x1  }
0x207: {  	s12 =	sand.u32 $0x2000, s30;
	s0 =	sand.u32 $0x380, s11  }
0x208: {  	s0 =	sor.u32 s0, s12  }
0x209: {  	s0 =	sor.u32 s10, s0;
	v3 =	vadd.f32 v3, v4  }
0x20a: {  	s0 =	sor.u32 s4, s0  }
0x20b: {  	s13 =	rddreg [dreg:$0x9];
	s10 =	simm.s32 $0x0;
	[tilespmem:s0+$0x10100] =	vst v3  }
0x20c: {  	[hbm4b:s13+s10] =	stream.linear.scatter [tilespmem:s26], [sflag:$0x2], $0x4000, $0x38;
	[tilespmem:$0x14100] =	vst v63  }
0x20d: {  	_ =	swait.ge [sflag:s17], $0x4000  }
0x20e: {  	[sflag:s17] =	ssyncset.done $0x0  }
0x20f: {  	[sflag:s17] =	ssyncadd.s32 $0xFFFFC000  }
0x210: {  	_ =	swait.ge [sflag:s9], $0x8000  }
0x211: {  	[sflag:s9] =	ssyncset.done $0x0  }
0x212: {  	[sflag:s9] =	ssyncadd.s32 $0xFFFF8000  }
0x213: {  	v3 =	vld [tilespmem:$0xE0];
	_ =	sdelay $0x4  }
0x214: {  	v4 =	vshll.u32 v3, $0x3  }
0x215: {  	v3 =	vand.u32 $0x7, v3;
	v4 =	vand.u32 $0xFFFFFFC0, v4  }
0x216: {  	v3 =	vor.u32 v3, v4  }
0x217: {  	v4 =	vperm.xlane v3, v0;
	_ =	sdelay $0x1  }
0x218: {  	v4 =	vadd.s32 v1, v4;
	_ =	sdelay $0x3  }
0x219: {  	s14 =	simm.s32 $0x8100  }
0x21a: {  	[tilespmem:s14], [sflag:$0x1] =	stream.indirect_vreg.gather [hbm4b:s3+s10], $0x80, v4, vm0, $0xb8;
	[tilespmem:$0x14100] =	vst v63  }
0x21b: {  	s15 =	simm.s32 $0x8900;
	v3 =	vperm.xlane v3, v2  }
0x21c: {  	[tilespmem:s15], [sflag:$0x1] =	stream.indirect_vreg.gather [hbm4b:s5+s10], $0x80, v4, vm0, $0xb8;
	[tilespmem:$0x14100] =	vst v63  }
0x21d: {  	s16 =	simm.s32 $0x9100;
	v3 =	vadd.s32 v1, v3  }
0x21e: {  	[tilespmem:s16], [sflag:$0x1] =	stream.indirect_vreg.gather [hbm4b:s6+s10], $0x80, v4, vm0, $0xb8;
	[tilespmem:$0x14100] =	vst v63  }
0x21f: {  	s1 =	simm.s32 $0x9900  }
0x220: {  	[tilespmem:s1], [sflag:$0x1] =	stream.indirect_vreg.gather [hbm4b:s8+s10], $0x80, v4, vm0, $0xb8;
	[tilespmem:$0x14100] =	vst v63  }
0x221: {  	s4 =	simm.s32 $0xA100  }
0x222: {  	[tilespmem:s4], [sflag:$0x1] =	stream.indirect_vreg.gather [hbm4b:s3+s10], $0x80, v3, vm0, $0xb8;
	[tilespmem:$0x14100] =	vst v63  }
0x223: {  	s11 =	simm.s32 $0xA900  }
0x224: {  	[tilespmem:s11], [sflag:$0x1] =	stream.indirect_vreg.gather [hbm4b:s5+s10], $0x80, v3, vm0, $0xb8;
	[tilespmem:$0x14100] =	vst v63  }
0x225: {  	s12 =	simm.s32 $0xB100  }
0x226: {  	[tilespmem:s12], [sflag:$0x1] =	stream.indirect_vreg.gather [hbm4b:s6+s10], $0x80, v3, vm0, $0xb8;
	[tilespmem:$0x14100] =	vst v63  }
0x227: {  	_ = 	snop  }
0x228: {  	[tilespmem:s7], [sflag:$0x1] =	stream.indirect_vreg.gather [hbm4b:s8+s10], $0x80, v3, vm0, $0xb8;
	[tilespmem:$0x14100] =	vst v63  }
0x229: {  	v3 =	vld [tilespmem:$0xF0];
	_ =	sdelay $0x4  }
0x22a: {  	v4 =	vshll.u32 v3, $0x3  }
0x22b: {  	v3 =	vand.u32 $0x7, v3;
	v4 =	vand.u32 $0xFFFFFFC0, v4  }
0x22c: {  	v3 =	vor.u32 v3, v4  }
0x22d: {  	v4 =	vperm.xlane v3, v0;
	_ =	sdelay $0x1  }
0x22e: {  	v4 =	vadd.s32 v1, v4;
	_ =	sdelay $0x4  }
0x22f: {  	[tilespmem:s18], [sflag:$0x1] =	stream.indirect_vreg.gather [hbm4b:s3+s10], $0x80, v4, vm0, $0xb8;
	[tilespmem:$0x14100] =	vst v63  }
0x230: {  	v3 =	vperm.xlane v3, v2  }
0x231: {  	[tilespmem:s19], [sflag:$0x1] =	stream.indirect_vreg.gather [hbm4b:s5+s10], $0x80, v4, vm0, $0xb8;
	[tilespmem:$0x14100] =	vst v63  }
0x232: {  	v3 =	vadd.s32 v1, v3  }
0x233: {  	[tilespmem:s20], [sflag:$0x1] =	stream.indirect_vreg.gather [hbm4b:s6+s10], $0x80, v4, vm0, $0xb8;
	[tilespmem:$0x14100] =	vst v63  }
0x234: {  	s13 =	simm.s32 $0x0  }
0x235: {  	[tilespmem:s21], [sflag:$0x1] =	stream.indirect_vreg.gather [hbm4b:s8+s10], $0x80, v4, vm0, $0xb8;
	[tilespmem:$0x14100] =	vst v63  }
0x236: {  	s14 =	sand.u32 $0x6000, s10;
	s15 =	sand.u32 $0x300, s13  }
0x237: {  	[tilespmem:s22], [sflag:$0x1] =	stream.indirect_vreg.gather [hbm4b:s3+s10], $0x80, v3, vm0, $0xb8;
	[tilespmem:$0x14100] =	vst v63  }
0x238: {  	s0 =	sand.u32 $0x1C00, s10;
	s1 =	sor.u32 s15, s14  }
0x239: {  	[tilespmem:s23], [sflag:$0x1] =	stream.indirect_vreg.gather [hbm4b:s5+s10], $0x80, v3, vm0, $0xb8;
	[tilespmem:$0x14100] =	vst v63  }
0x23a: {  	s31 =	sand.u32 $0x70, s10;
	s1 =	sor.u32 s0, s1  }
0x23b: {  	[tilespmem:s24], [sflag:$0x1] =	stream.indirect_vreg.gather [hbm4b:s6+s10], $0x80, v3, vm0, $0xb8;
	[tilespmem:$0x14100] =	vst v63  }
0x23c: {  	s11 =	sor.u32 s31, s1  }
0x23d: {  	[tilespmem:s25], [sflag:$0x1] =	stream.indirect_vreg.gather [hbm4b:s8+s10], $0x80, v3, vm0, $0xb8;
	[tilespmem:$0x14100] =	vst v63  }
0x23e: {  	v3 =	vld [tilespmem:s11+$0x180]  }
0x23f: {  	s29 =	simm.s32 $0x1;
	v4 =	vld [tilespmem:s11+$0x100]  }
0x240: {  	s30 =	simm.s32 $0x10;
	s13 =	simm.s32 $0x4;
	s16 =	simm.s32 $0x0  }
0x241: {  	s16 =	sand.u32 $0x380, s16;
	s15 =	sand.u32 $0x2000, s10;
	s14 =	sand.u32 $0x300, s13  }
0x242: {  	s13 =	sor.u32 s16, s15;
	s4 =	simm.s32 $0x20;
	s1 =	simm.s32 $0x80  }
0x243: {  	s12 =	sand.u32 $0x6000, s4;
	s10 =	sand.u32 $0x1C00, s1;
	s11 =	simm.s32 $0x2  }
.LBB2_14:
0x244: {  	p0 =	sne.s32 s11, $0x3FF;
	s12 =	sor.u32 s14, s12;
	v3 =	vadd.f32 v3, v4;
	s0 =	sor.u32 s0, s13  }
0x245: {  	s12 =	sor.u32 s10, s12;
	s0 =	sor.u32 s31, s0;
	s31 =	sand.u32 $0x70, s30  }
0x246: {  	s13 =	smov.u32 s30;
	s12 =	sor.u32 s31, s12;
	[tilespmem:s0+$0x10100] =	vst v3;
	s0 =	smov.u32 s10  }
0x247: {  	s10 =	smov.u32 s29;
	s29 =	smov.u32 s11;
	v3 =	vld [tilespmem:s12+$0x180]  }
.Ltmp6:
0x248: {  	v4 =	vld [tilespmem:s12+$0x100];
	(pc) =	sbr.rel @p0 .LBB2_14-.Ltmp6, $4  }
0x249: {  	s1 =	sadd.s32 $0x80, s1;
	s4 =	sadd.s32 $0x20, s4;
	s30 =	sadd.s32 $0x10, s30  }
0x24a: {  	s14 =	sshll.u32 s11, $0x2;
	s13 =	sand.u32 $0x2000, s13;
	s15 =	sshll.u32 s10, $0x1  }
0x24b: {  	s10 =	sand.u32 $0x1C00, s1;
	s12 =	sand.u32 $0x6000, s4;
	s15 =	sand.u32 $0x380, s15  }
0x24c: {  	s14 =	sand.u32 $0x300, s14;
	s11 =	sadd.s32 $0x1, s11;
	s13 =	sor.u32 s15, s13  }
0x24d: {  	s1 =	sor.u32 s14, s12;
	v3 =	vadd.f32 v3, v4;
	s0 =	sor.u32 s0, s13  }
0x24e: {  	s4 =	sand.u32 $0x70, s30;
	s1 =	sor.u32 s10, s1;
	s0 =	sor.u32 s31, s0  }
0x24f: {  	s1 =	sor.u32 s4, s1;
	[tilespmem:s0+$0x10100] =	vst v3  }
0x250: {  	v3 =	vld [tilespmem:s1+$0x180]  }
0x251: {  	v4 =	vld [tilespmem:s1+$0x100];
	_ =	sdelay $0x1  }
0x252: {  	s14 =	sshll.u32 s29, $0x1  }
0x253: {  	s15 =	sand.u32 $0x2000, s30;
	s0 =	sand.u32 $0x380, s14  }
0x254: {  	s0 =	sor.u32 s0, s15  }
0x255: {  	s0 =	sor.u32 s10, s0;
	v3 =	vadd.f32 v3, v4  }
0x256: {  	s0 =	sor.u32 s4, s0  }
0x257: {  	s16 =	simm.s32 $0x0;
	s4 =	rddreg [dreg:$0xa];
	[tilespmem:s0+$0x10100] =	vst v3  }
0x258: {  	[hbm4b:s4+s16] =	stream.linear.scatter [tilespmem:s26], [sflag:$0x2], $0x4000, $0x38;
	[tilespmem:$0x14100] =	vst v63  }
0x259: {  	_ =	swait.ge [sflag:s17], $0x4000  }
0x25a: {  	s11 =	simm.s32 $0x0;
	[sflag:s17] =	ssyncset.done $0x0  }
0x25b: {  	s12 =	sand.u32 $0x6000, s16;
	s13 =	sand.u32 $0x300, s11;
	[sflag:s17] =	ssyncadd.s32 $0xFFFFC000  }
0x25c: {  	s1 =	sor.u32 s13, s12;
	s0 =	sand.u32 $0x1C00, s16;
	_ =	swait.ge [sflag:s9], $0x8000  }
0x25d: {  	s31 =	sand.u32 $0x70, s16;
	s1 =	sor.u32 s0, s1;
	[sflag:s9] =	ssyncset.done $0x0  }
0x25e: {  	s11 =	sor.u32 s31, s1;
	[sflag:s9] =	ssyncadd.s32 $0xFFFF8000  }
0x25f: {  	v3 =	vld [tilespmem:s11+$0x8180]  }
0x260: {  	s29 =	simm.s32 $0x1;
	v4 =	vld [tilespmem:s11+$0x8100]  }
0x261: {  	s30 =	simm.s32 $0x10;
	s14 =	simm.s32 $0x4;
	s15 =	simm.s32 $0x0  }
0x262: {  	s13 =	sand.u32 $0x300, s14;
	s15 =	sand.u32 $0x380, s15;
	s4 =	simm.s32 $0x20  }
0x263: {  	s16 =	sand.u32 $0x2000, s16;
	s1 =	simm.s32 $0x80;
	s12 =	sand.u32 $0x6000, s4  }
0x264: {  	s14 =	sor.u32 s15, s16;
	s10 =	sand.u32 $0x1C00, s1;
	s11 =	simm.s32 $0x2  }
.LBB2_16:
0x265: {  	p0 =	sne.s32 s11, $0x3FF;
	s12 =	sor.u32 s13, s12;
	v3 =	vadd.f32 v3, v4;
	s0 =	sor.u32 s0, s14  }
0x266: {  	s12 =	sor.u32 s10, s12;
	s0 =	sor.u32 s31, s0;
	s31 =	sand.u32 $0x70, s30  }
0x267: {  	s13 =	smov.u32 s30;
	s12 =	sor.u32 s31, s12;
	[tilespmem:s0+$0x10100] =	vst v3;
	s0 =	smov.u32 s10  }
0x268: {  	s10 =	smov.u32 s29;
	s29 =	smov.u32 s11;
	v3 =	vld [tilespmem:s12+$0x8180]  }
.Ltmp7:
0x269: {  	v4 =	vld [tilespmem:s12+$0x8100];
	(pc) =	sbr.rel @p0 .LBB2_16-.Ltmp7, $4  }
0x26a: {  	s1 =	sadd.s32 $0x80, s1;
	s4 =	sadd.s32 $0x20, s4;
	s30 =	sadd.s32 $0x10, s30  }
0x26b: {  	s14 =	sshll.u32 s11, $0x2;
	s15 =	sand.u32 $0x2000, s13;
	s13 =	sshll.u32 s10, $0x1  }
0x26c: {  	s10 =	sand.u32 $0x1C00, s1;
	s12 =	sand.u32 $0x6000, s4;
	s16 =	sand.u32 $0x380, s13  }
0x26d: {  	s11 =	sadd.s32 $0x1, s11;
	s13 =	sand.u32 $0x300, s14;
	s14 =	sor.u32 s16, s15  }
0x26e: {  	s1 =	sor.u32 s13, s12;
	v3 =	vadd.f32 v3, v4;
	s0 =	sor.u32 s0, s14  }
0x26f: {  	s4 =	sand.u32 $0x70, s30;
	s1 =	sor.u32 s10, s1;
	s0 =	sor.u32 s31, s0  }
0x270: {  	s1 =	sor.u32 s4, s1;
	[tilespmem:s0+$0x10100] =	vst v3  }
0x271: {  	v3 =	vld [tilespmem:s1+$0x8180]  }
0x272: {  	v63 =	vld [tilespmem:s1+$0x8100];
	_ =	sdelay $0x1  }
0x273: {  	s16 =	sshll.u32 s29, $0x1  }
0x274: {  	s29 =	sand.u32 $0x2000, s30;
	s0 =	sand.u32 $0x380, s16  }
0x275: {  	s0 =	sor.u32 s0, s29  }
0x276: {  	s0 =	sor.u32 s10, s0;
	v3 =	vadd.f32 v3, v63  }
0x277: {  	s0 =	sor.u32 s4, s0  }
0x278: {  	s30 =	rddreg [dreg:$0xb];
	[tilespmem:s0+$0x10100] =	vst v3  }
0x279: {  	[hbm4b:s30+s2] =	stream.linear.scatter [tilespmem:s26], [sflag:$0x2], $0x4000, $0x38;
	[tilespmem:$0x14100] =	vst v63  }
0x27a: {  	_ =	swait.ge [sflag:s17], $0x4000  }
0x27b: {  	s28 =	sadd.s32 $0x1, s28;
	s31 =	rddreg [dreg:$0xc]  }
0x27c: {  	p0 =	sne.s32 s28, s31  }
.Ltmp8:
0x27d: {  	_ = 	snop;
	(pc) =	sbr.rel @p0 .LBB2_1-.Ltmp8, $3  }
0x27e: {  	_ =	sdelay $0x1  }
0x27f: {  	[sflag:s17] =	ssyncset.done $0x0  }
0x280: {  	[sflag:s17] =	ssyncadd.s32 $0xFFFFC000  }
0x281: {  	_ =	sfence.sel $0x180000  }
0x282: {  	[bflag:$0x0] =	sbarrier.arrive $0xFFFF  }
0x283: {  	_ =	strace $0x9000004A  }
0x284: {  	s0 =	stileid.u32;
	[bflag:$0x2] =	sbarrier.arrive $0xFFFF  }
0x285: {  	p0 =	sne.s32 s0, $0x0;
	s0 =	rddreg [dreg:$0x2]  }
0x286: {  	s0 =	sadd.s32 @!p0 $0x100000, s0  }
0x287: {  	[sflag:s0] =	ssyncadd.tile.s32 @!p0 $0x1;
	_ =	shalt  }
.Lfunc_end2:
_tile_overlayer_lowered:
.L_overlay_start_2:
0x288: {  	(tag) =	ssettag $0x2  }
0x289: {  	s0 =	rddreg [dreg:$0x0];
	s2 =	stileid.u32  }
0x28a: {  	s1 =	rddreg [dreg:$0x1];
	p0 =	sne.s32 s2, $0x0  }
0x28b: {  	s3 =	rddreg [dreg:$0x2];
	[bflag:$0x3] =	sbarrier.arrive $0xFFFF;
	s2 =	simm.s32 @!p0 $0x1C02  }
0x28c: {  	[timem:s3], [sflag:s2] =	dma.local @!p0 [hbm:s0], s1  }
0x28d: {  	s0 =	simm.s32 @!p0 $0x2  }
0x28e: {  	_ =	swait.ge @!p0 [sflag:s0], s1  }
0x28f: {  	s1 =	ssub.s32 @!p0 $0x0, s1;
	[sflag:s0] =	ssyncset.done @!p0 $0x0  }
0x290: {  	[sflag:s0] =	ssyncadd.s32 @!p0 s1  }
0x291: {  	[bflag:$0x3] =	sbarrier.arrive $0xFFFF  }
0x292: {  	_ =	shalt  }

</sc_bundles>
